<compile_context>
chip_gen: v7x
topology: tpu7x:2x2x1
jax: 0.10.2.dev20260603
libtpu: 0.0.44.dev20260713+nightly
codegen_flags: <defaults>
</compile_context>

<pallas_src>
import functools

import jax
import jax.numpy as jnp
from jax import lax
from jax.experimental import pallas as pl
from jax.experimental.pallas import tpu as pltpu
from jax.experimental.pallas import tpu_sc as plsc

NC, NS = 2, 16
NW = NC * NS
N = 10000
D = 128
H = 256
E = 320000
CH = 104
K_CH = 98
E_W = K_CH * CH
ACC_ROWS = 10112
STRIPE = 632
M_BLK = 1000
GRID_M = N // M_BLK
TB = 1024

@functools.cache
def _sc_mesh():
    return plsc.VectorSubcoreMesh(
        core_axis_name="c", subcore_axis_name="s",
        num_cores=NC, num_subcores=NS)


def _segsum_body(table, srcx, dstx, out, src_v, dst_v, rows_v, acc,
                 sem0, sem1):
    cid = lax.axis_index("c")
    sid = lax.axis_index("s")
    wid = cid * NS + sid

    zeros16 = jnp.zeros((16,), jnp.float32)

    def zrow(r, carry):
        for c in range(8):
            rows_v[0, r, pl.ds(c * 16, 16)] = zeros16
        return carry

    lax.fori_loop(0, CH, zrow, 0)
    zb = sid * STRIPE
    nfull = STRIPE // CH
    for j in range(nfull):
        pltpu.sync_copy(rows_v.at[0], acc.at[pl.ds(zb + j * CH, CH)])
    pltpu.sync_copy(rows_v.at[0].at[pl.ds(0, STRIPE - nfull * CH)],
                    acc.at[pl.ds(zb + nfull * CH, STRIPE - nfull * CH)])

    pltpu.sync_copy(srcx.at[wid], src_v)
    pltpu.sync_copy(dstx.at[wid], dst_v)
    plsc.subcore_barrier()

    pltpu.async_copy(table.at[src_v.at[pl.ds(0, CH)]], rows_v.at[0], sem0)
    pltpu.async_copy(table.at[src_v.at[pl.ds(CH, CH)]], rows_v.at[1], sem1)

    def body(i, carry):
        k = 2 * i
        pltpu.make_async_copy(table.at[src_v.at[pl.ds(k * CH, CH)]],
                              rows_v.at[0], sem0).wait()
        pltpu.sync_copy(rows_v.at[0], acc.at[dst_v.at[k]], add=True)

        @pl.when(k + 2 < K_CH)
        def _():
            pltpu.async_copy(table.at[src_v.at[pl.ds((k + 2) * CH, CH)]],
                             rows_v.at[0], sem0)

        pltpu.make_async_copy(table.at[src_v.at[pl.ds((k + 1) * CH, CH)]],
                              rows_v.at[1], sem1).wait()
        pltpu.sync_copy(rows_v.at[1], acc.at[dst_v.at[k + 1]], add=True)

        @pl.when(k + 3 < K_CH)
        def _():
            pltpu.async_copy(table.at[src_v.at[pl.ds((k + 3) * CH, CH)]],
                             rows_v.at[1], sem1)

        return carry

    lax.fori_loop(0, K_CH // 2, body, 0)
    plsc.subcore_barrier()

    ob = sid * STRIPE
    pltpu.sync_copy(acc.at[pl.ds(ob, STRIPE)],
                    out.at[cid, pl.ds(ob, STRIPE)])


@functools.cache
def _segsum():
    return pl.kernel(
        _segsum_body,
        out_type=jax.ShapeDtypeStruct((NC, ACC_ROWS, D), jnp.float32),
        mesh=_sc_mesh(),
        scratch_types=[
            pltpu.VMEM((E_W,), jnp.int32),
            pltpu.VMEM((K_CH, CH), jnp.int32),
            pltpu.VMEM((2, CH, D), jnp.float32),
            pltpu.VMEM_SHARED((ACC_ROWS, D), jnp.float32),
            pltpu.SemaphoreType.DMA,
            pltpu.SemaphoreType.DMA,
        ],
    )


def _target_gather_body(table, idx, out, idx_v, rows_v, sem):
    cid = lax.axis_index("c")
    sid = lax.axis_index("s")
    wid = cid * NS + sid
    base = wid * (TB // NW)
    pltpu.sync_copy(idx.at[pl.ds(base, TB // NW)], idx_v)
    pltpu.async_copy(table.at[idx_v], rows_v, sem).wait()
    pltpu.sync_copy(rows_v, out.at[pl.ds(base, TB // NW)])


@functools.cache
def _target_gather():
    return pl.kernel(
        _target_gather_body,
        out_type=jax.ShapeDtypeStruct((TB, D), jnp.float32),
        mesh=_sc_mesh(),
        scratch_types=[
            pltpu.VMEM((TB // NW,), jnp.int32),
            pltpu.VMEM((TB // NW, D), jnp.float32),
            pltpu.SemaphoreType.DMA,
        ],
    )


def _l1_body(v_ref, p_ref, w1a_ref, w1b_ref, x1_ref, agg_ref):
    agg = p_ref[0] + p_ref[1]
    agg_ref[...] = agg
    x1_ref[...] = (
        jnp.dot(v_ref[...], w1a_ref[...], preferred_element_type=jnp.float32)
        + jnp.dot(agg, w1b_ref[...], preferred_element_type=jnp.float32))


def _l2_body(x1_ref, agg0_ref, q_ref, w1a_ref, w1b_ref, w2a_ref, w2b_ref,
             b2_ref, x2lo_ref, x2hi_ref):
    agg0b = q_ref[0] + q_ref[1]
    agg1 = (
        jnp.dot(agg0_ref[...], w1a_ref[...], preferred_element_type=jnp.float32)
        + jnp.dot(agg0b, w1b_ref[...], preferred_element_type=jnp.float32))
    x1 = x1_ref[...]
    h = (jnp.dot(x1, w2a_ref[...], preferred_element_type=jnp.float32)
         + jnp.dot(agg1, w2b_ref[...], preferred_element_type=jnp.float32)
         + b2_ref[...])
    h = jnp.maximum(h, 0.0)
    h = h / (jnp.sqrt(jnp.sum(h * h, axis=1, keepdims=True)) + 1e-6)
    x2 = h + x1
    x2lo_ref[...] = x2[:, :D]
    x2hi_ref[...] = x2[:, D:]


def _l3_body(x2lo_ref, x2hi_ref, rlo_ref, rhi_ref, w3alo_ref, w3ahi_ref,
             w3blo_ref, w3bhi_ref, b3_ref, w4p_ref, y_ref):
    agg_lo = rlo_ref[0] + rlo_ref[1]
    agg_hi = rhi_ref[0] + rhi_ref[1]
    h = (jnp.dot(x2lo_ref[...], w3alo_ref[...], preferred_element_type=jnp.float32)
         + jnp.dot(x2hi_ref[...], w3ahi_ref[...], preferred_element_type=jnp.float32)
         + jnp.dot(agg_lo, w3blo_ref[...], preferred_element_type=jnp.float32)
         + jnp.dot(agg_hi, w3bhi_ref[...], preferred_element_type=jnp.float32)
         + b3_ref[...])
    h = jnp.maximum(h, 0.0)
    h = h / (jnp.sqrt(jnp.sum(h * h, axis=1, keepdims=True)) + 1e-6)
    y_ref[...] = jnp.dot(h, w4p_ref[...], preferred_element_type=jnp.float32)


def _row_spec(d):
    return pl.BlockSpec((M_BLK, d), lambda m: (m, 0))


def _pair_spec(d):
    return pl.BlockSpec((NC, M_BLK, d), lambda m: (0, m, 0))


def _full_spec(r, c):
    return pl.BlockSpec((r, c), lambda m: (0, 0))


_l1 = pl.pallas_call(
    _l1_body,
    grid=(GRID_M,),
    in_specs=[_row_spec(D), _pair_spec(D), _full_spec(D, H), _full_spec(D, H)],
    out_specs=[_row_spec(H), _row_spec(D)],
    out_shape=[jax.ShapeDtypeStruct((N, H), jnp.float32),
               jax.ShapeDtypeStruct((N, D), jnp.float32)],
)

_l2 = pl.pallas_call(
    _l2_body,
    grid=(GRID_M,),
    in_specs=[_row_spec(H), _row_spec(D), _pair_spec(D),
              _full_spec(D, H), _full_spec(D, H),
              _full_spec(H, H), _full_spec(H, H), _full_spec(1, H)],
    out_specs=[_row_spec(D), _row_spec(D)],
    out_shape=[jax.ShapeDtypeStruct((N, D), jnp.float32),
               jax.ShapeDtypeStruct((N, D), jnp.float32)],
)

_l3 = pl.pallas_call(
    _l3_body,
    grid=(GRID_M,),
    in_specs=[_row_spec(D), _row_spec(D), _pair_spec(D), _pair_spec(D),
              _full_spec(D, H), _full_spec(D, H), _full_spec(D, H),
              _full_spec(D, H), _full_spec(1, H), _full_spec(H, D)],
    out_specs=_row_spec(D),
    out_shape=jax.ShapeDtypeStruct((N, D), jnp.float32),
)


def kernel(edges, vertices, target_idx, W1, W2, b2, W3, b3, W4):
    src = edges[:, 1].astype(jnp.int32)
    dst = edges[:, 0].astype(jnp.int32)
    pad = NW * E_W - E
    srcx = (jnp.concatenate([src, jnp.zeros((pad,), jnp.int32)])
            .reshape(K_CH, NW, CH).transpose(1, 0, 2).reshape(NW, E_W))
    chunk_off = (jnp.arange(E_W, dtype=jnp.int32) % 8) * N
    srcx = srcx + chunk_off[None, :]
    dstx = (jnp.concatenate([dst, jnp.full((pad,), N, jnp.int32)])
            .reshape(K_CH, NW, CH).transpose(1, 0, 2))

    w1t = W1.T
    w1a, w1b = w1t[:D], w1t[D:]
    w2t = W2.T
    w2a, w2b = w2t[:H], w2t[H:]
    w3t = W3.T
    w3a_lo, w3a_hi = w3t[:D], w3t[D:H]
    w3b_lo, w3b_hi = w3t[H:H + D], w3t[H + D:]
    w4p = jnp.zeros((D, H), jnp.float32).at[:2].set(W4).T

    _seg = _segsum()

    def segsum(t, s, d):
        return _seg(jnp.concatenate([t, t, t, t, t, t, t, t]), s, d)

    p = segsum(vertices, srcx, dstx)
    x1, agg0 = _l1(vertices, p, w1a, w1b)
    q = segsum(agg0, srcx, dstx)
    x2lo, x2hi = _l2(x1, agg0, q, w1a, w1b, w2a, w2b, b2.reshape(1, H))
    rlo = segsum(x2lo, srcx, dstx)
    rhi = segsum(x2hi, srcx, dstx)
    y = _l3(x2lo, x2hi, rlo, rhi, w3a_lo, w3a_hi, w3b_lo, w3b_hi,
            b3.reshape(1, H), w4p)
    yt = _target_gather()(y, target_idx.astype(jnp.int32))
    return yt[:, :2][None, :, :]

# --- scband reference (transcript-rebuilt; emitter-appended) ---
"""Pipeline reference for scband-graph-conv-12463995093099 (READ-ONLY COPY).

The authoritative reference and input builder live on the scoring server;
editing this copy changes nothing except your own understanding.
"""

import jax, jax.numpy as jnp
import numpy as np

N_NODES = 10000
N_EDGES = 320000
D_FEAT = 128
HIDDEN = 256
HIDDEN2 = 256


def setup_inputs(seed: int = 0) -> dict:
    key = jax.random.key(seed)
    ks = jax.random.split(key, 10)
    vertices = jax.random.normal(ks[0], (N_NODES, D_FEAT), dtype=jnp.float32)
    edges = jax.random.randint(ks[1], (N_EDGES, 2), 0, N_NODES)
    target_idx = jax.random.randint(ks[2], (1024,), 0, N_NODES)
    # learned params (torch.nn.Linear stores weight as [out, in])
    W1 = jax.random.normal(ks[3], (HIDDEN, 2 * D_FEAT), dtype=jnp.float32) * 0.02
    W2 = jax.random.normal(ks[4], (HIDDEN, 2 * HIDDEN), dtype=jnp.float32) * 0.02
    b2 = jnp.zeros((HIDDEN,), dtype=jnp.float32)
    W3 = jax.random.normal(ks[5], (HIDDEN2, 2 * HIDDEN), dtype=jnp.float32) * 0.02
    b3 = jnp.zeros((HIDDEN2,), dtype=jnp.float32)
    W4 = jax.random.normal(ks[6], (2, HIDDEN2), dtype=jnp.float32) * 0.02
    return {"edges": edges, "vertices": vertices, "target_idx": target_idx,
            "W1": W1, "W2": W2, "b2": b2, "W3": W3, "b3": b3, "W4": W4}


def reference(edges, vertices, target_idx, W1, W2, b2, W3, b3, W4):
    # dropout is identity in eval mode
    N = vertices.shape[0]
    src = edges[:, 1]
    dst = edges[:, 0]
    agg = jax.ops.segment_sum(vertices[src], dst, num_segments=N)
    x = jnp.concatenate([vertices, agg], axis=1)
    x = x @ W1.T  # l1, no bias
    identity = x
    agg = jax.ops.segment_sum(x[src], dst, num_segments=N)
    x = jax.nn.relu(jnp.concatenate([x, agg], axis=1) @ W2.T + b2)
    x = x / (jnp.linalg.norm(x, axis=1, keepdims=True) + 1e-6)
    x = x + identity
    agg = jax.ops.segment_sum(x[src], dst, num_segments=N)
    x = jax.nn.relu(jnp.concatenate([x, agg], axis=1) @ W3.T + b3)
    x = x / (jnp.linalg.norm(x, axis=1, keepdims=True) + 1e-6)
    x_target = x[target_idx] @ W4.T  # l4, no bias
    return x_target[None, :, :]

if __name__ == "__main__":
    import jax
    _d = setup_inputs()
    print(jax.jit(kernel)(*tuple(_d.values())))

</pallas_src>

<mosaic_0001>
#map = affine_map<(d0, d1) -> (0, 0)>
#map1 = affine_map<(d0, d1) -> (0, 0, 0)>
module attributes {stable_mosaic.version = 14 : i64} {
  func.func @_segsum_body(%arg0: i32, %arg1: i32, %arg2: memref<80000x128xf32, #tpu.memory_space<hbm>>, %arg3: memref<32x10192xi32, #tpu.memory_space<hbm>>, %arg4: memref<32x98x104xi32, #tpu.memory_space<hbm>>, %arg5: memref<2x10112x128xf32, #tpu.memory_space<hbm>>, %arg6: memref<10192xi32, #tpu.memory_space<vmem>>, %arg7: memref<98x104xi32, #tpu.memory_space<vmem>>, %arg8: memref<2x104x128xf32, #tpu.memory_space<vmem>>, %arg9: memref<10112x128xf32, #tpu.memory_space<vmem_shared>>, %arg10: memref<!tpu.dma_semaphore, #tpu.memory_space<semaphore_mem>>, %arg11: memref<!tpu.dma_semaphore, #tpu.memory_space<semaphore_mem>>) attributes {dimension_semantics = [#tpu.dimension_semantics<core_parallel>, #tpu.dimension_semantics<subcore_parallel>], iteration_bounds = array<i64: 2, 16>, scalar_prefetch = 0 : i64, scratch_operands = 6 : i64, tpu.core_type = #tpu.core_type<sc_vector_subcore>, window_params = [{transform_indices = #map}, {transform_indices = #map}, {transform_indices = #map1}, {transform_indices = #map1}]} {
    %mul3A = arith.constant 16 : i32
    %mul3A_0 = arith.muli %arg0, %mul3A : i32
    %add3A = arith.addi %mul3A_0, %arg1 : i32
    %broadcast_in_dim3A = arith.constant 0.000000e+00 : f32
    %broadcast_in_dim3A_1 = vector.broadcast %broadcast_in_dim3A : f32 to vector<16xf32>
    %scan3A = arith.constant 0 : i32
    %scan3A_2 = arith.constant 0 : i32
    %scan3A_3 = arith.constant 104 : i32
    %scan3A_4 = arith.addi %scan3A_2, %scan3A_3 : i32
    %scan3A_5 = arith.constant 1 : i32
    scf.for %scan3A_57 = %scan3A_2 to %scan3A_4 step %scan3A_5  : i32 {
      %swap3A = arith.constant 0 : i32
      %swap3A_58 = arith.index_cast %swap3A : i32 to index
      %swap3A_59 = arith.index_cast %scan3A_57 : i32 to index
      %swap3A_60 = arith.constant 0 : index
      %swap3A_61 = tpu.vector_load %arg8[%swap3A_58, %swap3A_59, %swap3A_60] {strides = array<i32>} : memref<2x104x128xf32, #tpu.memory_space<vmem>>, vector<1x1x16xf32>,
      %swap3A_62 = vector.shape_cast %swap3A_61 : vector<1x1x16xf32> to vector<16xf32>
      %swap3A_63 = vector.shape_cast %broadcast_in_dim3A_1 : vector<16xf32> to vector<1x1x16xf32>
      tpu.vector_store %arg8[%swap3A_58, %swap3A_59, %swap3A_60], %swap3A_63 {strides = array<i32>} : memref<2x104x128xf32, #tpu.memory_space<vmem>>, vector<1x1x16xf32>,
      %swap3A_64 = arith.constant 0 : i32
      %swap3A_65 = arith.index_cast %swap3A_64 : i32 to index
      %swap3A_66 = arith.index_cast %scan3A_57 : i32 to index
      %swap3A_67 = arith.constant 16 : index
      %swap3A_68 = tpu.vector_load %arg8[%swap3A_65, %swap3A_66, %swap3A_67] {strides = array<i32>} : memref<2x104x128xf32, #tpu.memory_space<vmem>>, vector<1x1x16xf32>,
      %swap3A_69 = vector.shape_cast %swap3A_68 : vector<1x1x16xf32> to vector<16xf32>
      %swap3A_70 = vector.shape_cast %broadcast_in_dim3A_1 : vector<16xf32> to vector<1x1x16xf32>
      tpu.vector_store %arg8[%swap3A_65, %swap3A_66, %swap3A_67], %swap3A_70 {strides = array<i32>} : memref<2x104x128xf32, #tpu.memory_space<vmem>>, vector<1x1x16xf32>,
      %swap3A_71 = arith.constant 0 : i32
      %swap3A_72 = arith.index_cast %swap3A_71 : i32 to index
      %swap3A_73 = arith.index_cast %scan3A_57 : i32 to index
      %swap3A_74 = arith.constant 32 : index
      %swap3A_75 = tpu.vector_load %arg8[%swap3A_72, %swap3A_73, %swap3A_74] {strides = array<i32>} : memref<2x104x128xf32, #tpu.memory_space<vmem>>, vector<1x1x16xf32>,
      %swap3A_76 = vector.shape_cast %swap3A_75 : vector<1x1x16xf32> to vector<16xf32>
      %swap3A_77 = vector.shape_cast %broadcast_in_dim3A_1 : vector<16xf32> to vector<1x1x16xf32>
      tpu.vector_store %arg8[%swap3A_72, %swap3A_73, %swap3A_74], %swap3A_77 {strides = array<i32>} : memref<2x104x128xf32, #tpu.memory_space<vmem>>, vector<1x1x16xf32>,
      %swap3A_78 = arith.constant 0 : i32
      %swap3A_79 = arith.index_cast %swap3A_78 : i32 to index
      %swap3A_80 = arith.index_cast %scan3A_57 : i32 to index
      %swap3A_81 = arith.constant 48 : index
      %swap3A_82 = tpu.vector_load %arg8[%swap3A_79, %swap3A_80, %swap3A_81] {strides = array<i32>} : memref<2x104x128xf32, #tpu.memory_space<vmem>>, vector<1x1x16xf32>,
      %swap3A_83 = vector.shape_cast %swap3A_82 : vector<1x1x16xf32> to vector<16xf32>
      %swap3A_84 = vector.shape_cast %broadcast_in_dim3A_1 : vector<16xf32> to vector<1x1x16xf32>
      tpu.vector_store %arg8[%swap3A_79, %swap3A_80, %swap3A_81], %swap3A_84 {strides = array<i32>} : memref<2x104x128xf32, #tpu.memory_space<vmem>>, vector<1x1x16xf32>,
      %swap3A_85 = arith.constant 0 : i32
      %swap3A_86 = arith.index_cast %swap3A_85 : i32 to index
      %swap3A_87 = arith.index_cast %scan3A_57 : i32 to index
      %swap3A_88 = arith.constant 64 : index
      %swap3A_89 = tpu.vector_load %arg8[%swap3A_86, %swap3A_87, %swap3A_88] {strides = array<i32>} : memref<2x104x128xf32, #tpu.memory_space<vmem>>, vector<1x1x16xf32>,
      %swap3A_90 = vector.shape_cast %swap3A_89 : vector<1x1x16xf32> to vector<16xf32>
      %swap3A_91 = vector.shape_cast %broadcast_in_dim3A_1 : vector<16xf32> to vector<1x1x16xf32>
      tpu.vector_store %arg8[%swap3A_86, %swap3A_87, %swap3A_88], %swap3A_91 {strides = array<i32>} : memref<2x104x128xf32, #tpu.memory_space<vmem>>, vector<1x1x16xf32>,
      %swap3A_92 = arith.constant 0 : i32
      %swap3A_93 = arith.index_cast %swap3A_92 : i32 to index
      %swap3A_94 = arith.index_cast %scan3A_57 : i32 to index
      %swap3A_95 = arith.constant 80 : index
      %swap3A_96 = tpu.vector_load %arg8[%swap3A_93, %swap3A_94, %swap3A_95] {strides = array<i32>} : memref<2x104x128xf32, #tpu.memory_space<vmem>>, vector<1x1x16xf32>,
      %swap3A_97 = vector.shape_cast %swap3A_96 : vector<1x1x16xf32> to vector<16xf32>
      %swap3A_98 = vector.shape_cast %broadcast_in_dim3A_1 : vector<16xf32> to vector<1x1x16xf32>
      tpu.vector_store %arg8[%swap3A_93, %swap3A_94, %swap3A_95], %swap3A_98 {strides = array<i32>} : memref<2x104x128xf32, #tpu.memory_space<vmem>>, vector<1x1x16xf32>,
      %swap3A_99 = arith.constant 0 : i32
      %swap3A_100 = arith.index_cast %swap3A_99 : i32 to index
      %swap3A_101 = arith.index_cast %scan3A_57 : i32 to index
      %swap3A_102 = arith.constant 96 : index
      %swap3A_103 = tpu.vector_load %arg8[%swap3A_100, %swap3A_101, %swap3A_102] {strides = array<i32>} : memref<2x104x128xf32, #tpu.memory_space<vmem>>, vector<1x1x16xf32>,
      %swap3A_104 = vector.shape_cast %swap3A_103 : vector<1x1x16xf32> to vector<16xf32>
      %swap3A_105 = vector.shape_cast %broadcast_in_dim3A_1 : vector<16xf32> to vector<1x1x16xf32>
      tpu.vector_store %arg8[%swap3A_100, %swap3A_101, %swap3A_102], %swap3A_105 {strides = array<i32>} : memref<2x104x128xf32, #tpu.memory_space<vmem>>, vector<1x1x16xf32>,
      %swap3A_106 = arith.constant 0 : i32
      %swap3A_107 = arith.index_cast %swap3A_106 : i32 to index
      %swap3A_108 = arith.index_cast %scan3A_57 : i32 to index
      %swap3A_109 = arith.constant 112 : index
      %swap3A_110 = tpu.vector_load %arg8[%swap3A_107, %swap3A_108, %swap3A_109] {strides = array<i32>} : memref<2x104x128xf32, #tpu.memory_space<vmem>>, vector<1x1x16xf32>,
      %swap3A_111 = vector.shape_cast %swap3A_110 : vector<1x1x16xf32> to vector<16xf32>
      %swap3A_112 = vector.shape_cast %broadcast_in_dim3A_1 : vector<16xf32> to vector<1x1x16xf32>
      tpu.vector_store %arg8[%swap3A_107, %swap3A_108, %swap3A_109], %swap3A_112 {strides = array<i32>} : memref<2x104x128xf32, #tpu.memory_space<vmem>>, vector<1x1x16xf32>,
    }
    %scan3A_6 = arith.constant 104 : i32
    %mul3A_7 = arith.constant 632 : i32
    %mul3A_8 = arith.muli %arg1, %mul3A_7 : i32
    %add3A_9 = arith.constant 0 : i32
    %add3A_10 = arith.addi %mul3A_8, %add3A_9 : i32
    %run_scoped3A = arith.constant 0 : i32
    "tpu.region"() ({
      %run_scoped3A_57 = tpu.sem_alloc : memref<!tpu.dma_semaphore, #tpu.memory_space<semaphore_mem>>
      %dma_start3A_58 = arith.constant 0 : i32
      %dma_start3A_59 = arith.constant 0 : i32
      %dma_start3A_60 = tpu.memref_slice %arg8[%run_scoped3A, %dma_start3A_58, %dma_start3A_59] : memref<2x104x128xf32, #tpu.memory_space<vmem>> -> memref<1x104x128xf32, #tpu.memory_space<vmem>>
      %dma_start3A_61 = tpu.memref_squeeze %dma_start3A_60 : memref<1x104x128xf32, #tpu.memory_space<vmem>> -> memref<104x128xf32, #tpu.memory_space<vmem>>
      %dma_start3A_62 = arith.constant 0 : i32
      %dma_start3A_63 = tpu.memref_slice %arg9[%add3A_10, %dma_start3A_62] : memref<10112x128xf32, #tpu.memory_space<vmem_shared>> -> memref<104x128xf32, #tpu.memory_space<vmem_shared>>
      %dma_start3A_64 = arith.constant 0 : i32
      %dma_start3A_65 = tpu.memref_slice %arg9[%add3A_10, %dma_start3A_64] : memref<10112x128xf32, #tpu.memory_space<vmem_shared>> -> memref<104x128xf32, #tpu.memory_space<vmem_shared>>
      %dma_start3A_66 = arith.constant 0 : i32
      %dma_start3A_67 = arith.constant 0 : i32
      %dma_start3A_68 = tpu.memref_slice %arg8[%run_scoped3A, %dma_start3A_66, %dma_start3A_67] : memref<2x104x128xf32, #tpu.memory_space<vmem>> -> memref<1x104x128xf32, #tpu.memory_space<vmem>>
      %dma_start3A_69 = tpu.memref_squeeze %dma_start3A_68 : memref<1x104x128xf32, #tpu.memory_space<vmem>> -> memref<104x128xf32, #tpu.memory_space<vmem>>
      tpu.enqueue_dma source(%dma_start3A_69 : memref<104x128xf32, #tpu.memory_space<vmem>>) target(%dma_start3A_65 : memref<104x128xf32, #tpu.memory_space<vmem_shared>>) target_semaphore(%run_scoped3A_57 : memref<!tpu.dma_semaphore, #tpu.memory_space<semaphore_mem>>)
      %dma_wait3A = arith.constant 0 : i32
      %dma_wait3A_70 = arith.constant 0 : i32
      %dma_wait3A_71 = tpu.memref_slice %arg8[%run_scoped3A, %dma_wait3A, %dma_wait3A_70] : memref<2x104x128xf32, #tpu.memory_space<vmem>> -> memref<1x104x128xf32, #tpu.memory_space<vmem>>
      %dma_wait3A_72 = tpu.memref_squeeze %dma_wait3A_71 : memref<1x104x128xf32, #tpu.memory_space<vmem>> -> memref<104x128xf32, #tpu.memory_space<vmem>>
      %dma_wait3A_73 = arith.constant 0 : i32
      %dma_wait3A_74 = tpu.memref_slice %arg9[%add3A_10, %dma_wait3A_73] : memref<10112x128xf32, #tpu.memory_space<vmem_shared>> -> memref<104x128xf32, #tpu.memory_space<vmem_shared>>
      %dma_wait3A_75 = arith.constant 0 : i32
      %dma_wait3A_76 = tpu.memref_slice %arg9[%add3A_10, %dma_wait3A_75] : memref<10112x128xf32, #tpu.memory_space<vmem_shared>> -> memref<104x128xf32, #tpu.memory_space<vmem_shared>>
      %dma_wait3A_77 = arith.constant 0 : i32
      %dma_wait3A_78 = arith.constant 0 : i32
      %dma_wait3A_79 = tpu.memref_slice %arg8[%run_scoped3A, %dma_wait3A_77, %dma_wait3A_78] : memref<2x104x128xf32, #tpu.memory_space<vmem>> -> memref<1x104x128xf32, #tpu.memory_space<vmem>>
      %dma_wait3A_80 = tpu.memref_squeeze %dma_wait3A_79 : memref<1x104x128xf32, #tpu.memory_space<vmem>> -> memref<104x128xf32, #tpu.memory_space<vmem>>
      tpu.wait_dma2 semaphore(%run_scoped3A_57 : memref<!tpu.dma_semaphore, #tpu.memory_space<semaphore_mem>>) src(%dma_wait3A_80 : memref<104x128xf32, #tpu.memory_space<vmem>>) dst(%dma_wait3A_76 : memref<104x128xf32, #tpu.memory_space<vmem_shared>>)
      tpu.yield
    }) : () -> ()
    %add3A_11 = arith.constant 104 : i32
    %add3A_12 = arith.addi %mul3A_8, %add3A_11 : i32
    %run_scoped3A_13 = arith.constant 0 : i32
    "tpu.region"() ({
      %run_scoped3A_57 = tpu.sem_alloc : memref<!tpu.dma_semaphore, #tpu.memory_space<semaphore_mem>>
      %dma_start3A_58 = arith.constant 0 : i32
      %dma_start3A_59 = arith.constant 0 : i32
      %dma_start3A_60 = tpu.memref_slice %arg8[%run_scoped3A_13, %dma_start3A_58, %dma_start3A_59] : memref<2x104x128xf32, #tpu.memory_space<vmem>> -> memref<1x104x128xf32, #tpu.memory_space<vmem>>
      %dma_start3A_61 = tpu.memref_squeeze %dma_start3A_60 : memref<1x104x128xf32, #tpu.memory_space<vmem>> -> memref<104x128xf32, #tpu.memory_space<vmem>>
      %dma_start3A_62 = arith.constant 0 : i32
      %dma_start3A_63 = tpu.memref_slice %arg9[%add3A_12, %dma_start3A_62] : memref<10112x128xf32, #tpu.memory_space<vmem_shared>> -> memref<104x128xf32, #tpu.memory_space<vmem_shared>>
      %dma_start3A_64 = arith.constant 0 : i32
      %dma_start3A_65 = tpu.memref_slice %arg9[%add3A_12, %dma_start3A_64] : memref<10112x128xf32, #tpu.memory_space<vmem_shared>> -> memref<104x128xf32, #tpu.memory_space<vmem_shared>>
      %dma_start3A_66 = arith.constant 0 : i32
      %dma_start3A_67 = arith.constant 0 : i32
      %dma_start3A_68 = tpu.memref_slice %arg8[%run_scoped3A_13, %dma_start3A_66, %dma_start3A_67] : memref<2x104x128xf32, #tpu.memory_space<vmem>> -> memref<1x104x128xf32, #tpu.memory_space<vmem>>
      %dma_start3A_69 = tpu.memref_squeeze %dma_start3A_68 : memref<1x104x128xf32, #tpu.memory_space<vmem>> -> memref<104x128xf32, #tpu.memory_space<vmem>>
      tpu.enqueue_dma source(%dma_start3A_69 : memref<104x128xf32, #tpu.memory_space<vmem>>) target(%dma_start3A_65 : memref<104x128xf32, #tpu.memory_space<vmem_shared>>) target_semaphore(%run_scoped3A_57 : memref<!tpu.dma_semaphore, #tpu.memory_space<semaphore_mem>>)
      %dma_wait3A = arith.constant 0 : i32
      %dma_wait3A_70 = arith.constant 0 : i32
      %dma_wait3A_71 = tpu.memref_slice %arg8[%run_scoped3A_13, %dma_wait3A, %dma_wait3A_70] : memref<2x104x128xf32, #tpu.memory_space<vmem>> -> memref<1x104x128xf32, #tpu.memory_space<vmem>>
      %dma_wait3A_72 = tpu.memref_squeeze %dma_wait3A_71 : memref<1x104x128xf32, #tpu.memory_space<vmem>> -> memref<104x128xf32, #tpu.memory_space<vmem>>
      %dma_wait3A_73 = arith.constant 0 : i32
      %dma_wait3A_74 = tpu.memref_slice %arg9[%add3A_12, %dma_wait3A_73] : memref<10112x128xf32, #tpu.memory_space<vmem_shared>> -> memref<104x128xf32, #tpu.memory_space<vmem_shared>>
      %dma_wait3A_75 = arith.constant 0 : i32
      %dma_wait3A_76 = tpu.memref_slice %arg9[%add3A_12, %dma_wait3A_75] : memref<10112x128xf32, #tpu.memory_space<vmem_shared>> -> memref<104x128xf32, #tpu.memory_space<vmem_shared>>
      %dma_wait3A_77 = arith.constant 0 : i32
      %dma_wait3A_78 = arith.constant 0 : i32
      %dma_wait3A_79 = tpu.memref_slice %arg8[%run_scoped3A_13, %dma_wait3A_77, %dma_wait3A_78] : memref<2x104x128xf32, #tpu.memory_space<vmem>> -> memref<1x104x128xf32, #tpu.memory_space<vmem>>
      %dma_wait3A_80 = tpu.memref_squeeze %dma_wait3A_79 : memref<1x104x128xf32, #tpu.memory_space<vmem>> -> memref<104x128xf32, #tpu.memory_space<vmem>>
      tpu.wait_dma2 semaphore(%run_scoped3A_57 : memref<!tpu.dma_semaphore, #tpu.memory_space<semaphore_mem>>) src(%dma_wait3A_80 : memref<104x128xf32, #tpu.memory_space<vmem>>) dst(%dma_wait3A_76 : memref<104x128xf32, #tpu.memory_space<vmem_shared>>)
      tpu.yield
    }) : () -> ()
    %add3A_14 = arith.constant 208 : i32
    %add3A_15 = arith.addi %mul3A_8, %add3A_14 : i32
    %run_scoped3A_16 = arith.constant 0 : i32
    "tpu.region"() ({
      %run_scoped3A_57 = tpu.sem_alloc : memref<!tpu.dma_semaphore, #tpu.memory_space<semaphore_mem>>
      %dma_start3A_58 = arith.constant 0 : i32
      %dma_start3A_59 = arith.constant 0 : i32
      %dma_start3A_60 = tpu.memref_slice %arg8[%run_scoped3A_16, %dma_start3A_58, %dma_start3A_59] : memref<2x104x128xf32, #tpu.memory_space<vmem>> -> memref<1x104x128xf32, #tpu.memory_space<vmem>>
      %dma_start3A_61 = tpu.memref_squeeze %dma_start3A_60 : memref<1x104x128xf32, #tpu.memory_space<vmem>> -> memref<104x128xf32, #tpu.memory_space<vmem>>
      %dma_start3A_62 = arith.constant 0 : i32
      %dma_start3A_63 = tpu.memref_slice %arg9[%add3A_15, %dma_start3A_62] : memref<10112x128xf32, #tpu.memory_space<vmem_shared>> -> memref<104x128xf32, #tpu.memory_space<vmem_shared>>
      %dma_start3A_64 = arith.constant 0 : i32
      %dma_start3A_65 = tpu.memref_slice %arg9[%add3A_15, %dma_start3A_64] : memref<10112x128xf32, #tpu.memory_space<vmem_shared>> -> memref<104x128xf32, #tpu.memory_space<vmem_shared>>
      %dma_start3A_66 = arith.constant 0 : i32
      %dma_start3A_67 = arith.constant 0 : i32
      %dma_start3A_68 = tpu.memref_slice %arg8[%run_scoped3A_16, %dma_start3A_66, %dma_start3A_67] : memref<2x104x128xf32, #tpu.memory_space<vmem>> -> memref<1x104x128xf32, #tpu.memory_space<vmem>>
      %dma_start3A_69 = tpu.memref_squeeze %dma_start3A_68 : memref<1x104x128xf32, #tpu.memory_space<vmem>> -> memref<104x128xf32, #tpu.memory_space<vmem>>
      tpu.enqueue_dma source(%dma_start3A_69 : memref<104x128xf32, #tpu.memory_space<vmem>>) target(%dma_start3A_65 : memref<104x128xf32, #tpu.memory_space<vmem_shared>>) target_semaphore(%run_scoped3A_57 : memref<!tpu.dma_semaphore, #tpu.memory_space<semaphore_mem>>)
      %dma_wait3A = arith.constant 0 : i32
      %dma_wait3A_70 = arith.constant 0 : i32
      %dma_wait3A_71 = tpu.memref_slice %arg8[%run_scoped3A_16, %dma_wait3A, %dma_wait3A_70] : memref<2x104x128xf32, #tpu.memory_space<vmem>> -> memref<1x104x128xf32, #tpu.memory_space<vmem>>
      %dma_wait3A_72 = tpu.memref_squeeze %dma_wait3A_71 : memref<1x104x128xf32, #tpu.memory_space<vmem>> -> memref<104x128xf32, #tpu.memory_space<vmem>>
      %dma_wait3A_73 = arith.constant 0 : i32
      %dma_wait3A_74 = tpu.memref_slice %arg9[%add3A_15, %dma_wait3A_73] : memref<10112x128xf32, #tpu.memory_space<vmem_shared>> -> memref<104x128xf32, #tpu.memory_space<vmem_shared>>
      %dma_wait3A_75 = arith.constant 0 : i32
      %dma_wait3A_76 = tpu.memref_slice %arg9[%add3A_15, %dma_wait3A_75] : memref<10112x128xf32, #tpu.memory_space<vmem_shared>> -> memref<104x128xf32, #tpu.memory_space<vmem_shared>>
      %dma_wait3A_77 = arith.constant 0 : i32
      %dma_wait3A_78 = arith.constant 0 : i32
      %dma_wait3A_79 = tpu.memref_slice %arg8[%run_scoped3A_16, %dma_wait3A_77, %dma_wait3A_78] : memref<2x104x128xf32, #tpu.memory_space<vmem>> -> memref<1x104x128xf32, #tpu.memory_space<vmem>>
      %dma_wait3A_80 = tpu.memref_squeeze %dma_wait3A_79 : memref<1x104x128xf32, #tpu.memory_space<vmem>> -> memref<104x128xf32, #tpu.memory_space<vmem>>
      tpu.wait_dma2 semaphore(%run_scoped3A_57 : memref<!tpu.dma_semaphore, #tpu.memory_space<semaphore_mem>>) src(%dma_wait3A_80 : memref<104x128xf32, #tpu.memory_space<vmem>>) dst(%dma_wait3A_76 : memref<104x128xf32, #tpu.memory_space<vmem_shared>>)
      tpu.yield
    }) : () -> ()
    %add3A_17 = arith.constant 312 : i32
    %add3A_18 = arith.addi %mul3A_8, %add3A_17 : i32
    %run_scoped3A_19 = arith.constant 0 : i32
    "tpu.region"() ({
      %run_scoped3A_57 = tpu.sem_alloc : memref<!tpu.dma_semaphore, #tpu.memory_space<semaphore_mem>>
      %dma_start3A_58 = arith.constant 0 : i32
      %dma_start3A_59 = arith.constant 0 : i32
      %dma_start3A_60 = tpu.memref_slice %arg8[%run_scoped3A_19, %dma_start3A_58, %dma_start3A_59] : memref<2x104x128xf32, #tpu.memory_space<vmem>> -> memref<1x104x128xf32, #tpu.memory_space<vmem>>
      %dma_start3A_61 = tpu.memref_squeeze %dma_start3A_60 : memref<1x104x128xf32, #tpu.memory_space<vmem>> -> memref<104x128xf32, #tpu.memory_space<vmem>>
      %dma_start3A_62 = arith.constant 0 : i32
      %dma_start3A_63 = tpu.memref_slice %arg9[%add3A_18, %dma_start3A_62] : memref<10112x128xf32, #tpu.memory_space<vmem_shared>> -> memref<104x128xf32, #tpu.memory_space<vmem_shared>>
      %dma_start3A_64 = arith.constant 0 : i32
      %dma_start3A_65 = tpu.memref_slice %arg9[%add3A_18, %dma_start3A_64] : memref<10112x128xf32, #tpu.memory_space<vmem_shared>> -> memref<104x128xf32, #tpu.memory_space<vmem_shared>>
      %dma_start3A_66 = arith.constant 0 : i32
      %dma_start3A_67 = arith.constant 0 : i32
      %dma_start3A_68 = tpu.memref_slice %arg8[%run_scoped3A_19, %dma_start3A_66, %dma_start3A_67] : memref<2x104x128xf32, #tpu.memory_space<vmem>> -> memref<1x104x128xf32, #tpu.memory_space<vmem>>
      %dma_start3A_69 = tpu.memref_squeeze %dma_start3A_68 : memref<1x104x128xf32, #tpu.memory_space<vmem>> -> memref<104x128xf32, #tpu.memory_space<vmem>>
      tpu.enqueue_dma source(%dma_start3A_69 : memref<104x128xf32, #tpu.memory_space<vmem>>) target(%dma_start3A_65 : memref<104x128xf32, #tpu.memory_space<vmem_shared>>) target_semaphore(%run_scoped3A_57 : memref<!tpu.dma_semaphore, #tpu.memory_space<semaphore_mem>>)
      %dma_wait3A = arith.constant 0 : i32
      %dma_wait3A_70 = arith.constant 0 : i32
      %dma_wait3A_71 = tpu.memref_slice %arg8[%run_scoped3A_19, %dma_wait3A, %dma_wait3A_70] : memref<2x104x128xf32, #tpu.memory_space<vmem>> -> memref<1x104x128xf32, #tpu.memory_space<vmem>>
      %dma_wait3A_72 = tpu.memref_squeeze %dma_wait3A_71 : memref<1x104x128xf32, #tpu.memory_space<vmem>> -> memref<104x128xf32, #tpu.memory_space<vmem>>
      %dma_wait3A_73 = arith.constant 0 : i32
      %dma_wait3A_74 = tpu.memref_slice %arg9[%add3A_18, %dma_wait3A_73] : memref<10112x128xf32, #tpu.memory_space<vmem_shared>> -> memref<104x128xf32, #tpu.memory_space<vmem_shared>>
      %dma_wait3A_75 = arith.constant 0 : i32
      %dma_wait3A_76 = tpu.memref_slice %arg9[%add3A_18, %dma_wait3A_75] : memref<10112x128xf32, #tpu.memory_space<vmem_shared>> -> memref<104x128xf32, #tpu.memory_space<vmem_shared>>
      %dma_wait3A_77 = arith.constant 0 : i32
      %dma_wait3A_78 = arith.constant 0 : i32
      %dma_wait3A_79 = tpu.memref_slice %arg8[%run_scoped3A_19, %dma_wait3A_77, %dma_wait3A_78] : memref<2x104x128xf32, #tpu.memory_space<vmem>> -> memref<1x104x128xf32, #tpu.memory_space<vmem>>
      %dma_wait3A_80 = tpu.memref_squeeze %dma_wait3A_79 : memref<1x104x128xf32, #tpu.memory_space<vmem>> -> memref<104x128xf32, #tpu.memory_space<vmem>>
      tpu.wait_dma2 semaphore(%run_scoped3A_57 : memref<!tpu.dma_semaphore, #tpu.memory_space<semaphore_mem>>) src(%dma_wait3A_80 : memref<104x128xf32, #tpu.memory_space<vmem>>) dst(%dma_wait3A_76 : memref<104x128xf32, #tpu.memory_space<vmem_shared>>)
      tpu.yield
    }) : () -> ()
    %add3A_20 = arith.constant 416 : i32
    %add3A_21 = arith.addi %mul3A_8, %add3A_20 : i32
    %run_scoped3A_22 = arith.constant 0 : i32
    "tpu.region"() ({
      %run_scoped3A_57 = tpu.sem_alloc : memref<!tpu.dma_semaphore, #tpu.memory_space<semaphore_mem>>
      %dma_start3A_58 = arith.constant 0 : i32
      %dma_start3A_59 = arith.constant 0 : i32
      %dma_start3A_60 = tpu.memref_slice %arg8[%run_scoped3A_22, %dma_start3A_58, %dma_start3A_59] : memref<2x104x128xf32, #tpu.memory_space<vmem>> -> memref<1x104x128xf32, #tpu.memory_space<vmem>>
      %dma_start3A_61 = tpu.memref_squeeze %dma_start3A_60 : memref<1x104x128xf32, #tpu.memory_space<vmem>> -> memref<104x128xf32, #tpu.memory_space<vmem>>
      %dma_start3A_62 = arith.constant 0 : i32
      %dma_start3A_63 = tpu.memref_slice %arg9[%add3A_21, %dma_start3A_62] : memref<10112x128xf32, #tpu.memory_space<vmem_shared>> -> memref<104x128xf32, #tpu.memory_space<vmem_shared>>
      %dma_start3A_64 = arith.constant 0 : i32
      %dma_start3A_65 = tpu.memref_slice %arg9[%add3A_21, %dma_start3A_64] : memref<10112x128xf32, #tpu.memory_space<vmem_shared>> -> memref<104x128xf32, #tpu.memory_space<vmem_shared>>
      %dma_start3A_66 = arith.constant 0 : i32
      %dma_start3A_67 = arith.constant 0 : i32
      %dma_start3A_68 = tpu.memref_slice %arg8[%run_scoped3A_22, %dma_start3A_66, %dma_start3A_67] : memref<2x104x128xf32, #tpu.memory_space<vmem>> -> memref<1x104x128xf32, #tpu.memory_space<vmem>>
      %dma_start3A_69 = tpu.memref_squeeze %dma_start3A_68 : memref<1x104x128xf32, #tpu.memory_space<vmem>> -> memref<104x128xf32, #tpu.memory_space<vmem>>
      tpu.enqueue_dma source(%dma_start3A_69 : memref<104x128xf32, #tpu.memory_space<vmem>>) target(%dma_start3A_65 : memref<104x128xf32, #tpu.memory_space<vmem_shared>>) target_semaphore(%run_scoped3A_57 : memref<!tpu.dma_semaphore, #tpu.memory_space<semaphore_mem>>)
      %dma_wait3A = arith.constant 0 : i32
      %dma_wait3A_70 = arith.constant 0 : i32
      %dma_wait3A_71 = tpu.memref_slice %arg8[%run_scoped3A_22, %dma_wait3A, %dma_wait3A_70] : memref<2x104x128xf32, #tpu.memory_space<vmem>> -> memref<1x104x128xf32, #tpu.memory_space<vmem>>
      %dma_wait3A_72 = tpu.memref_squeeze %dma_wait3A_71 : memref<1x104x128xf32, #tpu.memory_space<vmem>> -> memref<104x128xf32, #tpu.memory_space<vmem>>
      %dma_wait3A_73 = arith.constant 0 : i32
      %dma_wait3A_74 = tpu.memref_slice %arg9[%add3A_21, %dma_wait3A_73] : memref<10112x128xf32, #tpu.memory_space<vmem_shared>> -> memref<104x128xf32, #tpu.memory_space<vmem_shared>>
      %dma_wait3A_75 = arith.constant 0 : i32
      %dma_wait3A_76 = tpu.memref_slice %arg9[%add3A_21, %dma_wait3A_75] : memref<10112x128xf32, #tpu.memory_space<vmem_shared>> -> memref<104x128xf32, #tpu.memory_space<vmem_shared>>
      %dma_wait3A_77 = arith.constant 0 : i32
      %dma_wait3A_78 = arith.constant 0 : i32
      %dma_wait3A_79 = tpu.memref_slice %arg8[%run_scoped3A_22, %dma_wait3A_77, %dma_wait3A_78] : memref<2x104x128xf32, #tpu.memory_space<vmem>> -> memref<1x104x128xf32, #tpu.memory_space<vmem>>
      %dma_wait3A_80 = tpu.memref_squeeze %dma_wait3A_79 : memref<1x104x128xf32, #tpu.memory_space<vmem>> -> memref<104x128xf32, #tpu.memory_space<vmem>>
      tpu.wait_dma2 semaphore(%run_scoped3A_57 : memref<!tpu.dma_semaphore, #tpu.memory_space<semaphore_mem>>) src(%dma_wait3A_80 : memref<104x128xf32, #tpu.memory_space<vmem>>) dst(%dma_wait3A_76 : memref<104x128xf32, #tpu.memory_space<vmem_shared>>)
      tpu.yield
    }) : () -> ()
    %add3A_23 = arith.constant 520 : i32
    %add3A_24 = arith.addi %mul3A_8, %add3A_23 : i32
    %run_scoped3A_25 = arith.constant 0 : i32
    "tpu.region"() ({
      %run_scoped3A_57 = tpu.sem_alloc : memref<!tpu.dma_semaphore, #tpu.memory_space<semaphore_mem>>
      %dma_start3A_58 = arith.constant 0 : i32
      %dma_start3A_59 = arith.constant 0 : i32
      %dma_start3A_60 = tpu.memref_slice %arg8[%run_scoped3A_25, %dma_start3A_58, %dma_start3A_59] : memref<2x104x128xf32, #tpu.memory_space<vmem>> -> memref<1x104x128xf32, #tpu.memory_space<vmem>>
      %dma_start3A_61 = tpu.memref_squeeze %dma_start3A_60 : memref<1x104x128xf32, #tpu.memory_space<vmem>> -> memref<104x128xf32, #tpu.memory_space<vmem>>
      %dma_start3A_62 = arith.constant 0 : i32
      %dma_start3A_63 = tpu.memref_slice %arg9[%add3A_24, %dma_start3A_62] : memref<10112x128xf32, #tpu.memory_space<vmem_shared>> -> memref<104x128xf32, #tpu.memory_space<vmem_shared>>
      %dma_start3A_64 = arith.constant 0 : i32
      %dma_start3A_65 = tpu.memref_slice %arg9[%add3A_24, %dma_start3A_64] : memref<10112x128xf32, #tpu.memory_space<vmem_shared>> -> memref<104x128xf32, #tpu.memory_space<vmem_shared>>
      %dma_start3A_66 = arith.constant 0 : i32
      %dma_start3A_67 = arith.constant 0 : i32
      %dma_start3A_68 = tpu.memref_slice %arg8[%run_scoped3A_25, %dma_start3A_66, %dma_start3A_67] : memref<2x104x128xf32, #tpu.memory_space<vmem>> -> memref<1x104x128xf32, #tpu.memory_space<vmem>>
      %dma_start3A_69 = tpu.memref_squeeze %dma_start3A_68 : memref<1x104x128xf32, #tpu.memory_space<vmem>> -> memref<104x128xf32, #tpu.memory_space<vmem>>
      tpu.enqueue_dma source(%dma_start3A_69 : memref<104x128xf32, #tpu.memory_space<vmem>>) target(%dma_start3A_65 : memref<104x128xf32, #tpu.memory_space<vmem_shared>>) target_semaphore(%run_scoped3A_57 : memref<!tpu.dma_semaphore, #tpu.memory_space<semaphore_mem>>)
      %dma_wait3A = arith.constant 0 : i32
      %dma_wait3A_70 = arith.constant 0 : i32
      %dma_wait3A_71 = tpu.memref_slice %arg8[%run_scoped3A_25, %dma_wait3A, %dma_wait3A_70] : memref<2x104x128xf32, #tpu.memory_space<vmem>> -> memref<1x104x128xf32, #tpu.memory_space<vmem>>
      %dma_wait3A_72 = tpu.memref_squeeze %dma_wait3A_71 : memref<1x104x128xf32, #tpu.memory_space<vmem>> -> memref<104x128xf32, #tpu.memory_space<vmem>>
      %dma_wait3A_73 = arith.constant 0 : i32
      %dma_wait3A_74 = tpu.memref_slice %arg9[%add3A_24, %dma_wait3A_73] : memref<10112x128xf32, #tpu.memory_space<vmem_shared>> -> memref<104x128xf32, #tpu.memory_space<vmem_shared>>
      %dma_wait3A_75 = arith.constant 0 : i32
      %dma_wait3A_76 = tpu.memref_slice %arg9[%add3A_24, %dma_wait3A_75] : memref<10112x128xf32, #tpu.memory_space<vmem_shared>> -> memref<104x128xf32, #tpu.memory_space<vmem_shared>>
      %dma_wait3A_77 = arith.constant 0 : i32
      %dma_wait3A_78 = arith.constant 0 : i32
      %dma_wait3A_79 = tpu.memref_slice %arg8[%run_scoped3A_25, %dma_wait3A_77, %dma_wait3A_78] : memref<2x104x128xf32, #tpu.memory_space<vmem>> -> memref<1x104x128xf32, #tpu.memory_space<vmem>>
      %dma_wait3A_80 = tpu.memref_squeeze %dma_wait3A_79 : memref<1x104x128xf32, #tpu.memory_space<vmem>> -> memref<104x128xf32, #tpu.memory_space<vmem>>
      tpu.wait_dma2 semaphore(%run_scoped3A_57 : memref<!tpu.dma_semaphore, #tpu.memory_space<semaphore_mem>>) src(%dma_wait3A_80 : memref<104x128xf32, #tpu.memory_space<vmem>>) dst(%dma_wait3A_76 : memref<104x128xf32, #tpu.memory_space<vmem_shared>>)
      tpu.yield
    }) : () -> ()
    %add3A_26 = arith.constant 624 : i32
    %add3A_27 = arith.addi %mul3A_8, %add3A_26 : i32
    %run_scoped3A_28 = arith.constant 0 : i32
    "tpu.region"() ({
      %run_scoped3A_57 = tpu.sem_alloc : memref<!tpu.dma_semaphore, #tpu.memory_space<semaphore_mem>>
      %dma_start3A_58 = arith.constant 0 : i32
      %dma_start3A_59 = arith.constant 0 : i32
      %dma_start3A_60 = tpu.memref_slice %arg8[%run_scoped3A_28, %dma_start3A_58, %dma_start3A_59] : memref<2x104x128xf32, #tpu.memory_space<vmem>> -> memref<1x104x128xf32, #tpu.memory_space<vmem>>
      %dma_start3A_61 = tpu.memref_squeeze %dma_start3A_60 : memref<1x104x128xf32, #tpu.memory_space<vmem>> -> memref<104x128xf32, #tpu.memory_space<vmem>>
      %dma_start3A_62 = arith.constant 0 : i32
      %dma_start3A_63 = arith.constant 0 : i32
      %dma_start3A_64 = tpu.memref_slice %dma_start3A_61[%dma_start3A_62, %dma_start3A_63] : memref<104x128xf32, #tpu.memory_space<vmem>> -> memref<8x128xf32, #tpu.memory_space<vmem>>
      %dma_start3A_65 = arith.constant 0 : i32
      %dma_start3A_66 = tpu.memref_slice %arg9[%add3A_27, %dma_start3A_65] : memref<10112x128xf32, #tpu.memory_space<vmem_shared>> -> memref<8x128xf32, #tpu.memory_space<vmem_shared>>
      %dma_start3A_67 = arith.constant 0 : i32
      %dma_start3A_68 = tpu.memref_slice %arg9[%add3A_27, %dma_start3A_67] : memref<10112x128xf32, #tpu.memory_space<vmem_shared>> -> memref<8x128xf32, #tpu.memory_space<vmem_shared>>
      %dma_start3A_69 = arith.constant 0 : i32
      %dma_start3A_70 = arith.constant 0 : i32
      %dma_start3A_71 = tpu.memref_slice %arg8[%run_scoped3A_28, %dma_start3A_69, %dma_start3A_70] : memref<2x104x128xf32, #tpu.memory_space<vmem>> -> memref<1x104x128xf32, #tpu.memory_space<vmem>>
      %dma_start3A_72 = tpu.memref_squeeze %dma_start3A_71 : memref<1x104x128xf32, #tpu.memory_space<vmem>> -> memref<104x128xf32, #tpu.memory_space<vmem>>
      %dma_start3A_73 = arith.constant 0 : i32
      %dma_start3A_74 = arith.constant 0 : i32
      %dma_start3A_75 = tpu.memref_slice %dma_start3A_72[%dma_start3A_73, %dma_start3A_74] : memref<104x128xf32, #tpu.memory_space<vmem>> -> memref<8x128xf32, #tpu.memory_space<vmem>>
      tpu.enqueue_dma source(%dma_start3A_75 : memref<8x128xf32, #tpu.memory_space<vmem>>) target(%dma_start3A_68 : memref<8x128xf32, #tpu.memory_space<vmem_shared>>) target_semaphore(%run_scoped3A_57 : memref<!tpu.dma_semaphore, #tpu.memory_space<semaphore_mem>>)
      %dma_wait3A = arith.constant 0 : i32
      %dma_wait3A_76 = arith.constant 0 : i32
      %dma_wait3A_77 = tpu.memref_slice %arg8[%run_scoped3A_28, %dma_wait3A, %dma_wait3A_76] : memref<2x104x128xf32, #tpu.memory_space<vmem>> -> memref<1x104x128xf32, #tpu.memory_space<vmem>>
      %dma_wait3A_78 = tpu.memref_squeeze %dma_wait3A_77 : memref<1x104x128xf32, #tpu.memory_space<vmem>> -> memref<104x128xf32, #tpu.memory_space<vmem>>
      %dma_wait3A_79 = arith.constant 0 : i32
      %dma_wait3A_80 = arith.constant 0 : i32
      %dma_wait3A_81 = tpu.memref_slice %dma_wait3A_78[%dma_wait3A_79, %dma_wait3A_80] : memref<104x128xf32, #tpu.memory_space<vmem>> -> memref<8x128xf32, #tpu.memory_space<vmem>>
      %dma_wait3A_82 = arith.constant 0 : i32
      %dma_wait3A_83 = tpu.memref_slice %arg9[%add3A_27, %dma_wait3A_82] : memref<10112x128xf32, #tpu.memory_space<vmem_shared>> -> memref<8x128xf32, #tpu.memory_space<vmem_shared>>
      %dma_wait3A_84 = arith.constant 0 : i32
      %dma_wait3A_85 = tpu.memref_slice %arg9[%add3A_27, %dma_wait3A_84] : memref<10112x128xf32, #tpu.memory_space<vmem_shared>> -> memref<8x128xf32, #tpu.memory_space<vmem_shared>>
      %dma_wait3A_86 = arith.constant 0 : i32
      %dma_wait3A_87 = arith.constant 0 : i32
      %dma_wait3A_88 = tpu.memref_slice %arg8[%run_scoped3A_28, %dma_wait3A_86, %dma_wait3A_87] : memref<2x104x128xf32, #tpu.memory_space<vmem>> -> memref<1x104x128xf32, #tpu.memory_space<vmem>>
      %dma_wait3A_89 = tpu.memref_squeeze %dma_wait3A_88 : memref<1x104x128xf32, #tpu.memory_space<vmem>> -> memref<104x128xf32, #tpu.memory_space<vmem>>
      %dma_wait3A_90 = arith.constant 0 : i32
      %dma_wait3A_91 = arith.constant 0 : i32
      %dma_wait3A_92 = tpu.memref_slice %dma_wait3A_89[%dma_wait3A_90, %dma_wait3A_91] : memref<104x128xf32, #tpu.memory_space<vmem>> -> memref<8x128xf32, #tpu.memory_space<vmem>>
      tpu.wait_dma2 semaphore(%run_scoped3A_57 : memref<!tpu.dma_semaphore, #tpu.memory_space<semaphore_mem>>) src(%dma_wait3A_92 : memref<8x128xf32, #tpu.memory_space<vmem>>) dst(%dma_wait3A_85 : memref<8x128xf32, #tpu.memory_space<vmem_shared>>)
      tpu.yield
    }) : () -> ()
    "tpu.region"() ({
      %run_scoped3A_57 = tpu.sem_alloc : memref<!tpu.dma_semaphore, #tpu.memory_space<semaphore_mem>>
      %dma_start3A_58 = arith.constant 0 : i32
      %dma_start3A_59 = tpu.memref_slice %arg3[%add3A, %dma_start3A_58] : memref<32x10192xi32, #tpu.memory_space<hbm>> -> memref<1x10192xi32, #tpu.memory_space<hbm>>
      %dma_start3A_60 = tpu.memref_squeeze %dma_start3A_59 : memref<1x10192xi32, #tpu.memory_space<hbm>> -> memref<10192xi32, #tpu.memory_space<hbm>>
      %dma_start3A_61 = arith.constant 0 : i32
      %dma_start3A_62 = tpu.memref_slice %arg3[%add3A, %dma_start3A_61] : memref<32x10192xi32, #tpu.memory_space<hbm>> -> memref<1x10192xi32, #tpu.memory_space<hbm>>
      %dma_start3A_63 = tpu.memref_squeeze %dma_start3A_62 : memref<1x10192xi32, #tpu.memory_space<hbm>> -> memref<10192xi32, #tpu.memory_space<hbm>>
      tpu.enqueue_dma source(%dma_start3A_63 : memref<10192xi32, #tpu.memory_space<hbm>>) target(%arg6 : memref<10192xi32, #tpu.memory_space<vmem>>) target_semaphore(%run_scoped3A_57 : memref<!tpu.dma_semaphore, #tpu.memory_space<semaphore_mem>>)
      %dma_wait3A = arith.constant 0 : i32
      %dma_wait3A_64 = tpu.memref_slice %arg3[%add3A, %dma_wait3A] : memref<32x10192xi32, #tpu.memory_space<hbm>> -> memref<1x10192xi32, #tpu.memory_space<hbm>>
      %dma_wait3A_65 = tpu.memref_squeeze %dma_wait3A_64 : memref<1x10192xi32, #tpu.memory_space<hbm>> -> memref<10192xi32, #tpu.memory_space<hbm>>
      %dma_wait3A_66 = arith.constant 0 : i32
      %dma_wait3A_67 = tpu.memref_slice %arg3[%add3A, %dma_wait3A_66] : memref<32x10192xi32, #tpu.memory_space<hbm>> -> memref<1x10192xi32, #tpu.memory_space<hbm>>
      %dma_wait3A_68 = tpu.memref_squeeze %dma_wait3A_67 : memref<1x10192xi32, #tpu.memory_space<hbm>> -> memref<10192xi32, #tpu.memory_space<hbm>>
      tpu.wait_dma2 semaphore(%run_scoped3A_57 : memref<!tpu.dma_semaphore, #tpu.memory_space<semaphore_mem>>) src(%dma_wait3A_68 : memref<10192xi32, #tpu.memory_space<hbm>>) dst(%arg6 : memref<10192xi32, #tpu.memory_space<vmem>>)
      tpu.yield
    }) : () -> ()
    "tpu.region"() ({
      %run_scoped3A_57 = tpu.sem_alloc : memref<!tpu.dma_semaphore, #tpu.memory_space<semaphore_mem>>
      %dma_start3A_58 = arith.constant 0 : i32
      %dma_start3A_59 = arith.constant 0 : i32
      %dma_start3A_60 = tpu.memref_slice %arg4[%add3A, %dma_start3A_58, %dma_start3A_59] : memref<32x98x104xi32, #tpu.memory_space<hbm>> -> memref<1x98x104xi32, #tpu.memory_space<hbm>>
      %dma_start3A_61 = tpu.memref_squeeze %dma_start3A_60 : memref<1x98x104xi32, #tpu.memory_space<hbm>> -> memref<98x104xi32, #tpu.memory_space<hbm>>
      %dma_start3A_62 = arith.constant 0 : i32
      %dma_start3A_63 = arith.constant 0 : i32
      %dma_start3A_64 = tpu.memref_slice %arg4[%add3A, %dma_start3A_62, %dma_start3A_63] : memref<32x98x104xi32, #tpu.memory_space<hbm>> -> memref<1x98x104xi32, #tpu.memory_space<hbm>>
      %dma_start3A_65 = tpu.memref_squeeze %dma_start3A_64 : memref<1x98x104xi32, #tpu.memory_space<hbm>> -> memref<98x104xi32, #tpu.memory_space<hbm>>
      tpu.enqueue_dma source(%dma_start3A_65 : memref<98x104xi32, #tpu.memory_space<hbm>>) target(%arg7 : memref<98x104xi32, #tpu.memory_space<vmem>>) target_semaphore(%run_scoped3A_57 : memref<!tpu.dma_semaphore, #tpu.memory_space<semaphore_mem>>)
      %dma_wait3A = arith.constant 0 : i32
      %dma_wait3A_66 = arith.constant 0 : i32
      %dma_wait3A_67 = tpu.memref_slice %arg4[%add3A, %dma_wait3A, %dma_wait3A_66] : memref<32x98x104xi32, #tpu.memory_space<hbm>> -> memref<1x98x104xi32, #tpu.memory_space<hbm>>
      %dma_wait3A_68 = tpu.memref_squeeze %dma_wait3A_67 : memref<1x98x104xi32, #tpu.memory_space<hbm>> -> memref<98x104xi32, #tpu.memory_space<hbm>>
      %dma_wait3A_69 = arith.constant 0 : i32
      %dma_wait3A_70 = arith.constant 0 : i32
      %dma_wait3A_71 = tpu.memref_slice %arg4[%add3A, %dma_wait3A_69, %dma_wait3A_70] : memref<32x98x104xi32, #tpu.memory_space<hbm>> -> memref<1x98x104xi32, #tpu.memory_space<hbm>>
      %dma_wait3A_72 = tpu.memref_squeeze %dma_wait3A_71 : memref<1x98x104xi32, #tpu.memory_space<hbm>> -> memref<98x104xi32, #tpu.memory_space<hbm>>
      tpu.wait_dma2 semaphore(%run_scoped3A_57 : memref<!tpu.dma_semaphore, #tpu.memory_space<semaphore_mem>>) src(%dma_wait3A_72 : memref<98x104xi32, #tpu.memory_space<hbm>>) dst(%arg7 : memref<98x104xi32, #tpu.memory_space<vmem>>)
      tpu.yield
    }) : () -> ()
    %barrier3A = arith.constant 0 : index
    tpu.barrier barrier_id(%barrier3A)
    %dma_start3A = arith.constant 0 : i32
    %dma_start3A_29 = arith.constant 0 : i32
    %dma_start3A_30 = arith.constant 0 : i32
    %dma_start3A_31 = tpu.memref_slice %arg8[%dma_start3A, %dma_start3A_29, %dma_start3A_30] : memref<2x104x128xf32, #tpu.memory_space<vmem>> -> memref<1x104x128xf32, #tpu.memory_space<vmem>>
    %dma_start3A_32 = tpu.memref_squeeze %dma_start3A_31 : memref<1x104x128xf32, #tpu.memory_space<vmem>> -> memref<104x128xf32, #tpu.memory_space<vmem>>
    %dma_start3A_33 = arith.constant 0 : i32
    %dma_start3A_34 = tpu.memref_slice %arg6[%dma_start3A_33] : memref<10192xi32, #tpu.memory_space<vmem>> -> memref<104xi32, #tpu.memory_space<vmem>>
    %dma_start3A_35 = arith.constant 0 : i32
    %dma_start3A_36 = arith.constant 0 : i32
    %dma_start3A_37 = tpu.memref_slice %arg2[%dma_start3A_35, %dma_start3A_36] : memref<80000x128xf32, #tpu.memory_space<hbm>> -> memref<80000x128xf32, #tpu.memory_space<hbm>>
    tpu.enqueue_indirect_dma source(%dma_start3A_37 : memref<80000x128xf32, #tpu.memory_space<hbm>>) target(%dma_start3A_32 : memref<104x128xf32, #tpu.memory_space<vmem>>) offsets(%dma_start3A_34 : memref<104xi32, #tpu.memory_space<vmem>>) semaphore(%arg10 : memref<!tpu.dma_semaphore, #tpu.memory_space<semaphore_mem>>)
    %dma_start3A_38 = arith.constant 1 : i32
    %dma_start3A_39 = arith.constant 0 : i32
    %dma_start3A_40 = arith.constant 0 : i32
    %dma_start3A_41 = tpu.memref_slice %arg8[%dma_start3A_38, %dma_start3A_39, %dma_start3A_40] : memref<2x104x128xf32, #tpu.memory_space<vmem>> -> memref<1x104x128xf32, #tpu.memory_space<vmem>>
    %dma_start3A_42 = tpu.memref_squeeze %dma_start3A_41 : memref<1x104x128xf32, #tpu.memory_space<vmem>> -> memref<104x128xf32, #tpu.memory_space<vmem>>
    %dma_start3A_43 = arith.constant 104 : i32
    %dma_start3A_44 = tpu.memref_slice %arg6[%dma_start3A_43] : memref<10192xi32, #tpu.memory_space<vmem>> -> memref<104xi32, #tpu.memory_space<vmem>>
    %dma_start3A_45 = arith.constant 0 : i32
    %dma_start3A_46 = arith.constant 0 : i32
    %dma_start3A_47 = tpu.memref_slice %arg2[%dma_start3A_45, %dma_start3A_46] : memref<80000x128xf32, #tpu.memory_space<hbm>> -> memref<80000x128xf32, #tpu.memory_space<hbm>>
    tpu.enqueue_indirect_dma source(%dma_start3A_47 : memref<80000x128xf32, #tpu.memory_space<hbm>>) target(%dma_start3A_42 : memref<104x128xf32, #tpu.memory_space<vmem>>) offsets(%dma_start3A_44 : memref<104xi32, #tpu.memory_space<vmem>>) semaphore(%arg11 : memref<!tpu.dma_semaphore, #tpu.memory_space<semaphore_mem>>)
    %scan3A_48 = arith.constant 0 : i32
    %scan3A_49 = arith.constant 0 : i32
    %scan3A_50 = arith.constant 49 : i32
    %scan3A_51 = arith.addi %scan3A_49, %scan3A_50 : i32
    %scan3A_52 = arith.constant 1 : i32
    scf.for %scan3A_57 = %scan3A_49 to %scan3A_51 step %scan3A_52  : i32 {
      %mul3A_58 = arith.constant 2 : i32
      %mul3A_59 = arith.muli %mul3A_58, %scan3A_57 : i32
      %mul3A_60 = arith.constant 104 : i32
      %mul3A_61 = arith.muli %mul3A_59, %mul3A_60 : i32
      %dma_wait3A = arith.constant 0 : i32
      %dma_wait3A_62 = arith.constant 0 : i32
      %dma_wait3A_63 = arith.constant 0 : i32
      %dma_wait3A_64 = tpu.memref_slice %arg8[%dma_wait3A, %dma_wait3A_62, %dma_wait3A_63] : memref<2x104x128xf32, #tpu.memory_space<vmem>> -> memref<1x104x128xf32, #tpu.memory_space<vmem>>
      %dma_wait3A_65 = tpu.memref_squeeze %dma_wait3A_64 : memref<1x104x128xf32, #tpu.memory_space<vmem>> -> memref<104x128xf32, #tpu.memory_space<vmem>>
      %dma_wait3A_66 = tpu.memref_slice %arg6[%mul3A_61] : memref<10192xi32, #tpu.memory_space<vmem>> -> memref<104xi32, #tpu.memory_space<vmem>>
      %dma_wait3A_67 = arith.constant 0 : i32
      %dma_wait3A_68 = arith.constant 0 : i32
      %dma_wait3A_69 = tpu.memref_slice %arg2[%dma_wait3A_67, %dma_wait3A_68] : memref<80000x128xf32, #tpu.memory_space<hbm>> -> memref<80000x128xf32, #tpu.memory_space<hbm>>
      tpu.wait_indirect_dma semaphore(%arg10 : memref<!tpu.dma_semaphore, #tpu.memory_space<semaphore_mem>>) src(%dma_wait3A_69 : memref<80000x128xf32, #tpu.memory_space<hbm>>) dst(%dma_wait3A_65 : memref<104x128xf32, #tpu.memory_space<vmem>>)
      %run_scoped3A_70 = arith.constant 0 : i32
      "tpu.region"() ({
        %run_scoped3A_98 = tpu.sem_alloc : memref<!tpu.dma_semaphore, #tpu.memory_space<semaphore_mem>>
        %dma_start3A_99 = arith.constant 0 : i32
        %dma_start3A_100 = arith.constant 0 : i32
        %dma_start3A_101 = tpu.memref_slice %arg8[%run_scoped3A_70, %dma_start3A_99, %dma_start3A_100] : memref<2x104x128xf32, #tpu.memory_space<vmem>> -> memref<1x104x128xf32, #tpu.memory_space<vmem>>
        %dma_start3A_102 = tpu.memref_squeeze %dma_start3A_101 : memref<1x104x128xf32, #tpu.memory_space<vmem>> -> memref<104x128xf32, #tpu.memory_space<vmem>>
        %dma_start3A_103 = arith.constant 0 : i32
        %dma_start3A_104 = tpu.memref_slice %arg7[%mul3A_59, %dma_start3A_103] : memref<98x104xi32, #tpu.memory_space<vmem>> -> memref<1x104xi32, #tpu.memory_space<vmem>>
        %dma_start3A_105 = tpu.memref_squeeze %dma_start3A_104 : memref<1x104xi32, #tpu.memory_space<vmem>> -> memref<104xi32, #tpu.memory_space<vmem>>
        %dma_start3A_106 = arith.constant 0 : i32
        %dma_start3A_107 = arith.constant 0 : i32
        %dma_start3A_108 = tpu.memref_slice %arg9[%dma_start3A_106, %dma_start3A_107] : memref<10112x128xf32, #tpu.memory_space<vmem_shared>> -> memref<10112x128xf32, #tpu.memory_space<vmem_shared>>
        tpu.enqueue_indirect_dma source(%dma_start3A_102 : memref<104x128xf32, #tpu.memory_space<vmem>>) target(%dma_start3A_108 : memref<10112x128xf32, #tpu.memory_space<vmem_shared>>) offsets(%dma_start3A_105 : memref<104xi32, #tpu.memory_space<vmem>>) semaphore(%run_scoped3A_98 : memref<!tpu.dma_semaphore, #tpu.memory_space<semaphore_mem>>) {add = true}
        %dma_wait3A_109 = arith.constant 0 : i32
        %dma_wait3A_110 = arith.constant 0 : i32
        %dma_wait3A_111 = tpu.memref_slice %arg8[%run_scoped3A_70, %dma_wait3A_109, %dma_wait3A_110] : memref<2x104x128xf32, #tpu.memory_space<vmem>> -> memref<1x104x128xf32, #tpu.memory_space<vmem>>
        %dma_wait3A_112 = tpu.memref_squeeze %dma_wait3A_111 : memref<1x104x128xf32, #tpu.memory_space<vmem>> -> memref<104x128xf32, #tpu.memory_space<vmem>>
        %dma_wait3A_113 = arith.constant 0 : i32
        %dma_wait3A_114 = tpu.memref_slice %arg7[%mul3A_59, %dma_wait3A_113] : memref<98x104xi32, #tpu.memory_space<vmem>> -> memref<1x104xi32, #tpu.memory_space<vmem>>
        %dma_wait3A_115 = tpu.memref_squeeze %dma_wait3A_114 : memref<1x104xi32, #tpu.memory_space<vmem>> -> memref<104xi32, #tpu.memory_space<vmem>>
        %dma_wait3A_116 = arith.constant 0 : i32
        %dma_wait3A_117 = arith.constant 0 : i32
        %dma_wait3A_118 = tpu.memref_slice %arg9[%dma_wait3A_116, %dma_wait3A_117] : memref<10112x128xf32, #tpu.memory_space<vmem_shared>> -> memref<10112x128xf32, #tpu.memory_space<vmem_shared>>
        tpu.wait_indirect_dma semaphore(%run_scoped3A_98 : memref<!tpu.dma_semaphore, #tpu.memory_space<semaphore_mem>>) src(%dma_wait3A_112 : memref<104x128xf32, #tpu.memory_space<vmem>>) dst(%dma_wait3A_118 : memref<10112x128xf32, #tpu.memory_space<vmem_shared>>)
        tpu.yield
      }) : () -> ()
      %add3A_71 = arith.constant 2 : i32
      %add3A_72 = arith.addi %mul3A_59, %add3A_71 : i32
      %lt3A = arith.constant 98 : i32
      %lt3A_73 = arith.cmpi slt, %add3A_72, %lt3A : i32
      %convert_element_type3A = arith.extui %lt3A_73 : i1 to i32
      %cond3A = arith.constant 0 : i32
      %cond3A_74 = arith.cmpi ne, %convert_element_type3A, %cond3A : i32
      scf.if %cond3A_74 {
        %add3A_98 = arith.constant 2 : i32
        %add3A_99 = arith.addi %mul3A_59, %add3A_98 : i32
        %mul3A_100 = arith.constant 104 : i32
        %mul3A_101 = arith.muli %add3A_99, %mul3A_100 : i32
        %dma_start3A_102 = arith.constant 0 : i32
        %dma_start3A_103 = arith.constant 0 : i32
        %dma_start3A_104 = arith.constant 0 : i32
        %dma_start3A_105 = tpu.memref_slice %arg8[%dma_start3A_102, %dma_start3A_103, %dma_start3A_104] : memref<2x104x128xf32, #tpu.memory_space<vmem>> -> memref<1x104x128xf32, #tpu.memory_space<vmem>>
        %dma_start3A_106 = tpu.memref_squeeze %dma_start3A_105 : memref<1x104x128xf32, #tpu.memory_space<vmem>> -> memref<104x128xf32, #tpu.memory_space<vmem>>
        %dma_start3A_107 = tpu.memref_slice %arg6[%mul3A_101] : memref<10192xi32, #tpu.memory_space<vmem>> -> memref<104xi32, #tpu.memory_space<vmem>>
        %dma_start3A_108 = arith.constant 0 : i32
        %dma_start3A_109 = arith.constant 0 : i32
        %dma_start3A_110 = tpu.memref_slice %arg2[%dma_start3A_108, %dma_start3A_109] : memref<80000x128xf32, #tpu.memory_space<hbm>> -> memref<80000x128xf32, #tpu.memory_space<hbm>>
        tpu.enqueue_indirect_dma source(%dma_start3A_110 : memref<80000x128xf32, #tpu.memory_space<hbm>>) target(%dma_start3A_106 : memref<104x128xf32, #tpu.memory_space<vmem>>) offsets(%dma_start3A_107 : memref<104xi32, #tpu.memory_space<vmem>>) semaphore(%arg10 : memref<!tpu.dma_semaphore, #tpu.memory_space<semaphore_mem>>)
      } else {
      }
      %add3A_75 = arith.constant 1 : i32
      %add3A_76 = arith.addi %mul3A_59, %add3A_75 : i32
      %mul3A_77 = arith.constant 104 : i32
      %mul3A_78 = arith.muli %add3A_76, %mul3A_77 : i32
      %dma_wait3A_79 = arith.constant 1 : i32
      %dma_wait3A_80 = arith.constant 0 : i32
      %dma_wait3A_81 = arith.constant 0 : i32
      %dma_wait3A_82 = tpu.memref_slice %arg8[%dma_wait3A_79, %dma_wait3A_80, %dma_wait3A_81] : memref<2x104x128xf32, #tpu.memory_space<vmem>> -> memref<1x104x128xf32, #tpu.memory_space<vmem>>
      %dma_wait3A_83 = tpu.memref_squeeze %dma_wait3A_82 : memref<1x104x128xf32, #tpu.memory_space<vmem>> -> memref<104x128xf32, #tpu.memory_space<vmem>>
      %dma_wait3A_84 = tpu.memref_slice %arg6[%mul3A_78] : memref<10192xi32, #tpu.memory_space<vmem>> -> memref<104xi32, #tpu.memory_space<vmem>>
      %dma_wait3A_85 = arith.constant 0 : i32
      %dma_wait3A_86 = arith.constant 0 : i32
      %dma_wait3A_87 = tpu.memref_slice %arg2[%dma_wait3A_85, %dma_wait3A_86] : memref<80000x128xf32, #tpu.memory_space<hbm>> -> memref<80000x128xf32, #tpu.memory_space<hbm>>
      tpu.wait_indirect_dma semaphore(%arg11 : memref<!tpu.dma_semaphore, #tpu.memory_space<semaphore_mem>>) src(%dma_wait3A_87 : memref<80000x128xf32, #tpu.memory_space<hbm>>) dst(%dma_wait3A_83 : memref<104x128xf32, #tpu.memory_space<vmem>>)
      %add3A_88 = arith.constant 1 : i32
      %add3A_89 = arith.addi %mul3A_59, %add3A_88 : i32
      %run_scoped3A_90 = arith.constant 1 : i32
      "tpu.region"() ({
        %run_scoped3A_98 = tpu.sem_alloc : memref<!tpu.dma_semaphore, #tpu.memory_space<semaphore_mem>>
        %dma_start3A_99 = arith.constant 0 : i32
        %dma_start3A_100 = arith.constant 0 : i32
        %dma_start3A_101 = tpu.memref_slice %arg8[%run_scoped3A_90, %dma_start3A_99, %dma_start3A_100] : memref<2x104x128xf32, #tpu.memory_space<vmem>> -> memref<1x104x128xf32, #tpu.memory_space<vmem>>
        %dma_start3A_102 = tpu.memref_squeeze %dma_start3A_101 : memref<1x104x128xf32, #tpu.memory_space<vmem>> -> memref<104x128xf32, #tpu.memory_space<vmem>>
        %dma_start3A_103 = arith.constant 0 : i32
        %dma_start3A_104 = tpu.memref_slice %arg7[%add3A_89, %dma_start3A_103] : memref<98x104xi32, #tpu.memory_space<vmem>> -> memref<1x104xi32, #tpu.memory_space<vmem>>
        %dma_start3A_105 = tpu.memref_squeeze %dma_start3A_104 : memref<1x104xi32, #tpu.memory_space<vmem>> -> memref<104xi32, #tpu.memory_space<vmem>>
        %dma_start3A_106 = arith.constant 0 : i32
        %dma_start3A_107 = arith.constant 0 : i32
        %dma_start3A_108 = tpu.memref_slice %arg9[%dma_start3A_106, %dma_start3A_107] : memref<10112x128xf32, #tpu.memory_space<vmem_shared>> -> memref<10112x128xf32, #tpu.memory_space<vmem_shared>>
        tpu.enqueue_indirect_dma source(%dma_start3A_102 : memref<104x128xf32, #tpu.memory_space<vmem>>) target(%dma_start3A_108 : memref<10112x128xf32, #tpu.memory_space<vmem_shared>>) offsets(%dma_start3A_105 : memref<104xi32, #tpu.memory_space<vmem>>) semaphore(%run_scoped3A_98 : memref<!tpu.dma_semaphore, #tpu.memory_space<semaphore_mem>>) {add = true}
        %dma_wait3A_109 = arith.constant 0 : i32
        %dma_wait3A_110 = arith.constant 0 : i32
        %dma_wait3A_111 = tpu.memref_slice %arg8[%run_scoped3A_90, %dma_wait3A_109, %dma_wait3A_110] : memref<2x104x128xf32, #tpu.memory_space<vmem>> -> memref<1x104x128xf32, #tpu.memory_space<vmem>>
        %dma_wait3A_112 = tpu.memref_squeeze %dma_wait3A_111 : memref<1x104x128xf32, #tpu.memory_space<vmem>> -> memref<104x128xf32, #tpu.memory_space<vmem>>
        %dma_wait3A_113 = arith.constant 0 : i32
        %dma_wait3A_114 = tpu.memref_slice %arg7[%add3A_89, %dma_wait3A_113] : memref<98x104xi32, #tpu.memory_space<vmem>> -> memref<1x104xi32, #tpu.memory_space<vmem>>
        %dma_wait3A_115 = tpu.memref_squeeze %dma_wait3A_114 : memref<1x104xi32, #tpu.memory_space<vmem>> -> memref<104xi32, #tpu.memory_space<vmem>>
        %dma_wait3A_116 = arith.constant 0 : i32
        %dma_wait3A_117 = arith.constant 0 : i32
        %dma_wait3A_118 = tpu.memref_slice %arg9[%dma_wait3A_116, %dma_wait3A_117] : memref<10112x128xf32, #tpu.memory_space<vmem_shared>> -> memref<10112x128xf32, #tpu.memory_space<vmem_shared>>
        tpu.wait_indirect_dma semaphore(%run_scoped3A_98 : memref<!tpu.dma_semaphore, #tpu.memory_space<semaphore_mem>>) src(%dma_wait3A_112 : memref<104x128xf32, #tpu.memory_space<vmem>>) dst(%dma_wait3A_118 : memref<10112x128xf32, #tpu.memory_space<vmem_shared>>)
        tpu.yield
      }) : () -> ()
      %add3A_91 = arith.constant 3 : i32
      %add3A_92 = arith.addi %mul3A_59, %add3A_91 : i32
      %lt3A_93 = arith.constant 98 : i32
      %lt3A_94 = arith.cmpi slt, %add3A_92, %lt3A_93 : i32
      %convert_element_type3A_95 = arith.extui %lt3A_94 : i1 to i32
      %cond3A_96 = arith.constant 0 : i32
      %cond3A_97 = arith.cmpi ne, %convert_element_type3A_95, %cond3A_96 : i32
      scf.if %cond3A_97 {
        %add3A_98 = arith.constant 3 : i32
        %add3A_99 = arith.addi %mul3A_59, %add3A_98 : i32
        %mul3A_100 = arith.constant 104 : i32
        %mul3A_101 = arith.muli %add3A_99, %mul3A_100 : i32
        %dma_start3A_102 = arith.constant 1 : i32
        %dma_start3A_103 = arith.constant 0 : i32
        %dma_start3A_104 = arith.constant 0 : i32
        %dma_start3A_105 = tpu.memref_slice %arg8[%dma_start3A_102, %dma_start3A_103, %dma_start3A_104] : memref<2x104x128xf32, #tpu.memory_space<vmem>> -> memref<1x104x128xf32, #tpu.memory_space<vmem>>
        %dma_start3A_106 = tpu.memref_squeeze %dma_start3A_105 : memref<1x104x128xf32, #tpu.memory_space<vmem>> -> memref<104x128xf32, #tpu.memory_space<vmem>>
        %dma_start3A_107 = tpu.memref_slice %arg6[%mul3A_101] : memref<10192xi32, #tpu.memory_space<vmem>> -> memref<104xi32, #tpu.memory_space<vmem>>
        %dma_start3A_108 = arith.constant 0 : i32
        %dma_start3A_109 = arith.constant 0 : i32
        %dma_start3A_110 = tpu.memref_slice %arg2[%dma_start3A_108, %dma_start3A_109] : memref<80000x128xf32, #tpu.memory_space<hbm>> -> memref<80000x128xf32, #tpu.memory_space<hbm>>
        tpu.enqueue_indirect_dma source(%dma_start3A_110 : memref<80000x128xf32, #tpu.memory_space<hbm>>) target(%dma_start3A_106 : memref<104x128xf32, #tpu.memory_space<vmem>>) offsets(%dma_start3A_107 : memref<104xi32, #tpu.memory_space<vmem>>) semaphore(%arg11 : memref<!tpu.dma_semaphore, #tpu.memory_space<semaphore_mem>>)
      } else {
      }
    }
    %scan3A_53 = arith.constant 49 : i32
    %barrier3A_54 = arith.constant 0 : index
    tpu.barrier barrier_id(%barrier3A_54)
    %mul3A_55 = arith.constant 632 : i32
    %mul3A_56 = arith.muli %arg1, %mul3A_55 : i32
    "tpu.region"() ({
      %run_scoped3A_57 = tpu.sem_alloc : memref<!tpu.dma_semaphore, #tpu.memory_space<semaphore_mem>>
      %dma_start3A_58 = arith.constant 0 : i32
      %dma_start3A_59 = tpu.memref_slice %arg5[%arg0, %mul3A_56, %dma_start3A_58] : memref<2x10112x128xf32, #tpu.memory_space<hbm>> -> memref<1x632x128xf32, #tpu.memory_space<hbm>>
      %dma_start3A_60 = tpu.memref_squeeze %dma_start3A_59 : memref<1x632x128xf32, #tpu.memory_space<hbm>> -> memref<632x128xf32, #tpu.memory_space<hbm>>
      %dma_start3A_61 = arith.constant 0 : i32
      %dma_start3A_62 = tpu.memref_slice %arg9[%mul3A_56, %dma_start3A_61] : memref<10112x128xf32, #tpu.memory_space<vmem_shared>> -> memref<632x128xf32, #tpu.memory_space<vmem_shared>>
      tpu.enqueue_dma source(%dma_start3A_62 : memref<632x128xf32, #tpu.memory_space<vmem_shared>>) target(%dma_start3A_60 : memref<632x128xf32, #tpu.memory_space<hbm>>) target_semaphore(%run_scoped3A_57 : memref<!tpu.dma_semaphore, #tpu.memory_space<semaphore_mem>>)
      %dma_wait3A = arith.constant 0 : i32
      %dma_wait3A_63 = tpu.memref_slice %arg5[%arg0, %mul3A_56, %dma_wait3A] : memref<2x10112x128xf32, #tpu.memory_space<hbm>> -> memref<1x632x128xf32, #tpu.memory_space<hbm>>
      %dma_wait3A_64 = tpu.memref_squeeze %dma_wait3A_63 : memref<1x632x128xf32, #tpu.memory_space<hbm>> -> memref<632x128xf32, #tpu.memory_space<hbm>>
      %dma_wait3A_65 = arith.constant 0 : i32
      %dma_wait3A_66 = tpu.memref_slice %arg9[%mul3A_56, %dma_wait3A_65] : memref<10112x128xf32, #tpu.memory_space<vmem_shared>> -> memref<632x128xf32, #tpu.memory_space<vmem_shared>>
      tpu.wait_dma2 semaphore(%run_scoped3A_57 : memref<!tpu.dma_semaphore, #tpu.memory_space<semaphore_mem>>) src(%dma_wait3A_66 : memref<632x128xf32, #tpu.memory_space<vmem_shared>>) dst(%dma_wait3A_64 : memref<632x128xf32, #tpu.memory_space<hbm>>)
      tpu.yield
    }) : () -> ()
    return
  }
}

#map = affine_map<(d0, d1) -> (0, 0)>
#map1 = affine_map<(d0, d1) -> (0, 0, 0)>
module attributes {stable_mosaic.version = 14 : i64} {
  func.func @_segsum_body(%arg0: i32, %arg1: i32, %arg2: memref<80000x128xf32, #tpu.memory_space<hbm>>, %arg3: memref<32x10192xi32, #tpu.memory_space<hbm>>, %arg4: memref<32x98x104xi32, #tpu.memory_space<hbm>>, %arg5: memref<2x10112x128xf32, #tpu.memory_space<hbm>>, %arg6: memref<10192xi32, #tpu.memory_space<vmem>>, %arg7: memref<98x104xi32, #tpu.memory_space<vmem>>, %arg8: memref<2x104x128xf32, #tpu.memory_space<vmem>>, %arg9: memref<10112x128xf32, #tpu.memory_space<vmem_shared>>, %arg10: memref<!tpu.dma_semaphore, #tpu.memory_space<semaphore_mem>>, %arg11: memref<!tpu.dma_semaphore, #tpu.memory_space<semaphore_mem>>) attributes {dimension_semantics = [#tpu.dimension_semantics<core_parallel>, #tpu.dimension_semantics<subcore_parallel>], iteration_bounds = array<i64: 2, 16>, scalar_prefetch = 0 : i64, scratch_operands = 6 : i64, tpu.core_type = #tpu.core_type<sc_vector_subcore>, window_params = [{transform_indices = #map}, {transform_indices = #map}, {transform_indices = #map1}, {transform_indices = #map1}]} {
    %mul3A = arith.constant 16 : i32
    %mul3A_0 = arith.muli %arg0, %mul3A : i32
    %add3A = arith.addi %mul3A_0, %arg1 : i32
    %broadcast_in_dim3A = arith.constant 0.000000e+00 : f32
    %broadcast_in_dim3A_1 = vector.broadcast %broadcast_in_dim3A : f32 to vector<16xf32>
    %scan3A = arith.constant 0 : i32
    %scan3A_2 = arith.constant 0 : i32
    %scan3A_3 = arith.constant 104 : i32
    %scan3A_4 = arith.addi %scan3A_2, %scan3A_3 : i32
    %scan3A_5 = arith.constant 1 : i32
    scf.for %scan3A_57 = %scan3A_2 to %scan3A_4 step %scan3A_5  : i32 {
      %swap3A = arith.constant 0 : i32
      %swap3A_58 = arith.index_cast %swap3A : i32 to index
      %swap3A_59 = arith.index_cast %scan3A_57 : i32 to index
      %swap3A_60 = arith.constant 0 : index
      %swap3A_61 = tpu.vector_load %arg8[%swap3A_58, %swap3A_59, %swap3A_60] {strides = array<i32>} : memref<2x104x128xf32, #tpu.memory_space<vmem>>, vector<1x1x16xf32>,
      %swap3A_62 = vector.shape_cast %swap3A_61 : vector<1x1x16xf32> to vector<16xf32>
      %swap3A_63 = vector.shape_cast %broadcast_in_dim3A_1 : vector<16xf32> to vector<1x1x16xf32>
      tpu.vector_store %arg8[%swap3A_58, %swap3A_59, %swap3A_60], %swap3A_63 {strides = array<i32>} : memref<2x104x128xf32, #tpu.memory_space<vmem>>, vector<1x1x16xf32>,
      %swap3A_64 = arith.constant 0 : i32
      %swap3A_65 = arith.index_cast %swap3A_64 : i32 to index
      %swap3A_66 = arith.index_cast %scan3A_57 : i32 to index
      %swap3A_67 = arith.constant 16 : index
      %swap3A_68 = tpu.vector_load %arg8[%swap3A_65, %swap3A_66, %swap3A_67] {strides = array<i32>} : memref<2x104x128xf32, #tpu.memory_space<vmem>>, vector<1x1x16xf32>,
      %swap3A_69 = vector.shape_cast %swap3A_68 : vector<1x1x16xf32> to vector<16xf32>
      %swap3A_70 = vector.shape_cast %broadcast_in_dim3A_1 : vector<16xf32> to vector<1x1x16xf32>
      tpu.vector_store %arg8[%swap3A_65, %swap3A_66, %swap3A_67], %swap3A_70 {strides = array<i32>} : memref<2x104x128xf32, #tpu.memory_space<vmem>>, vector<1x1x16xf32>,
      %swap3A_71 = arith.constant 0 : i32
      %swap3A_72 = arith.index_cast %swap3A_71 : i32 to index
      %swap3A_73 = arith.index_cast %scan3A_57 : i32 to index
      %swap3A_74 = arith.constant 32 : index
      %swap3A_75 = tpu.vector_load %arg8[%swap3A_72, %swap3A_73, %swap3A_74] {strides = array<i32>} : memref<2x104x128xf32, #tpu.memory_space<vmem>>, vector<1x1x16xf32>,
      %swap3A_76 = vector.shape_cast %swap3A_75 : vector<1x1x16xf32> to vector<16xf32>
      %swap3A_77 = vector.shape_cast %broadcast_in_dim3A_1 : vector<16xf32> to vector<1x1x16xf32>
      tpu.vector_store %arg8[%swap3A_72, %swap3A_73, %swap3A_74], %swap3A_77 {strides = array<i32>} : memref<2x104x128xf32, #tpu.memory_space<vmem>>, vector<1x1x16xf32>,
      %swap3A_78 = arith.constant 0 : i32
      %swap3A_79 = arith.index_cast %swap3A_78 : i32 to index
      %swap3A_80 = arith.index_cast %scan3A_57 : i32 to index
      %swap3A_81 = arith.constant 48 : index
      %swap3A_82 = tpu.vector_load %arg8[%swap3A_79, %swap3A_80, %swap3A_81] {strides = array<i32>} : memref<2x104x128xf32, #tpu.memory_space<vmem>>, vector<1x1x16xf32>,
      %swap3A_83 = vector.shape_cast %swap3A_82 : vector<1x1x16xf32> to vector<16xf32>
      %swap3A_84 = vector.shape_cast %broadcast_in_dim3A_1 : vector<16xf32> to vector<1x1x16xf32>
      tpu.vector_store %arg8[%swap3A_79, %swap3A_80, %swap3A_81], %swap3A_84 {strides = array<i32>} : memref<2x104x128xf32, #tpu.memory_space<vmem>>, vector<1x1x16xf32>,
      %swap3A_85 = arith.constant 0 : i32
      %swap3A_86 = arith.index_cast %swap3A_85 : i32 to index
      %swap3A_87 = arith.index_cast %scan3A_57 : i32 to index
      %swap3A_88 = arith.constant 64 : index
      %swap3A_89 = tpu.vector_load %arg8[%swap3A_86, %swap3A_87, %swap3A_88] {strides = array<i32>} : memref<2x104x128xf32, #tpu.memory_space<vmem>>, vector<1x1x16xf32>,
      %swap3A_90 = vector.shape_cast %swap3A_89 : vector<1x1x16xf32> to vector<16xf32>
      %swap3A_91 = vector.shape_cast %broadcast_in_dim3A_1 : vector<16xf32> to vector<1x1x16xf32>
      tpu.vector_store %arg8[%swap3A_86, %swap3A_87, %swap3A_88], %swap3A_91 {strides = array<i32>} : memref<2x104x128xf32, #tpu.memory_space<vmem>>, vector<1x1x16xf32>,
      %swap3A_92 = arith.constant 0 : i32
      %swap3A_93 = arith.index_cast %swap3A_92 : i32 to index
      %swap3A_94 = arith.index_cast %scan3A_57 : i32 to index
      %swap3A_95 = arith.constant 80 : index
      %swap3A_96 = tpu.vector_load %arg8[%swap3A_93, %swap3A_94, %swap3A_95] {strides = array<i32>} : memref<2x104x128xf32, #tpu.memory_space<vmem>>, vector<1x1x16xf32>,
      %swap3A_97 = vector.shape_cast %swap3A_96 : vector<1x1x16xf32> to vector<16xf32>
      %swap3A_98 = vector.shape_cast %broadcast_in_dim3A_1 : vector<16xf32> to vector<1x1x16xf32>
      tpu.vector_store %arg8[%swap3A_93, %swap3A_94, %swap3A_95], %swap3A_98 {strides = array<i32>} : memref<2x104x128xf32, #tpu.memory_space<vmem>>, vector<1x1x16xf32>,
      %swap3A_99 = arith.constant 0 : i32
      %swap3A_100 = arith.index_cast %swap3A_99 : i32 to index
      %swap3A_101 = arith.index_cast %scan3A_57 : i32 to index
      %swap3A_102 = arith.constant 96 : index
      %swap3A_103 = tpu.vector_load %arg8[%swap3A_100, %swap3A_101, %swap3A_102] {strides = array<i32>} : memref<2x104x128xf32, #tpu.memory_space<vmem>>, vector<1x1x16xf32>,
      %swap3A_104 = vector.shape_cast %swap3A_103 : vector<1x1x16xf32> to vector<16xf32>
      %swap3A_105 = vector.shape_cast %broadcast_in_dim3A_1 : vector<16xf32> to vector<1x1x16xf32>
      tpu.vector_store %arg8[%swap3A_100, %swap3A_101, %swap3A_102], %swap3A_105 {strides = array<i32>} : memref<2x104x128xf32, #tpu.memory_space<vmem>>, vector<1x1x16xf32>,
      %swap3A_106 = arith.constant 0 : i32
      %swap3A_107 = arith.index_cast %swap3A_106 : i32 to index
      %swap3A_108 = arith.index_cast %scan3A_57 : i32 to index
      %swap3A_109 = arith.constant 112 : index
      %swap3A_110 = tpu.vector_load %arg8[%swap3A_107, %swap3A_108, %swap3A_109] {strides = array<i32>} : memref<2x104x128xf32, #tpu.memory_space<vmem>>, vector<1x1x16xf32>,
      %swap3A_111 = vector.shape_cast %swap3A_110 : vector<1x1x16xf32> to vector<16xf32>
      %swap3A_112 = vector.shape_cast %broadcast_in_dim3A_1 : vector<16xf32> to vector<1x1x16xf32>
      tpu.vector_store %arg8[%swap3A_107, %swap3A_108, %swap3A_109], %swap3A_112 {strides = array<i32>} : memref<2x104x128xf32, #tpu.memory_space<vmem>>, vector<1x1x16xf32>,
    }
    %scan3A_6 = arith.constant 104 : i32
    %mul3A_7 = arith.constant 632 : i32
    %mul3A_8 = arith.muli %arg1, %mul3A_7 : i32
    %add3A_9 = arith.constant 0 : i32
    %add3A_10 = arith.addi %mul3A_8, %add3A_9 : i32
    %run_scoped3A = arith.constant 0 : i32
    "tpu.region"() ({
      %run_scoped3A_57 = tpu.sem_alloc : memref<!tpu.dma_semaphore, #tpu.memory_space<semaphore_mem>>
      %dma_start3A_58 = arith.constant 0 : i32
      %dma_start3A_59 = arith.constant 0 : i32
      %dma_start3A_60 = tpu.memref_slice %arg8[%run_scoped3A, %dma_start3A_58, %dma_start3A_59] : memref<2x104x128xf32, #tpu.memory_space<vmem>> -> memref<1x104x128xf32, #tpu.memory_space<vmem>>
      %dma_start3A_61 = tpu.memref_squeeze %dma_start3A_60 : memref<1x104x128xf32, #tpu.memory_space<vmem>> -> memref<104x128xf32, #tpu.memory_space<vmem>>
      %dma_start3A_62 = arith.constant 0 : i32
      %dma_start3A_63 = tpu.memref_slice %arg9[%add3A_10, %dma_start3A_62] : memref<10112x128xf32, #tpu.memory_space<vmem_shared>> -> memref<104x128xf32, #tpu.memory_space<vmem_shared>>
      %dma_start3A_64 = arith.constant 0 : i32
      %dma_start3A_65 = tpu.memref_slice %arg9[%add3A_10, %dma_start3A_64] : memref<10112x128xf32, #tpu.memory_space<vmem_shared>> -> memref<104x128xf32, #tpu.memory_space<vmem_shared>>
      %dma_start3A_66 = arith.constant 0 : i32
      %dma_start3A_67 = arith.constant 0 : i32
      %dma_start3A_68 = tpu.memref_slice %arg8[%run_scoped3A, %dma_start3A_66, %dma_start3A_67] : memref<2x104x128xf32, #tpu.memory_space<vmem>> -> memref<1x104x128xf32, #tpu.memory_space<vmem>>
      %dma_start3A_69 = tpu.memref_squeeze %dma_start3A_68 : memref<1x104x128xf32, #tpu.memory_space<vmem>> -> memref<104x128xf32, #tpu.memory_space<vmem>>
      tpu.enqueue_dma source(%dma_start3A_69 : memref<104x128xf32, #tpu.memory_space<vmem>>) target(%dma_start3A_65 : memref<104x128xf32, #tpu.memory_space<vmem_shared>>) target_semaphore(%run_scoped3A_57 : memref<!tpu.dma_semaphore, #tpu.memory_space<semaphore_mem>>)
      %dma_wait3A = arith.constant 0 : i32
      %dma_wait3A_70 = arith.constant 0 : i32
      %dma_wait3A_71 = tpu.memref_slice %arg8[%run_scoped3A, %dma_wait3A, %dma_wait3A_70] : memref<2x104x128xf32, #tpu.memory_space<vmem>> -> memref<1x104x128xf32, #tpu.memory_space<vmem>>
      %dma_wait3A_72 = tpu.memref_squeeze %dma_wait3A_71 : memref<1x104x128xf32, #tpu.memory_space<vmem>> -> memref<104x128xf32, #tpu.memory_space<vmem>>
      %dma_wait3A_73 = arith.constant 0 : i32
      %dma_wait3A_74 = tpu.memref_slice %arg9[%add3A_10, %dma_wait3A_73] : memref<10112x128xf32, #tpu.memory_space<vmem_shared>> -> memref<104x128xf32, #tpu.memory_space<vmem_shared>>
      %dma_wait3A_75 = arith.constant 0 : i32
      %dma_wait3A_76 = tpu.memref_slice %arg9[%add3A_10, %dma_wait3A_75] : memref<10112x128xf32, #tpu.memory_space<vmem_shared>> -> memref<104x128xf32, #tpu.memory_space<vmem_shared>>
      %dma_wait3A_77 = arith.constant 0 : i32
      %dma_wait3A_78 = arith.constant 0 : i32
      %dma_wait3A_79 = tpu.memref_slice %arg8[%run_scoped3A, %dma_wait3A_77, %dma_wait3A_78] : memref<2x104x128xf32, #tpu.memory_space<vmem>> -> memref<1x104x128xf32, #tpu.memory_space<vmem>>
      %dma_wait3A_80 = tpu.memref_squeeze %dma_wait3A_79 : memref<1x104x128xf32, #tpu.memory_space<vmem>> -> memref<104x128xf32, #tpu.memory_space<vmem>>
      tpu.wait_dma2 semaphore(%run_scoped3A_57 : memref<!tpu.dma_semaphore, #tpu.memory_space<semaphore_mem>>) src(%dma_wait3A_80 : memref<104x128xf32, #tpu.memory_space<vmem>>) dst(%dma_wait3A_76 : memref<104x128xf32, #tpu.memory_space<vmem_shared>>)
      tpu.yield
    }) : () -> ()
    %add3A_11 = arith.constant 104 : i32
    %add3A_12 = arith.addi %mul3A_8, %add3A_11 : i32
    %run_scoped3A_13 = arith.constant 0 : i32
    "tpu.region"() ({
      %run_scoped3A_57 = tpu.sem_alloc : memref<!tpu.dma_semaphore, #tpu.memory_space<semaphore_mem>>
      %dma_start3A_58 = arith.constant 0 : i32
      %dma_start3A_59 = arith.constant 0 : i32
      %dma_start3A_60 = tpu.memref_slice %arg8[%run_scoped3A_13, %dma_start3A_58, %dma_start3A_59] : memref<2x104x128xf32, #tpu.memory_space<vmem>> -> memref<1x104x128xf32, #tpu.memory_space<vmem>>
      %dma_start3A_61 = tpu.memref_squeeze %dma_start3A_60 : memref<1x104x128xf32, #tpu.memory_space<vmem>> -> memref<104x128xf32, #tpu.memory_space<vmem>>
      %dma_start3A_62 = arith.constant 0 : i32
      %dma_start3A_63 = tpu.memref_slice %arg9[%add3A_12, %dma_start3A_62] : memref<10112x128xf32, #tpu.memory_space<vmem_shared>> -> memref<104x128xf32, #tpu.memory_space<vmem_shared>>
      %dma_start3A_64 = arith.constant 0 : i32
      %dma_start3A_65 = tpu.memref_slice %arg9[%add3A_12, %dma_start3A_64] : memref<10112x128xf32, #tpu.memory_space<vmem_shared>> -> memref<104x128xf32, #tpu.memory_space<vmem_shared>>
      %dma_start3A_66 = arith.constant 0 : i32
      %dma_start3A_67 = arith.constant 0 : i32
      %dma_start3A_68 = tpu.memref_slice %arg8[%run_scoped3A_13, %dma_start3A_66, %dma_start3A_67] : memref<2x104x128xf32, #tpu.memory_space<vmem>> -> memref<1x104x128xf32, #tpu.memory_space<vmem>>
      %dma_start3A_69 = tpu.memref_squeeze %dma_start3A_68 : memref<1x104x128xf32, #tpu.memory_space<vmem>> -> memref<104x128xf32, #tpu.memory_space<vmem>>
      tpu.enqueue_dma source(%dma_start3A_69 : memref<104x128xf32, #tpu.memory_space<vmem>>) target(%dma_start3A_65 : memref<104x128xf32, #tpu.memory_space<vmem_shared>>) target_semaphore(%run_scoped3A_57 : memref<!tpu.dma_semaphore, #tpu.memory_space<semaphore_mem>>)
      %dma_wait3A = arith.constant 0 : i32
      %dma_wait3A_70 = arith.constant 0 : i32
      %dma_wait3A_71 = tpu.memref_slice %arg8[%run_scoped3A_13, %dma_wait3A, %dma_wait3A_70] : memref<2x104x128xf32, #tpu.memory_space<vmem>> -> memref<1x104x128xf32, #tpu.memory_space<vmem>>
      %dma_wait3A_72 = tpu.memref_squeeze %dma_wait3A_71 : memref<1x104x128xf32, #tpu.memory_space<vmem>> -> memref<104x128xf32, #tpu.memory_space<vmem>>
      %dma_wait3A_73 = arith.constant 0 : i32
      %dma_wait3A_74 = tpu.memref_slice %arg9[%add3A_12, %dma_wait3A_73] : memref<10112x128xf32, #tpu.memory_space<vmem_shared>> -> memref<104x128xf32, #tpu.memory_space<vmem_shared>>
      %dma_wait3A_75 = arith.constant 0 : i32
      %dma_wait3A_76 = tpu.memref_slice %arg9[%add3A_12, %dma_wait3A_75] : memref<10112x128xf32, #tpu.memory_space<vmem_shared>> -> memref<104x128xf32, #tpu.memory_space<vmem_shared>>
      %dma_wait3A_77 = arith.constant 0 : i32
      %dma_wait3A_78 = arith.constant 0 : i32
      %dma_wait3A_79 = tpu.memref_slice %arg8[%run_scoped3A_13, %dma_wait3A_77, %dma_wait3A_78] : memref<2x104x128xf32, #tpu.memory_space<vmem>> -> memref<1x104x128xf32, #tpu.memory_space<vmem>>
      %dma_wait3A_80 = tpu.memref_squeeze %dma_wait3A_79 : memref<1x104x128xf32, #tpu.memory_space<vmem>> -> memref<104x128xf32, #tpu.memory_space<vmem>>
      tpu.wait_dma2 semaphore(%run_scoped3A_57 : memref<!tpu.dma_semaphore, #tpu.memory_space<semaphore_mem>>) src(%dma_wait3A_80 : memref<104x128xf32, #tpu.memory_space<vmem>>) dst(%dma_wait3A_76 : memref<104x128xf32, #tpu.memory_space<vmem_shared>>)
      tpu.yield
    }) : () -> ()
    %add3A_14 = arith.constant 208 : i32
    %add3A_15 = arith.addi %mul3A_8, %add3A_14 : i32
    %run_scoped3A_16 = arith.constant 0 : i32
    "tpu.region"() ({
      %run_scoped3A_57 = tpu.sem_alloc : memref<!tpu.dma_semaphore, #tpu.memory_space<semaphore_mem>>
      %dma_start3A_58 = arith.constant 0 : i32
      %dma_start3A_59 = arith.constant 0 : i32
      %dma_start3A_60 = tpu.memref_slice %arg8[%run_scoped3A_16, %dma_start3A_58, %dma_start3A_59] : memref<2x104x128xf32, #tpu.memory_space<vmem>> -> memref<1x104x128xf32, #tpu.memory_space<vmem>>
      %dma_start3A_61 = tpu.memref_squeeze %dma_start3A_60 : memref<1x104x128xf32, #tpu.memory_space<vmem>> -> memref<104x128xf32, #tpu.memory_space<vmem>>
      %dma_start3A_62 = arith.constant 0 : i32
      %dma_start3A_63 = tpu.memref_slice %arg9[%add3A_15, %dma_start3A_62] : memref<10112x128xf32, #tpu.memory_space<vmem_shared>> -> memref<104x128xf32, #tpu.memory_space<vmem_shared>>
      %dma_start3A_64 = arith.constant 0 : i32
      %dma_start3A_65 = tpu.memref_slice %arg9[%add3A_15, %dma_start3A_64] : memref<10112x128xf32, #tpu.memory_space<vmem_shared>> -> memref<104x128xf32, #tpu.memory_space<vmem_shared>>
      %dma_start3A_66 = arith.constant 0 : i32
      %dma_start3A_67 = arith.constant 0 : i32
      %dma_start3A_68 = tpu.memref_slice %arg8[%run_scoped3A_16, %dma_start3A_66, %dma_start3A_67] : memref<2x104x128xf32, #tpu.memory_space<vmem>> -> memref<1x104x128xf32, #tpu.memory_space<vmem>>
      %dma_start3A_69 = tpu.memref_squeeze %dma_start3A_68 : memref<1x104x128xf32, #tpu.memory_space<vmem>> -> memref<104x128xf32, #tpu.memory_space<vmem>>
      tpu.enqueue_dma source(%dma_start3A_69 : memref<104x128xf32, #tpu.memory_space<vmem>>) target(%dma_start3A_65 : memref<104x128xf32, #tpu.memory_space<vmem_shared>>) target_semaphore(%run_scoped3A_57 : memref<!tpu.dma_semaphore, #tpu.memory_space<semaphore_mem>>)
      %dma_wait3A = arith.constant 0 : i32
      %dma_wait3A_70 = arith.constant 0 : i32
      %dma_wait3A_71 = tpu.memref_slice %arg8[%run_scoped3A_16, %dma_wait3A, %dma_wait3A_70] : memref<2x104x128xf32, #tpu.memory_space<vmem>> -> memref<1x104x128xf32, #tpu.memory_space<vmem>>
      %dma_wait3A_72 = tpu.memref_squeeze %dma_wait3A_71 : memref<1x104x128xf32, #tpu.memory_space<vmem>> -> memref<104x128xf32, #tpu.memory_space<vmem>>
      %dma_wait3A_73 = arith.constant 0 : i32
      %dma_wait3A_74 = tpu.memref_slice %arg9[%add3A_15, %dma_wait3A_73] : memref<10112x128xf32, #tpu.memory_space<vmem_shared>> -> memref<104x128xf32, #tpu.memory_space<vmem_shared>>
      %dma_wait3A_75 = arith.constant 0 : i32
      %dma_wait3A_76 = tpu.memref_slice %arg9[%add3A_15, %dma_wait3A_75] : memref<10112x128xf32, #tpu.memory_space<vmem_shared>> -> memref<104x128xf32, #tpu.memory_space<vmem_shared>>
      %dma_wait3A_77 = arith.constant 0 : i32
      %dma_wait3A_78 = arith.constant 0 : i32
      %dma_wait3A_79 = tpu.memref_slice %arg8[%run_scoped3A_16, %dma_wait3A_77, %dma_wait3A_78] : memref<2x104x128xf32, #tpu.memory_space<vmem>> -> memref<1x104x128xf32, #tpu.memory_space<vmem>>
      %dma_wait3A_80 = tpu.memref_squeeze %dma_wait3A_79 : memref<1x104x128xf32, #tpu.memory_space<vmem>> -> memref<104x128xf32, #tpu.memory_space<vmem>>
      tpu.wait_dma2 semaphore(%run_scoped3A_57 : memref<!tpu.dma_semaphore, #tpu.memory_space<semaphore_mem>>) src(%dma_wait3A_80 : memref<104x128xf32, #tpu.memory_space<vmem>>) dst(%dma_wait3A_76 : memref<104x128xf32, #tpu.memory_space<vmem_shared>>)
      tpu.yield
    }) : () -> ()
    %add3A_17 = arith.constant 312 : i32
    %add3A_18 = arith.addi %mul3A_8, %add3A_17 : i32
    %run_scoped3A_19 = arith.constant 0 : i32
    "tpu.region"() ({
      %run_scoped3A_57 = tpu.sem_alloc : memref<!tpu.dma_semaphore, #tpu.memory_space<semaphore_mem>>
      %dma_start3A_58 = arith.constant 0 : i32
      %dma_start3A_59 = arith.constant 0 : i32
      %dma_start3A_60 = tpu.memref_slice %arg8[%run_scoped3A_19, %dma_start3A_58, %dma_start3A_59] : memref<2x104x128xf32, #tpu.memory_space<vmem>> -> memref<1x104x128xf32, #tpu.memory_space<vmem>>
      %dma_start3A_61 = tpu.memref_squeeze %dma_start3A_60 : memref<1x104x128xf32, #tpu.memory_space<vmem>> -> memref<104x128xf32, #tpu.memory_space<vmem>>
      %dma_start3A_62 = arith.constant 0 : i32
      %dma_start3A_63 = tpu.memref_slice %arg9[%add3A_18, %dma_start3A_62] : memref<10112x128xf32, #tpu.memory_space<vmem_shared>> -> memref<104x128xf32, #tpu.memory_space<vmem_shared>>
      %dma_start3A_64 = arith.constant 0 : i32
      %dma_start3A_65 = tpu.memref_slice %arg9[%add3A_18, %dma_start3A_64] : memref<10112x128xf32, #tpu.memory_space<vmem_shared>> -> memref<104x128xf32, #tpu.memory_space<vmem_shared>>
      %dma_start3A_66 = arith.constant 0 : i32
      %dma_start3A_67 = arith.constant 0 : i32
      %dma_start3A_68 = tpu.memref_slice %arg8[%run_scoped3A_19, %dma_start3A_66, %dma_start3A_67] : memref<2x104x128xf32, #tpu.memory_space<vmem>> -> memref<1x104x128xf32, #tpu.memory_space<vmem>>
      %dma_start3A_69 = tpu.memref_squeeze %dma_start3A_68 : memref<1x104x128xf32, #tpu.memory_space<vmem>> -> memref<104x128xf32, #tpu.memory_space<vmem>>
      tpu.enqueue_dma source(%dma_start3A_69 : memref<104x128xf32, #tpu.memory_space<vmem>>) target(%dma_start3A_65 : memref<104x128xf32, #tpu.memory_space<vmem_shared>>) target_semaphore(%run_scoped3A_57 : memref<!tpu.dma_semaphore, #tpu.memory_space<semaphore_mem>>)
      %dma_wait3A = arith.constant 0 : i32
      %dma_wait3A_70 = arith.constant 0 : i32
      %dma_wait3A_71 = tpu.memref_slice %arg8[%run_scoped3A_19, %dma_wait3A, %dma_wait3A_70] : memref<2x104x128xf32, #tpu.memory_space<vmem>> -> memref<1x104x128xf32, #tpu.memory_space<vmem>>
      %dma_wait3A_72 = tpu.memref_squeeze %dma_wait3A_71 : memref<1x104x128xf32, #tpu.memory_space<vmem>> -> memref<104x128xf32, #tpu.memory_space<vmem>>
      %dma_wait3A_73 = arith.constant 0 : i32
      %dma_wait3A_74 = tpu.memref_slice %arg9[%add3A_18, %dma_wait3A_73] : memref<10112x128xf32, #tpu.memory_space<vmem_shared>> -> memref<104x128xf32, #tpu.memory_space<vmem_shared>>
      %dma_wait3A_75 = arith.constant 0 : i32
      %dma_wait3A_76 = tpu.memref_slice %arg9[%add3A_18, %dma_wait3A_75] : memref<10112x128xf32, #tpu.memory_space<vmem_shared>> -> memref<104x128xf32, #tpu.memory_space<vmem_shared>>
      %dma_wait3A_77 = arith.constant 0 : i32
      %dma_wait3A_78 = arith.constant 0 : i32
      %dma_wait3A_79 = tpu.memref_slice %arg8[%run_scoped3A_19, %dma_wait3A_77, %dma_wait3A_78] : memref<2x104x128xf32, #tpu.memory_space<vmem>> -> memref<1x104x128xf32, #tpu.memory_space<vmem>>
      %dma_wait3A_80 = tpu.memref_squeeze %dma_wait3A_79 : memref<1x104x128xf32, #tpu.memory_space<vmem>> -> memref<104x128xf32, #tpu.memory_space<vmem>>
      tpu.wait_dma2 semaphore(%run_scoped3A_57 : memref<!tpu.dma_semaphore, #tpu.memory_space<semaphore_mem>>) src(%dma_wait3A_80 : memref<104x128xf32, #tpu.memory_space<vmem>>) dst(%dma_wait3A_76 : memref<104x128xf32, #tpu.memory_space<vmem_shared>>)
      tpu.yield
    }) : () -> ()
    %add3A_20 = arith.constant 416 : i32
    %add3A_21 = arith.addi %mul3A_8, %add3A_20 : i32
    %run_scoped3A_22 = arith.constant 0 : i32
    "tpu.region"() ({
      %run_scoped3A_57 = tpu.sem_alloc : memref<!tpu.dma_semaphore, #tpu.memory_space<semaphore_mem>>
      %dma_start3A_58 = arith.constant 0 : i32
      %dma_start3A_59 = arith.constant 0 : i32
      %dma_start3A_60 = tpu.memref_slice %arg8[%run_scoped3A_22, %dma_start3A_58, %dma_start3A_59] : memref<2x104x128xf32, #tpu.memory_space<vmem>> -> memref<1x104x128xf32, #tpu.memory_space<vmem>>
      %dma_start3A_61 = tpu.memref_squeeze %dma_start3A_60 : memref<1x104x128xf32, #tpu.memory_space<vmem>> -> memref<104x128xf32, #tpu.memory_space<vmem>>
      %dma_start3A_62 = arith.constant 0 : i32
      %dma_start3A_63 = tpu.memref_slice %arg9[%add3A_21, %dma_start3A_62] : memref<10112x128xf32, #tpu.memory_space<vmem_shared>> -> memref<104x128xf32, #tpu.memory_space<vmem_shared>>
      %dma_start3A_64 = arith.constant 0 : i32
      %dma_start3A_65 = tpu.memref_slice %arg9[%add3A_21, %dma_start3A_64] : memref<10112x128xf32, #tpu.memory_space<vmem_shared>> -> memref<104x128xf32, #tpu.memory_space<vmem_shared>>
      %dma_start3A_66 = arith.constant 0 : i32
      %dma_start3A_67 = arith.constant 0 : i32
      %dma_start3A_68 = tpu.memref_slice %arg8[%run_scoped3A_22, %dma_start3A_66, %dma_start3A_67] : memref<2x104x128xf32, #tpu.memory_space<vmem>> -> memref<1x104x128xf32, #tpu.memory_space<vmem>>
      %dma_start3A_69 = tpu.memref_squeeze %dma_start3A_68 : memref<1x104x128xf32, #tpu.memory_space<vmem>> -> memref<104x128xf32, #tpu.memory_space<vmem>>
      tpu.enqueue_dma source(%dma_start3A_69 : memref<104x128xf32, #tpu.memory_space<vmem>>) target(%dma_start3A_65 : memref<104x128xf32, #tpu.memory_space<vmem_shared>>) target_semaphore(%run_scoped3A_57 : memref<!tpu.dma_semaphore, #tpu.memory_space<semaphore_mem>>)
      %dma_wait3A = arith.constant 0 : i32
      %dma_wait3A_70 = arith.constant 0 : i32
      %dma_wait3A_71 = tpu.memref_slice %arg8[%run_scoped3A_22, %dma_wait3A, %dma_wait3A_70] : memref<2x104x128xf32, #tpu.memory_space<vmem>> -> memref<1x104x128xf32, #tpu.memory_space<vmem>>
      %dma_wait3A_72 = tpu.memref_squeeze %dma_wait3A_71 : memref<1x104x128xf32, #tpu.memory_space<vmem>> -> memref<104x128xf32, #tpu.memory_space<vmem>>
      %dma_wait3A_73 = arith.constant 0 : i32
      %dma_wait3A_74 = tpu.memref_slice %arg9[%add3A_21, %dma_wait3A_73] : memref<10112x128xf32, #tpu.memory_space<vmem_shared>> -> memref<104x128xf32, #tpu.memory_space<vmem_shared>>
      %dma_wait3A_75 = arith.constant 0 : i32
      %dma_wait3A_76 = tpu.memref_slice %arg9[%add3A_21, %dma_wait3A_75] : memref<10112x128xf32, #tpu.memory_space<vmem_shared>> -> memref<104x128xf32, #tpu.memory_space<vmem_shared>>
      %dma_wait3A_77 = arith.constant 0 : i32
      %dma_wait3A_78 = arith.constant 0 : i32
      %dma_wait3A_79 = tpu.memref_slice %arg8[%run_scoped3A_22, %dma_wait3A_77, %dma_wait3A_78] : memref<2x104x128xf32, #tpu.memory_space<vmem>> -> memref<1x104x128xf32, #tpu.memory_space<vmem>>
      %dma_wait3A_80 = tpu.memref_squeeze %dma_wait3A_79 : memref<1x104x128xf32, #tpu.memory_space<vmem>> -> memref<104x128xf32, #tpu.memory_space<vmem>>
      tpu.wait_dma2 semaphore(%run_scoped3A_57 : memref<!tpu.dma_semaphore, #tpu.memory_space<semaphore_mem>>) src(%dma_wait3A_80 : memref<104x128xf32, #tpu.memory_space<vmem>>) dst(%dma_wait3A_76 : memref<104x128xf32, #tpu.memory_space<vmem_shared>>)
      tpu.yield
    }) : () -> ()
    %add3A_23 = arith.constant 520 : i32
    %add3A_24 = arith.addi %mul3A_8, %add3A_23 : i32
    %run_scoped3A_25 = arith.constant 0 : i32
    "tpu.region"() ({
      %run_scoped3A_57 = tpu.sem_alloc : memref<!tpu.dma_semaphore, #tpu.memory_space<semaphore_mem>>
      %dma_start3A_58 = arith.constant 0 : i32
      %dma_start3A_59 = arith.constant 0 : i32
      %dma_start3A_60 = tpu.memref_slice %arg8[%run_scoped3A_25, %dma_start3A_58, %dma_start3A_59] : memref<2x104x128xf32, #tpu.memory_space<vmem>> -> memref<1x104x128xf32, #tpu.memory_space<vmem>>
      %dma_start3A_61 = tpu.memref_squeeze %dma_start3A_60 : memref<1x104x128xf32, #tpu.memory_space<vmem>> -> memref<104x128xf32, #tpu.memory_space<vmem>>
      %dma_start3A_62 = arith.constant 0 : i32
      %dma_start3A_63 = tpu.memref_slice %arg9[%add3A_24, %dma_start3A_62] : memref<10112x128xf32, #tpu.memory_space<vmem_shared>> -> memref<104x128xf32, #tpu.memory_space<vmem_shared>>
      %dma_start3A_64 = arith.constant 0 : i32
      %dma_start3A_65 = tpu.memref_slice %arg9[%add3A_24, %dma_start3A_64] : memref<10112x128xf32, #tpu.memory_space<vmem_shared>> -> memref<104x128xf32, #tpu.memory_space<vmem_shared>>
      %dma_start3A_66 = arith.constant 0 : i32
      %dma_start3A_67 = arith.constant 0 : i32
      %dma_start3A_68 = tpu.memref_slice %arg8[%run_scoped3A_25, %dma_start3A_66, %dma_start3A_67] : memref<2x104x128xf32, #tpu.memory_space<vmem>> -> memref<1x104x128xf32, #tpu.memory_space<vmem>>
      %dma_start3A_69 = tpu.memref_squeeze %dma_start3A_68 : memref<1x104x128xf32, #tpu.memory_space<vmem>> -> memref<104x128xf32, #tpu.memory_space<vmem>>
      tpu.enqueue_dma source(%dma_start3A_69 : memref<104x128xf32, #tpu.memory_space<vmem>>) target(%dma_start3A_65 : memref<104x128xf32, #tpu.memory_space<vmem_shared>>) target_semaphore(%run_scoped3A_57 : memref<!tpu.dma_semaphore, #tpu.memory_space<semaphore_mem>>)
      %dma_wait3A = arith.constant 0 : i32
      %dma_wait3A_70 = arith.constant 0 : i32
      %dma_wait3A_71 = tpu.memref_slice %arg8[%run_scoped3A_25, %dma_wait3A, %dma_wait3A_70] : memref<2x104x128xf32, #tpu.memory_space<vmem>> -> memref<1x104x128xf32, #tpu.memory_space<vmem>>
      %dma_wait3A_72 = tpu.memref_squeeze %dma_wait3A_71 : memref<1x104x128xf32, #tpu.memory_space<vmem>> -> memref<104x128xf32, #tpu.memory_space<vmem>>
      %dma_wait3A_73 = arith.constant 0 : i32
      %dma_wait3A_74 = tpu.memref_slice %arg9[%add3A_24, %dma_wait3A_73] : memref<10112x128xf32, #tpu.memory_space<vmem_shared>> -> memref<104x128xf32, #tpu.memory_space<vmem_shared>>
      %dma_wait3A_75 = arith.constant 0 : i32
      %dma_wait3A_76 = tpu.memref_slice %arg9[%add3A_24, %dma_wait3A_75] : memref<10112x128xf32, #tpu.memory_space<vmem_shared>> -> memref<104x128xf32, #tpu.memory_space<vmem_shared>>
      %dma_wait3A_77 = arith.constant 0 : i32
      %dma_wait3A_78 = arith.constant 0 : i32
      %dma_wait3A_79 = tpu.memref_slice %arg8[%run_scoped3A_25, %dma_wait3A_77, %dma_wait3A_78] : memref<2x104x128xf32, #tpu.memory_space<vmem>> -> memref<1x104x128xf32, #tpu.memory_space<vmem>>
      %dma_wait3A_80 = tpu.memref_squeeze %dma_wait3A_79 : memref<1x104x128xf32, #tpu.memory_space<vmem>> -> memref<104x128xf32, #tpu.memory_space<vmem>>
      tpu.wait_dma2 semaphore(%run_scoped3A_57 : memref<!tpu.dma_semaphore, #tpu.memory_space<semaphore_mem>>) src(%dma_wait3A_80 : memref<104x128xf32, #tpu.memory_space<vmem>>) dst(%dma_wait3A_76 : memref<104x128xf32, #tpu.memory_space<vmem_shared>>)
      tpu.yield
    }) : () -> ()
    %add3A_26 = arith.constant 624 : i32
    %add3A_27 = arith.addi %mul3A_8, %add3A_26 : i32
    %run_scoped3A_28 = arith.constant 0 : i32
    "tpu.region"() ({
      %run_scoped3A_57 = tpu.sem_alloc : memref<!tpu.dma_semaphore, #tpu.memory_space<semaphore_mem>>
      %dma_start3A_58 = arith.constant 0 : i32
      %dma_start3A_59 = arith.constant 0 : i32
      %dma_start3A_60 = tpu.memref_slice %arg8[%run_scoped3A_28, %dma_start3A_58, %dma_start3A_59] : memref<2x104x128xf32, #tpu.memory_space<vmem>> -> memref<1x104x128xf32, #tpu.memory_space<vmem>>
      %dma_start3A_61 = tpu.memref_squeeze %dma_start3A_60 : memref<1x104x128xf32, #tpu.memory_space<vmem>> -> memref<104x128xf32, #tpu.memory_space<vmem>>
      %dma_start3A_62 = arith.constant 0 : i32
      %dma_start3A_63 = arith.constant 0 : i32
      %dma_start3A_64 = tpu.memref_slice %dma_start3A_61[%dma_start3A_62, %dma_start3A_63] : memref<104x128xf32, #tpu.memory_space<vmem>> -> memref<8x128xf32, #tpu.memory_space<vmem>>
      %dma_start3A_65 = arith.constant 0 : i32
      %dma_start3A_66 = tpu.memref_slice %arg9[%add3A_27, %dma_start3A_65] : memref<10112x128xf32, #tpu.memory_space<vmem_shared>> -> memref<8x128xf32, #tpu.memory_space<vmem_shared>>
      %dma_start3A_67 = arith.constant 0 : i32
      %dma_start3A_68 = tpu.memref_slice %arg9[%add3A_27, %dma_start3A_67] : memref<10112x128xf32, #tpu.memory_space<vmem_shared>> -> memref<8x128xf32, #tpu.memory_space<vmem_shared>>
      %dma_start3A_69 = arith.constant 0 : i32
      %dma_start3A_70 = arith.constant 0 : i32
      %dma_start3A_71 = tpu.memref_slice %arg8[%run_scoped3A_28, %dma_start3A_69, %dma_start3A_70] : memref<2x104x128xf32, #tpu.memory_space<vmem>> -> memref<1x104x128xf32, #tpu.memory_space<vmem>>
      %dma_start3A_72 = tpu.memref_squeeze %dma_start3A_71 : memref<1x104x128xf32, #tpu.memory_space<vmem>> -> memref<104x128xf32, #tpu.memory_space<vmem>>
      %dma_start3A_73 = arith.constant 0 : i32
      %dma_start3A_74 = arith.constant 0 : i32
      %dma_start3A_75 = tpu.memref_slice %dma_start3A_72[%dma_start3A_73, %dma_start3A_74] : memref<104x128xf32, #tpu.memory_space<vmem>> -> memref<8x128xf32, #tpu.memory_space<vmem>>
      tpu.enqueue_dma source(%dma_start3A_75 : memref<8x128xf32, #tpu.memory_space<vmem>>) target(%dma_start3A_68 : memref<8x128xf32, #tpu.memory_space<vmem_shared>>) target_semaphore(%run_scoped3A_57 : memref<!tpu.dma_semaphore, #tpu.memory_space<semaphore_mem>>)
      %dma_wait3A = arith.constant 0 : i32
      %dma_wait3A_76 = arith.constant 0 : i32
      %dma_wait3A_77 = tpu.memref_slice %arg8[%run_scoped3A_28, %dma_wait3A, %dma_wait3A_76] : memref<2x104x128xf32, #tpu.memory_space<vmem>> -> memref<1x104x128xf32, #tpu.memory_space<vmem>>
      %dma_wait3A_78 = tpu.memref_squeeze %dma_wait3A_77 : memref<1x104x128xf32, #tpu.memory_space<vmem>> -> memref<104x128xf32, #tpu.memory_space<vmem>>
      %dma_wait3A_79 = arith.constant 0 : i32
      %dma_wait3A_80 = arith.constant 0 : i32
      %dma_wait3A_81 = tpu.memref_slice %dma_wait3A_78[%dma_wait3A_79, %dma_wait3A_80] : memref<104x128xf32, #tpu.memory_space<vmem>> -> memref<8x128xf32, #tpu.memory_space<vmem>>
      %dma_wait3A_82 = arith.constant 0 : i32
      %dma_wait3A_83 = tpu.memref_slice %arg9[%add3A_27, %dma_wait3A_82] : memref<10112x128xf32, #tpu.memory_space<vmem_shared>> -> memref<8x128xf32, #tpu.memory_space<vmem_shared>>
      %dma_wait3A_84 = arith.constant 0 : i32
      %dma_wait3A_85 = tpu.memref_slice %arg9[%add3A_27, %dma_wait3A_84] : memref<10112x128xf32, #tpu.memory_space<vmem_shared>> -> memref<8x128xf32, #tpu.memory_space<vmem_shared>>
      %dma_wait3A_86 = arith.constant 0 : i32
      %dma_wait3A_87 = arith.constant 0 : i32
      %dma_wait3A_88 = tpu.memref_slice %arg8[%run_scoped3A_28, %dma_wait3A_86, %dma_wait3A_87] : memref<2x104x128xf32, #tpu.memory_space<vmem>> -> memref<1x104x128xf32, #tpu.memory_space<vmem>>
      %dma_wait3A_89 = tpu.memref_squeeze %dma_wait3A_88 : memref<1x104x128xf32, #tpu.memory_space<vmem>> -> memref<104x128xf32, #tpu.memory_space<vmem>>
      %dma_wait3A_90 = arith.constant 0 : i32
      %dma_wait3A_91 = arith.constant 0 : i32
      %dma_wait3A_92 = tpu.memref_slice %dma_wait3A_89[%dma_wait3A_90, %dma_wait3A_91] : memref<104x128xf32, #tpu.memory_space<vmem>> -> memref<8x128xf32, #tpu.memory_space<vmem>>
      tpu.wait_dma2 semaphore(%run_scoped3A_57 : memref<!tpu.dma_semaphore, #tpu.memory_space<semaphore_mem>>) src(%dma_wait3A_92 : memref<8x128xf32, #tpu.memory_space<vmem>>) dst(%dma_wait3A_85 : memref<8x128xf32, #tpu.memory_space<vmem_shared>>)
      tpu.yield
    }) : () -> ()
    "tpu.region"() ({
      %run_scoped3A_57 = tpu.sem_alloc : memref<!tpu.dma_semaphore, #tpu.memory_space<semaphore_mem>>
      %dma_start3A_58 = arith.constant 0 : i32
      %dma_start3A_59 = tpu.memref_slice %arg3[%add3A, %dma_start3A_58] : memref<32x10192xi32, #tpu.memory_space<hbm>> -> memref<1x10192xi32, #tpu.memory_space<hbm>>
      %dma_start3A_60 = tpu.memref_squeeze %dma_start3A_59 : memref<1x10192xi32, #tpu.memory_space<hbm>> -> memref<10192xi32, #tpu.memory_space<hbm>>
      %dma_start3A_61 = arith.constant 0 : i32
      %dma_start3A_62 = tpu.memref_slice %arg3[%add3A, %dma_start3A_61] : memref<32x10192xi32, #tpu.memory_space<hbm>> -> memref<1x10192xi32, #tpu.memory_space<hbm>>
      %dma_start3A_63 = tpu.memref_squeeze %dma_start3A_62 : memref<1x10192xi32, #tpu.memory_space<hbm>> -> memref<10192xi32, #tpu.memory_space<hbm>>
      tpu.enqueue_dma source(%dma_start3A_63 : memref<10192xi32, #tpu.memory_space<hbm>>) target(%arg6 : memref<10192xi32, #tpu.memory_space<vmem>>) target_semaphore(%run_scoped3A_57 : memref<!tpu.dma_semaphore, #tpu.memory_space<semaphore_mem>>)
      %dma_wait3A = arith.constant 0 : i32
      %dma_wait3A_64 = tpu.memref_slice %arg3[%add3A, %dma_wait3A] : memref<32x10192xi32, #tpu.memory_space<hbm>> -> memref<1x10192xi32, #tpu.memory_space<hbm>>
      %dma_wait3A_65 = tpu.memref_squeeze %dma_wait3A_64 : memref<1x10192xi32, #tpu.memory_space<hbm>> -> memref<10192xi32, #tpu.memory_space<hbm>>
      %dma_wait3A_66 = arith.constant 0 : i32
      %dma_wait3A_67 = tpu.memref_slice %arg3[%add3A, %dma_wait3A_66] : memref<32x10192xi32, #tpu.memory_space<hbm>> -> memref<1x10192xi32, #tpu.memory_space<hbm>>
      %dma_wait3A_68 = tpu.memref_squeeze %dma_wait3A_67 : memref<1x10192xi32, #tpu.memory_space<hbm>> -> memref<10192xi32, #tpu.memory_space<hbm>>
      tpu.wait_dma2 semaphore(%run_scoped3A_57 : memref<!tpu.dma_semaphore, #tpu.memory_space<semaphore_mem>>) src(%dma_wait3A_68 : memref<10192xi32, #tpu.memory_space<hbm>>) dst(%arg6 : memref<10192xi32, #tpu.memory_space<vmem>>)
      tpu.yield
    }) : () -> ()
    "tpu.region"() ({
      %run_scoped3A_57 = tpu.sem_alloc : memref<!tpu.dma_semaphore, #tpu.memory_space<semaphore_mem>>
      %dma_start3A_58 = arith.constant 0 : i32
      %dma_start3A_59 = arith.constant 0 : i32
      %dma_start3A_60 = tpu.memref_slice %arg4[%add3A, %dma_start3A_58, %dma_start3A_59] : memref<32x98x104xi32, #tpu.memory_space<hbm>> -> memref<1x98x104xi32, #tpu.memory_space<hbm>>
      %dma_start3A_61 = tpu.memref_squeeze %dma_start3A_60 : memref<1x98x104xi32, #tpu.memory_space<hbm>> -> memref<98x104xi32, #tpu.memory_space<hbm>>
      %dma_start3A_62 = arith.constant 0 : i32
      %dma_start3A_63 = arith.constant 0 : i32
      %dma_start3A_64 = tpu.memref_slice %arg4[%add3A, %dma_start3A_62, %dma_start3A_63] : memref<32x98x104xi32, #tpu.memory_space<hbm>> -> memref<1x98x104xi32, #tpu.memory_space<hbm>>
      %dma_start3A_65 = tpu.memref_squeeze %dma_start3A_64 : memref<1x98x104xi32, #tpu.memory_space<hbm>> -> memref<98x104xi32, #tpu.memory_space<hbm>>
      tpu.enqueue_dma source(%dma_start3A_65 : memref<98x104xi32, #tpu.memory_space<hbm>>) target(%arg7 : memref<98x104xi32, #tpu.memory_space<vmem>>) target_semaphore(%run_scoped3A_57 : memref<!tpu.dma_semaphore, #tpu.memory_space<semaphore_mem>>)
      %dma_wait3A = arith.constant 0 : i32
      %dma_wait3A_66 = arith.constant 0 : i32
      %dma_wait3A_67 = tpu.memref_slice %arg4[%add3A, %dma_wait3A, %dma_wait3A_66] : memref<32x98x104xi32, #tpu.memory_space<hbm>> -> memref<1x98x104xi32, #tpu.memory_space<hbm>>
      %dma_wait3A_68 = tpu.memref_squeeze %dma_wait3A_67 : memref<1x98x104xi32, #tpu.memory_space<hbm>> -> memref<98x104xi32, #tpu.memory_space<hbm>>
      %dma_wait3A_69 = arith.constant 0 : i32
      %dma_wait3A_70 = arith.constant 0 : i32
      %dma_wait3A_71 = tpu.memref_slice %arg4[%add3A, %dma_wait3A_69, %dma_wait3A_70] : memref<32x98x104xi32, #tpu.memory_space<hbm>> -> memref<1x98x104xi32, #tpu.memory_space<hbm>>
      %dma_wait3A_72 = tpu.memref_squeeze %dma_wait3A_71 : memref<1x98x104xi32, #tpu.memory_space<hbm>> -> memref<98x104xi32, #tpu.memory_space<hbm>>
      tpu.wait_dma2 semaphore(%run_scoped3A_57 : memref<!tpu.dma_semaphore, #tpu.memory_space<semaphore_mem>>) src(%dma_wait3A_72 : memref<98x104xi32, #tpu.memory_space<hbm>>) dst(%arg7 : memref<98x104xi32, #tpu.memory_space<vmem>>)
      tpu.yield
    }) : () -> ()
    %barrier3A = arith.constant 0 : index
    tpu.barrier barrier_id(%barrier3A)
    %dma_start3A = arith.constant 0 : i32
    %dma_start3A_29 = arith.constant 0 : i32
    %dma_start3A_30 = arith.constant 0 : i32
    %dma_start3A_31 = tpu.memref_slice %arg8[%dma_start3A, %dma_start3A_29, %dma_start3A_30] : memref<2x104x128xf32, #tpu.memory_space<vmem>> -> memref<1x104x128xf32, #tpu.memory_space<vmem>>
    %dma_start3A_32 = tpu.memref_squeeze %dma_start3A_31 : memref<1x104x128xf32, #tpu.memory_space<vmem>> -> memref<104x128xf32, #tpu.memory_space<vmem>>
    %dma_start3A_33 = arith.constant 0 : i32
    %dma_start3A_34 = tpu.memref_slice %arg6[%dma_start3A_33] : memref<10192xi32, #tpu.memory_space<vmem>> -> memref<104xi32, #tpu.memory_space<vmem>>
    %dma_start3A_35 = arith.constant 0 : i32
    %dma_start3A_36 = arith.constant 0 : i32
    %dma_start3A_37 = tpu.memref_slice %arg2[%dma_start3A_35, %dma_start3A_36] : memref<80000x128xf32, #tpu.memory_space<hbm>> -> memref<80000x128xf32, #tpu.memory_space<hbm>>
    tpu.enqueue_indirect_dma source(%dma_start3A_37 : memref<80000x128xf32, #tpu.memory_space<hbm>>) target(%dma_start3A_32 : memref<104x128xf32, #tpu.memory_space<vmem>>) offsets(%dma_start3A_34 : memref<104xi32, #tpu.memory_space<vmem>>) semaphore(%arg10 : memref<!tpu.dma_semaphore, #tpu.memory_space<semaphore_mem>>)
    %dma_start3A_38 = arith.constant 1 : i32
    %dma_start3A_39 = arith.constant 0 : i32
    %dma_start3A_40 = arith.constant 0 : i32
    %dma_start3A_41 = tpu.memref_slice %arg8[%dma_start3A_38, %dma_start3A_39, %dma_start3A_40] : memref<2x104x128xf32, #tpu.memory_space<vmem>> -> memref<1x104x128xf32, #tpu.memory_space<vmem>>
    %dma_start3A_42 = tpu.memref_squeeze %dma_start3A_41 : memref<1x104x128xf32, #tpu.memory_space<vmem>> -> memref<104x128xf32, #tpu.memory_space<vmem>>
    %dma_start3A_43 = arith.constant 104 : i32
    %dma_start3A_44 = tpu.memref_slice %arg6[%dma_start3A_43] : memref<10192xi32, #tpu.memory_space<vmem>> -> memref<104xi32, #tpu.memory_space<vmem>>
    %dma_start3A_45 = arith.constant 0 : i32
    %dma_start3A_46 = arith.constant 0 : i32
    %dma_start3A_47 = tpu.memref_slice %arg2[%dma_start3A_45, %dma_start3A_46] : memref<80000x128xf32, #tpu.memory_space<hbm>> -> memref<80000x128xf32, #tpu.memory_space<hbm>>
    tpu.enqueue_indirect_dma source(%dma_start3A_47 : memref<80000x128xf32, #tpu.memory_space<hbm>>) target(%dma_start3A_42 : memref<104x128xf32, #tpu.memory_space<vmem>>) offsets(%dma_start3A_44 : memref<104xi32, #tpu.memory_space<vmem>>) semaphore(%arg11 : memref<!tpu.dma_semaphore, #tpu.memory_space<semaphore_mem>>)
    %scan3A_48 = arith.constant 0 : i32
    %scan3A_49 = arith.constant 0 : i32
    %scan3A_50 = arith.constant 49 : i32
    %scan3A_51 = arith.addi %scan3A_49, %scan3A_50 : i32
    %scan3A_52 = arith.constant 1 : i32
    scf.for %scan3A_57 = %scan3A_49 to %scan3A_51 step %scan3A_52  : i32 {
      %mul3A_58 = arith.constant 2 : i32
      %mul3A_59 = arith.muli %mul3A_58, %scan3A_57 : i32
      %mul3A_60 = arith.constant 104 : i32
      %mul3A_61 = arith.muli %mul3A_59, %mul3A_60 : i32
      %dma_wait3A = arith.constant 0 : i32
      %dma_wait3A_62 = arith.constant 0 : i32
      %dma_wait3A_63 = arith.constant 0 : i32
      %dma_wait3A_64 = tpu.memref_slice %arg8[%dma_wait3A, %dma_wait3A_62, %dma_wait3A_63] : memref<2x104x128xf32, #tpu.memory_space<vmem>> -> memref<1x104x128xf32, #tpu.memory_space<vmem>>
      %dma_wait3A_65 = tpu.memref_squeeze %dma_wait3A_64 : memref<1x104x128xf32, #tpu.memory_space<vmem>> -> memref<104x128xf32, #tpu.memory_space<vmem>>
      %dma_wait3A_66 = tpu.memref_slice %arg6[%mul3A_61] : memref<10192xi32, #tpu.memory_space<vmem>> -> memref<104xi32, #tpu.memory_space<vmem>>
      %dma_wait3A_67 = arith.constant 0 : i32
      %dma_wait3A_68 = arith.constant 0 : i32
      %dma_wait3A_69 = tpu.memref_slice %arg2[%dma_wait3A_67, %dma_wait3A_68] : memref<80000x128xf32, #tpu.memory_space<hbm>> -> memref<80000x128xf32, #tpu.memory_space<hbm>>
      tpu.wait_indirect_dma semaphore(%arg10 : memref<!tpu.dma_semaphore, #tpu.memory_space<semaphore_mem>>) src(%dma_wait3A_69 : memref<80000x128xf32, #tpu.memory_space<hbm>>) dst(%dma_wait3A_65 : memref<104x128xf32, #tpu.memory_space<vmem>>)
      %run_scoped3A_70 = arith.constant 0 : i32
      "tpu.region"() ({
        %run_scoped3A_98 = tpu.sem_alloc : memref<!tpu.dma_semaphore, #tpu.memory_space<semaphore_mem>>
        %dma_start3A_99 = arith.constant 0 : i32
        %dma_start3A_100 = arith.constant 0 : i32
        %dma_start3A_101 = tpu.memref_slice %arg8[%run_scoped3A_70, %dma_start3A_99, %dma_start3A_100] : memref<2x104x128xf32, #tpu.memory_space<vmem>> -> memref<1x104x128xf32, #tpu.memory_space<vmem>>
        %dma_start3A_102 = tpu.memref_squeeze %dma_start3A_101 : memref<1x104x128xf32, #tpu.memory_space<vmem>> -> memref<104x128xf32, #tpu.memory_space<vmem>>
        %dma_start3A_103 = arith.constant 0 : i32
        %dma_start3A_104 = tpu.memref_slice %arg7[%mul3A_59, %dma_start3A_103] : memref<98x104xi32, #tpu.memory_space<vmem>> -> memref<1x104xi32, #tpu.memory_space<vmem>>
        %dma_start3A_105 = tpu.memref_squeeze %dma_start3A_104 : memref<1x104xi32, #tpu.memory_space<vmem>> -> memref<104xi32, #tpu.memory_space<vmem>>
        %dma_start3A_106 = arith.constant 0 : i32
        %dma_start3A_107 = arith.constant 0 : i32
        %dma_start3A_108 = tpu.memref_slice %arg9[%dma_start3A_106, %dma_start3A_107] : memref<10112x128xf32, #tpu.memory_space<vmem_shared>> -> memref<10112x128xf32, #tpu.memory_space<vmem_shared>>
        tpu.enqueue_indirect_dma source(%dma_start3A_102 : memref<104x128xf32, #tpu.memory_space<vmem>>) target(%dma_start3A_108 : memref<10112x128xf32, #tpu.memory_space<vmem_shared>>) offsets(%dma_start3A_105 : memref<104xi32, #tpu.memory_space<vmem>>) semaphore(%run_scoped3A_98 : memref<!tpu.dma_semaphore, #tpu.memory_space<semaphore_mem>>) {add = true}
        %dma_wait3A_109 = arith.constant 0 : i32
        %dma_wait3A_110 = arith.constant 0 : i32
        %dma_wait3A_111 = tpu.memref_slice %arg8[%run_scoped3A_70, %dma_wait3A_109, %dma_wait3A_110] : memref<2x104x128xf32, #tpu.memory_space<vmem>> -> memref<1x104x128xf32, #tpu.memory_space<vmem>>
        %dma_wait3A_112 = tpu.memref_squeeze %dma_wait3A_111 : memref<1x104x128xf32, #tpu.memory_space<vmem>> -> memref<104x128xf32, #tpu.memory_space<vmem>>
        %dma_wait3A_113 = arith.constant 0 : i32
        %dma_wait3A_114 = tpu.memref_slice %arg7[%mul3A_59, %dma_wait3A_113] : memref<98x104xi32, #tpu.memory_space<vmem>> -> memref<1x104xi32, #tpu.memory_space<vmem>>
        %dma_wait3A_115 = tpu.memref_squeeze %dma_wait3A_114 : memref<1x104xi32, #tpu.memory_space<vmem>> -> memref<104xi32, #tpu.memory_space<vmem>>
        %dma_wait3A_116 = arith.constant 0 : i32
        %dma_wait3A_117 = arith.constant 0 : i32
        %dma_wait3A_118 = tpu.memref_slice %arg9[%dma_wait3A_116, %dma_wait3A_117] : memref<10112x128xf32, #tpu.memory_space<vmem_shared>> -> memref<10112x128xf32, #tpu.memory_space<vmem_shared>>
        tpu.wait_indirect_dma semaphore(%run_scoped3A_98 : memref<!tpu.dma_semaphore, #tpu.memory_space<semaphore_mem>>) src(%dma_wait3A_112 : memref<104x128xf32, #tpu.memory_space<vmem>>) dst(%dma_wait3A_118 : memref<10112x128xf32, #tpu.memory_space<vmem_shared>>)
        tpu.yield
      }) : () -> ()
      %add3A_71 = arith.constant 2 : i32
      %add3A_72 = arith.addi %mul3A_59, %add3A_71 : i32
      %lt3A = arith.constant 98 : i32
      %lt3A_73 = arith.cmpi slt, %add3A_72, %lt3A : i32
      %convert_element_type3A = arith.extui %lt3A_73 : i1 to i32
      %cond3A = arith.constant 0 : i32
      %cond3A_74 = arith.cmpi ne, %convert_element_type3A, %cond3A : i32
      scf.if %cond3A_74 {
        %add3A_98 = arith.constant 2 : i32
        %add3A_99 = arith.addi %mul3A_59, %add3A_98 : i32
        %mul3A_100 = arith.constant 104 : i32
        %mul3A_101 = arith.muli %add3A_99, %mul3A_100 : i32
        %dma_start3A_102 = arith.constant 0 : i32
        %dma_start3A_103 = arith.constant 0 : i32
        %dma_start3A_104 = arith.constant 0 : i32
        %dma_start3A_105 = tpu.memref_slice %arg8[%dma_start3A_102, %dma_start3A_103, %dma_start3A_104] : memref<2x104x128xf32, #tpu.memory_space<vmem>> -> memref<1x104x128xf32, #tpu.memory_space<vmem>>
        %dma_start3A_106 = tpu.memref_squeeze %dma_start3A_105 : memref<1x104x128xf32, #tpu.memory_space<vmem>> -> memref<104x128xf32, #tpu.memory_space<vmem>>
        %dma_start3A_107 = tpu.memref_slice %arg6[%mul3A_101] : memref<10192xi32, #tpu.memory_space<vmem>> -> memref<104xi32, #tpu.memory_space<vmem>>
        %dma_start3A_108 = arith.constant 0 : i32
        %dma_start3A_109 = arith.constant 0 : i32
        %dma_start3A_110 = tpu.memref_slice %arg2[%dma_start3A_108, %dma_start3A_109] : memref<80000x128xf32, #tpu.memory_space<hbm>> -> memref<80000x128xf32, #tpu.memory_space<hbm>>
        tpu.enqueue_indirect_dma source(%dma_start3A_110 : memref<80000x128xf32, #tpu.memory_space<hbm>>) target(%dma_start3A_106 : memref<104x128xf32, #tpu.memory_space<vmem>>) offsets(%dma_start3A_107 : memref<104xi32, #tpu.memory_space<vmem>>) semaphore(%arg10 : memref<!tpu.dma_semaphore, #tpu.memory_space<semaphore_mem>>)
      } else {
      }
      %add3A_75 = arith.constant 1 : i32
      %add3A_76 = arith.addi %mul3A_59, %add3A_75 : i32
      %mul3A_77 = arith.constant 104 : i32
      %mul3A_78 = arith.muli %add3A_76, %mul3A_77 : i32
      %dma_wait3A_79 = arith.constant 1 : i32
      %dma_wait3A_80 = arith.constant 0 : i32
      %dma_wait3A_81 = arith.constant 0 : i32
      %dma_wait3A_82 = tpu.memref_slice %arg8[%dma_wait3A_79, %dma_wait3A_80, %dma_wait3A_81] : memref<2x104x128xf32, #tpu.memory_space<vmem>> -> memref<1x104x128xf32, #tpu.memory_space<vmem>>
      %dma_wait3A_83 = tpu.memref_squeeze %dma_wait3A_82 : memref<1x104x128xf32, #tpu.memory_space<vmem>> -> memref<104x128xf32, #tpu.memory_space<vmem>>
      %dma_wait3A_84 = tpu.memref_slice %arg6[%mul3A_78] : memref<10192xi32, #tpu.memory_space<vmem>> -> memref<104xi32, #tpu.memory_space<vmem>>
      %dma_wait3A_85 = arith.constant 0 : i32
      %dma_wait3A_86 = arith.constant 0 : i32
      %dma_wait3A_87 = tpu.memref_slice %arg2[%dma_wait3A_85, %dma_wait3A_86] : memref<80000x128xf32, #tpu.memory_space<hbm>> -> memref<80000x128xf32, #tpu.memory_space<hbm>>
      tpu.wait_indirect_dma semaphore(%arg11 : memref<!tpu.dma_semaphore, #tpu.memory_space<semaphore_mem>>) src(%dma_wait3A_87 : memref<80000x128xf32, #tpu.memory_space<hbm>>) dst(%dma_wait3A_83 : memref<104x128xf32, #tpu.memory_space<vmem>>)
      %add3A_88 = arith.constant 1 : i32
      %add3A_89 = arith.addi %mul3A_59, %add3A_88 : i32
      %run_scoped3A_90 = arith.constant 1 : i32
      "tpu.region"() ({
        %run_scoped3A_98 = tpu.sem_alloc : memref<!tpu.dma_semaphore, #tpu.memory_space<semaphore_mem>>
        %dma_start3A_99 = arith.constant 0 : i32
        %dma_start3A_100 = arith.constant 0 : i32
        %dma_start3A_101 = tpu.memref_slice %arg8[%run_scoped3A_90, %dma_start3A_99, %dma_start3A_100] : memref<2x104x128xf32, #tpu.memory_space<vmem>> -> memref<1x104x128xf32, #tpu.memory_space<vmem>>
        %dma_start3A_102 = tpu.memref_squeeze %dma_start3A_101 : memref<1x104x128xf32, #tpu.memory_space<vmem>> -> memref<104x128xf32, #tpu.memory_space<vmem>>
        %dma_start3A_103 = arith.constant 0 : i32
        %dma_start3A_104 = tpu.memref_slice %arg7[%add3A_89, %dma_start3A_103] : memref<98x104xi32, #tpu.memory_space<vmem>> -> memref<1x104xi32, #tpu.memory_space<vmem>>
        %dma_start3A_105 = tpu.memref_squeeze %dma_start3A_104 : memref<1x104xi32, #tpu.memory_space<vmem>> -> memref<104xi32, #tpu.memory_space<vmem>>
        %dma_start3A_106 = arith.constant 0 : i32
        %dma_start3A_107 = arith.constant 0 : i32
        %dma_start3A_108 = tpu.memref_slice %arg9[%dma_start3A_106, %dma_start3A_107] : memref<10112x128xf32, #tpu.memory_space<vmem_shared>> -> memref<10112x128xf32, #tpu.memory_space<vmem_shared>>
        tpu.enqueue_indirect_dma source(%dma_start3A_102 : memref<104x128xf32, #tpu.memory_space<vmem>>) target(%dma_start3A_108 : memref<10112x128xf32, #tpu.memory_space<vmem_shared>>) offsets(%dma_start3A_105 : memref<104xi32, #tpu.memory_space<vmem>>) semaphore(%run_scoped3A_98 : memref<!tpu.dma_semaphore, #tpu.memory_space<semaphore_mem>>) {add = true}
        %dma_wait3A_109 = arith.constant 0 : i32
        %dma_wait3A_110 = arith.constant 0 : i32
        %dma_wait3A_111 = tpu.memref_slice %arg8[%run_scoped3A_90, %dma_wait3A_109, %dma_wait3A_110] : memref<2x104x128xf32, #tpu.memory_space<vmem>> -> memref<1x104x128xf32, #tpu.memory_space<vmem>>
        %dma_wait3A_112 = tpu.memref_squeeze %dma_wait3A_111 : memref<1x104x128xf32, #tpu.memory_space<vmem>> -> memref<104x128xf32, #tpu.memory_space<vmem>>
        %dma_wait3A_113 = arith.constant 0 : i32
        %dma_wait3A_114 = tpu.memref_slice %arg7[%add3A_89, %dma_wait3A_113] : memref<98x104xi32, #tpu.memory_space<vmem>> -> memref<1x104xi32, #tpu.memory_space<vmem>>
        %dma_wait3A_115 = tpu.memref_squeeze %dma_wait3A_114 : memref<1x104xi32, #tpu.memory_space<vmem>> -> memref<104xi32, #tpu.memory_space<vmem>>
        %dma_wait3A_116 = arith.constant 0 : i32
        %dma_wait3A_117 = arith.constant 0 : i32
        %dma_wait3A_118 = tpu.memref_slice %arg9[%dma_wait3A_116, %dma_wait3A_117] : memref<10112x128xf32, #tpu.memory_space<vmem_shared>> -> memref<10112x128xf32, #tpu.memory_space<vmem_shared>>
        tpu.wait_indirect_dma semaphore(%run_scoped3A_98 : memref<!tpu.dma_semaphore, #tpu.memory_space<semaphore_mem>>) src(%dma_wait3A_112 : memref<104x128xf32, #tpu.memory_space<vmem>>) dst(%dma_wait3A_118 : memref<10112x128xf32, #tpu.memory_space<vmem_shared>>)
        tpu.yield
      }) : () -> ()
      %add3A_91 = arith.constant 3 : i32
      %add3A_92 = arith.addi %mul3A_59, %add3A_91 : i32
      %lt3A_93 = arith.constant 98 : i32
      %lt3A_94 = arith.cmpi slt, %add3A_92, %lt3A_93 : i32
      %convert_element_type3A_95 = arith.extui %lt3A_94 : i1 to i32
      %cond3A_96 = arith.constant 0 : i32
      %cond3A_97 = arith.cmpi ne, %convert_element_type3A_95, %cond3A_96 : i32
      scf.if %cond3A_97 {
        %add3A_98 = arith.constant 3 : i32
        %add3A_99 = arith.addi %mul3A_59, %add3A_98 : i32
        %mul3A_100 = arith.constant 104 : i32
        %mul3A_101 = arith.muli %add3A_99, %mul3A_100 : i32
        %dma_start3A_102 = arith.constant 1 : i32
        %dma_start3A_103 = arith.constant 0 : i32
        %dma_start3A_104 = arith.constant 0 : i32
        %dma_start3A_105 = tpu.memref_slice %arg8[%dma_start3A_102, %dma_start3A_103, %dma_start3A_104] : memref<2x104x128xf32, #tpu.memory_space<vmem>> -> memref<1x104x128xf32, #tpu.memory_space<vmem>>
        %dma_start3A_106 = tpu.memref_squeeze %dma_start3A_105 : memref<1x104x128xf32, #tpu.memory_space<vmem>> -> memref<104x128xf32, #tpu.memory_space<vmem>>
        %dma_start3A_107 = tpu.memref_slice %arg6[%mul3A_101] : memref<10192xi32, #tpu.memory_space<vmem>> -> memref<104xi32, #tpu.memory_space<vmem>>
        %dma_start3A_108 = arith.constant 0 : i32
        %dma_start3A_109 = arith.constant 0 : i32
        %dma_start3A_110 = tpu.memref_slice %arg2[%dma_start3A_108, %dma_start3A_109] : memref<80000x128xf32, #tpu.memory_space<hbm>> -> memref<80000x128xf32, #tpu.memory_space<hbm>>
        tpu.enqueue_indirect_dma source(%dma_start3A_110 : memref<80000x128xf32, #tpu.memory_space<hbm>>) target(%dma_start3A_106 : memref<104x128xf32, #tpu.memory_space<vmem>>) offsets(%dma_start3A_107 : memref<104xi32, #tpu.memory_space<vmem>>) semaphore(%arg11 : memref<!tpu.dma_semaphore, #tpu.memory_space<semaphore_mem>>)
      } else {
      }
    }
    %scan3A_53 = arith.constant 49 : i32
    %barrier3A_54 = arith.constant 0 : index
    tpu.barrier barrier_id(%barrier3A_54)
    %mul3A_55 = arith.constant 632 : i32
    %mul3A_56 = arith.muli %arg1, %mul3A_55 : i32
    "tpu.region"() ({
      %run_scoped3A_57 = tpu.sem_alloc : memref<!tpu.dma_semaphore, #tpu.memory_space<semaphore_mem>>
      %dma_start3A_58 = arith.constant 0 : i32
      %dma_start3A_59 = tpu.memref_slice %arg5[%arg0, %mul3A_56, %dma_start3A_58] : memref<2x10112x128xf32, #tpu.memory_space<hbm>> -> memref<1x632x128xf32, #tpu.memory_space<hbm>>
      %dma_start3A_60 = tpu.memref_squeeze %dma_start3A_59 : memref<1x632x128xf32, #tpu.memory_space<hbm>> -> memref<632x128xf32, #tpu.memory_space<hbm>>
      %dma_start3A_61 = arith.constant 0 : i32
      %dma_start3A_62 = tpu.memref_slice %arg9[%mul3A_56, %dma_start3A_61] : memref<10112x128xf32, #tpu.memory_space<vmem_shared>> -> memref<632x128xf32, #tpu.memory_space<vmem_shared>>
      tpu.enqueue_dma source(%dma_start3A_62 : memref<632x128xf32, #tpu.memory_space<vmem_shared>>) target(%dma_start3A_60 : memref<632x128xf32, #tpu.memory_space<hbm>>) target_semaphore(%run_scoped3A_57 : memref<!tpu.dma_semaphore, #tpu.memory_space<semaphore_mem>>)
      %dma_wait3A = arith.constant 0 : i32
      %dma_wait3A_63 = tpu.memref_slice %arg5[%arg0, %mul3A_56, %dma_wait3A] : memref<2x10112x128xf32, #tpu.memory_space<hbm>> -> memref<1x632x128xf32, #tpu.memory_space<hbm>>
      %dma_wait3A_64 = tpu.memref_squeeze %dma_wait3A_63 : memref<1x632x128xf32, #tpu.memory_space<hbm>> -> memref<632x128xf32, #tpu.memory_space<hbm>>
      %dma_wait3A_65 = arith.constant 0 : i32
      %dma_wait3A_66 = tpu.memref_slice %arg9[%mul3A_56, %dma_wait3A_65] : memref<10112x128xf32, #tpu.memory_space<vmem_shared>> -> memref<632x128xf32, #tpu.memory_space<vmem_shared>>
      tpu.wait_dma2 semaphore(%run_scoped3A_57 : memref<!tpu.dma_semaphore, #tpu.memory_space<semaphore_mem>>) src(%dma_wait3A_66 : memref<632x128xf32, #tpu.memory_space<vmem_shared>>) dst(%dma_wait3A_64 : memref<632x128xf32, #tpu.memory_space<hbm>>)
      tpu.yield
    }) : () -> ()
    return
  }
}

#map = affine_map<(d0, d1) -> (0, 0)>
#map1 = affine_map<(d0, d1) -> (0, 0, 0)>
module attributes {stable_mosaic.version = 14 : i64} {
  func.func @_segsum_body(%arg0: i32, %arg1: i32, %arg2: memref<80000x128xf32, #tpu.memory_space<hbm>>, %arg3: memref<32x10192xi32, #tpu.memory_space<hbm>>, %arg4: memref<32x98x104xi32, #tpu.memory_space<hbm>>, %arg5: memref<2x10112x128xf32, #tpu.memory_space<hbm>>, %arg6: memref<10192xi32, #tpu.memory_space<vmem>>, %arg7: memref<98x104xi32, #tpu.memory_space<vmem>>, %arg8: memref<2x104x128xf32, #tpu.memory_space<vmem>>, %arg9: memref<10112x128xf32, #tpu.memory_space<vmem_shared>>, %arg10: memref<!tpu.dma_semaphore, #tpu.memory_space<semaphore_mem>>, %arg11: memref<!tpu.dma_semaphore, #tpu.memory_space<semaphore_mem>>) attributes {dimension_semantics = [#tpu.dimension_semantics<core_parallel>, #tpu.dimension_semantics<subcore_parallel>], iteration_bounds = array<i64: 2, 16>, scalar_prefetch = 0 : i64, scratch_operands = 6 : i64, tpu.core_type = #tpu.core_type<sc_vector_subcore>, window_params = [{transform_indices = #map}, {transform_indices = #map}, {transform_indices = #map1}, {transform_indices = #map1}]} {
    %mul3A = arith.constant 16 : i32
    %mul3A_0 = arith.muli %arg0, %mul3A : i32
    %add3A = arith.addi %mul3A_0, %arg1 : i32
    %broadcast_in_dim3A = arith.constant 0.000000e+00 : f32
    %broadcast_in_dim3A_1 = vector.broadcast %broadcast_in_dim3A : f32 to vector<16xf32>
    %scan3A = arith.constant 0 : i32
    %scan3A_2 = arith.constant 0 : i32
    %scan3A_3 = arith.constant 104 : i32
    %scan3A_4 = arith.addi %scan3A_2, %scan3A_3 : i32
    %scan3A_5 = arith.constant 1 : i32
    scf.for %scan3A_57 = %scan3A_2 to %scan3A_4 step %scan3A_5  : i32 {
      %swap3A = arith.constant 0 : i32
      %swap3A_58 = arith.index_cast %swap3A : i32 to index
      %swap3A_59 = arith.index_cast %scan3A_57 : i32 to index
      %swap3A_60 = arith.constant 0 : index
      %swap3A_61 = tpu.vector_load %arg8[%swap3A_58, %swap3A_59, %swap3A_60] {strides = array<i32>} : memref<2x104x128xf32, #tpu.memory_space<vmem>>, vector<1x1x16xf32>,
      %swap3A_62 = vector.shape_cast %swap3A_61 : vector<1x1x16xf32> to vector<16xf32>
      %swap3A_63 = vector.shape_cast %broadcast_in_dim3A_1 : vector<16xf32> to vector<1x1x16xf32>
      tpu.vector_store %arg8[%swap3A_58, %swap3A_59, %swap3A_60], %swap3A_63 {strides = array<i32>} : memref<2x104x128xf32, #tpu.memory_space<vmem>>, vector<1x1x16xf32>,
      %swap3A_64 = arith.constant 0 : i32
      %swap3A_65 = arith.index_cast %swap3A_64 : i32 to index
      %swap3A_66 = arith.index_cast %scan3A_57 : i32 to index
      %swap3A_67 = arith.constant 16 : index
      %swap3A_68 = tpu.vector_load %arg8[%swap3A_65, %swap3A_66, %swap3A_67] {strides = array<i32>} : memref<2x104x128xf32, #tpu.memory_space<vmem>>, vector<1x1x16xf32>,
      %swap3A_69 = vector.shape_cast %swap3A_68 : vector<1x1x16xf32> to vector<16xf32>
      %swap3A_70 = vector.shape_cast %broadcast_in_dim3A_1 : vector<16xf32> to vector<1x1x16xf32>
      tpu.vector_store %arg8[%swap3A_65, %swap3A_66, %swap3A_67], %swap3A_70 {strides = array<i32>} : memref<2x104x128xf32, #tpu.memory_space<vmem>>, vector<1x1x16xf32>,
      %swap3A_71 = arith.constant 0 : i32
      %swap3A_72 = arith.index_cast %swap3A_71 : i32 to index
      %swap3A_73 = arith.index_cast %scan3A_57 : i32 to index
      %swap3A_74 = arith.constant 32 : index
      %swap3A_75 = tpu.vector_load %arg8[%swap3A_72, %swap3A_73, %swap3A_74] {strides = array<i32>} : memref<2x104x128xf32, #tpu.memory_space<vmem>>, vector<1x1x16xf32>,
      %swap3A_76 = vector.shape_cast %swap3A_75 : vector<1x1x16xf32> to vector<16xf32>
      %swap3A_77 = vector.shape_cast %broadcast_in_dim3A_1 : vector<16xf32> to vector<1x1x16xf32>
      tpu.vector_store %arg8[%swap3A_72, %swap3A_73, %swap3A_74], %swap3A_77 {strides = array<i32>} : memref<2x104x128xf32, #tpu.memory_space<vmem>>, vector<1x1x16xf32>,
      %swap3A_78 = arith.constant 0 : i32
      %swap3A_79 = arith.index_cast %swap3A_78 : i32 to index
      %swap3A_80 = arith.index_cast %scan3A_57 : i32 to index
      %swap3A_81 = arith.constant 48 : index
      %swap3A_82 = tpu.vector_load %arg8[%swap3A_79, %swap3A_80, %swap3A_81] {strides = array<i32>} : memref<2x104x128xf32, #tpu.memory_space<vmem>>, vector<1x1x16xf32>,
      %swap3A_83 = vector.shape_cast %swap3A_82 : vector<1x1x16xf32> to vector<16xf32>
      %swap3A_84 = vector.shape_cast %broadcast_in_dim3A_1 : vector<16xf32> to vector<1x1x16xf32>
      tpu.vector_store %arg8[%swap3A_79, %swap3A_80, %swap3A_81], %swap3A_84 {strides = array<i32>} : memref<2x104x128xf32, #tpu.memory_space<vmem>>, vector<1x1x16xf32>,
      %swap3A_85 = arith.constant 0 : i32
      %swap3A_86 = arith.index_cast %swap3A_85 : i32 to index
      %swap3A_87 = arith.index_cast %scan3A_57 : i32 to index
      %swap3A_88 = arith.constant 64 : index
      %swap3A_89 = tpu.vector_load %arg8[%swap3A_86, %swap3A_87, %swap3A_88] {strides = array<i32>} : memref<2x104x128xf32, #tpu.memory_space<vmem>>, vector<1x1x16xf32>,
      %swap3A_90 = vector.shape_cast %swap3A_89 : vector<1x1x16xf32> to vector<16xf32>
      %swap3A_91 = vector.shape_cast %broadcast_in_dim3A_1 : vector<16xf32> to vector<1x1x16xf32>
      tpu.vector_store %arg8[%swap3A_86, %swap3A_87, %swap3A_88], %swap3A_91 {strides = array<i32>} : memref<2x104x128xf32, #tpu.memory_space<vmem>>, vector<1x1x16xf32>,
      %swap3A_92 = arith.constant 0 : i32
      %swap3A_93 = arith.index_cast %swap3A_92 : i32 to index
      %swap3A_94 = arith.index_cast %scan3A_57 : i32 to index
      %swap3A_95 = arith.constant 80 : index
      %swap3A_96 = tpu.vector_load %arg8[%swap3A_93, %swap3A_94, %swap3A_95] {strides = array<i32>} : memref<2x104x128xf32, #tpu.memory_space<vmem>>, vector<1x1x16xf32>,
      %swap3A_97 = vector.shape_cast %swap3A_96 : vector<1x1x16xf32> to vector<16xf32>
      %swap3A_98 = vector.shape_cast %broadcast_in_dim3A_1 : vector<16xf32> to vector<1x1x16xf32>
      tpu.vector_store %arg8[%swap3A_93, %swap3A_94, %swap3A_95], %swap3A_98 {strides = array<i32>} : memref<2x104x128xf32, #tpu.memory_space<vmem>>, vector<1x1x16xf32>,
      %swap3A_99 = arith.constant 0 : i32
      %swap3A_100 = arith.index_cast %swap3A_99 : i32 to index
      %swap3A_101 = arith.index_cast %scan3A_57 : i32 to index
      %swap3A_102 = arith.constant 96 : index
      %swap3A_103 = tpu.vector_load %arg8[%swap3A_100, %swap3A_101, %swap3A_102] {strides = array<i32>} : memref<2x104x128xf32, #tpu.memory_space<vmem>>, vector<1x1x16xf32>,
      %swap3A_104 = vector.shape_cast %swap3A_103 : vector<1x1x16xf32> to vector<16xf32>
      %swap3A_105 = vector.shape_cast %broadcast_in_dim3A_1 : vector<16xf32> to vector<1x1x16xf32>
      tpu.vector_store %arg8[%swap3A_100, %swap3A_101, %swap3A_102], %swap3A_105 {strides = array<i32>} : memref<2x104x128xf32, #tpu.memory_space<vmem>>, vector<1x1x16xf32>,
      %swap3A_106 = arith.constant 0 : i32
      %swap3A_107 = arith.index_cast %swap3A_106 : i32 to index
      %swap3A_108 = arith.index_cast %scan3A_57 : i32 to index
      %swap3A_109 = arith.constant 112 : index
      %swap3A_110 = tpu.vector_load %arg8[%swap3A_107, %swap3A_108, %swap3A_109] {strides = array<i32>} : memref<2x104x128xf32, #tpu.memory_space<vmem>>, vector<1x1x16xf32>,
      %swap3A_111 = vector.shape_cast %swap3A_110 : vector<1x1x16xf32> to vector<16xf32>
      %swap3A_112 = vector.shape_cast %broadcast_in_dim3A_1 : vector<16xf32> to vector<1x1x16xf32>
      tpu.vector_store %arg8[%swap3A_107, %swap3A_108, %swap3A_109], %swap3A_112 {strides = array<i32>} : memref<2x104x128xf32, #tpu.memory_space<vmem>>, vector<1x1x16xf32>,
    }
    %scan3A_6 = arith.constant 104 : i32
    %mul3A_7 = arith.constant 632 : i32
    %mul3A_8 = arith.muli %arg1, %mul3A_7 : i32
    %add3A_9 = arith.constant 0 : i32
    %add3A_10 = arith.addi %mul3A_8, %add3A_9 : i32
    %run_scoped3A = arith.constant 0 : i32
    "tpu.region"() ({
      %run_scoped3A_57 = tpu.sem_alloc : memref<!tpu.dma_semaphore, #tpu.memory_space<semaphore_mem>>
      %dma_start3A_58 = arith.constant 0 : i32
      %dma_start3A_59 = arith.constant 0 : i32
      %dma_start3A_60 = tpu.memref_slice %arg8[%run_scoped3A, %dma_start3A_58, %dma_start3A_59] : memref<2x104x128xf32, #tpu.memory_space<vmem>> -> memref<1x104x128xf32, #tpu.memory_space<vmem>>
      %dma_start3A_61 = tpu.memref_squeeze %dma_start3A_60 : memref<1x104x128xf32, #tpu.memory_space<vmem>> -> memref<104x128xf32, #tpu.memory_space<vmem>>
      %dma_start3A_62 = arith.constant 0 : i32
      %dma_start3A_63 = tpu.memref_slice %arg9[%add3A_10, %dma_start3A_62] : memref<10112x128xf32, #tpu.memory_space<vmem_shared>> -> memref<104x128xf32, #tpu.memory_space<vmem_shared>>
      %dma_start3A_64 = arith.constant 0 : i32
      %dma_start3A_65 = tpu.memref_slice %arg9[%add3A_10, %dma_start3A_64] : memref<10112x128xf32, #tpu.memory_space<vmem_shared>> -> memref<104x128xf32, #tpu.memory_space<vmem_shared>>
      %dma_start3A_66 = arith.constant 0 : i32
      %dma_start3A_67 = arith.constant 0 : i32
      %dma_start3A_68 = tpu.memref_slice %arg8[%run_scoped3A, %dma_start3A_66, %dma_start3A_67] : memref<2x104x128xf32, #tpu.memory_space<vmem>> -> memref<1x104x128xf32, #tpu.memory_space<vmem>>
      %dma_start3A_69 = tpu.memref_squeeze %dma_start3A_68 : memref<1x104x128xf32, #tpu.memory_space<vmem>> -> memref<104x128xf32, #tpu.memory_space<vmem>>
      tpu.enqueue_dma source(%dma_start3A_69 : memref<104x128xf32, #tpu.memory_space<vmem>>) target(%dma_start3A_65 : memref<104x128xf32, #tpu.memory_space<vmem_shared>>) target_semaphore(%run_scoped3A_57 : memref<!tpu.dma_semaphore, #tpu.memory_space<semaphore_mem>>)
      %dma_wait3A = arith.constant 0 : i32
      %dma_wait3A_70 = arith.constant 0 : i32
      %dma_wait3A_71 = tpu.memref_slice %arg8[%run_scoped3A, %dma_wait3A, %dma_wait3A_70] : memref<2x104x128xf32, #tpu.memory_space<vmem>> -> memref<1x104x128xf32, #tpu.memory_space<vmem>>
      %dma_wait3A_72 = tpu.memref_squeeze %dma_wait3A_71 : memref<1x104x128xf32, #tpu.memory_space<vmem>> -> memref<104x128xf32, #tpu.memory_space<vmem>>
      %dma_wait3A_73 = arith.constant 0 : i32
      %dma_wait3A_74 = tpu.memref_slice %arg9[%add3A_10, %dma_wait3A_73] : memref<10112x128xf32, #tpu.memory_space<vmem_shared>> -> memref<104x128xf32, #tpu.memory_space<vmem_shared>>
      %dma_wait3A_75 = arith.constant 0 : i32
      %dma_wait3A_76 = tpu.memref_slice %arg9[%add3A_10, %dma_wait3A_75] : memref<10112x128xf32, #tpu.memory_space<vmem_shared>> -> memref<104x128xf32, #tpu.memory_space<vmem_shared>>
      %dma_wait3A_77 = arith.constant 0 : i32
      %dma_wait3A_78 = arith.constant 0 : i32
      %dma_wait3A_79 = tpu.memref_slice %arg8[%run_scoped3A, %dma_wait3A_77, %dma_wait3A_78] : memref<2x104x128xf32, #tpu.memory_space<vmem>> -> memref<1x104x128xf32, #tpu.memory_space<vmem>>
      %dma_wait3A_80 = tpu.memref_squeeze %dma_wait3A_79 : memref<1x104x128xf32, #tpu.memory_space<vmem>> -> memref<104x128xf32, #tpu.memory_space<vmem>>
      tpu.wait_dma2 semaphore(%run_scoped3A_57 : memref<!tpu.dma_semaphore, #tpu.memory_space<semaphore_mem>>) src(%dma_wait3A_80 : memref<104x128xf32, #tpu.memory_space<vmem>>) dst(%dma_wait3A_76 : memref<104x128xf32, #tpu.memory_space<vmem_shared>>)
      tpu.yield
    }) : () -> ()
    %add3A_11 = arith.constant 104 : i32
    %add3A_12 = arith.addi %mul3A_8, %add3A_11 : i32
    %run_scoped3A_13 = arith.constant 0 : i32
    "tpu.region"() ({
      %run_scoped3A_57 = tpu.sem_alloc : memref<!tpu.dma_semaphore, #tpu.memory_space<semaphore_mem>>
      %dma_start3A_58 = arith.constant 0 : i32
      %dma_start3A_59 = arith.constant 0 : i32
      %dma_start3A_60 = tpu.memref_slice %arg8[%run_scoped3A_13, %dma_start3A_58, %dma_start3A_59] : memref<2x104x128xf32, #tpu.memory_space<vmem>> -> memref<1x104x128xf32, #tpu.memory_space<vmem>>
      %dma_start3A_61 = tpu.memref_squeeze %dma_start3A_60 : memref<1x104x128xf32, #tpu.memory_space<vmem>> -> memref<104x128xf32, #tpu.memory_space<vmem>>
      %dma_start3A_62 = arith.constant 0 : i32
      %dma_start3A_63 = tpu.memref_slice %arg9[%add3A_12, %dma_start3A_62] : memref<10112x128xf32, #tpu.memory_space<vmem_shared>> -> memref<104x128xf32, #tpu.memory_space<vmem_shared>>
      %dma_start3A_64 = arith.constant 0 : i32
      %dma_start3A_65 = tpu.memref_slice %arg9[%add3A_12, %dma_start3A_64] : memref<10112x128xf32, #tpu.memory_space<vmem_shared>> -> memref<104x128xf32, #tpu.memory_space<vmem_shared>>
      %dma_start3A_66 = arith.constant 0 : i32
      %dma_start3A_67 = arith.constant 0 : i32
      %dma_start3A_68 = tpu.memref_slice %arg8[%run_scoped3A_13, %dma_start3A_66, %dma_start3A_67] : memref<2x104x128xf32, #tpu.memory_space<vmem>> -> memref<1x104x128xf32, #tpu.memory_space<vmem>>
      %dma_start3A_69 = tpu.memref_squeeze %dma_start3A_68 : memref<1x104x128xf32, #tpu.memory_space<vmem>> -> memref<104x128xf32, #tpu.memory_space<vmem>>
      tpu.enqueue_dma source(%dma_start3A_69 : memref<104x128xf32, #tpu.memory_space<vmem>>) target(%dma_start3A_65 : memref<104x128xf32, #tpu.memory_space<vmem_shared>>) target_semaphore(%run_scoped3A_57 : memref<!tpu.dma_semaphore, #tpu.memory_space<semaphore_mem>>)
      %dma_wait3A = arith.constant 0 : i32
      %dma_wait3A_70 = arith.constant 0 : i32
      %dma_wait3A_71 = tpu.memref_slice %arg8[%run_scoped3A_13, %dma_wait3A, %dma_wait3A_70] : memref<2x104x128xf32, #tpu.memory_space<vmem>> -> memref<1x104x128xf32, #tpu.memory_space<vmem>>
      %dma_wait3A_72 = tpu.memref_squeeze %dma_wait3A_71 : memref<1x104x128xf32, #tpu.memory_space<vmem>> -> memref<104x128xf32, #tpu.memory_space<vmem>>
      %dma_wait3A_73 = arith.constant 0 : i32
      %dma_wait3A_74 = tpu.memref_slice %arg9[%add3A_12, %dma_wait3A_73] : memref<10112x128xf32, #tpu.memory_space<vmem_shared>> -> memref<104x128xf32, #tpu.memory_space<vmem_shared>>
      %dma_wait3A_75 = arith.constant 0 : i32
      %dma_wait3A_76 = tpu.memref_slice %arg9[%add3A_12, %dma_wait3A_75] : memref<10112x128xf32, #tpu.memory_space<vmem_shared>> -> memref<104x128xf32, #tpu.memory_space<vmem_shared>>
      %dma_wait3A_77 = arith.constant 0 : i32
      %dma_wait3A_78 = arith.constant 0 : i32
      %dma_wait3A_79 = tpu.memref_slice %arg8[%run_scoped3A_13, %dma_wait3A_77, %dma_wait3A_78] : memref<2x104x128xf32, #tpu.memory_space<vmem>> -> memref<1x104x128xf32, #tpu.memory_space<vmem>>
      %dma_wait3A_80 = tpu.memref_squeeze %dma_wait3A_79 : memref<1x104x128xf32, #tpu.memory_space<vmem>> -> memref<104x128xf32, #tpu.memory_space<vmem>>
      tpu.wait_dma2 semaphore(%run_scoped3A_57 : memref<!tpu.dma_semaphore, #tpu.memory_space<semaphore_mem>>) src(%dma_wait3A_80 : memref<104x128xf32, #tpu.memory_space<vmem>>) dst(%dma_wait3A_76 : memref<104x128xf32, #tpu.memory_space<vmem_shared>>)
      tpu.yield
    }) : () -> ()
    %add3A_14 = arith.constant 208 : i32
    %add3A_15 = arith.addi %mul3A_8, %add3A_14 : i32
    %run_scoped3A_16 = arith.constant 0 : i32
    "tpu.region"() ({
      %run_scoped3A_57 = tpu.sem_alloc : memref<!tpu.dma_semaphore, #tpu.memory_space<semaphore_mem>>
      %dma_start3A_58 = arith.constant 0 : i32
      %dma_start3A_59 = arith.constant 0 : i32
      %dma_start3A_60 = tpu.memref_slice %arg8[%run_scoped3A_16, %dma_start3A_58, %dma_start3A_59] : memref<2x104x128xf32, #tpu.memory_space<vmem>> -> memref<1x104x128xf32, #tpu.memory_space<vmem>>
      %dma_start3A_61 = tpu.memref_squeeze %dma_start3A_60 : memref<1x104x128xf32, #tpu.memory_space<vmem>> -> memref<104x128xf32, #tpu.memory_space<vmem>>
      %dma_start3A_62 = arith.constant 0 : i32
      %dma_start3A_63 = tpu.memref_slice %arg9[%add3A_15, %dma_start3A_62] : memref<10112x128xf32, #tpu.memory_space<vmem_shared>> -> memref<104x128xf32, #tpu.memory_space<vmem_shared>>
      %dma_start3A_64 = arith.constant 0 : i32
      %dma_start3A_65 = tpu.memref_slice %arg9[%add3A_15, %dma_start3A_64] : memref<10112x128xf32, #tpu.memory_space<vmem_shared>> -> memref<104x128xf32, #tpu.memory_space<vmem_shared>>
      %dma_start3A_66 = arith.constant 0 : i32
      %dma_start3A_67 = arith.constant 0 : i32
      %dma_start3A_68 = tpu.memref_slice %arg8[%run_scoped3A_16, %dma_start3A_66, %dma_start3A_67] : memref<2x104x128xf32, #tpu.memory_space<vmem>> -> memref<1x104x128xf32, #tpu.memory_space<vmem>>
      %dma_start3A_69 = tpu.memref_squeeze %dma_start3A_68 : memref<1x104x128xf32, #tpu.memory_space<vmem>> -> memref<104x128xf32, #tpu.memory_space<vmem>>
      tpu.enqueue_dma source(%dma_start3A_69 : memref<104x128xf32, #tpu.memory_space<vmem>>) target(%dma_start3A_65 : memref<104x128xf32, #tpu.memory_space<vmem_shared>>) target_semaphore(%run_scoped3A_57 : memref<!tpu.dma_semaphore, #tpu.memory_space<semaphore_mem>>)
      %dma_wait3A = arith.constant 0 : i32
      %dma_wait3A_70 = arith.constant 0 : i32
      %dma_wait3A_71 = tpu.memref_slice %arg8[%run_scoped3A_16, %dma_wait3A, %dma_wait3A_70] : memref<2x104x128xf32, #tpu.memory_space<vmem>> -> memref<1x104x128xf32, #tpu.memory_space<vmem>>
      %dma_wait3A_72 = tpu.memref_squeeze %dma_wait3A_71 : memref<1x104x128xf32, #tpu.memory_space<vmem>> -> memref<104x128xf32, #tpu.memory_space<vmem>>
      %dma_wait3A_73 = arith.constant 0 : i32
      %dma_wait3A_74 = tpu.memref_slice %arg9[%add3A_15, %dma_wait3A_73] : memref<10112x128xf32, #tpu.memory_space<vmem_shared>> -> memref<104x128xf32, #tpu.memory_space<vmem_shared>>
      %dma_wait3A_75 = arith.constant 0 : i32
      %dma_wait3A_76 = tpu.memref_slice %arg9[%add3A_15, %dma_wait3A_75] : memref<10112x128xf32, #tpu.memory_space<vmem_shared>> -> memref<104x128xf32, #tpu.memory_space<vmem_shared>>
      %dma_wait3A_77 = arith.constant 0 : i32
      %dma_wait3A_78 = arith.constant 0 : i32
      %dma_wait3A_79 = tpu.memref_slice %arg8[%run_scoped3A_16, %dma_wait3A_77, %dma_wait3A_78] : memref<2x104x128xf32, #tpu.memory_space<vmem>> -> memref<1x104x128xf32, #tpu.memory_space<vmem>>
      %dma_wait3A_80 = tpu.memref_squeeze %dma_wait3A_79 : memref<1x104x128xf32, #tpu.memory_space<vmem>> -> memref<104x128xf32, #tpu.memory_space<vmem>>
      tpu.wait_dma2 semaphore(%run_scoped3A_57 : memref<!tpu.dma_semaphore, #tpu.memory_space<semaphore_mem>>) src(%dma_wait3A_80 : memref<104x128xf32, #tpu.memory_space<vmem>>) dst(%dma_wait3A_76 : memref<104x128xf32, #tpu.memory_space<vmem_shared>>)
      tpu.yield
    }) : () -> ()
    %add3A_17 = arith.constant 312 : i32
    %add3A_18 = arith.addi %mul3A_8, %add3A_17 : i32
    %run_scoped3A_19 = arith.constant 0 : i32
    "tpu.region"() ({
      %run_scoped3A_57 = tpu.sem_alloc : memref<!tpu.dma_semaphore, #tpu.memory_space<semaphore_mem>>
      %dma_start3A_58 = arith.constant 0 : i32
      %dma_start3A_59 = arith.constant 0 : i32
      %dma_start3A_60 = tpu.memref_slice %arg8[%run_scoped3A_19, %dma_start3A_58, %dma_start3A_59] : memref<2x104x128xf32, #tpu.memory_space<vmem>> -> memref<1x104x128xf32, #tpu.memory_space<vmem>>
      %dma_start3A_61 = tpu.memref_squeeze %dma_start3A_60 : memref<1x104x128xf32, #tpu.memory_space<vmem>> -> memref<104x128xf32, #tpu.memory_space<vmem>>
      %dma_start3A_62 = arith.constant 0 : i32
      %dma_start3A_63 = tpu.memref_slice %arg9[%add3A_18, %dma_start3A_62] : memref<10112x128xf32, #tpu.memory_space<vmem_shared>> -> memref<104x128xf32, #tpu.memory_space<vmem_shared>>
      %dma_start3A_64 = arith.constant 0 : i32
      %dma_start3A_65 = tpu.memref_slice %arg9[%add3A_18, %dma_start3A_64] : memref<10112x128xf32, #tpu.memory_space<vmem_shared>> -> memref<104x128xf32, #tpu.memory_space<vmem_shared>>
      %dma_start3A_66 = arith.constant 0 : i32
      %dma_start3A_67 = arith.constant 0 : i32
      %dma_start3A_68 = tpu.memref_slice %arg8[%run_scoped3A_19, %dma_start3A_66, %dma_start3A_67] : memref<2x104x128xf32, #tpu.memory_space<vmem>> -> memref<1x104x128xf32, #tpu.memory_space<vmem>>
      %dma_start3A_69 = tpu.memref_squeeze %dma_start3A_68 : memref<1x104x128xf32, #tpu.memory_space<vmem>> -> memref<104x128xf32, #tpu.memory_space<vmem>>
      tpu.enqueue_dma source(%dma_start3A_69 : memref<104x128xf32, #tpu.memory_space<vmem>>) target(%dma_start3A_65 : memref<104x128xf32, #tpu.memory_space<vmem_shared>>) target_semaphore(%run_scoped3A_57 : memref<!tpu.dma_semaphore, #tpu.memory_space<semaphore_mem>>)
      %dma_wait3A = arith.constant 0 : i32
      %dma_wait3A_70 = arith.constant 0 : i32
      %dma_wait3A_71 = tpu.memref_slice %arg8[%run_scoped3A_19, %dma_wait3A, %dma_wait3A_70] : memref<2x104x128xf32, #tpu.memory_space<vmem>> -> memref<1x104x128xf32, #tpu.memory_space<vmem>>
      %dma_wait3A_72 = tpu.memref_squeeze %dma_wait3A_71 : memref<1x104x128xf32, #tpu.memory_space<vmem>> -> memref<104x128xf32, #tpu.memory_space<vmem>>
      %dma_wait3A_73 = arith.constant 0 : i32
      %dma_wait3A_74 = tpu.memref_slice %arg9[%add3A_18, %dma_wait3A_73] : memref<10112x128xf32, #tpu.memory_space<vmem_shared>> -> memref<104x128xf32, #tpu.memory_space<vmem_shared>>
      %dma_wait3A_75 = arith.constant 0 : i32
      %dma_wait3A_76 = tpu.memref_slice %arg9[%add3A_18, %dma_wait3A_75] : memref<10112x128xf32, #tpu.memory_space<vmem_shared>> -> memref<104x128xf32, #tpu.memory_space<vmem_shared>>
      %dma_wait3A_77 = arith.constant 0 : i32
      %dma_wait3A_78 = arith.constant 0 : i32
      %dma_wait3A_79 = tpu.memref_slice %arg8[%run_scoped3A_19, %dma_wait3A_77, %dma_wait3A_78] : memref<2x104x128xf32, #tpu.memory_space<vmem>> -> memref<1x104x128xf32, #tpu.memory_space<vmem>>
      %dma_wait3A_80 = tpu.memref_squeeze %dma_wait3A_79 : memref<1x104x128xf32, #tpu.memory_space<vmem>> -> memref<104x128xf32, #tpu.memory_space<vmem>>
      tpu.wait_dma2 semaphore(%run_scoped3A_57 : memref<!tpu.dma_semaphore, #tpu.memory_space<semaphore_mem>>) src(%dma_wait3A_80 : memref<104x128xf32, #tpu.memory_space<vmem>>) dst(%dma_wait3A_76 : memref<104x128xf32, #tpu.memory_space<vmem_shared>>)
      tpu.yield
    }) : () -> ()
    %add3A_20 = arith.constant 416 : i32
    %add3A_21 = arith.addi %mul3A_8, %add3A_20 : i32
    %run_scoped3A_22 = arith.constant 0 : i32
    "tpu.region"() ({
      %run_scoped3A_57 = tpu.sem_alloc : memref<!tpu.dma_semaphore, #tpu.memory_space<semaphore_mem>>
      %dma_start3A_58 = arith.constant 0 : i32
      %dma_start3A_59 = arith.constant 0 : i32
      %dma_start3A_60 = tpu.memref_slice %arg8[%run_scoped3A_22, %dma_start3A_58, %dma_start3A_59] : memref<2x104x128xf32, #tpu.memory_space<vmem>> -> memref<1x104x128xf32, #tpu.memory_space<vmem>>
      %dma_start3A_61 = tpu.memref_squeeze %dma_start3A_60 : memref<1x104x128xf32, #tpu.memory_space<vmem>> -> memref<104x128xf32, #tpu.memory_space<vmem>>
      %dma_start3A_62 = arith.constant 0 : i32
      %dma_start3A_63 = tpu.memref_slice %arg9[%add3A_21, %dma_start3A_62] : memref<10112x128xf32, #tpu.memory_space<vmem_shared>> -> memref<104x128xf32, #tpu.memory_space<vmem_shared>>
      %dma_start3A_64 = arith.constant 0 : i32
      %dma_start3A_65 = tpu.memref_slice %arg9[%add3A_21, %dma_start3A_64] : memref<10112x128xf32, #tpu.memory_space<vmem_shared>> -> memref<104x128xf32, #tpu.memory_space<vmem_shared>>
      %dma_start3A_66 = arith.constant 0 : i32
      %dma_start3A_67 = arith.constant 0 : i32
      %dma_start3A_68 = tpu.memref_slice %arg8[%run_scoped3A_22, %dma_start3A_66, %dma_start3A_67] : memref<2x104x128xf32, #tpu.memory_space<vmem>> -> memref<1x104x128xf32, #tpu.memory_space<vmem>>
      %dma_start3A_69 = tpu.memref_squeeze %dma_start3A_68 : memref<1x104x128xf32, #tpu.memory_space<vmem>> -> memref<104x128xf32, #tpu.memory_space<vmem>>
      tpu.enqueue_dma source(%dma_start3A_69 : memref<104x128xf32, #tpu.memory_space<vmem>>) target(%dma_start3A_65 : memref<104x128xf32, #tpu.memory_space<vmem_shared>>) target_semaphore(%run_scoped3A_57 : memref<!tpu.dma_semaphore, #tpu.memory_space<semaphore_mem>>)
      %dma_wait3A = arith.constant 0 : i32
      %dma_wait3A_70 = arith.constant 0 : i32
      %dma_wait3A_71 = tpu.memref_slice %arg8[%run_scoped3A_22, %dma_wait3A, %dma_wait3A_70] : memref<2x104x128xf32, #tpu.memory_space<vmem>> -> memref<1x104x128xf32, #tpu.memory_space<vmem>>
      %dma_wait3A_72 = tpu.memref_squeeze %dma_wait3A_71 : memref<1x104x128xf32, #tpu.memory_space<vmem>> -> memref<104x128xf32, #tpu.memory_space<vmem>>
      %dma_wait3A_73 = arith.constant 0 : i32
      %dma_wait3A_74 = tpu.memref_slice %arg9[%add3A_21, %dma_wait3A_73] : memref<10112x128xf32, #tpu.memory_space<vmem_shared>> -> memref<104x128xf32, #tpu.memory_space<vmem_shared>>
      %dma_wait3A_75 = arith.constant 0 : i32
      %dma_wait3A_76 = tpu.memref_slice %arg9[%add3A_21, %dma_wait3A_75] : memref<10112x128xf32, #tpu.memory_space<vmem_shared>> -> memref<104x128xf32, #tpu.memory_space<vmem_shared>>
      %dma_wait3A_77 = arith.constant 0 : i32
      %dma_wait3A_78 = arith.constant 0 : i32
      %dma_wait3A_79 = tpu.memref_slice %arg8[%run_scoped3A_22, %dma_wait3A_77, %dma_wait3A_78] : memref<2x104x128xf32, #tpu.memory_space<vmem>> -> memref<1x104x128xf32, #tpu.memory_space<vmem>>
      %dma_wait3A_80 = tpu.memref_squeeze %dma_wait3A_79 : memref<1x104x128xf32, #tpu.memory_space<vmem>> -> memref<104x128xf32, #tpu.memory_space<vmem>>
      tpu.wait_dma2 semaphore(%run_scoped3A_57 : memref<!tpu.dma_semaphore, #tpu.memory_space<semaphore_mem>>) src(%dma_wait3A_80 : memref<104x128xf32, #tpu.memory_space<vmem>>) dst(%dma_wait3A_76 : memref<104x128xf32, #tpu.memory_space<vmem_shared>>)
      tpu.yield
    }) : () -> ()
    %add3A_23 = arith.constant 520 : i32
    %add3A_24 = arith.addi %mul3A_8, %add3A_23 : i32
    %run_scoped3A_25 = arith.constant 0 : i32
    "tpu.region"() ({
      %run_scoped3A_57 = tpu.sem_alloc : memref<!tpu.dma_semaphore, #tpu.memory_space<semaphore_mem>>
      %dma_start3A_58 = arith.constant 0 : i32
      %dma_start3A_59 = arith.constant 0 : i32
      %dma_start3A_60 = tpu.memref_slice %arg8[%run_scoped3A_25, %dma_start3A_58, %dma_start3A_59] : memref<2x104x128xf32, #tpu.memory_space<vmem>> -> memref<1x104x128xf32, #tpu.memory_space<vmem>>
      %dma_start3A_61 = tpu.memref_squeeze %dma_start3A_60 : memref<1x104x128xf32, #tpu.memory_space<vmem>> -> memref<104x128xf32, #tpu.memory_space<vmem>>
      %dma_start3A_62 = arith.constant 0 : i32
      %dma_start3A_63 = tpu.memref_slice %arg9[%add3A_24, %dma_start3A_62] : memref<10112x128xf32, #tpu.memory_space<vmem_shared>> -> memref<104x128xf32, #tpu.memory_space<vmem_shared>>
      %dma_start3A_64 = arith.constant 0 : i32
      %dma_start3A_65 = tpu.memref_slice %arg9[%add3A_24, %dma_start3A_64] : memref<10112x128xf32, #tpu.memory_space<vmem_shared>> -> memref<104x128xf32, #tpu.memory_space<vmem_shared>>
      %dma_start3A_66 = arith.constant 0 : i32
      %dma_start3A_67 = arith.constant 0 : i32
      %dma_start3A_68 = tpu.memref_slice %arg8[%run_scoped3A_25, %dma_start3A_66, %dma_start3A_67] : memref<2x104x128xf32, #tpu.memory_space<vmem>> -> memref<1x104x128xf32, #tpu.memory_space<vmem>>
      %dma_start3A_69 = tpu.memref_squeeze %dma_start3A_68 : memref<1x104x128xf32, #tpu.memory_space<vmem>> -> memref<104x128xf32, #tpu.memory_space<vmem>>
      tpu.enqueue_dma source(%dma_start3A_69 : memref<104x128xf32, #tpu.memory_space<vmem>>) target(%dma_start3A_65 : memref<104x128xf32, #tpu.memory_space<vmem_shared>>) target_semaphore(%run_scoped3A_57 : memref<!tpu.dma_semaphore, #tpu.memory_space<semaphore_mem>>)
      %dma_wait3A = arith.constant 0 : i32
      %dma_wait3A_70 = arith.constant 0 : i32
      %dma_wait3A_71 = tpu.memref_slice %arg8[%run_scoped3A_25, %dma_wait3A, %dma_wait3A_70] : memref<2x104x128xf32, #tpu.memory_space<vmem>> -> memref<1x104x128xf32, #tpu.memory_space<vmem>>
      %dma_wait3A_72 = tpu.memref_squeeze %dma_wait3A_71 : memref<1x104x128xf32, #tpu.memory_space<vmem>> -> memref<104x128xf32, #tpu.memory_space<vmem>>
      %dma_wait3A_73 = arith.constant 0 : i32
      %dma_wait3A_74 = tpu.memref_slice %arg9[%add3A_24, %dma_wait3A_73] : memref<10112x128xf32, #tpu.memory_space<vmem_shared>> -> memref<104x128xf32, #tpu.memory_space<vmem_shared>>
      %dma_wait3A_75 = arith.constant 0 : i32
      %dma_wait3A_76 = tpu.memref_slice %arg9[%add3A_24, %dma_wait3A_75] : memref<10112x128xf32, #tpu.memory_space<vmem_shared>> -> memref<104x128xf32, #tpu.memory_space<vmem_shared>>
      %dma_wait3A_77 = arith.constant 0 : i32
      %dma_wait3A_78 = arith.constant 0 : i32
      %dma_wait3A_79 = tpu.memref_slice %arg8[%run_scoped3A_25, %dma_wait3A_77, %dma_wait3A_78] : memref<2x104x128xf32, #tpu.memory_space<vmem>> -> memref<1x104x128xf32, #tpu.memory_space<vmem>>
      %dma_wait3A_80 = tpu.memref_squeeze %dma_wait3A_79 : memref<1x104x128xf32, #tpu.memory_space<vmem>> -> memref<104x128xf32, #tpu.memory_space<vmem>>
      tpu.wait_dma2 semaphore(%run_scoped3A_57 : memref<!tpu.dma_semaphore, #tpu.memory_space<semaphore_mem>>) src(%dma_wait3A_80 : memref<104x128xf32, #tpu.memory_space<vmem>>) dst(%dma_wait3A_76 : memref<104x128xf32, #tpu.memory_space<vmem_shared>>)
      tpu.yield
    }) : () -> ()
    %add3A_26 = arith.constant 624 : i32
    %add3A_27 = arith.addi %mul3A_8, %add3A_26 : i32
    %run_scoped3A_28 = arith.constant 0 : i32
    "tpu.region"() ({
      %run_scoped3A_57 = tpu.sem_alloc : memref<!tpu.dma_semaphore, #tpu.memory_space<semaphore_mem>>
      %dma_start3A_58 = arith.constant 0 : i32
      %dma_start3A_59 = arith.constant 0 : i32
      %dma_start3A_60 = tpu.memref_slice %arg8[%run_scoped3A_28, %dma_start3A_58, %dma_start3A_59] : memref<2x104x128xf32, #tpu.memory_space<vmem>> -> memref<1x104x128xf32, #tpu.memory_space<vmem>>
      %dma_start3A_61 = tpu.memref_squeeze %dma_start3A_60 : memref<1x104x128xf32, #tpu.memory_space<vmem>> -> memref<104x128xf32, #tpu.memory_space<vmem>>
      %dma_start3A_62 = arith.constant 0 : i32
      %dma_start3A_63 = arith.constant 0 : i32
      %dma_start3A_64 = tpu.memref_slice %dma_start3A_61[%dma_start3A_62, %dma_start3A_63] : memref<104x128xf32, #tpu.memory_space<vmem>> -> memref<8x128xf32, #tpu.memory_space<vmem>>
      %dma_start3A_65 = arith.constant 0 : i32
      %dma_start3A_66 = tpu.memref_slice %arg9[%add3A_27, %dma_start3A_65] : memref<10112x128xf32, #tpu.memory_space<vmem_shared>> -> memref<8x128xf32, #tpu.memory_space<vmem_shared>>
      %dma_start3A_67 = arith.constant 0 : i32
      %dma_start3A_68 = tpu.memref_slice %arg9[%add3A_27, %dma_start3A_67] : memref<10112x128xf32, #tpu.memory_space<vmem_shared>> -> memref<8x128xf32, #tpu.memory_space<vmem_shared>>
      %dma_start3A_69 = arith.constant 0 : i32
      %dma_start3A_70 = arith.constant 0 : i32
      %dma_start3A_71 = tpu.memref_slice %arg8[%run_scoped3A_28, %dma_start3A_69, %dma_start3A_70] : memref<2x104x128xf32, #tpu.memory_space<vmem>> -> memref<1x104x128xf32, #tpu.memory_space<vmem>>
      %dma_start3A_72 = tpu.memref_squeeze %dma_start3A_71 : memref<1x104x128xf32, #tpu.memory_space<vmem>> -> memref<104x128xf32, #tpu.memory_space<vmem>>
      %dma_start3A_73 = arith.constant 0 : i32
      %dma_start3A_74 = arith.constant 0 : i32
      %dma_start3A_75 = tpu.memref_slice %dma_start3A_72[%dma_start3A_73, %dma_start3A_74] : memref<104x128xf32, #tpu.memory_space<vmem>> -> memref<8x128xf32, #tpu.memory_space<vmem>>
      tpu.enqueue_dma source(%dma_start3A_75 : memref<8x128xf32, #tpu.memory_space<vmem>>) target(%dma_start3A_68 : memref<8x128xf32, #tpu.memory_space<vmem_shared>>) target_semaphore(%run_scoped3A_57 : memref<!tpu.dma_semaphore, #tpu.memory_space<semaphore_mem>>)
      %dma_wait3A = arith.constant 0 : i32
      %dma_wait3A_76 = arith.constant 0 : i32
      %dma_wait3A_77 = tpu.memref_slice %arg8[%run_scoped3A_28, %dma_wait3A, %dma_wait3A_76] : memref<2x104x128xf32, #tpu.memory_space<vmem>> -> memref<1x104x128xf32, #tpu.memory_space<vmem>>
      %dma_wait3A_78 = tpu.memref_squeeze %dma_wait3A_77 : memref<1x104x128xf32, #tpu.memory_space<vmem>> -> memref<104x128xf32, #tpu.memory_space<vmem>>
      %dma_wait3A_79 = arith.constant 0 : i32
      %dma_wait3A_80 = arith.constant 0 : i32
      %dma_wait3A_81 = tpu.memref_slice %dma_wait3A_78[%dma_wait3A_79, %dma_wait3A_80] : memref<104x128xf32, #tpu.memory_space<vmem>> -> memref<8x128xf32, #tpu.memory_space<vmem>>
      %dma_wait3A_82 = arith.constant 0 : i32
      %dma_wait3A_83 = tpu.memref_slice %arg9[%add3A_27, %dma_wait3A_82] : memref<10112x128xf32, #tpu.memory_space<vmem_shared>> -> memref<8x128xf32, #tpu.memory_space<vmem_shared>>
      %dma_wait3A_84 = arith.constant 0 : i32
      %dma_wait3A_85 = tpu.memref_slice %arg9[%add3A_27, %dma_wait3A_84] : memref<10112x128xf32, #tpu.memory_space<vmem_shared>> -> memref<8x128xf32, #tpu.memory_space<vmem_shared>>
      %dma_wait3A_86 = arith.constant 0 : i32
      %dma_wait3A_87 = arith.constant 0 : i32
      %dma_wait3A_88 = tpu.memref_slice %arg8[%run_scoped3A_28, %dma_wait3A_86, %dma_wait3A_87] : memref<2x104x128xf32, #tpu.memory_space<vmem>> -> memref<1x104x128xf32, #tpu.memory_space<vmem>>
      %dma_wait3A_89 = tpu.memref_squeeze %dma_wait3A_88 : memref<1x104x128xf32, #tpu.memory_space<vmem>> -> memref<104x128xf32, #tpu.memory_space<vmem>>
      %dma_wait3A_90 = arith.constant 0 : i32
      %dma_wait3A_91 = arith.constant 0 : i32
      %dma_wait3A_92 = tpu.memref_slice %dma_wait3A_89[%dma_wait3A_90, %dma_wait3A_91] : memref<104x128xf32, #tpu.memory_space<vmem>> -> memref<8x128xf32, #tpu.memory_space<vmem>>
      tpu.wait_dma2 semaphore(%run_scoped3A_57 : memref<!tpu.dma_semaphore, #tpu.memory_space<semaphore_mem>>) src(%dma_wait3A_92 : memref<8x128xf32, #tpu.memory_space<vmem>>) dst(%dma_wait3A_85 : memref<8x128xf32, #tpu.memory_space<vmem_shared>>)
      tpu.yield
    }) : () -> ()
    "tpu.region"() ({
      %run_scoped3A_57 = tpu.sem_alloc : memref<!tpu.dma_semaphore, #tpu.memory_space<semaphore_mem>>
      %dma_start3A_58 = arith.constant 0 : i32
      %dma_start3A_59 = tpu.memref_slice %arg3[%add3A, %dma_start3A_58] : memref<32x10192xi32, #tpu.memory_space<hbm>> -> memref<1x10192xi32, #tpu.memory_space<hbm>>
      %dma_start3A_60 = tpu.memref_squeeze %dma_start3A_59 : memref<1x10192xi32, #tpu.memory_space<hbm>> -> memref<10192xi32, #tpu.memory_space<hbm>>
      %dma_start3A_61 = arith.constant 0 : i32
      %dma_start3A_62 = tpu.memref_slice %arg3[%add3A, %dma_start3A_61] : memref<32x10192xi32, #tpu.memory_space<hbm>> -> memref<1x10192xi32, #tpu.memory_space<hbm>>
      %dma_start3A_63 = tpu.memref_squeeze %dma_start3A_62 : memref<1x10192xi32, #tpu.memory_space<hbm>> -> memref<10192xi32, #tpu.memory_space<hbm>>
      tpu.enqueue_dma source(%dma_start3A_63 : memref<10192xi32, #tpu.memory_space<hbm>>) target(%arg6 : memref<10192xi32, #tpu.memory_space<vmem>>) target_semaphore(%run_scoped3A_57 : memref<!tpu.dma_semaphore, #tpu.memory_space<semaphore_mem>>)
      %dma_wait3A = arith.constant 0 : i32
      %dma_wait3A_64 = tpu.memref_slice %arg3[%add3A, %dma_wait3A] : memref<32x10192xi32, #tpu.memory_space<hbm>> -> memref<1x10192xi32, #tpu.memory_space<hbm>>
      %dma_wait3A_65 = tpu.memref_squeeze %dma_wait3A_64 : memref<1x10192xi32, #tpu.memory_space<hbm>> -> memref<10192xi32, #tpu.memory_space<hbm>>
      %dma_wait3A_66 = arith.constant 0 : i32
      %dma_wait3A_67 = tpu.memref_slice %arg3[%add3A, %dma_wait3A_66] : memref<32x10192xi32, #tpu.memory_space<hbm>> -> memref<1x10192xi32, #tpu.memory_space<hbm>>
      %dma_wait3A_68 = tpu.memref_squeeze %dma_wait3A_67 : memref<1x10192xi32, #tpu.memory_space<hbm>> -> memref<10192xi32, #tpu.memory_space<hbm>>
      tpu.wait_dma2 semaphore(%run_scoped3A_57 : memref<!tpu.dma_semaphore, #tpu.memory_space<semaphore_mem>>) src(%dma_wait3A_68 : memref<10192xi32, #tpu.memory_space<hbm>>) dst(%arg6 : memref<10192xi32, #tpu.memory_space<vmem>>)
      tpu.yield
    }) : () -> ()
    "tpu.region"() ({
      %run_scoped3A_57 = tpu.sem_alloc : memref<!tpu.dma_semaphore, #tpu.memory_space<semaphore_mem>>
      %dma_start3A_58 = arith.constant 0 : i32
      %dma_start3A_59 = arith.constant 0 : i32
      %dma_start3A_60 = tpu.memref_slice %arg4[%add3A, %dma_start3A_58, %dma_start3A_59] : memref<32x98x104xi32, #tpu.memory_space<hbm>> -> memref<1x98x104xi32, #tpu.memory_space<hbm>>
      %dma_start3A_61 = tpu.memref_squeeze %dma_start3A_60 : memref<1x98x104xi32, #tpu.memory_space<hbm>> -> memref<98x104xi32, #tpu.memory_space<hbm>>
      %dma_start3A_62 = arith.constant 0 : i32
      %dma_start3A_63 = arith.constant 0 : i32
      %dma_start3A_64 = tpu.memref_slice %arg4[%add3A, %dma_start3A_62, %dma_start3A_63] : memref<32x98x104xi32, #tpu.memory_space<hbm>> -> memref<1x98x104xi32, #tpu.memory_space<hbm>>
      %dma_start3A_65 = tpu.memref_squeeze %dma_start3A_64 : memref<1x98x104xi32, #tpu.memory_space<hbm>> -> memref<98x104xi32, #tpu.memory_space<hbm>>
      tpu.enqueue_dma source(%dma_start3A_65 : memref<98x104xi32, #tpu.memory_space<hbm>>) target(%arg7 : memref<98x104xi32, #tpu.memory_space<vmem>>) target_semaphore(%run_scoped3A_57 : memref<!tpu.dma_semaphore, #tpu.memory_space<semaphore_mem>>)
      %dma_wait3A = arith.constant 0 : i32
      %dma_wait3A_66 = arith.constant 0 : i32
      %dma_wait3A_67 = tpu.memref_slice %arg4[%add3A, %dma_wait3A, %dma_wait3A_66] : memref<32x98x104xi32, #tpu.memory_space<hbm>> -> memref<1x98x104xi32, #tpu.memory_space<hbm>>
      %dma_wait3A_68 = tpu.memref_squeeze %dma_wait3A_67 : memref<1x98x104xi32, #tpu.memory_space<hbm>> -> memref<98x104xi32, #tpu.memory_space<hbm>>
      %dma_wait3A_69 = arith.constant 0 : i32
      %dma_wait3A_70 = arith.constant 0 : i32
      %dma_wait3A_71 = tpu.memref_slice %arg4[%add3A, %dma_wait3A_69, %dma_wait3A_70] : memref<32x98x104xi32, #tpu.memory_space<hbm>> -> memref<1x98x104xi32, #tpu.memory_space<hbm>>
      %dma_wait3A_72 = tpu.memref_squeeze %dma_wait3A_71 : memref<1x98x104xi32, #tpu.memory_space<hbm>> -> memref<98x104xi32, #tpu.memory_space<hbm>>
      tpu.wait_dma2 semaphore(%run_scoped3A_57 : memref<!tpu.dma_semaphore, #tpu.memory_space<semaphore_mem>>) src(%dma_wait3A_72 : memref<98x104xi32, #tpu.memory_space<hbm>>) dst(%arg7 : memref<98x104xi32, #tpu.memory_space<vmem>>)
      tpu.yield
    }) : () -> ()
    %barrier3A = arith.constant 0 : index
    tpu.barrier barrier_id(%barrier3A)
    %dma_start3A = arith.constant 0 : i32
    %dma_start3A_29 = arith.constant 0 : i32
    %dma_start3A_30 = arith.constant 0 : i32
    %dma_start3A_31 = tpu.memref_slice %arg8[%dma_start3A, %dma_start3A_29, %dma_start3A_30] : memref<2x104x128xf32, #tpu.memory_space<vmem>> -> memref<1x104x128xf32, #tpu.memory_space<vmem>>
    %dma_start3A_32 = tpu.memref_squeeze %dma_start3A_31 : memref<1x104x128xf32, #tpu.memory_space<vmem>> -> memref<104x128xf32, #tpu.memory_space<vmem>>
    %dma_start3A_33 = arith.constant 0 : i32
    %dma_start3A_34 = tpu.memref_slice %arg6[%dma_start3A_33] : memref<10192xi32, #tpu.memory_space<vmem>> -> memref<104xi32, #tpu.memory_space<vmem>>
    %dma_start3A_35 = arith.constant 0 : i32
    %dma_start3A_36 = arith.constant 0 : i32
    %dma_start3A_37 = tpu.memref_slice %arg2[%dma_start3A_35, %dma_start3A_36] : memref<80000x128xf32, #tpu.memory_space<hbm>> -> memref<80000x128xf32, #tpu.memory_space<hbm>>
    tpu.enqueue_indirect_dma source(%dma_start3A_37 : memref<80000x128xf32, #tpu.memory_space<hbm>>) target(%dma_start3A_32 : memref<104x128xf32, #tpu.memory_space<vmem>>) offsets(%dma_start3A_34 : memref<104xi32, #tpu.memory_space<vmem>>) semaphore(%arg10 : memref<!tpu.dma_semaphore, #tpu.memory_space<semaphore_mem>>)
    %dma_start3A_38 = arith.constant 1 : i32
    %dma_start3A_39 = arith.constant 0 : i32
    %dma_start3A_40 = arith.constant 0 : i32
    %dma_start3A_41 = tpu.memref_slice %arg8[%dma_start3A_38, %dma_start3A_39, %dma_start3A_40] : memref<2x104x128xf32, #tpu.memory_space<vmem>> -> memref<1x104x128xf32, #tpu.memory_space<vmem>>
    %dma_start3A_42 = tpu.memref_squeeze %dma_start3A_41 : memref<1x104x128xf32, #tpu.memory_space<vmem>> -> memref<104x128xf32, #tpu.memory_space<vmem>>
    %dma_start3A_43 = arith.constant 104 : i32
    %dma_start3A_44 = tpu.memref_slice %arg6[%dma_start3A_43] : memref<10192xi32, #tpu.memory_space<vmem>> -> memref<104xi32, #tpu.memory_space<vmem>>
    %dma_start3A_45 = arith.constant 0 : i32
    %dma_start3A_46 = arith.constant 0 : i32
    %dma_start3A_47 = tpu.memref_slice %arg2[%dma_start3A_45, %dma_start3A_46] : memref<80000x128xf32, #tpu.memory_space<hbm>> -> memref<80000x128xf32, #tpu.memory_space<hbm>>
    tpu.enqueue_indirect_dma source(%dma_start3A_47 : memref<80000x128xf32, #tpu.memory_space<hbm>>) target(%dma_start3A_42 : memref<104x128xf32, #tpu.memory_space<vmem>>) offsets(%dma_start3A_44 : memref<104xi32, #tpu.memory_space<vmem>>) semaphore(%arg11 : memref<!tpu.dma_semaphore, #tpu.memory_space<semaphore_mem>>)
    %scan3A_48 = arith.constant 0 : i32
    %scan3A_49 = arith.constant 0 : i32
    %scan3A_50 = arith.constant 49 : i32
    %scan3A_51 = arith.addi %scan3A_49, %scan3A_50 : i32
    %scan3A_52 = arith.constant 1 : i32
    scf.for %scan3A_57 = %scan3A_49 to %scan3A_51 step %scan3A_52  : i32 {
      %mul3A_58 = arith.constant 2 : i32
      %mul3A_59 = arith.muli %mul3A_58, %scan3A_57 : i32
      %mul3A_60 = arith.constant 104 : i32
      %mul3A_61 = arith.muli %mul3A_59, %mul3A_60 : i32
      %dma_wait3A = arith.constant 0 : i32
      %dma_wait3A_62 = arith.constant 0 : i32
      %dma_wait3A_63 = arith.constant 0 : i32
      %dma_wait3A_64 = tpu.memref_slice %arg8[%dma_wait3A, %dma_wait3A_62, %dma_wait3A_63] : memref<2x104x128xf32, #tpu.memory_space<vmem>> -> memref<1x104x128xf32, #tpu.memory_space<vmem>>
      %dma_wait3A_65 = tpu.memref_squeeze %dma_wait3A_64 : memref<1x104x128xf32, #tpu.memory_space<vmem>> -> memref<104x128xf32, #tpu.memory_space<vmem>>
      %dma_wait3A_66 = tpu.memref_slice %arg6[%mul3A_61] : memref<10192xi32, #tpu.memory_space<vmem>> -> memref<104xi32, #tpu.memory_space<vmem>>
      %dma_wait3A_67 = arith.constant 0 : i32
      %dma_wait3A_68 = arith.constant 0 : i32
      %dma_wait3A_69 = tpu.memref_slice %arg2[%dma_wait3A_67, %dma_wait3A_68] : memref<80000x128xf32, #tpu.memory_space<hbm>> -> memref<80000x128xf32, #tpu.memory_space<hbm>>
      tpu.wait_indirect_dma semaphore(%arg10 : memref<!tpu.dma_semaphore, #tpu.memory_space<semaphore_mem>>) src(%dma_wait3A_69 : memref<80000x128xf32, #tpu.memory_space<hbm>>) dst(%dma_wait3A_65 : memref<104x128xf32, #tpu.memory_space<vmem>>)
      %run_scoped3A_70 = arith.constant 0 : i32
      "tpu.region"() ({
        %run_scoped3A_98 = tpu.sem_alloc : memref<!tpu.dma_semaphore, #tpu.memory_space<semaphore_mem>>
        %dma_start3A_99 = arith.constant 0 : i32
        %dma_start3A_100 = arith.constant 0 : i32
        %dma_start3A_101 = tpu.memref_slice %arg8[%run_scoped3A_70, %dma_start3A_99, %dma_start3A_100] : memref<2x104x128xf32, #tpu.memory_space<vmem>> -> memref<1x104x128xf32, #tpu.memory_space<vmem>>
        %dma_start3A_102 = tpu.memref_squeeze %dma_start3A_101 : memref<1x104x128xf32, #tpu.memory_space<vmem>> -> memref<104x128xf32, #tpu.memory_space<vmem>>
        %dma_start3A_103 = arith.constant 0 : i32
        %dma_start3A_104 = tpu.memref_slice %arg7[%mul3A_59, %dma_start3A_103] : memref<98x104xi32, #tpu.memory_space<vmem>> -> memref<1x104xi32, #tpu.memory_space<vmem>>
        %dma_start3A_105 = tpu.memref_squeeze %dma_start3A_104 : memref<1x104xi32, #tpu.memory_space<vmem>> -> memref<104xi32, #tpu.memory_space<vmem>>
        %dma_start3A_106 = arith.constant 0 : i32
        %dma_start3A_107 = arith.constant 0 : i32
        %dma_start3A_108 = tpu.memref_slice %arg9[%dma_start3A_106, %dma_start3A_107] : memref<10112x128xf32, #tpu.memory_space<vmem_shared>> -> memref<10112x128xf32, #tpu.memory_space<vmem_shared>>
        tpu.enqueue_indirect_dma source(%dma_start3A_102 : memref<104x128xf32, #tpu.memory_space<vmem>>) target(%dma_start3A_108 : memref<10112x128xf32, #tpu.memory_space<vmem_shared>>) offsets(%dma_start3A_105 : memref<104xi32, #tpu.memory_space<vmem>>) semaphore(%run_scoped3A_98 : memref<!tpu.dma_semaphore, #tpu.memory_space<semaphore_mem>>) {add = true}
        %dma_wait3A_109 = arith.constant 0 : i32
        %dma_wait3A_110 = arith.constant 0 : i32
        %dma_wait3A_111 = tpu.memref_slice %arg8[%run_scoped3A_70, %dma_wait3A_109, %dma_wait3A_110] : memref<2x104x128xf32, #tpu.memory_space<vmem>> -> memref<1x104x128xf32, #tpu.memory_space<vmem>>
        %dma_wait3A_112 = tpu.memref_squeeze %dma_wait3A_111 : memref<1x104x128xf32, #tpu.memory_space<vmem>> -> memref<104x128xf32, #tpu.memory_space<vmem>>
        %dma_wait3A_113 = arith.constant 0 : i32
        %dma_wait3A_114 = tpu.memref_slice %arg7[%mul3A_59, %dma_wait3A_113] : memref<98x104xi32, #tpu.memory_space<vmem>> -> memref<1x104xi32, #tpu.memory_space<vmem>>
        %dma_wait3A_115 = tpu.memref_squeeze %dma_wait3A_114 : memref<1x104xi32, #tpu.memory_space<vmem>> -> memref<104xi32, #tpu.memory_space<vmem>>
        %dma_wait3A_116 = arith.constant 0 : i32
        %dma_wait3A_117 = arith.constant 0 : i32
        %dma_wait3A_118 = tpu.memref_slice %arg9[%dma_wait3A_116, %dma_wait3A_117] : memref<10112x128xf32, #tpu.memory_space<vmem_shared>> -> memref<10112x128xf32, #tpu.memory_space<vmem_shared>>
        tpu.wait_indirect_dma semaphore(%run_scoped3A_98 : memref<!tpu.dma_semaphore, #tpu.memory_space<semaphore_mem>>) src(%dma_wait3A_112 : memref<104x128xf32, #tpu.memory_space<vmem>>) dst(%dma_wait3A_118 : memref<10112x128xf32, #tpu.memory_space<vmem_shared>>)
        tpu.yield
      }) : () -> ()
      %add3A_71 = arith.constant 2 : i32
      %add3A_72 = arith.addi %mul3A_59, %add3A_71 : i32
      %lt3A = arith.constant 98 : i32
      %lt3A_73 = arith.cmpi slt, %add3A_72, %lt3A : i32
      %convert_element_type3A = arith.extui %lt3A_73 : i1 to i32
      %cond3A = arith.constant 0 : i32
      %cond3A_74 = arith.cmpi ne, %convert_element_type3A, %cond3A : i32
      scf.if %cond3A_74 {
        %add3A_98 = arith.constant 2 : i32
        %add3A_99 = arith.addi %mul3A_59, %add3A_98 : i32
        %mul3A_100 = arith.constant 104 : i32
        %mul3A_101 = arith.muli %add3A_99, %mul3A_100 : i32
        %dma_start3A_102 = arith.constant 0 : i32
        %dma_start3A_103 = arith.constant 0 : i32
        %dma_start3A_104 = arith.constant 0 : i32
        %dma_start3A_105 = tpu.memref_slice %arg8[%dma_start3A_102, %dma_start3A_103, %dma_start3A_104] : memref<2x104x128xf32, #tpu.memory_space<vmem>> -> memref<1x104x128xf32, #tpu.memory_space<vmem>>
        %dma_start3A_106 = tpu.memref_squeeze %dma_start3A_105 : memref<1x104x128xf32, #tpu.memory_space<vmem>> -> memref<104x128xf32, #tpu.memory_space<vmem>>
        %dma_start3A_107 = tpu.memref_slice %arg6[%mul3A_101] : memref<10192xi32, #tpu.memory_space<vmem>> -> memref<104xi32, #tpu.memory_space<vmem>>
        %dma_start3A_108 = arith.constant 0 : i32
        %dma_start3A_109 = arith.constant 0 : i32
        %dma_start3A_110 = tpu.memref_slice %arg2[%dma_start3A_108, %dma_start3A_109] : memref<80000x128xf32, #tpu.memory_space<hbm>> -> memref<80000x128xf32, #tpu.memory_space<hbm>>
        tpu.enqueue_indirect_dma source(%dma_start3A_110 : memref<80000x128xf32, #tpu.memory_space<hbm>>) target(%dma_start3A_106 : memref<104x128xf32, #tpu.memory_space<vmem>>) offsets(%dma_start3A_107 : memref<104xi32, #tpu.memory_space<vmem>>) semaphore(%arg10 : memref<!tpu.dma_semaphore, #tpu.memory_space<semaphore_mem>>)
      } else {
      }
      %add3A_75 = arith.constant 1 : i32
      %add3A_76 = arith.addi %mul3A_59, %add3A_75 : i32
      %mul3A_77 = arith.constant 104 : i32
      %mul3A_78 = arith.muli %add3A_76, %mul3A_77 : i32
      %dma_wait3A_79 = arith.constant 1 : i32
      %dma_wait3A_80 = arith.constant 0 : i32
      %dma_wait3A_81 = arith.constant 0 : i32
      %dma_wait3A_82 = tpu.memref_slice %arg8[%dma_wait3A_79, %dma_wait3A_80, %dma_wait3A_81] : memref<2x104x128xf32, #tpu.memory_space<vmem>> -> memref<1x104x128xf32, #tpu.memory_space<vmem>>
      %dma_wait3A_83 = tpu.memref_squeeze %dma_wait3A_82 : memref<1x104x128xf32, #tpu.memory_space<vmem>> -> memref<104x128xf32, #tpu.memory_space<vmem>>
      %dma_wait3A_84 = tpu.memref_slice %arg6[%mul3A_78] : memref<10192xi32, #tpu.memory_space<vmem>> -> memref<104xi32, #tpu.memory_space<vmem>>
      %dma_wait3A_85 = arith.constant 0 : i32
      %dma_wait3A_86 = arith.constant 0 : i32
      %dma_wait3A_87 = tpu.memref_slice %arg2[%dma_wait3A_85, %dma_wait3A_86] : memref<80000x128xf32, #tpu.memory_space<hbm>> -> memref<80000x128xf32, #tpu.memory_space<hbm>>
      tpu.wait_indirect_dma semaphore(%arg11 : memref<!tpu.dma_semaphore, #tpu.memory_space<semaphore_mem>>) src(%dma_wait3A_87 : memref<80000x128xf32, #tpu.memory_space<hbm>>) dst(%dma_wait3A_83 : memref<104x128xf32, #tpu.memory_space<vmem>>)
      %add3A_88 = arith.constant 1 : i32
      %add3A_89 = arith.addi %mul3A_59, %add3A_88 : i32
      %run_scoped3A_90 = arith.constant 1 : i32
      "tpu.region"() ({
        %run_scoped3A_98 = tpu.sem_alloc : memref<!tpu.dma_semaphore, #tpu.memory_space<semaphore_mem>>
        %dma_start3A_99 = arith.constant 0 : i32
        %dma_start3A_100 = arith.constant 0 : i32
        %dma_start3A_101 = tpu.memref_slice %arg8[%run_scoped3A_90, %dma_start3A_99, %dma_start3A_100] : memref<2x104x128xf32, #tpu.memory_space<vmem>> -> memref<1x104x128xf32, #tpu.memory_space<vmem>>
        %dma_start3A_102 = tpu.memref_squeeze %dma_start3A_101 : memref<1x104x128xf32, #tpu.memory_space<vmem>> -> memref<104x128xf32, #tpu.memory_space<vmem>>
        %dma_start3A_103 = arith.constant 0 : i32
        %dma_start3A_104 = tpu.memref_slice %arg7[%add3A_89, %dma_start3A_103] : memref<98x104xi32, #tpu.memory_space<vmem>> -> memref<1x104xi32, #tpu.memory_space<vmem>>
        %dma_start3A_105 = tpu.memref_squeeze %dma_start3A_104 : memref<1x104xi32, #tpu.memory_space<vmem>> -> memref<104xi32, #tpu.memory_space<vmem>>
        %dma_start3A_106 = arith.constant 0 : i32
        %dma_start3A_107 = arith.constant 0 : i32
        %dma_start3A_108 = tpu.memref_slice %arg9[%dma_start3A_106, %dma_start3A_107] : memref<10112x128xf32, #tpu.memory_space<vmem_shared>> -> memref<10112x128xf32, #tpu.memory_space<vmem_shared>>
        tpu.enqueue_indirect_dma source(%dma_start3A_102 : memref<104x128xf32, #tpu.memory_space<vmem>>) target(%dma_start3A_108 : memref<10112x128xf32, #tpu.memory_space<vmem_shared>>) offsets(%dma_start3A_105 : memref<104xi32, #tpu.memory_space<vmem>>) semaphore(%run_scoped3A_98 : memref<!tpu.dma_semaphore, #tpu.memory_space<semaphore_mem>>) {add = true}
        %dma_wait3A_109 = arith.constant 0 : i32
        %dma_wait3A_110 = arith.constant 0 : i32
        %dma_wait3A_111 = tpu.memref_slice %arg8[%run_scoped3A_90, %dma_wait3A_109, %dma_wait3A_110] : memref<2x104x128xf32, #tpu.memory_space<vmem>> -> memref<1x104x128xf32, #tpu.memory_space<vmem>>
        %dma_wait3A_112 = tpu.memref_squeeze %dma_wait3A_111 : memref<1x104x128xf32, #tpu.memory_space<vmem>> -> memref<104x128xf32, #tpu.memory_space<vmem>>
        %dma_wait3A_113 = arith.constant 0 : i32
        %dma_wait3A_114 = tpu.memref_slice %arg7[%add3A_89, %dma_wait3A_113] : memref<98x104xi32, #tpu.memory_space<vmem>> -> memref<1x104xi32, #tpu.memory_space<vmem>>
        %dma_wait3A_115 = tpu.memref_squeeze %dma_wait3A_114 : memref<1x104xi32, #tpu.memory_space<vmem>> -> memref<104xi32, #tpu.memory_space<vmem>>
        %dma_wait3A_116 = arith.constant 0 : i32
        %dma_wait3A_117 = arith.constant 0 : i32
        %dma_wait3A_118 = tpu.memref_slice %arg9[%dma_wait3A_116, %dma_wait3A_117] : memref<10112x128xf32, #tpu.memory_space<vmem_shared>> -> memref<10112x128xf32, #tpu.memory_space<vmem_shared>>
        tpu.wait_indirect_dma semaphore(%run_scoped3A_98 : memref<!tpu.dma_semaphore, #tpu.memory_space<semaphore_mem>>) src(%dma_wait3A_112 : memref<104x128xf32, #tpu.memory_space<vmem>>) dst(%dma_wait3A_118 : memref<10112x128xf32, #tpu.memory_space<vmem_shared>>)
        tpu.yield
      }) : () -> ()
      %add3A_91 = arith.constant 3 : i32
      %add3A_92 = arith.addi %mul3A_59, %add3A_91 : i32
      %lt3A_93 = arith.constant 98 : i32
      %lt3A_94 = arith.cmpi slt, %add3A_92, %lt3A_93 : i32
      %convert_element_type3A_95 = arith.extui %lt3A_94 : i1 to i32
      %cond3A_96 = arith.constant 0 : i32
      %cond3A_97 = arith.cmpi ne, %convert_element_type3A_95, %cond3A_96 : i32
      scf.if %cond3A_97 {
        %add3A_98 = arith.constant 3 : i32
        %add3A_99 = arith.addi %mul3A_59, %add3A_98 : i32
        %mul3A_100 = arith.constant 104 : i32
        %mul3A_101 = arith.muli %add3A_99, %mul3A_100 : i32
        %dma_start3A_102 = arith.constant 1 : i32
        %dma_start3A_103 = arith.constant 0 : i32
        %dma_start3A_104 = arith.constant 0 : i32
        %dma_start3A_105 = tpu.memref_slice %arg8[%dma_start3A_102, %dma_start3A_103, %dma_start3A_104] : memref<2x104x128xf32, #tpu.memory_space<vmem>> -> memref<1x104x128xf32, #tpu.memory_space<vmem>>
        %dma_start3A_106 = tpu.memref_squeeze %dma_start3A_105 : memref<1x104x128xf32, #tpu.memory_space<vmem>> -> memref<104x128xf32, #tpu.memory_space<vmem>>
        %dma_start3A_107 = tpu.memref_slice %arg6[%mul3A_101] : memref<10192xi32, #tpu.memory_space<vmem>> -> memref<104xi32, #tpu.memory_space<vmem>>
        %dma_start3A_108 = arith.constant 0 : i32
        %dma_start3A_109 = arith.constant 0 : i32
        %dma_start3A_110 = tpu.memref_slice %arg2[%dma_start3A_108, %dma_start3A_109] : memref<80000x128xf32, #tpu.memory_space<hbm>> -> memref<80000x128xf32, #tpu.memory_space<hbm>>
        tpu.enqueue_indirect_dma source(%dma_start3A_110 : memref<80000x128xf32, #tpu.memory_space<hbm>>) target(%dma_start3A_106 : memref<104x128xf32, #tpu.memory_space<vmem>>) offsets(%dma_start3A_107 : memref<104xi32, #tpu.memory_space<vmem>>) semaphore(%arg11 : memref<!tpu.dma_semaphore, #tpu.memory_space<semaphore_mem>>)
      } else {
      }
    }
    %scan3A_53 = arith.constant 49 : i32
    %barrier3A_54 = arith.constant 0 : index
    tpu.barrier barrier_id(%barrier3A_54)
    %mul3A_55 = arith.constant 632 : i32
    %mul3A_56 = arith.muli %arg1, %mul3A_55 : i32
    "tpu.region"() ({
      %run_scoped3A_57 = tpu.sem_alloc : memref<!tpu.dma_semaphore, #tpu.memory_space<semaphore_mem>>
      %dma_start3A_58 = arith.constant 0 : i32
      %dma_start3A_59 = tpu.memref_slice %arg5[%arg0, %mul3A_56, %dma_start3A_58] : memref<2x10112x128xf32, #tpu.memory_space<hbm>> -> memref<1x632x128xf32, #tpu.memory_space<hbm>>
      %dma_start3A_60 = tpu.memref_squeeze %dma_start3A_59 : memref<1x632x128xf32, #tpu.memory_space<hbm>> -> memref<632x128xf32, #tpu.memory_space<hbm>>
      %dma_start3A_61 = arith.constant 0 : i32
      %dma_start3A_62 = tpu.memref_slice %arg9[%mul3A_56, %dma_start3A_61] : memref<10112x128xf32, #tpu.memory_space<vmem_shared>> -> memref<632x128xf32, #tpu.memory_space<vmem_shared>>
      tpu.enqueue_dma source(%dma_start3A_62 : memref<632x128xf32, #tpu.memory_space<vmem_shared>>) target(%dma_start3A_60 : memref<632x128xf32, #tpu.memory_space<hbm>>) target_semaphore(%run_scoped3A_57 : memref<!tpu.dma_semaphore, #tpu.memory_space<semaphore_mem>>)
      %dma_wait3A = arith.constant 0 : i32
      %dma_wait3A_63 = tpu.memref_slice %arg5[%arg0, %mul3A_56, %dma_wait3A] : memref<2x10112x128xf32, #tpu.memory_space<hbm>> -> memref<1x632x128xf32, #tpu.memory_space<hbm>>
      %dma_wait3A_64 = tpu.memref_squeeze %dma_wait3A_63 : memref<1x632x128xf32, #tpu.memory_space<hbm>> -> memref<632x128xf32, #tpu.memory_space<hbm>>
      %dma_wait3A_65 = arith.constant 0 : i32
      %dma_wait3A_66 = tpu.memref_slice %arg9[%mul3A_56, %dma_wait3A_65] : memref<10112x128xf32, #tpu.memory_space<vmem_shared>> -> memref<632x128xf32, #tpu.memory_space<vmem_shared>>
      tpu.wait_dma2 semaphore(%run_scoped3A_57 : memref<!tpu.dma_semaphore, #tpu.memory_space<semaphore_mem>>) src(%dma_wait3A_66 : memref<632x128xf32, #tpu.memory_space<vmem_shared>>) dst(%dma_wait3A_64 : memref<632x128xf32, #tpu.memory_space<hbm>>)
      tpu.yield
    }) : () -> ()
    return
  }
}

#map = affine_map<(d0, d1) -> (0, 0)>
#map1 = affine_map<(d0, d1) -> (0, 0, 0)>
module attributes {stable_mosaic.version = 14 : i64} {
  func.func @_segsum_body(%arg0: i32, %arg1: i32, %arg2: memref<80000x128xf32, #tpu.memory_space<hbm>>, %arg3: memref<32x10192xi32, #tpu.memory_space<hbm>>, %arg4: memref<32x98x104xi32, #tpu.memory_space<hbm>>, %arg5: memref<2x10112x128xf32, #tpu.memory_space<hbm>>, %arg6: memref<10192xi32, #tpu.memory_space<vmem>>, %arg7: memref<98x104xi32, #tpu.memory_space<vmem>>, %arg8: memref<2x104x128xf32, #tpu.memory_space<vmem>>, %arg9: memref<10112x128xf32, #tpu.memory_space<vmem_shared>>, %arg10: memref<!tpu.dma_semaphore, #tpu.memory_space<semaphore_mem>>, %arg11: memref<!tpu.dma_semaphore, #tpu.memory_space<semaphore_mem>>) attributes {dimension_semantics = [#tpu.dimension_semantics<core_parallel>, #tpu.dimension_semantics<subcore_parallel>], iteration_bounds = array<i64: 2, 16>, scalar_prefetch = 0 : i64, scratch_operands = 6 : i64, tpu.core_type = #tpu.core_type<sc_vector_subcore>, window_params = [{transform_indices = #map}, {transform_indices = #map}, {transform_indices = #map1}, {transform_indices = #map1}]} {
    %mul3A = arith.constant 16 : i32
    %mul3A_0 = arith.muli %arg0, %mul3A : i32
    %add3A = arith.addi %mul3A_0, %arg1 : i32
    %broadcast_in_dim3A = arith.constant 0.000000e+00 : f32
    %broadcast_in_dim3A_1 = vector.broadcast %broadcast_in_dim3A : f32 to vector<16xf32>
    %scan3A = arith.constant 0 : i32
    %scan3A_2 = arith.constant 0 : i32
    %scan3A_3 = arith.constant 104 : i32
    %scan3A_4 = arith.addi %scan3A_2, %scan3A_3 : i32
    %scan3A_5 = arith.constant 1 : i32
    scf.for %scan3A_57 = %scan3A_2 to %scan3A_4 step %scan3A_5  : i32 {
      %swap3A = arith.constant 0 : i32
      %swap3A_58 = arith.index_cast %swap3A : i32 to index
      %swap3A_59 = arith.index_cast %scan3A_57 : i32 to index
      %swap3A_60 = arith.constant 0 : index
      %swap3A_61 = tpu.vector_load %arg8[%swap3A_58, %swap3A_59, %swap3A_60] {strides = array<i32>} : memref<2x104x128xf32, #tpu.memory_space<vmem>>, vector<1x1x16xf32>,
      %swap3A_62 = vector.shape_cast %swap3A_61 : vector<1x1x16xf32> to vector<16xf32>
      %swap3A_63 = vector.shape_cast %broadcast_in_dim3A_1 : vector<16xf32> to vector<1x1x16xf32>
      tpu.vector_store %arg8[%swap3A_58, %swap3A_59, %swap3A_60], %swap3A_63 {strides = array<i32>} : memref<2x104x128xf32, #tpu.memory_space<vmem>>, vector<1x1x16xf32>,
      %swap3A_64 = arith.constant 0 : i32
      %swap3A_65 = arith.index_cast %swap3A_64 : i32 to index
      %swap3A_66 = arith.index_cast %scan3A_57 : i32 to index
      %swap3A_67 = arith.constant 16 : index
      %swap3A_68 = tpu.vector_load %arg8[%swap3A_65, %swap3A_66, %swap3A_67] {strides = array<i32>} : memref<2x104x128xf32, #tpu.memory_space<vmem>>, vector<1x1x16xf32>,
      %swap3A_69 = vector.shape_cast %swap3A_68 : vector<1x1x16xf32> to vector<16xf32>
      %swap3A_70 = vector.shape_cast %broadcast_in_dim3A_1 : vector<16xf32> to vector<1x1x16xf32>
      tpu.vector_store %arg8[%swap3A_65, %swap3A_66, %swap3A_67], %swap3A_70 {strides = array<i32>} : memref<2x104x128xf32, #tpu.memory_space<vmem>>, vector<1x1x16xf32>,
      %swap3A_71 = arith.constant 0 : i32
      %swap3A_72 = arith.index_cast %swap3A_71 : i32 to index
      %swap3A_73 = arith.index_cast %scan3A_57 : i32 to index
      %swap3A_74 = arith.constant 32 : index
      %swap3A_75 = tpu.vector_load %arg8[%swap3A_72, %swap3A_73, %swap3A_74] {strides = array<i32>} : memref<2x104x128xf32, #tpu.memory_space<vmem>>, vector<1x1x16xf32>,
      %swap3A_76 = vector.shape_cast %swap3A_75 : vector<1x1x16xf32> to vector<16xf32>
      %swap3A_77 = vector.shape_cast %broadcast_in_dim3A_1 : vector<16xf32> to vector<1x1x16xf32>
      tpu.vector_store %arg8[%swap3A_72, %swap3A_73, %swap3A_74], %swap3A_77 {strides = array<i32>} : memref<2x104x128xf32, #tpu.memory_space<vmem>>, vector<1x1x16xf32>,
      %swap3A_78 = arith.constant 0 : i32
      %swap3A_79 = arith.index_cast %swap3A_78 : i32 to index
      %swap3A_80 = arith.index_cast %scan3A_57 : i32 to index
      %swap3A_81 = arith.constant 48 : index
      %swap3A_82 = tpu.vector_load %arg8[%swap3A_79, %swap3A_80, %swap3A_81] {strides = array<i32>} : memref<2x104x128xf32, #tpu.memory_space<vmem>>, vector<1x1x16xf32>,
      %swap3A_83 = vector.shape_cast %swap3A_82 : vector<1x1x16xf32> to vector<16xf32>
      %swap3A_84 = vector.shape_cast %broadcast_in_dim3A_1 : vector<16xf32> to vector<1x1x16xf32>
      tpu.vector_store %arg8[%swap3A_79, %swap3A_80, %swap3A_81], %swap3A_84 {strides = array<i32>} : memref<2x104x128xf32, #tpu.memory_space<vmem>>, vector<1x1x16xf32>,
      %swap3A_85 = arith.constant 0 : i32
      %swap3A_86 = arith.index_cast %swap3A_85 : i32 to index
      %swap3A_87 = arith.index_cast %scan3A_57 : i32 to index
      %swap3A_88 = arith.constant 64 : index
      %swap3A_89 = tpu.vector_load %arg8[%swap3A_86, %swap3A_87, %swap3A_88] {strides = array<i32>} : memref<2x104x128xf32, #tpu.memory_space<vmem>>, vector<1x1x16xf32>,
      %swap3A_90 = vector.shape_cast %swap3A_89 : vector<1x1x16xf32> to vector<16xf32>
      %swap3A_91 = vector.shape_cast %broadcast_in_dim3A_1 : vector<16xf32> to vector<1x1x16xf32>
      tpu.vector_store %arg8[%swap3A_86, %swap3A_87, %swap3A_88], %swap3A_91 {strides = array<i32>} : memref<2x104x128xf32, #tpu.memory_space<vmem>>, vector<1x1x16xf32>,
      %swap3A_92 = arith.constant 0 : i32
      %swap3A_93 = arith.index_cast %swap3A_92 : i32 to index
      %swap3A_94 = arith.index_cast %scan3A_57 : i32 to index
      %swap3A_95 = arith.constant 80 : index
      %swap3A_96 = tpu.vector_load %arg8[%swap3A_93, %swap3A_94, %swap3A_95] {strides = array<i32>} : memref<2x104x128xf32, #tpu.memory_space<vmem>>, vector<1x1x16xf32>,
      %swap3A_97 = vector.shape_cast %swap3A_96 : vector<1x1x16xf32> to vector<16xf32>
      %swap3A_98 = vector.shape_cast %broadcast_in_dim3A_1 : vector<16xf32> to vector<1x1x16xf32>
      tpu.vector_store %arg8[%swap3A_93, %swap3A_94, %swap3A_95], %swap3A_98 {strides = array<i32>} : memref<2x104x128xf32, #tpu.memory_space<vmem>>, vector<1x1x16xf32>,
      %swap3A_99 = arith.constant 0 : i32
      %swap3A_100 = arith.index_cast %swap3A_99 : i32 to index
      %swap3A_101 = arith.index_cast %scan3A_57 : i32 to index
      %swap3A_102 = arith.constant 96 : index
      %swap3A_103 = tpu.vector_load %arg8[%swap3A_100, %swap3A_101, %swap3A_102] {strides = array<i32>} : memref<2x104x128xf32, #tpu.memory_space<vmem>>, vector<1x1x16xf32>,
      %swap3A_104 = vector.shape_cast %swap3A_103 : vector<1x1x16xf32> to vector<16xf32>
      %swap3A_105 = vector.shape_cast %broadcast_in_dim3A_1 : vector<16xf32> to vector<1x1x16xf32>
      tpu.vector_store %arg8[%swap3A_100, %swap3A_101, %swap3A_102], %swap3A_105 {strides = array<i32>} : memref<2x104x128xf32, #tpu.memory_space<vmem>>, vector<1x1x16xf32>,
      %swap3A_106 = arith.constant 0 : i32
      %swap3A_107 = arith.index_cast %swap3A_106 : i32 to index
      %swap3A_108 = arith.index_cast %scan3A_57 : i32 to index
      %swap3A_109 = arith.constant 112 : index
      %swap3A_110 = tpu.vector_load %arg8[%swap3A_107, %swap3A_108, %swap3A_109] {strides = array<i32>} : memref<2x104x128xf32, #tpu.memory_space<vmem>>, vector<1x1x16xf32>,
      %swap3A_111 = vector.shape_cast %swap3A_110 : vector<1x1x16xf32> to vector<16xf32>
      %swap3A_112 = vector.shape_cast %broadcast_in_dim3A_1 : vector<16xf32> to vector<1x1x16xf32>
      tpu.vector_store %arg8[%swap3A_107, %swap3A_108, %swap3A_109], %swap3A_112 {strides = array<i32>} : memref<2x104x128xf32, #tpu.memory_space<vmem>>, vector<1x1x16xf32>,
    }
    %scan3A_6 = arith.constant 104 : i32
    %mul3A_7 = arith.constant 632 : i32
    %mul3A_8 = arith.muli %arg1, %mul3A_7 : i32
    %add3A_9 = arith.constant 0 : i32
    %add3A_10 = arith.addi %mul3A_8, %add3A_9 : i32
    %run_scoped3A = arith.constant 0 : i32
    "tpu.region"() ({
      %run_scoped3A_57 = tpu.sem_alloc : memref<!tpu.dma_semaphore, #tpu.memory_space<semaphore_mem>>
      %dma_start3A_58 = arith.constant 0 : i32
      %dma_start3A_59 = arith.constant 0 : i32
      %dma_start3A_60 = tpu.memref_slice %arg8[%run_scoped3A, %dma_start3A_58, %dma_start3A_59] : memref<2x104x128xf32, #tpu.memory_space<vmem>> -> memref<1x104x128xf32, #tpu.memory_space<vmem>>
      %dma_start3A_61 = tpu.memref_squeeze %dma_start3A_60 : memref<1x104x128xf32, #tpu.memory_space<vmem>> -> memref<104x128xf32, #tpu.memory_space<vmem>>
      %dma_start3A_62 = arith.constant 0 : i32
      %dma_start3A_63 = tpu.memref_slice %arg9[%add3A_10, %dma_start3A_62] : memref<10112x128xf32, #tpu.memory_space<vmem_shared>> -> memref<104x128xf32, #tpu.memory_space<vmem_shared>>
      %dma_start3A_64 = arith.constant 0 : i32
      %dma_start3A_65 = tpu.memref_slice %arg9[%add3A_10, %dma_start3A_64] : memref<10112x128xf32, #tpu.memory_space<vmem_shared>> -> memref<104x128xf32, #tpu.memory_space<vmem_shared>>
      %dma_start3A_66 = arith.constant 0 : i32
      %dma_start3A_67 = arith.constant 0 : i32
      %dma_start3A_68 = tpu.memref_slice %arg8[%run_scoped3A, %dma_start3A_66, %dma_start3A_67] : memref<2x104x128xf32, #tpu.memory_space<vmem>> -> memref<1x104x128xf32, #tpu.memory_space<vmem>>
      %dma_start3A_69 = tpu.memref_squeeze %dma_start3A_68 : memref<1x104x128xf32, #tpu.memory_space<vmem>> -> memref<104x128xf32, #tpu.memory_space<vmem>>
      tpu.enqueue_dma source(%dma_start3A_69 : memref<104x128xf32, #tpu.memory_space<vmem>>) target(%dma_start3A_65 : memref<104x128xf32, #tpu.memory_space<vmem_shared>>) target_semaphore(%run_scoped3A_57 : memref<!tpu.dma_semaphore, #tpu.memory_space<semaphore_mem>>)
      %dma_wait3A = arith.constant 0 : i32
      %dma_wait3A_70 = arith.constant 0 : i32
      %dma_wait3A_71 = tpu.memref_slice %arg8[%run_scoped3A, %dma_wait3A, %dma_wait3A_70] : memref<2x104x128xf32, #tpu.memory_space<vmem>> -> memref<1x104x128xf32, #tpu.memory_space<vmem>>
      %dma_wait3A_72 = tpu.memref_squeeze %dma_wait3A_71 : memref<1x104x128xf32, #tpu.memory_space<vmem>> -> memref<104x128xf32, #tpu.memory_space<vmem>>
      %dma_wait3A_73 = arith.constant 0 : i32
      %dma_wait3A_74 = tpu.memref_slice %arg9[%add3A_10, %dma_wait3A_73] : memref<10112x128xf32, #tpu.memory_space<vmem_shared>> -> memref<104x128xf32, #tpu.memory_space<vmem_shared>>
      %dma_wait3A_75 = arith.constant 0 : i32
      %dma_wait3A_76 = tpu.memref_slice %arg9[%add3A_10, %dma_wait3A_75] : memref<10112x128xf32, #tpu.memory_space<vmem_shared>> -> memref<104x128xf32, #tpu.memory_space<vmem_shared>>
      %dma_wait3A_77 = arith.constant 0 : i32
      %dma_wait3A_78 = arith.constant 0 : i32
      %dma_wait3A_79 = tpu.memref_slice %arg8[%run_scoped3A, %dma_wait3A_77, %dma_wait3A_78] : memref<2x104x128xf32, #tpu.memory_space<vmem>> -> memref<1x104x128xf32, #tpu.memory_space<vmem>>
      %dma_wait3A_80 = tpu.memref_squeeze %dma_wait3A_79 : memref<1x104x128xf32, #tpu.memory_space<vmem>> -> memref<104x128xf32, #tpu.memory_space<vmem>>
      tpu.wait_dma2 semaphore(%run_scoped3A_57 : memref<!tpu.dma_semaphore, #tpu.memory_space<semaphore_mem>>) src(%dma_wait3A_80 : memref<104x128xf32, #tpu.memory_space<vmem>>) dst(%dma_wait3A_76 : memref<104x128xf32, #tpu.memory_space<vmem_shared>>)
      tpu.yield
    }) : () -> ()
    %add3A_11 = arith.constant 104 : i32
    %add3A_12 = arith.addi %mul3A_8, %add3A_11 : i32
    %run_scoped3A_13 = arith.constant 0 : i32
    "tpu.region"() ({
      %run_scoped3A_57 = tpu.sem_alloc : memref<!tpu.dma_semaphore, #tpu.memory_space<semaphore_mem>>
      %dma_start3A_58 = arith.constant 0 : i32
      %dma_start3A_59 = arith.constant 0 : i32
      %dma_start3A_60 = tpu.memref_slice %arg8[%run_scoped3A_13, %dma_start3A_58, %dma_start3A_59] : memref<2x104x128xf32, #tpu.memory_space<vmem>> -> memref<1x104x128xf32, #tpu.memory_space<vmem>>
      %dma_start3A_61 = tpu.memref_squeeze %dma_start3A_60 : memref<1x104x128xf32, #tpu.memory_space<vmem>> -> memref<104x128xf32, #tpu.memory_space<vmem>>
      %dma_start3A_62 = arith.constant 0 : i32
      %dma_start3A_63 = tpu.memref_slice %arg9[%add3A_12, %dma_start3A_62] : memref<10112x128xf32, #tpu.memory_space<vmem_shared>> -> memref<104x128xf32, #tpu.memory_space<vmem_shared>>
      %dma_start3A_64 = arith.constant 0 : i32
      %dma_start3A_65 = tpu.memref_slice %arg9[%add3A_12, %dma_start3A_64] : memref<10112x128xf32, #tpu.memory_space<vmem_shared>> -> memref<104x128xf32, #tpu.memory_space<vmem_shared>>
      %dma_start3A_66 = arith.constant 0 : i32
      %dma_start3A_67 = arith.constant 0 : i32
      %dma_start3A_68 = tpu.memref_slice %arg8[%run_scoped3A_13, %dma_start3A_66, %dma_start3A_67] : memref<2x104x128xf32, #tpu.memory_space<vmem>> -> memref<1x104x128xf32, #tpu.memory_space<vmem>>
      %dma_start3A_69 = tpu.memref_squeeze %dma_start3A_68 : memref<1x104x128xf32, #tpu.memory_space<vmem>> -> memref<104x128xf32, #tpu.memory_space<vmem>>
      tpu.enqueue_dma source(%dma_start3A_69 : memref<104x128xf32, #tpu.memory_space<vmem>>) target(%dma_start3A_65 : memref<104x128xf32, #tpu.memory_space<vmem_shared>>) target_semaphore(%run_scoped3A_57 : memref<!tpu.dma_semaphore, #tpu.memory_space<semaphore_mem>>)
      %dma_wait3A = arith.constant 0 : i32
      %dma_wait3A_70 = arith.constant 0 : i32
      %dma_wait3A_71 = tpu.memref_slice %arg8[%run_scoped3A_13, %dma_wait3A, %dma_wait3A_70] : memref<2x104x128xf32, #tpu.memory_space<vmem>> -> memref<1x104x128xf32, #tpu.memory_space<vmem>>
      %dma_wait3A_72 = tpu.memref_squeeze %dma_wait3A_71 : memref<1x104x128xf32, #tpu.memory_space<vmem>> -> memref<104x128xf32, #tpu.memory_space<vmem>>
      %dma_wait3A_73 = arith.constant 0 : i32
      %dma_wait3A_74 = tpu.memref_slice %arg9[%add3A_12, %dma_wait3A_73] : memref<10112x128xf32, #tpu.memory_space<vmem_shared>> -> memref<104x128xf32, #tpu.memory_space<vmem_shared>>
      %dma_wait3A_75 = arith.constant 0 : i32
      %dma_wait3A_76 = tpu.memref_slice %arg9[%add3A_12, %dma_wait3A_75] : memref<10112x128xf32, #tpu.memory_space<vmem_shared>> -> memref<104x128xf32, #tpu.memory_space<vmem_shared>>
      %dma_wait3A_77 = arith.constant 0 : i32
      %dma_wait3A_78 = arith.constant 0 : i32
      %dma_wait3A_79 = tpu.memref_slice %arg8[%run_scoped3A_13, %dma_wait3A_77, %dma_wait3A_78] : memref<2x104x128xf32, #tpu.memory_space<vmem>> -> memref<1x104x128xf32, #tpu.memory_space<vmem>>
      %dma_wait3A_80 = tpu.memref_squeeze %dma_wait3A_79 : memref<1x104x128xf32, #tpu.memory_space<vmem>> -> memref<104x128xf32, #tpu.memory_space<vmem>>
      tpu.wait_dma2 semaphore(%run_scoped3A_57 : memref<!tpu.dma_semaphore, #tpu.memory_space<semaphore_mem>>) src(%dma_wait3A_80 : memref<104x128xf32, #tpu.memory_space<vmem>>) dst(%dma_wait3A_76 : memref<104x128xf32, #tpu.memory_space<vmem_shared>>)
      tpu.yield
    }) : () -> ()
    %add3A_14 = arith.constant 208 : i32
    %add3A_15 = arith.addi %mul3A_8, %add3A_14 : i32
    %run_scoped3A_16 = arith.constant 0 : i32
    "tpu.region"() ({
      %run_scoped3A_57 = tpu.sem_alloc : memref<!tpu.dma_semaphore, #tpu.memory_space<semaphore_mem>>
      %dma_start3A_58 = arith.constant 0 : i32
      %dma_start3A_59 = arith.constant 0 : i32
      %dma_start3A_60 = tpu.memref_slice %arg8[%run_scoped3A_16, %dma_start3A_58, %dma_start3A_59] : memref<2x104x128xf32, #tpu.memory_space<vmem>> -> memref<1x104x128xf32, #tpu.memory_space<vmem>>
      %dma_start3A_61 = tpu.memref_squeeze %dma_start3A_60 : memref<1x104x128xf32, #tpu.memory_space<vmem>> -> memref<104x128xf32, #tpu.memory_space<vmem>>
      %dma_start3A_62 = arith.constant 0 : i32
      %dma_start3A_63 = tpu.memref_slice %arg9[%add3A_15, %dma_start3A_62] : memref<10112x128xf32, #tpu.memory_space<vmem_shared>> -> memref<104x128xf32, #tpu.memory_space<vmem_shared>>
      %dma_start3A_64 = arith.constant 0 : i32
      %dma_start3A_65 = tpu.memref_slice %arg9[%add3A_15, %dma_start3A_64] : memref<10112x128xf32, #tpu.memory_space<vmem_shared>> -> memref<104x128xf32, #tpu.memory_space<vmem_shared>>
      %dma_start3A_66 = arith.constant 0 : i32
      %dma_start3A_67 = arith.constant 0 : i32
      %dma_start3A_68 = tpu.memref_slice %arg8[%run_scoped3A_16, %dma_start3A_66, %dma_start3A_67] : memref<2x104x128xf32, #tpu.memory_space<vmem>> -> memref<1x104x128xf32, #tpu.memory_space<vmem>>
      %dma_start3A_69 = tpu.memref_squeeze %dma_start3A_68 : memref<1x104x128xf32, #tpu.memory_space<vmem>> -> memref<104x128xf32, #tpu.memory_space<vmem>>
      tpu.enqueue_dma source(%dma_start3A_69 : memref<104x128xf32, #tpu.memory_space<vmem>>) target(%dma_start3A_65 : memref<104x128xf32, #tpu.memory_space<vmem_shared>>) target_semaphore(%run_scoped3A_57 : memref<!tpu.dma_semaphore, #tpu.memory_space<semaphore_mem>>)
      %dma_wait3A = arith.constant 0 : i32
      %dma_wait3A_70 = arith.constant 0 : i32
      %dma_wait3A_71 = tpu.memref_slice %arg8[%run_scoped3A_16, %dma_wait3A, %dma_wait3A_70] : memref<2x104x128xf32, #tpu.memory_space<vmem>> -> memref<1x104x128xf32, #tpu.memory_space<vmem>>
      %dma_wait3A_72 = tpu.memref_squeeze %dma_wait3A_71 : memref<1x104x128xf32, #tpu.memory_space<vmem>> -> memref<104x128xf32, #tpu.memory_space<vmem>>
      %dma_wait3A_73 = arith.constant 0 : i32
      %dma_wait3A_74 = tpu.memref_slice %arg9[%add3A_15, %dma_wait3A_73] : memref<10112x128xf32, #tpu.memory_space<vmem_shared>> -> memref<104x128xf32, #tpu.memory_space<vmem_shared>>
      %dma_wait3A_75 = arith.constant 0 : i32
      %dma_wait3A_76 = tpu.memref_slice %arg9[%add3A_15, %dma_wait3A_75] : memref<10112x128xf32, #tpu.memory_space<vmem_shared>> -> memref<104x128xf32, #tpu.memory_space<vmem_shared>>
      %dma_wait3A_77 = arith.constant 0 : i32
      %dma_wait3A_78 = arith.constant 0 : i32
      %dma_wait3A_79 = tpu.memref_slice %arg8[%run_scoped3A_16, %dma_wait3A_77, %dma_wait3A_78] : memref<2x104x128xf32, #tpu.memory_space<vmem>> -> memref<1x104x128xf32, #tpu.memory_space<vmem>>
      %dma_wait3A_80 = tpu.memref_squeeze %dma_wait3A_79 : memref<1x104x128xf32, #tpu.memory_space<vmem>> -> memref<104x128xf32, #tpu.memory_space<vmem>>
      tpu.wait_dma2 semaphore(%run_scoped3A_57 : memref<!tpu.dma_semaphore, #tpu.memory_space<semaphore_mem>>) src(%dma_wait3A_80 : memref<104x128xf32, #tpu.memory_space<vmem>>) dst(%dma_wait3A_76 : memref<104x128xf32, #tpu.memory_space<vmem_shared>>)
      tpu.yield
    }) : () -> ()
    %add3A_17 = arith.constant 312 : i32
    %add3A_18 = arith.addi %mul3A_8, %add3A_17 : i32
    %run_scoped3A_19 = arith.constant 0 : i32
    "tpu.region"() ({
      %run_scoped3A_57 = tpu.sem_alloc : memref<!tpu.dma_semaphore, #tpu.memory_space<semaphore_mem>>
      %dma_start3A_58 = arith.constant 0 : i32
      %dma_start3A_59 = arith.constant 0 : i32
      %dma_start3A_60 = tpu.memref_slice %arg8[%run_scoped3A_19, %dma_start3A_58, %dma_start3A_59] : memref<2x104x128xf32, #tpu.memory_space<vmem>> -> memref<1x104x128xf32, #tpu.memory_space<vmem>>
      %dma_start3A_61 = tpu.memref_squeeze %dma_start3A_60 : memref<1x104x128xf32, #tpu.memory_space<vmem>> -> memref<104x128xf32, #tpu.memory_space<vmem>>
      %dma_start3A_62 = arith.constant 0 : i32
      %dma_start3A_63 = tpu.memref_slice %arg9[%add3A_18, %dma_start3A_62] : memref<10112x128xf32, #tpu.memory_space<vmem_shared>> -> memref<104x128xf32, #tpu.memory_space<vmem_shared>>
      %dma_start3A_64 = arith.constant 0 : i32
      %dma_start3A_65 = tpu.memref_slice %arg9[%add3A_18, %dma_start3A_64] : memref<10112x128xf32, #tpu.memory_space<vmem_shared>> -> memref<104x128xf32, #tpu.memory_space<vmem_shared>>
      %dma_start3A_66 = arith.constant 0 : i32
      %dma_start3A_67 = arith.constant 0 : i32
      %dma_start3A_68 = tpu.memref_slice %arg8[%run_scoped3A_19, %dma_start3A_66, %dma_start3A_67] : memref<2x104x128xf32, #tpu.memory_space<vmem>> -> memref<1x104x128xf32, #tpu.memory_space<vmem>>
      %dma_start3A_69 = tpu.memref_squeeze %dma_start3A_68 : memref<1x104x128xf32, #tpu.memory_space<vmem>> -> memref<104x128xf32, #tpu.memory_space<vmem>>
      tpu.enqueue_dma source(%dma_start3A_69 : memref<104x128xf32, #tpu.memory_space<vmem>>) target(%dma_start3A_65 : memref<104x128xf32, #tpu.memory_space<vmem_shared>>) target_semaphore(%run_scoped3A_57 : memref<!tpu.dma_semaphore, #tpu.memory_space<semaphore_mem>>)
      %dma_wait3A = arith.constant 0 : i32
      %dma_wait3A_70 = arith.constant 0 : i32
      %dma_wait3A_71 = tpu.memref_slice %arg8[%run_scoped3A_19, %dma_wait3A, %dma_wait3A_70] : memref<2x104x128xf32, #tpu.memory_space<vmem>> -> memref<1x104x128xf32, #tpu.memory_space<vmem>>
      %dma_wait3A_72 = tpu.memref_squeeze %dma_wait3A_71 : memref<1x104x128xf32, #tpu.memory_space<vmem>> -> memref<104x128xf32, #tpu.memory_space<vmem>>
      %dma_wait3A_73 = arith.constant 0 : i32
      %dma_wait3A_74 = tpu.memref_slice %arg9[%add3A_18, %dma_wait3A_73] : memref<10112x128xf32, #tpu.memory_space<vmem_shared>> -> memref<104x128xf32, #tpu.memory_space<vmem_shared>>
      %dma_wait3A_75 = arith.constant 0 : i32
      %dma_wait3A_76 = tpu.memref_slice %arg9[%add3A_18, %dma_wait3A_75] : memref<10112x128xf32, #tpu.memory_space<vmem_shared>> -> memref<104x128xf32, #tpu.memory_space<vmem_shared>>
      %dma_wait3A_77 = arith.constant 0 : i32
      %dma_wait3A_78 = arith.constant 0 : i32
      %dma_wait3A_79 = tpu.memref_slice %arg8[%run_scoped3A_19, %dma_wait3A_77, %dma_wait3A_78] : memref<2x104x128xf32, #tpu.memory_space<vmem>> -> memref<1x104x128xf32, #tpu.memory_space<vmem>>
      %dma_wait3A_80 = tpu.memref_squeeze %dma_wait3A_79 : memref<1x104x128xf32, #tpu.memory_space<vmem>> -> memref<104x128xf32, #tpu.memory_space<vmem>>
      tpu.wait_dma2 semaphore(%run_scoped3A_57 : memref<!tpu.dma_semaphore, #tpu.memory_space<semaphore_mem>>) src(%dma_wait3A_80 : memref<104x128xf32, #tpu.memory_space<vmem>>) dst(%dma_wait3A_76 : memref<104x128xf32, #tpu.memory_space<vmem_shared>>)
      tpu.yield
    }) : () -> ()
    %add3A_20 = arith.constant 416 : i32
    %add3A_21 = arith.addi %mul3A_8, %add3A_20 : i32
    %run_scoped3A_22 = arith.constant 0 : i32
    "tpu.region"() ({
      %run_scoped3A_57 = tpu.sem_alloc : memref<!tpu.dma_semaphore, #tpu.memory_space<semaphore_mem>>
      %dma_start3A_58 = arith.constant 0 : i32
      %dma_start3A_59 = arith.constant 0 : i32
      %dma_start3A_60 = tpu.memref_slice %arg8[%run_scoped3A_22, %dma_start3A_58, %dma_start3A_59] : memref<2x104x128xf32, #tpu.memory_space<vmem>> -> memref<1x104x128xf32, #tpu.memory_space<vmem>>
      %dma_start3A_61 = tpu.memref_squeeze %dma_start3A_60 : memref<1x104x128xf32, #tpu.memory_space<vmem>> -> memref<104x128xf32, #tpu.memory_space<vmem>>
      %dma_start3A_62 = arith.constant 0 : i32
      %dma_start3A_63 = tpu.memref_slice %arg9[%add3A_21, %dma_start3A_62] : memref<10112x128xf32, #tpu.memory_space<vmem_shared>> -> memref<104x128xf32, #tpu.memory_space<vmem_shared>>
      %dma_start3A_64 = arith.constant 0 : i32
      %dma_start3A_65 = tpu.memref_slice %arg9[%add3A_21, %dma_start3A_64] : memref<10112x128xf32, #tpu.memory_space<vmem_shared>> -> memref<104x128xf32, #tpu.memory_space<vmem_shared>>
      %dma_start3A_66 = arith.constant 0 : i32
      %dma_start3A_67 = arith.constant 0 : i32
      %dma_start3A_68 = tpu.memref_slice %arg8[%run_scoped3A_22, %dma_start3A_66, %dma_start3A_67] : memref<2x104x128xf32, #tpu.memory_space<vmem>> -> memref<1x104x128xf32, #tpu.memory_space<vmem>>
      %dma_start3A_69 = tpu.memref_squeeze %dma_start3A_68 : memref<1x104x128xf32, #tpu.memory_space<vmem>> -> memref<104x128xf32, #tpu.memory_space<vmem>>
      tpu.enqueue_dma source(%dma_start3A_69 : memref<104x128xf32, #tpu.memory_space<vmem>>) target(%dma_start3A_65 : memref<104x128xf32, #tpu.memory_space<vmem_shared>>) target_semaphore(%run_scoped3A_57 : memref<!tpu.dma_semaphore, #tpu.memory_space<semaphore_mem>>)
      %dma_wait3A = arith.constant 0 : i32
      %dma_wait3A_70 = arith.constant 0 : i32
      %dma_wait3A_71 = tpu.memref_slice %arg8[%run_scoped3A_22, %dma_wait3A, %dma_wait3A_70] : memref<2x104x128xf32, #tpu.memory_space<vmem>> -> memref<1x104x128xf32, #tpu.memory_space<vmem>>
      %dma_wait3A_72 = tpu.memref_squeeze %dma_wait3A_71 : memref<1x104x128xf32, #tpu.memory_space<vmem>> -> memref<104x128xf32, #tpu.memory_space<vmem>>
      %dma_wait3A_73 = arith.constant 0 : i32
      %dma_wait3A_74 = tpu.memref_slice %arg9[%add3A_21, %dma_wait3A_73] : memref<10112x128xf32, #tpu.memory_space<vmem_shared>> -> memref<104x128xf32, #tpu.memory_space<vmem_shared>>
      %dma_wait3A_75 = arith.constant 0 : i32
      %dma_wait3A_76 = tpu.memref_slice %arg9[%add3A_21, %dma_wait3A_75] : memref<10112x128xf32, #tpu.memory_space<vmem_shared>> -> memref<104x128xf32, #tpu.memory_space<vmem_shared>>
      %dma_wait3A_77 = arith.constant 0 : i32
      %dma_wait3A_78 = arith.constant 0 : i32
      %dma_wait3A_79 = tpu.memref_slice %arg8[%run_scoped3A_22, %dma_wait3A_77, %dma_wait3A_78] : memref<2x104x128xf32, #tpu.memory_space<vmem>> -> memref<1x104x128xf32, #tpu.memory_space<vmem>>
      %dma_wait3A_80 = tpu.memref_squeeze %dma_wait3A_79 : memref<1x104x128xf32, #tpu.memory_space<vmem>> -> memref<104x128xf32, #tpu.memory_space<vmem>>
      tpu.wait_dma2 semaphore(%run_scoped3A_57 : memref<!tpu.dma_semaphore, #tpu.memory_space<semaphore_mem>>) src(%dma_wait3A_80 : memref<104x128xf32, #tpu.memory_space<vmem>>) dst(%dma_wait3A_76 : memref<104x128xf32, #tpu.memory_space<vmem_shared>>)
      tpu.yield
    }) : () -> ()
    %add3A_23 = arith.constant 520 : i32
    %add3A_24 = arith.addi %mul3A_8, %add3A_23 : i32
    %run_scoped3A_25 = arith.constant 0 : i32
    "tpu.region"() ({
      %run_scoped3A_57 = tpu.sem_alloc : memref<!tpu.dma_semaphore, #tpu.memory_space<semaphore_mem>>
      %dma_start3A_58 = arith.constant 0 : i32
      %dma_start3A_59 = arith.constant 0 : i32
      %dma_start3A_60 = tpu.memref_slice %arg8[%run_scoped3A_25, %dma_start3A_58, %dma_start3A_59] : memref<2x104x128xf32, #tpu.memory_space<vmem>> -> memref<1x104x128xf32, #tpu.memory_space<vmem>>
      %dma_start3A_61 = tpu.memref_squeeze %dma_start3A_60 : memref<1x104x128xf32, #tpu.memory_space<vmem>> -> memref<104x128xf32, #tpu.memory_space<vmem>>
      %dma_start3A_62 = arith.constant 0 : i32
      %dma_start3A_63 = tpu.memref_slice %arg9[%add3A_24, %dma_start3A_62] : memref<10112x128xf32, #tpu.memory_space<vmem_shared>> -> memref<104x128xf32, #tpu.memory_space<vmem_shared>>
      %dma_start3A_64 = arith.constant 0 : i32
      %dma_start3A_65 = tpu.memref_slice %arg9[%add3A_24, %dma_start3A_64] : memref<10112x128xf32, #tpu.memory_space<vmem_shared>> -> memref<104x128xf32, #tpu.memory_space<vmem_shared>>
      %dma_start3A_66 = arith.constant 0 : i32
      %dma_start3A_67 = arith.constant 0 : i32
      %dma_start3A_68 = tpu.memref_slice %arg8[%run_scoped3A_25, %dma_start3A_66, %dma_start3A_67] : memref<2x104x128xf32, #tpu.memory_space<vmem>> -> memref<1x104x128xf32, #tpu.memory_space<vmem>>
      %dma_start3A_69 = tpu.memref_squeeze %dma_start3A_68 : memref<1x104x128xf32, #tpu.memory_space<vmem>> -> memref<104x128xf32, #tpu.memory_space<vmem>>
      tpu.enqueue_dma source(%dma_start3A_69 : memref<104x128xf32, #tpu.memory_space<vmem>>) target(%dma_start3A_65 : memref<104x128xf32, #tpu.memory_space<vmem_shared>>) target_semaphore(%run_scoped3A_57 : memref<!tpu.dma_semaphore, #tpu.memory_space<semaphore_mem>>)
      %dma_wait3A = arith.constant 0 : i32
      %dma_wait3A_70 = arith.constant 0 : i32
      %dma_wait3A_71 = tpu.memref_slice %arg8[%run_scoped3A_25, %dma_wait3A, %dma_wait3A_70] : memref<2x104x128xf32, #tpu.memory_space<vmem>> -> memref<1x104x128xf32, #tpu.memory_space<vmem>>
      %dma_wait3A_72 = tpu.memref_squeeze %dma_wait3A_71 : memref<1x104x128xf32, #tpu.memory_space<vmem>> -> memref<104x128xf32, #tpu.memory_space<vmem>>
      %dma_wait3A_73 = arith.constant 0 : i32
      %dma_wait3A_74 = tpu.memref_slice %arg9[%add3A_24, %dma_wait3A_73] : memref<10112x128xf32, #tpu.memory_space<vmem_shared>> -> memref<104x128xf32, #tpu.memory_space<vmem_shared>>
      %dma_wait3A_75 = arith.constant 0 : i32
      %dma_wait3A_76 = tpu.memref_slice %arg9[%add3A_24, %dma_wait3A_75] : memref<10112x128xf32, #tpu.memory_space<vmem_shared>> -> memref<104x128xf32, #tpu.memory_space<vmem_shared>>
      %dma_wait3A_77 = arith.constant 0 : i32
      %dma_wait3A_78 = arith.constant 0 : i32
      %dma_wait3A_79 = tpu.memref_slice %arg8[%run_scoped3A_25, %dma_wait3A_77, %dma_wait3A_78] : memref<2x104x128xf32, #tpu.memory_space<vmem>> -> memref<1x104x128xf32, #tpu.memory_space<vmem>>
      %dma_wait3A_80 = tpu.memref_squeeze %dma_wait3A_79 : memref<1x104x128xf32, #tpu.memory_space<vmem>> -> memref<104x128xf32, #tpu.memory_space<vmem>>
      tpu.wait_dma2 semaphore(%run_scoped3A_57 : memref<!tpu.dma_semaphore, #tpu.memory_space<semaphore_mem>>) src(%dma_wait3A_80 : memref<104x128xf32, #tpu.memory_space<vmem>>) dst(%dma_wait3A_76 : memref<104x128xf32, #tpu.memory_space<vmem_shared>>)
      tpu.yield
    }) : () -> ()
    %add3A_26 = arith.constant 624 : i32
    %add3A_27 = arith.addi %mul3A_8, %add3A_26 : i32
    %run_scoped3A_28 = arith.constant 0 : i32
    "tpu.region"() ({
      %run_scoped3A_57 = tpu.sem_alloc : memref<!tpu.dma_semaphore, #tpu.memory_space<semaphore_mem>>
      %dma_start3A_58 = arith.constant 0 : i32
      %dma_start3A_59 = arith.constant 0 : i32
      %dma_start3A_60 = tpu.memref_slice %arg8[%run_scoped3A_28, %dma_start3A_58, %dma_start3A_59] : memref<2x104x128xf32, #tpu.memory_space<vmem>> -> memref<1x104x128xf32, #tpu.memory_space<vmem>>
      %dma_start3A_61 = tpu.memref_squeeze %dma_start3A_60 : memref<1x104x128xf32, #tpu.memory_space<vmem>> -> memref<104x128xf32, #tpu.memory_space<vmem>>
      %dma_start3A_62 = arith.constant 0 : i32
      %dma_start3A_63 = arith.constant 0 : i32
      %dma_start3A_64 = tpu.memref_slice %dma_start3A_61[%dma_start3A_62, %dma_start3A_63] : memref<104x128xf32, #tpu.memory_space<vmem>> -> memref<8x128xf32, #tpu.memory_space<vmem>>
      %dma_start3A_65 = arith.constant 0 : i32
      %dma_start3A_66 = tpu.memref_slice %arg9[%add3A_27, %dma_start3A_65] : memref<10112x128xf32, #tpu.memory_space<vmem_shared>> -> memref<8x128xf32, #tpu.memory_space<vmem_shared>>
      %dma_start3A_67 = arith.constant 0 : i32
      %dma_start3A_68 = tpu.memref_slice %arg9[%add3A_27, %dma_start3A_67] : memref<10112x128xf32, #tpu.memory_space<vmem_shared>> -> memref<8x128xf32, #tpu.memory_space<vmem_shared>>
      %dma_start3A_69 = arith.constant 0 : i32
      %dma_start3A_70 = arith.constant 0 : i32
      %dma_start3A_71 = tpu.memref_slice %arg8[%run_scoped3A_28, %dma_start3A_69, %dma_start3A_70] : memref<2x104x128xf32, #tpu.memory_space<vmem>> -> memref<1x104x128xf32, #tpu.memory_space<vmem>>
      %dma_start3A_72 = tpu.memref_squeeze %dma_start3A_71 : memref<1x104x128xf32, #tpu.memory_space<vmem>> -> memref<104x128xf32, #tpu.memory_space<vmem>>
      %dma_start3A_73 = arith.constant 0 : i32
      %dma_start3A_74 = arith.constant 0 : i32
      %dma_start3A_75 = tpu.memref_slice %dma_start3A_72[%dma_start3A_73, %dma_start3A_74] : memref<104x128xf32, #tpu.memory_space<vmem>> -> memref<8x128xf32, #tpu.memory_space<vmem>>
      tpu.enqueue_dma source(%dma_start3A_75 : memref<8x128xf32, #tpu.memory_space<vmem>>) target(%dma_start3A_68 : memref<8x128xf32, #tpu.memory_space<vmem_shared>>) target_semaphore(%run_scoped3A_57 : memref<!tpu.dma_semaphore, #tpu.memory_space<semaphore_mem>>)
      %dma_wait3A = arith.constant 0 : i32
      %dma_wait3A_76 = arith.constant 0 : i32
      %dma_wait3A_77 = tpu.memref_slice %arg8[%run_scoped3A_28, %dma_wait3A, %dma_wait3A_76] : memref<2x104x128xf32, #tpu.memory_space<vmem>> -> memref<1x104x128xf32, #tpu.memory_space<vmem>>
      %dma_wait3A_78 = tpu.memref_squeeze %dma_wait3A_77 : memref<1x104x128xf32, #tpu.memory_space<vmem>> -> memref<104x128xf32, #tpu.memory_space<vmem>>
      %dma_wait3A_79 = arith.constant 0 : i32
      %dma_wait3A_80 = arith.constant 0 : i32
      %dma_wait3A_81 = tpu.memref_slice %dma_wait3A_78[%dma_wait3A_79, %dma_wait3A_80] : memref<104x128xf32, #tpu.memory_space<vmem>> -> memref<8x128xf32, #tpu.memory_space<vmem>>
      %dma_wait3A_82 = arith.constant 0 : i32
      %dma_wait3A_83 = tpu.memref_slice %arg9[%add3A_27, %dma_wait3A_82] : memref<10112x128xf32, #tpu.memory_space<vmem_shared>> -> memref<8x128xf32, #tpu.memory_space<vmem_shared>>
      %dma_wait3A_84 = arith.constant 0 : i32
      %dma_wait3A_85 = tpu.memref_slice %arg9[%add3A_27, %dma_wait3A_84] : memref<10112x128xf32, #tpu.memory_space<vmem_shared>> -> memref<8x128xf32, #tpu.memory_space<vmem_shared>>
      %dma_wait3A_86 = arith.constant 0 : i32
      %dma_wait3A_87 = arith.constant 0 : i32
      %dma_wait3A_88 = tpu.memref_slice %arg8[%run_scoped3A_28, %dma_wait3A_86, %dma_wait3A_87] : memref<2x104x128xf32, #tpu.memory_space<vmem>> -> memref<1x104x128xf32, #tpu.memory_space<vmem>>
      %dma_wait3A_89 = tpu.memref_squeeze %dma_wait3A_88 : memref<1x104x128xf32, #tpu.memory_space<vmem>> -> memref<104x128xf32, #tpu.memory_space<vmem>>
      %dma_wait3A_90 = arith.constant 0 : i32
      %dma_wait3A_91 = arith.constant 0 : i32
      %dma_wait3A_92 = tpu.memref_slice %dma_wait3A_89[%dma_wait3A_90, %dma_wait3A_91] : memref<104x128xf32, #tpu.memory_space<vmem>> -> memref<8x128xf32, #tpu.memory_space<vmem>>
      tpu.wait_dma2 semaphore(%run_scoped3A_57 : memref<!tpu.dma_semaphore, #tpu.memory_space<semaphore_mem>>) src(%dma_wait3A_92 : memref<8x128xf32, #tpu.memory_space<vmem>>) dst(%dma_wait3A_85 : memref<8x128xf32, #tpu.memory_space<vmem_shared>>)
      tpu.yield
    }) : () -> ()
    "tpu.region"() ({
      %run_scoped3A_57 = tpu.sem_alloc : memref<!tpu.dma_semaphore, #tpu.memory_space<semaphore_mem>>
      %dma_start3A_58 = arith.constant 0 : i32
      %dma_start3A_59 = tpu.memref_slice %arg3[%add3A, %dma_start3A_58] : memref<32x10192xi32, #tpu.memory_space<hbm>> -> memref<1x10192xi32, #tpu.memory_space<hbm>>
      %dma_start3A_60 = tpu.memref_squeeze %dma_start3A_59 : memref<1x10192xi32, #tpu.memory_space<hbm>> -> memref<10192xi32, #tpu.memory_space<hbm>>
      %dma_start3A_61 = arith.constant 0 : i32
      %dma_start3A_62 = tpu.memref_slice %arg3[%add3A, %dma_start3A_61] : memref<32x10192xi32, #tpu.memory_space<hbm>> -> memref<1x10192xi32, #tpu.memory_space<hbm>>
      %dma_start3A_63 = tpu.memref_squeeze %dma_start3A_62 : memref<1x10192xi32, #tpu.memory_space<hbm>> -> memref<10192xi32, #tpu.memory_space<hbm>>
      tpu.enqueue_dma source(%dma_start3A_63 : memref<10192xi32, #tpu.memory_space<hbm>>) target(%arg6 : memref<10192xi32, #tpu.memory_space<vmem>>) target_semaphore(%run_scoped3A_57 : memref<!tpu.dma_semaphore, #tpu.memory_space<semaphore_mem>>)
      %dma_wait3A = arith.constant 0 : i32
      %dma_wait3A_64 = tpu.memref_slice %arg3[%add3A, %dma_wait3A] : memref<32x10192xi32, #tpu.memory_space<hbm>> -> memref<1x10192xi32, #tpu.memory_space<hbm>>
      %dma_wait3A_65 = tpu.memref_squeeze %dma_wait3A_64 : memref<1x10192xi32, #tpu.memory_space<hbm>> -> memref<10192xi32, #tpu.memory_space<hbm>>
      %dma_wait3A_66 = arith.constant 0 : i32
      %dma_wait3A_67 = tpu.memref_slice %arg3[%add3A, %dma_wait3A_66] : memref<32x10192xi32, #tpu.memory_space<hbm>> -> memref<1x10192xi32, #tpu.memory_space<hbm>>
      %dma_wait3A_68 = tpu.memref_squeeze %dma_wait3A_67 : memref<1x10192xi32, #tpu.memory_space<hbm>> -> memref<10192xi32, #tpu.memory_space<hbm>>
      tpu.wait_dma2 semaphore(%run_scoped3A_57 : memref<!tpu.dma_semaphore, #tpu.memory_space<semaphore_mem>>) src(%dma_wait3A_68 : memref<10192xi32, #tpu.memory_space<hbm>>) dst(%arg6 : memref<10192xi32, #tpu.memory_space<vmem>>)
      tpu.yield
    }) : () -> ()
    "tpu.region"() ({
      %run_scoped3A_57 = tpu.sem_alloc : memref<!tpu.dma_semaphore, #tpu.memory_space<semaphore_mem>>
      %dma_start3A_58 = arith.constant 0 : i32
      %dma_start3A_59 = arith.constant 0 : i32
      %dma_start3A_60 = tpu.memref_slice %arg4[%add3A, %dma_start3A_58, %dma_start3A_59] : memref<32x98x104xi32, #tpu.memory_space<hbm>> -> memref<1x98x104xi32, #tpu.memory_space<hbm>>
      %dma_start3A_61 = tpu.memref_squeeze %dma_start3A_60 : memref<1x98x104xi32, #tpu.memory_space<hbm>> -> memref<98x104xi32, #tpu.memory_space<hbm>>
      %dma_start3A_62 = arith.constant 0 : i32
      %dma_start3A_63 = arith.constant 0 : i32
      %dma_start3A_64 = tpu.memref_slice %arg4[%add3A, %dma_start3A_62, %dma_start3A_63] : memref<32x98x104xi32, #tpu.memory_space<hbm>> -> memref<1x98x104xi32, #tpu.memory_space<hbm>>
      %dma_start3A_65 = tpu.memref_squeeze %dma_start3A_64 : memref<1x98x104xi32, #tpu.memory_space<hbm>> -> memref<98x104xi32, #tpu.memory_space<hbm>>
      tpu.enqueue_dma source(%dma_start3A_65 : memref<98x104xi32, #tpu.memory_space<hbm>>) target(%arg7 : memref<98x104xi32, #tpu.memory_space<vmem>>) target_semaphore(%run_scoped3A_57 : memref<!tpu.dma_semaphore, #tpu.memory_space<semaphore_mem>>)
      %dma_wait3A = arith.constant 0 : i32
      %dma_wait3A_66 = arith.constant 0 : i32
      %dma_wait3A_67 = tpu.memref_slice %arg4[%add3A, %dma_wait3A, %dma_wait3A_66] : memref<32x98x104xi32, #tpu.memory_space<hbm>> -> memref<1x98x104xi32, #tpu.memory_space<hbm>>
      %dma_wait3A_68 = tpu.memref_squeeze %dma_wait3A_67 : memref<1x98x104xi32, #tpu.memory_space<hbm>> -> memref<98x104xi32, #tpu.memory_space<hbm>>
      %dma_wait3A_69 = arith.constant 0 : i32
      %dma_wait3A_70 = arith.constant 0 : i32
      %dma_wait3A_71 = tpu.memref_slice %arg4[%add3A, %dma_wait3A_69, %dma_wait3A_70] : memref<32x98x104xi32, #tpu.memory_space<hbm>> -> memref<1x98x104xi32, #tpu.memory_space<hbm>>
      %dma_wait3A_72 = tpu.memref_squeeze %dma_wait3A_71 : memref<1x98x104xi32, #tpu.memory_space<hbm>> -> memref<98x104xi32, #tpu.memory_space<hbm>>
      tpu.wait_dma2 semaphore(%run_scoped3A_57 : memref<!tpu.dma_semaphore, #tpu.memory_space<semaphore_mem>>) src(%dma_wait3A_72 : memref<98x104xi32, #tpu.memory_space<hbm>>) dst(%arg7 : memref<98x104xi32, #tpu.memory_space<vmem>>)
      tpu.yield
    }) : () -> ()
    %barrier3A = arith.constant 0 : index
    tpu.barrier barrier_id(%barrier3A)
    %dma_start3A = arith.constant 0 : i32
    %dma_start3A_29 = arith.constant 0 : i32
    %dma_start3A_30 = arith.constant 0 : i32
    %dma_start3A_31 = tpu.memref_slice %arg8[%dma_start3A, %dma_start3A_29, %dma_start3A_30] : memref<2x104x128xf32, #tpu.memory_space<vmem>> -> memref<1x104x128xf32, #tpu.memory_space<vmem>>
    %dma_start3A_32 = tpu.memref_squeeze %dma_start3A_31 : memref<1x104x128xf32, #tpu.memory_space<vmem>> -> memref<104x128xf32, #tpu.memory_space<vmem>>
    %dma_start3A_33 = arith.constant 0 : i32
    %dma_start3A_34 = tpu.memref_slice %arg6[%dma_start3A_33] : memref<10192xi32, #tpu.memory_space<vmem>> -> memref<104xi32, #tpu.memory_space<vmem>>
    %dma_start3A_35 = arith.constant 0 : i32
    %dma_start3A_36 = arith.constant 0 : i32
    %dma_start3A_37 = tpu.memref_slice %arg2[%dma_start3A_35, %dma_start3A_36] : memref<80000x128xf32, #tpu.memory_space<hbm>> -> memref<80000x128xf32, #tpu.memory_space<hbm>>
    tpu.enqueue_indirect_dma source(%dma_start3A_37 : memref<80000x128xf32, #tpu.memory_space<hbm>>) target(%dma_start3A_32 : memref<104x128xf32, #tpu.memory_space<vmem>>) offsets(%dma_start3A_34 : memref<104xi32, #tpu.memory_space<vmem>>) semaphore(%arg10 : memref<!tpu.dma_semaphore, #tpu.memory_space<semaphore_mem>>)
    %dma_start3A_38 = arith.constant 1 : i32
    %dma_start3A_39 = arith.constant 0 : i32
    %dma_start3A_40 = arith.constant 0 : i32
    %dma_start3A_41 = tpu.memref_slice %arg8[%dma_start3A_38, %dma_start3A_39, %dma_start3A_40] : memref<2x104x128xf32, #tpu.memory_space<vmem>> -> memref<1x104x128xf32, #tpu.memory_space<vmem>>
    %dma_start3A_42 = tpu.memref_squeeze %dma_start3A_41 : memref<1x104x128xf32, #tpu.memory_space<vmem>> -> memref<104x128xf32, #tpu.memory_space<vmem>>
    %dma_start3A_43 = arith.constant 104 : i32
    %dma_start3A_44 = tpu.memref_slice %arg6[%dma_start3A_43] : memref<10192xi32, #tpu.memory_space<vmem>> -> memref<104xi32, #tpu.memory_space<vmem>>
    %dma_start3A_45 = arith.constant 0 : i32
    %dma_start3A_46 = arith.constant 0 : i32
    %dma_start3A_47 = tpu.memref_slice %arg2[%dma_start3A_45, %dma_start3A_46] : memref<80000x128xf32, #tpu.memory_space<hbm>> -> memref<80000x128xf32, #tpu.memory_space<hbm>>
    tpu.enqueue_indirect_dma source(%dma_start3A_47 : memref<80000x128xf32, #tpu.memory_space<hbm>>) target(%dma_start3A_42 : memref<104x128xf32, #tpu.memory_space<vmem>>) offsets(%dma_start3A_44 : memref<104xi32, #tpu.memory_space<vmem>>) semaphore(%arg11 : memref<!tpu.dma_semaphore, #tpu.memory_space<semaphore_mem>>)
    %scan3A_48 = arith.constant 0 : i32
    %scan3A_49 = arith.constant 0 : i32
    %scan3A_50 = arith.constant 49 : i32
    %scan3A_51 = arith.addi %scan3A_49, %scan3A_50 : i32
    %scan3A_52 = arith.constant 1 : i32
    scf.for %scan3A_57 = %scan3A_49 to %scan3A_51 step %scan3A_52  : i32 {
      %mul3A_58 = arith.constant 2 : i32
      %mul3A_59 = arith.muli %mul3A_58, %scan3A_57 : i32
      %mul3A_60 = arith.constant 104 : i32
      %mul3A_61 = arith.muli %mul3A_59, %mul3A_60 : i32
      %dma_wait3A = arith.constant 0 : i32
      %dma_wait3A_62 = arith.constant 0 : i32
      %dma_wait3A_63 = arith.constant 0 : i32
      %dma_wait3A_64 = tpu.memref_slice %arg8[%dma_wait3A, %dma_wait3A_62, %dma_wait3A_63] : memref<2x104x128xf32, #tpu.memory_space<vmem>> -> memref<1x104x128xf32, #tpu.memory_space<vmem>>
      %dma_wait3A_65 = tpu.memref_squeeze %dma_wait3A_64 : memref<1x104x128xf32, #tpu.memory_space<vmem>> -> memref<104x128xf32, #tpu.memory_space<vmem>>
      %dma_wait3A_66 = tpu.memref_slice %arg6[%mul3A_61] : memref<10192xi32, #tpu.memory_space<vmem>> -> memref<104xi32, #tpu.memory_space<vmem>>
      %dma_wait3A_67 = arith.constant 0 : i32
      %dma_wait3A_68 = arith.constant 0 : i32
      %dma_wait3A_69 = tpu.memref_slice %arg2[%dma_wait3A_67, %dma_wait3A_68] : memref<80000x128xf32, #tpu.memory_space<hbm>> -> memref<80000x128xf32, #tpu.memory_space<hbm>>
      tpu.wait_indirect_dma semaphore(%arg10 : memref<!tpu.dma_semaphore, #tpu.memory_space<semaphore_mem>>) src(%dma_wait3A_69 : memref<80000x128xf32, #tpu.memory_space<hbm>>) dst(%dma_wait3A_65 : memref<104x128xf32, #tpu.memory_space<vmem>>)
      %run_scoped3A_70 = arith.constant 0 : i32
      "tpu.region"() ({
        %run_scoped3A_98 = tpu.sem_alloc : memref<!tpu.dma_semaphore, #tpu.memory_space<semaphore_mem>>
        %dma_start3A_99 = arith.constant 0 : i32
        %dma_start3A_100 = arith.constant 0 : i32
        %dma_start3A_101 = tpu.memref_slice %arg8[%run_scoped3A_70, %dma_start3A_99, %dma_start3A_100] : memref<2x104x128xf32, #tpu.memory_space<vmem>> -> memref<1x104x128xf32, #tpu.memory_space<vmem>>
        %dma_start3A_102 = tpu.memref_squeeze %dma_start3A_101 : memref<1x104x128xf32, #tpu.memory_space<vmem>> -> memref<104x128xf32, #tpu.memory_space<vmem>>
        %dma_start3A_103 = arith.constant 0 : i32
        %dma_start3A_104 = tpu.memref_slice %arg7[%mul3A_59, %dma_start3A_103] : memref<98x104xi32, #tpu.memory_space<vmem>> -> memref<1x104xi32, #tpu.memory_space<vmem>>
        %dma_start3A_105 = tpu.memref_squeeze %dma_start3A_104 : memref<1x104xi32, #tpu.memory_space<vmem>> -> memref<104xi32, #tpu.memory_space<vmem>>
        %dma_start3A_106 = arith.constant 0 : i32
        %dma_start3A_107 = arith.constant 0 : i32
        %dma_start3A_108 = tpu.memref_slice %arg9[%dma_start3A_106, %dma_start3A_107] : memref<10112x128xf32, #tpu.memory_space<vmem_shared>> -> memref<10112x128xf32, #tpu.memory_space<vmem_shared>>
        tpu.enqueue_indirect_dma source(%dma_start3A_102 : memref<104x128xf32, #tpu.memory_space<vmem>>) target(%dma_start3A_108 : memref<10112x128xf32, #tpu.memory_space<vmem_shared>>) offsets(%dma_start3A_105 : memref<104xi32, #tpu.memory_space<vmem>>) semaphore(%run_scoped3A_98 : memref<!tpu.dma_semaphore, #tpu.memory_space<semaphore_mem>>) {add = true}
        %dma_wait3A_109 = arith.constant 0 : i32
        %dma_wait3A_110 = arith.constant 0 : i32
        %dma_wait3A_111 = tpu.memref_slice %arg8[%run_scoped3A_70, %dma_wait3A_109, %dma_wait3A_110] : memref<2x104x128xf32, #tpu.memory_space<vmem>> -> memref<1x104x128xf32, #tpu.memory_space<vmem>>
        %dma_wait3A_112 = tpu.memref_squeeze %dma_wait3A_111 : memref<1x104x128xf32, #tpu.memory_space<vmem>> -> memref<104x128xf32, #tpu.memory_space<vmem>>
        %dma_wait3A_113 = arith.constant 0 : i32
        %dma_wait3A_114 = tpu.memref_slice %arg7[%mul3A_59, %dma_wait3A_113] : memref<98x104xi32, #tpu.memory_space<vmem>> -> memref<1x104xi32, #tpu.memory_space<vmem>>
        %dma_wait3A_115 = tpu.memref_squeeze %dma_wait3A_114 : memref<1x104xi32, #tpu.memory_space<vmem>> -> memref<104xi32, #tpu.memory_space<vmem>>
        %dma_wait3A_116 = arith.constant 0 : i32
        %dma_wait3A_117 = arith.constant 0 : i32
        %dma_wait3A_118 = tpu.memref_slice %arg9[%dma_wait3A_116, %dma_wait3A_117] : memref<10112x128xf32, #tpu.memory_space<vmem_shared>> -> memref<10112x128xf32, #tpu.memory_space<vmem_shared>>
        tpu.wait_indirect_dma semaphore(%run_scoped3A_98 : memref<!tpu.dma_semaphore, #tpu.memory_space<semaphore_mem>>) src(%dma_wait3A_112 : memref<104x128xf32, #tpu.memory_space<vmem>>) dst(%dma_wait3A_118 : memref<10112x128xf32, #tpu.memory_space<vmem_shared>>)
        tpu.yield
      }) : () -> ()
      %add3A_71 = arith.constant 2 : i32
      %add3A_72 = arith.addi %mul3A_59, %add3A_71 : i32
      %lt3A = arith.constant 98 : i32
      %lt3A_73 = arith.cmpi slt, %add3A_72, %lt3A : i32
      %convert_element_type3A = arith.extui %lt3A_73 : i1 to i32
      %cond3A = arith.constant 0 : i32
      %cond3A_74 = arith.cmpi ne, %convert_element_type3A, %cond3A : i32
      scf.if %cond3A_74 {
        %add3A_98 = arith.constant 2 : i32
        %add3A_99 = arith.addi %mul3A_59, %add3A_98 : i32
        %mul3A_100 = arith.constant 104 : i32
        %mul3A_101 = arith.muli %add3A_99, %mul3A_100 : i32
        %dma_start3A_102 = arith.constant 0 : i32
        %dma_start3A_103 = arith.constant 0 : i32
        %dma_start3A_104 = arith.constant 0 : i32
        %dma_start3A_105 = tpu.memref_slice %arg8[%dma_start3A_102, %dma_start3A_103, %dma_start3A_104] : memref<2x104x128xf32, #tpu.memory_space<vmem>> -> memref<1x104x128xf32, #tpu.memory_space<vmem>>
        %dma_start3A_106 = tpu.memref_squeeze %dma_start3A_105 : memref<1x104x128xf32, #tpu.memory_space<vmem>> -> memref<104x128xf32, #tpu.memory_space<vmem>>
        %dma_start3A_107 = tpu.memref_slice %arg6[%mul3A_101] : memref<10192xi32, #tpu.memory_space<vmem>> -> memref<104xi32, #tpu.memory_space<vmem>>
        %dma_start3A_108 = arith.constant 0 : i32
        %dma_start3A_109 = arith.constant 0 : i32
        %dma_start3A_110 = tpu.memref_slice %arg2[%dma_start3A_108, %dma_start3A_109] : memref<80000x128xf32, #tpu.memory_space<hbm>> -> memref<80000x128xf32, #tpu.memory_space<hbm>>
        tpu.enqueue_indirect_dma source(%dma_start3A_110 : memref<80000x128xf32, #tpu.memory_space<hbm>>) target(%dma_start3A_106 : memref<104x128xf32, #tpu.memory_space<vmem>>) offsets(%dma_start3A_107 : memref<104xi32, #tpu.memory_space<vmem>>) semaphore(%arg10 : memref<!tpu.dma_semaphore, #tpu.memory_space<semaphore_mem>>)
      } else {
      }
      %add3A_75 = arith.constant 1 : i32
      %add3A_76 = arith.addi %mul3A_59, %add3A_75 : i32
      %mul3A_77 = arith.constant 104 : i32
      %mul3A_78 = arith.muli %add3A_76, %mul3A_77 : i32
      %dma_wait3A_79 = arith.constant 1 : i32
      %dma_wait3A_80 = arith.constant 0 : i32
      %dma_wait3A_81 = arith.constant 0 : i32
      %dma_wait3A_82 = tpu.memref_slice %arg8[%dma_wait3A_79, %dma_wait3A_80, %dma_wait3A_81] : memref<2x104x128xf32, #tpu.memory_space<vmem>> -> memref<1x104x128xf32, #tpu.memory_space<vmem>>
      %dma_wait3A_83 = tpu.memref_squeeze %dma_wait3A_82 : memref<1x104x128xf32, #tpu.memory_space<vmem>> -> memref<104x128xf32, #tpu.memory_space<vmem>>
      %dma_wait3A_84 = tpu.memref_slice %arg6[%mul3A_78] : memref<10192xi32, #tpu.memory_space<vmem>> -> memref<104xi32, #tpu.memory_space<vmem>>
      %dma_wait3A_85 = arith.constant 0 : i32
      %dma_wait3A_86 = arith.constant 0 : i32
      %dma_wait3A_87 = tpu.memref_slice %arg2[%dma_wait3A_85, %dma_wait3A_86] : memref<80000x128xf32, #tpu.memory_space<hbm>> -> memref<80000x128xf32, #tpu.memory_space<hbm>>
      tpu.wait_indirect_dma semaphore(%arg11 : memref<!tpu.dma_semaphore, #tpu.memory_space<semaphore_mem>>) src(%dma_wait3A_87 : memref<80000x128xf32, #tpu.memory_space<hbm>>) dst(%dma_wait3A_83 : memref<104x128xf32, #tpu.memory_space<vmem>>)
      %add3A_88 = arith.constant 1 : i32
      %add3A_89 = arith.addi %mul3A_59, %add3A_88 : i32
      %run_scoped3A_90 = arith.constant 1 : i32
      "tpu.region"() ({
        %run_scoped3A_98 = tpu.sem_alloc : memref<!tpu.dma_semaphore, #tpu.memory_space<semaphore_mem>>
        %dma_start3A_99 = arith.constant 0 : i32
        %dma_start3A_100 = arith.constant 0 : i32
        %dma_start3A_101 = tpu.memref_slice %arg8[%run_scoped3A_90, %dma_start3A_99, %dma_start3A_100] : memref<2x104x128xf32, #tpu.memory_space<vmem>> -> memref<1x104x128xf32, #tpu.memory_space<vmem>>
        %dma_start3A_102 = tpu.memref_squeeze %dma_start3A_101 : memref<1x104x128xf32, #tpu.memory_space<vmem>> -> memref<104x128xf32, #tpu.memory_space<vmem>>
        %dma_start3A_103 = arith.constant 0 : i32
        %dma_start3A_104 = tpu.memref_slice %arg7[%add3A_89, %dma_start3A_103] : memref<98x104xi32, #tpu.memory_space<vmem>> -> memref<1x104xi32, #tpu.memory_space<vmem>>
        %dma_start3A_105 = tpu.memref_squeeze %dma_start3A_104 : memref<1x104xi32, #tpu.memory_space<vmem>> -> memref<104xi32, #tpu.memory_space<vmem>>
        %dma_start3A_106 = arith.constant 0 : i32
        %dma_start3A_107 = arith.constant 0 : i32
        %dma_start3A_108 = tpu.memref_slice %arg9[%dma_start3A_106, %dma_start3A_107] : memref<10112x128xf32, #tpu.memory_space<vmem_shared>> -> memref<10112x128xf32, #tpu.memory_space<vmem_shared>>
        tpu.enqueue_indirect_dma source(%dma_start3A_102 : memref<104x128xf32, #tpu.memory_space<vmem>>) target(%dma_start3A_108 : memref<10112x128xf32, #tpu.memory_space<vmem_shared>>) offsets(%dma_start3A_105 : memref<104xi32, #tpu.memory_space<vmem>>) semaphore(%run_scoped3A_98 : memref<!tpu.dma_semaphore, #tpu.memory_space<semaphore_mem>>) {add = true}
        %dma_wait3A_109 = arith.constant 0 : i32
        %dma_wait3A_110 = arith.constant 0 : i32
        %dma_wait3A_111 = tpu.memref_slice %arg8[%run_scoped3A_90, %dma_wait3A_109, %dma_wait3A_110] : memref<2x104x128xf32, #tpu.memory_space<vmem>> -> memref<1x104x128xf32, #tpu.memory_space<vmem>>
        %dma_wait3A_112 = tpu.memref_squeeze %dma_wait3A_111 : memref<1x104x128xf32, #tpu.memory_space<vmem>> -> memref<104x128xf32, #tpu.memory_space<vmem>>
        %dma_wait3A_113 = arith.constant 0 : i32
        %dma_wait3A_114 = tpu.memref_slice %arg7[%add3A_89, %dma_wait3A_113] : memref<98x104xi32, #tpu.memory_space<vmem>> -> memref<1x104xi32, #tpu.memory_space<vmem>>
        %dma_wait3A_115 = tpu.memref_squeeze %dma_wait3A_114 : memref<1x104xi32, #tpu.memory_space<vmem>> -> memref<104xi32, #tpu.memory_space<vmem>>
        %dma_wait3A_116 = arith.constant 0 : i32
        %dma_wait3A_117 = arith.constant 0 : i32
        %dma_wait3A_118 = tpu.memref_slice %arg9[%dma_wait3A_116, %dma_wait3A_117] : memref<10112x128xf32, #tpu.memory_space<vmem_shared>> -> memref<10112x128xf32, #tpu.memory_space<vmem_shared>>
        tpu.wait_indirect_dma semaphore(%run_scoped3A_98 : memref<!tpu.dma_semaphore, #tpu.memory_space<semaphore_mem>>) src(%dma_wait3A_112 : memref<104x128xf32, #tpu.memory_space<vmem>>) dst(%dma_wait3A_118 : memref<10112x128xf32, #tpu.memory_space<vmem_shared>>)
        tpu.yield
      }) : () -> ()
      %add3A_91 = arith.constant 3 : i32
      %add3A_92 = arith.addi %mul3A_59, %add3A_91 : i32
      %lt3A_93 = arith.constant 98 : i32
      %lt3A_94 = arith.cmpi slt, %add3A_92, %lt3A_93 : i32
      %convert_element_type3A_95 = arith.extui %lt3A_94 : i1 to i32
      %cond3A_96 = arith.constant 0 : i32
      %cond3A_97 = arith.cmpi ne, %convert_element_type3A_95, %cond3A_96 : i32
      scf.if %cond3A_97 {
        %add3A_98 = arith.constant 3 : i32
        %add3A_99 = arith.addi %mul3A_59, %add3A_98 : i32
        %mul3A_100 = arith.constant 104 : i32
        %mul3A_101 = arith.muli %add3A_99, %mul3A_100 : i32
        %dma_start3A_102 = arith.constant 1 : i32
        %dma_start3A_103 = arith.constant 0 : i32
        %dma_start3A_104 = arith.constant 0 : i32
        %dma_start3A_105 = tpu.memref_slice %arg8[%dma_start3A_102, %dma_start3A_103, %dma_start3A_104] : memref<2x104x128xf32, #tpu.memory_space<vmem>> -> memref<1x104x128xf32, #tpu.memory_space<vmem>>
        %dma_start3A_106 = tpu.memref_squeeze %dma_start3A_105 : memref<1x104x128xf32, #tpu.memory_space<vmem>> -> memref<104x128xf32, #tpu.memory_space<vmem>>
        %dma_start3A_107 = tpu.memref_slice %arg6[%mul3A_101] : memref<10192xi32, #tpu.memory_space<vmem>> -> memref<104xi32, #tpu.memory_space<vmem>>
        %dma_start3A_108 = arith.constant 0 : i32
        %dma_start3A_109 = arith.constant 0 : i32
        %dma_start3A_110 = tpu.memref_slice %arg2[%dma_start3A_108, %dma_start3A_109] : memref<80000x128xf32, #tpu.memory_space<hbm>> -> memref<80000x128xf32, #tpu.memory_space<hbm>>
        tpu.enqueue_indirect_dma source(%dma_start3A_110 : memref<80000x128xf32, #tpu.memory_space<hbm>>) target(%dma_start3A_106 : memref<104x128xf32, #tpu.memory_space<vmem>>) offsets(%dma_start3A_107 : memref<104xi32, #tpu.memory_space<vmem>>) semaphore(%arg11 : memref<!tpu.dma_semaphore, #tpu.memory_space<semaphore_mem>>)
      } else {
      }
    }
    %scan3A_53 = arith.constant 49 : i32
    %barrier3A_54 = arith.constant 0 : index
    tpu.barrier barrier_id(%barrier3A_54)
    %mul3A_55 = arith.constant 632 : i32
    %mul3A_56 = arith.muli %arg1, %mul3A_55 : i32
    "tpu.region"() ({
      %run_scoped3A_57 = tpu.sem_alloc : memref<!tpu.dma_semaphore, #tpu.memory_space<semaphore_mem>>
      %dma_start3A_58 = arith.constant 0 : i32
      %dma_start3A_59 = tpu.memref_slice %arg5[%arg0, %mul3A_56, %dma_start3A_58] : memref<2x10112x128xf32, #tpu.memory_space<hbm>> -> memref<1x632x128xf32, #tpu.memory_space<hbm>>
      %dma_start3A_60 = tpu.memref_squeeze %dma_start3A_59 : memref<1x632x128xf32, #tpu.memory_space<hbm>> -> memref<632x128xf32, #tpu.memory_space<hbm>>
      %dma_start3A_61 = arith.constant 0 : i32
      %dma_start3A_62 = tpu.memref_slice %arg9[%mul3A_56, %dma_start3A_61] : memref<10112x128xf32, #tpu.memory_space<vmem_shared>> -> memref<632x128xf32, #tpu.memory_space<vmem_shared>>
      tpu.enqueue_dma source(%dma_start3A_62 : memref<632x128xf32, #tpu.memory_space<vmem_shared>>) target(%dma_start3A_60 : memref<632x128xf32, #tpu.memory_space<hbm>>) target_semaphore(%run_scoped3A_57 : memref<!tpu.dma_semaphore, #tpu.memory_space<semaphore_mem>>)
      %dma_wait3A = arith.constant 0 : i32
      %dma_wait3A_63 = tpu.memref_slice %arg5[%arg0, %mul3A_56, %dma_wait3A] : memref<2x10112x128xf32, #tpu.memory_space<hbm>> -> memref<1x632x128xf32, #tpu.memory_space<hbm>>
      %dma_wait3A_64 = tpu.memref_squeeze %dma_wait3A_63 : memref<1x632x128xf32, #tpu.memory_space<hbm>> -> memref<632x128xf32, #tpu.memory_space<hbm>>
      %dma_wait3A_65 = arith.constant 0 : i32
      %dma_wait3A_66 = tpu.memref_slice %arg9[%mul3A_56, %dma_wait3A_65] : memref<10112x128xf32, #tpu.memory_space<vmem_shared>> -> memref<632x128xf32, #tpu.memory_space<vmem_shared>>
      tpu.wait_dma2 semaphore(%run_scoped3A_57 : memref<!tpu.dma_semaphore, #tpu.memory_space<semaphore_mem>>) src(%dma_wait3A_66 : memref<632x128xf32, #tpu.memory_space<vmem_shared>>) dst(%dma_wait3A_64 : memref<632x128xf32, #tpu.memory_space<hbm>>)
      tpu.yield
    }) : () -> ()
    return
  }
}

#map = affine_map<(d0, d1) -> (0, 0)>
#map1 = affine_map<(d0, d1) -> (0)>
module attributes {stable_mosaic.version = 14 : i64} {
  func.func @_target_gather_body(%arg0: i32, %arg1: i32, %arg2: memref<10000x128xf32, #tpu.memory_space<hbm>>, %arg3: memref<1024xi32, #tpu.memory_space<hbm>>, %arg4: memref<1024x128xf32, #tpu.memory_space<hbm>>, %arg5: memref<32xi32, #tpu.memory_space<vmem>>, %arg6: memref<32x128xf32, #tpu.memory_space<vmem>>, %arg7: memref<!tpu.dma_semaphore, #tpu.memory_space<semaphore_mem>>) attributes {dimension_semantics = [#tpu.dimension_semantics<core_parallel>, #tpu.dimension_semantics<subcore_parallel>], iteration_bounds = array<i64: 2, 16>, scalar_prefetch = 0 : i64, scratch_operands = 3 : i64, tpu.core_type = #tpu.core_type<sc_vector_subcore>, window_params = [{transform_indices = #map}, {transform_indices = #map1}, {transform_indices = #map}]} {
    %mul3A = arith.constant 16 : i32
    %mul3A_0 = arith.muli %arg0, %mul3A : i32
    %add3A = arith.addi %mul3A_0, %arg1 : i32
    %mul3A_1 = arith.constant 32 : i32
    %mul3A_2 = arith.muli %add3A, %mul3A_1 : i32
    "tpu.region"() ({
      %run_scoped3A = tpu.sem_alloc : memref<!tpu.dma_semaphore, #tpu.memory_space<semaphore_mem>>
      %dma_start3A_7 = tpu.memref_slice %arg3[%mul3A_2] : memref<1024xi32, #tpu.memory_space<hbm>> -> memref<32xi32, #tpu.memory_space<hbm>>
      %dma_start3A_8 = tpu.memref_slice %arg3[%mul3A_2] : memref<1024xi32, #tpu.memory_space<hbm>> -> memref<32xi32, #tpu.memory_space<hbm>>
      tpu.enqueue_dma source(%dma_start3A_8 : memref<32xi32, #tpu.memory_space<hbm>>) target(%arg5 : memref<32xi32, #tpu.memory_space<vmem>>) target_semaphore(%run_scoped3A : memref<!tpu.dma_semaphore, #tpu.memory_space<semaphore_mem>>)
      %dma_wait3A_9 = tpu.memref_slice %arg3[%mul3A_2] : memref<1024xi32, #tpu.memory_space<hbm>> -> memref<32xi32, #tpu.memory_space<hbm>>
      %dma_wait3A_10 = tpu.memref_slice %arg3[%mul3A_2] : memref<1024xi32, #tpu.memory_space<hbm>> -> memref<32xi32, #tpu.memory_space<hbm>>
      tpu.wait_dma2 semaphore(%run_scoped3A : memref<!tpu.dma_semaphore, #tpu.memory_space<semaphore_mem>>) src(%dma_wait3A_10 : memref<32xi32, #tpu.memory_space<hbm>>) dst(%arg5 : memref<32xi32, #tpu.memory_space<vmem>>)
      tpu.yield
    }) : () -> ()
    %dma_start3A = arith.constant 0 : i32
    %dma_start3A_3 = arith.constant 0 : i32
    %dma_start3A_4 = tpu.memref_slice %arg2[%dma_start3A, %dma_start3A_3] : memref<10000x128xf32, #tpu.memory_space<hbm>> -> memref<10000x128xf32, #tpu.memory_space<hbm>>
    tpu.enqueue_indirect_dma source(%dma_start3A_4 : memref<10000x128xf32, #tpu.memory_space<hbm>>) target(%arg6 : memref<32x128xf32, #tpu.memory_space<vmem>>) offsets(%arg5 : memref<32xi32, #tpu.memory_space<vmem>>) semaphore(%arg7 : memref<!tpu.dma_semaphore, #tpu.memory_space<semaphore_mem>>)
    %dma_wait3A = arith.constant 0 : i32
    %dma_wait3A_5 = arith.constant 0 : i32
    %dma_wait3A_6 = tpu.memref_slice %arg2[%dma_wait3A, %dma_wait3A_5] : memref<10000x128xf32, #tpu.memory_space<hbm>> -> memref<10000x128xf32, #tpu.memory_space<hbm>>
    tpu.wait_indirect_dma semaphore(%arg7 : memref<!tpu.dma_semaphore, #tpu.memory_space<semaphore_mem>>) src(%dma_wait3A_6 : memref<10000x128xf32, #tpu.memory_space<hbm>>) dst(%arg6 : memref<32x128xf32, #tpu.memory_space<vmem>>)
    "tpu.region"() ({
      %run_scoped3A = tpu.sem_alloc : memref<!tpu.dma_semaphore, #tpu.memory_space<semaphore_mem>>
      %dma_start3A_7 = arith.constant 0 : i32
      %dma_start3A_8 = tpu.memref_slice %arg4[%mul3A_2, %dma_start3A_7] : memref<1024x128xf32, #tpu.memory_space<hbm>> -> memref<32x128xf32, #tpu.memory_space<hbm>>
      %dma_start3A_9 = arith.constant 0 : i32
      %dma_start3A_10 = tpu.memref_slice %arg4[%mul3A_2, %dma_start3A_9] : memref<1024x128xf32, #tpu.memory_space<hbm>> -> memref<32x128xf32, #tpu.memory_space<hbm>>
      tpu.enqueue_dma source(%arg6 : memref<32x128xf32, #tpu.memory_space<vmem>>) target(%dma_start3A_10 : memref<32x128xf32, #tpu.memory_space<hbm>>) target_semaphore(%run_scoped3A : memref<!tpu.dma_semaphore, #tpu.memory_space<semaphore_mem>>)
      %dma_wait3A_11 = arith.constant 0 : i32
      %dma_wait3A_12 = tpu.memref_slice %arg4[%mul3A_2, %dma_wait3A_11] : memref<1024x128xf32, #tpu.memory_space<hbm>> -> memref<32x128xf32, #tpu.memory_space<hbm>>
      %dma_wait3A_13 = arith.constant 0 : i32
      %dma_wait3A_14 = tpu.memref_slice %arg4[%mul3A_2, %dma_wait3A_13] : memref<1024x128xf32, #tpu.memory_space<hbm>> -> memref<32x128xf32, #tpu.memory_space<hbm>>
      tpu.wait_dma2 semaphore(%run_scoped3A : memref<!tpu.dma_semaphore, #tpu.memory_space<semaphore_mem>>) src(%arg6 : memref<32x128xf32, #tpu.memory_space<vmem>>) dst(%dma_wait3A_14 : memref<32x128xf32, #tpu.memory_space<hbm>>)
      tpu.yield
    }) : () -> ()
    return
  }
}

module attributes {stable_mosaic.version = 14 : i64} {
  func.func @_l1_body(%arg0: i32, %arg1: memref<1000x128xf32, #tpu.memory_space<vmem>>, %arg2: memref<2x1000x128xf32, #tpu.memory_space<vmem>>, %arg3: memref<128x256xf32, #tpu.memory_space<vmem>>, %arg4: memref<128x256xf32, #tpu.memory_space<vmem>>, %arg5: memref<1000x256xf32, #tpu.memory_space<vmem>>, %arg6: memref<1000x128xf32, #tpu.memory_space<vmem>>) attributes {dimension_semantics = [#tpu.dimension_semantics<arbitrary>], iteration_bounds = array<i64: 10>, scalar_prefetch = 0 : i64, scratch_operands = 0 : i64, tpu.core_type = #tpu.core_type<tc>, window_params = [{transform_indices = @transform_0, window_bounds = array<i64: 1000, 128>}, {transform_indices = @transform_1, window_bounds = array<i64: 2, 1000, 128>}, {pipeline_mode = #tpu.pipeline_mode<synchronous>, transform_indices = @transform_2, window_bounds = array<i64: 128, 256>}, {pipeline_mode = #tpu.pipeline_mode<synchronous>, transform_indices = @transform_3, window_bounds = array<i64: 128, 256>}, {transform_indices = @transform_4, window_bounds = array<i64: 1000, 256>}, {transform_indices = @transform_5, window_bounds = array<i64: 1000, 128>}]} {
    %get3A = arith.constant 0 : index
    %get3A_0 = arith.constant 0 : index
    %get3A_1 = arith.constant 0 : index
    %get3A_2 = vector.load %arg2[%get3A, %get3A_0, %get3A_1] : memref<2x1000x128xf32, #tpu.memory_space<vmem>>, vector<1x1000x128xf32>
    %get3A_3 = vector.shape_cast %get3A_2 : vector<1x1000x128xf32> to vector<1000x128xf32>
    %get3A_4 = arith.constant 1 : index
    %get3A_5 = arith.constant 0 : index
    %get3A_6 = arith.constant 0 : index
    %get3A_7 = vector.load %arg2[%get3A_4, %get3A_5, %get3A_6] : memref<2x1000x128xf32, #tpu.memory_space<vmem>>, vector<1x1000x128xf32>
    %get3A_8 = vector.shape_cast %get3A_7 : vector<1x1000x128xf32> to vector<1000x128xf32>
    %add3A = arith.addf %get3A_3, %get3A_8 : vector<1000x128xf32>
    %swap3A = arith.constant 0 : index
    %swap3A_9 = arith.constant 0 : index
    %swap3A_10 = vector.load %arg6[%swap3A, %swap3A_9] : memref<1000x128xf32, #tpu.memory_space<vmem>>, vector<1000x128xf32>
    tpu.vector_store %arg6[%swap3A, %swap3A_9], %add3A {strides = array<i32>} : memref<1000x128xf32, #tpu.memory_space<vmem>>, vector<1000x128xf32>,
    %get3A_11 = arith.constant 0 : index
    %get3A_12 = arith.constant 0 : index
    %get3A_13 = vector.load %arg1[%get3A_11, %get3A_12] : memref<1000x128xf32, #tpu.memory_space<vmem>>, vector<1000x128xf32>
    %get3A_14 = arith.constant 0 : index
    %get3A_15 = arith.constant 0 : index
    %get3A_16 = vector.load %arg3[%get3A_14, %get3A_15] : memref<128x256xf32, #tpu.memory_space<vmem>>, vector<128x256xf32>
    %dot_general3A = arith.constant dense<0.000000e+00> : vector<1000x256xf32>
    %dot_general3A_17 = tpu.matmul %get3A_13, %get3A_16, %dot_general3A {dimension_numbers = #tpu.dot_dimension_numbers<[1], [0], [0], [1], [0, 0, 1, 1], [], []>, transpose_lhs_hint = false} : vector<1000x128xf32>, vector<128x256xf32>, vector<1000x256xf32> -> vector<1000x256xf32>
    %get3A_18 = arith.constant 0 : index
    %get3A_19 = arith.constant 0 : index
    %get3A_20 = vector.load %arg4[%get3A_18, %get3A_19] : memref<128x256xf32, #tpu.memory_space<vmem>>, vector<128x256xf32>
    %dot_general3A_21 = arith.constant dense<0.000000e+00> : vector<1000x256xf32>
    %dot_general3A_22 = tpu.matmul %add3A, %get3A_20, %dot_general3A_21 {dimension_numbers = #tpu.dot_dimension_numbers<[1], [0], [0], [1], [0, 0, 1, 1], [], []>, transpose_lhs_hint = false} : vector<1000x128xf32>, vector<128x256xf32>, vector<1000x256xf32> -> vector<1000x256xf32>
    %add3A_23 = arith.addf %dot_general3A_17, %dot_general3A_22 : vector<1000x256xf32>
    %swap3A_24 = arith.constant 0 : index
    %swap3A_25 = arith.constant 0 : index
    %swap3A_26 = vector.load %arg5[%swap3A_24, %swap3A_25] : memref<1000x256xf32, #tpu.memory_space<vmem>>, vector<1000x256xf32>
    tpu.vector_store %arg5[%swap3A_24, %swap3A_25], %add3A_23 {strides = array<i32>} : memref<1000x256xf32, #tpu.memory_space<vmem>>, vector<1000x256xf32>,
    return
  }
  func.func @transform_0(%arg0: i32) -> (i32, i32) {
    %c0_i32 = arith.constant 0 : i32
    %c0_i32_0 = arith.constant 0 : i32
    return %arg0, %c0_i32 : i32, i32
  }
  func.func @transform_1(%arg0: i32) -> (i32, i32, i32) {
    %c0_i32 = arith.constant 0 : i32
    %c0_i32_0 = arith.constant 0 : i32
    %c0_i32_1 = arith.constant 0 : i32
    return %c0_i32, %arg0, %c0_i32_0 : i32, i32, i32
  }
  func.func @transform_2(%arg0: i32) -> (i32, i32) {
    %c0_i32 = arith.constant 0 : i32
    %c0_i32_0 = arith.constant 0 : i32
    %c0_i32_1 = arith.constant 0 : i32
    return %c0_i32, %c0_i32_0 : i32, i32
  }
  func.func @transform_3(%arg0: i32) -> (i32, i32) {
    %c0_i32 = arith.constant 0 : i32
    %c0_i32_0 = arith.constant 0 : i32
    %c0_i32_1 = arith.constant 0 : i32
    return %c0_i32, %c0_i32_0 : i32, i32
  }
  func.func @transform_4(%arg0: i32) -> (i32, i32) {
    %c0_i32 = arith.constant 0 : i32
    %c0_i32_0 = arith.constant 0 : i32
    return %arg0, %c0_i32 : i32, i32
  }
  func.func @transform_5(%arg0: i32) -> (i32, i32) {
    %c0_i32 = arith.constant 0 : i32
    %c0_i32_0 = arith.constant 0 : i32
    return %arg0, %c0_i32 : i32, i32
  }
}

module attributes {stable_mosaic.version = 14 : i64} {
  func.func @_l2_body(%arg0: i32, %arg1: memref<1000x256xf32, #tpu.memory_space<vmem>>, %arg2: memref<1000x128xf32, #tpu.memory_space<vmem>>, %arg3: memref<2x1000x128xf32, #tpu.memory_space<vmem>>, %arg4: memref<128x256xf32, #tpu.memory_space<vmem>>, %arg5: memref<128x256xf32, #tpu.memory_space<vmem>>, %arg6: memref<256x256xf32, #tpu.memory_space<vmem>>, %arg7: memref<256x256xf32, #tpu.memory_space<vmem>>, %arg8: memref<1x256xf32, #tpu.memory_space<vmem>>, %arg9: memref<1000x128xf32, #tpu.memory_space<vmem>>, %arg10: memref<1000x128xf32, #tpu.memory_space<vmem>>) attributes {dimension_semantics = [#tpu.dimension_semantics<arbitrary>], iteration_bounds = array<i64: 10>, scalar_prefetch = 0 : i64, scratch_operands = 0 : i64, tpu.core_type = #tpu.core_type<tc>, window_params = [{transform_indices = @transform_0, window_bounds = array<i64: 1000, 256>}, {transform_indices = @transform_1, window_bounds = array<i64: 1000, 128>}, {transform_indices = @transform_2, window_bounds = array<i64: 2, 1000, 128>}, {pipeline_mode = #tpu.pipeline_mode<synchronous>, transform_indices = @transform_3, window_bounds = array<i64: 128, 256>}, {pipeline_mode = #tpu.pipeline_mode<synchronous>, transform_indices = @transform_4, window_bounds = array<i64: 128, 256>}, {pipeline_mode = #tpu.pipeline_mode<synchronous>, transform_indices = @transform_5, window_bounds = array<i64: 256, 256>}, {pipeline_mode = #tpu.pipeline_mode<synchronous>, transform_indices = @transform_6, window_bounds = array<i64: 256, 256>}, {pipeline_mode = #tpu.pipeline_mode<synchronous>, transform_indices = @transform_7, window_bounds = array<i64: 1, 256>}, {transform_indices = @transform_8, window_bounds = array<i64: 1000, 128>}, {transform_indices = @transform_9, window_bounds = array<i64: 1000, 128>}]} {
    %get3A = arith.constant 0 : index
    %get3A_0 = arith.constant 0 : index
    %get3A_1 = arith.constant 0 : index
    %get3A_2 = vector.load %arg3[%get3A, %get3A_0, %get3A_1] : memref<2x1000x128xf32, #tpu.memory_space<vmem>>, vector<1x1000x128xf32>
    %get3A_3 = vector.shape_cast %get3A_2 : vector<1x1000x128xf32> to vector<1000x128xf32>
    %get3A_4 = arith.constant 1 : index
    %get3A_5 = arith.constant 0 : index
    %get3A_6 = arith.constant 0 : index
    %get3A_7 = vector.load %arg3[%get3A_4, %get3A_5, %get3A_6] : memref<2x1000x128xf32, #tpu.memory_space<vmem>>, vector<1x1000x128xf32>
    %get3A_8 = vector.shape_cast %get3A_7 : vector<1x1000x128xf32> to vector<1000x128xf32>
    %add3A = arith.addf %get3A_3, %get3A_8 : vector<1000x128xf32>
    %get3A_9 = arith.constant 0 : index
    %get3A_10 = arith.constant 0 : index
    %get3A_11 = vector.load %arg2[%get3A_9, %get3A_10] : memref<1000x128xf32, #tpu.memory_space<vmem>>, vector<1000x128xf32>
    %get3A_12 = arith.constant 0 : index
    %get3A_13 = arith.constant 0 : index
    %get3A_14 = vector.load %arg4[%get3A_12, %get3A_13] : memref<128x256xf32, #tpu.memory_space<vmem>>, vector<128x256xf32>
    %dot_general3A = arith.constant dense<0.000000e+00> : vector<1000x256xf32>
    %dot_general3A_15 = tpu.matmul %get3A_11, %get3A_14, %dot_general3A {dimension_numbers = #tpu.dot_dimension_numbers<[1], [0], [0], [1], [0, 0, 1, 1], [], []>, transpose_lhs_hint = false} : vector<1000x128xf32>, vector<128x256xf32>, vector<1000x256xf32> -> vector<1000x256xf32>
    %get3A_16 = arith.constant 0 : index
    %get3A_17 = arith.constant 0 : index
    %get3A_18 = vector.load %arg5[%get3A_16, %get3A_17] : memref<128x256xf32, #tpu.memory_space<vmem>>, vector<128x256xf32>
    %dot_general3A_19 = arith.constant dense<0.000000e+00> : vector<1000x256xf32>
    %dot_general3A_20 = tpu.matmul %add3A, %get3A_18, %dot_general3A_19 {dimension_numbers = #tpu.dot_dimension_numbers<[1], [0], [0], [1], [0, 0, 1, 1], [], []>, transpose_lhs_hint = false} : vector<1000x128xf32>, vector<128x256xf32>, vector<1000x256xf32> -> vector<1000x256xf32>
    %add3A_21 = arith.addf %dot_general3A_15, %dot_general3A_20 : vector<1000x256xf32>
    %get3A_22 = arith.constant 0 : index
    %get3A_23 = arith.constant 0 : index
    %get3A_24 = vector.load %arg1[%get3A_22, %get3A_23] : memref<1000x256xf32, #tpu.memory_space<vmem>>, vector<1000x256xf32>
    %get3A_25 = arith.constant 0 : index
    %get3A_26 = arith.constant 0 : index
    %get3A_27 = vector.load %arg6[%get3A_25, %get3A_26] : memref<256x256xf32, #tpu.memory_space<vmem>>, vector<256x256xf32>
    %dot_general3A_28 = arith.constant dense<0.000000e+00> : vector<1000x256xf32>
    %dot_general3A_29 = tpu.matmul %get3A_24, %get3A_27, %dot_general3A_28 {dimension_numbers = #tpu.dot_dimension_numbers<[1], [0], [0], [1], [0, 0, 1, 1], [], []>, transpose_lhs_hint = false} : vector<1000x256xf32>, vector<256x256xf32>, vector<1000x256xf32> -> vector<1000x256xf32>
    %get3A_30 = arith.constant 0 : index
    %get3A_31 = arith.constant 0 : index
    %get3A_32 = vector.load %arg7[%get3A_30, %get3A_31] : memref<256x256xf32, #tpu.memory_space<vmem>>, vector<256x256xf32>
    %dot_general3A_33 = arith.constant dense<0.000000e+00> : vector<1000x256xf32>
    %dot_general3A_34 = tpu.matmul %add3A_21, %get3A_32, %dot_general3A_33 {dimension_numbers = #tpu.dot_dimension_numbers<[1], [0], [0], [1], [0, 0, 1, 1], [], []>, transpose_lhs_hint = false} : vector<1000x256xf32>, vector<256x256xf32>, vector<1000x256xf32> -> vector<1000x256xf32>
    %add3A_35 = arith.addf %dot_general3A_29, %dot_general3A_34 : vector<1000x256xf32>
    %get3A_36 = arith.constant 0 : index
    %get3A_37 = arith.constant 0 : index
    %get3A_38 = vector.load %arg8[%get3A_36, %get3A_37] : memref<1x256xf32, #tpu.memory_space<vmem>>, vector<1x256xf32>
    %add3A_39 = vector.broadcast %get3A_38 : vector<1x256xf32> to vector<1000x256xf32>
    %add3A_40 = arith.addf %add3A_35, %add3A_39 : vector<1000x256xf32>
    %max3A = arith.constant 0.000000e+00 : f32
    %max3A_41 = vector.broadcast %max3A : f32 to vector<1000x256xf32>
    %max3A_42 = arith.maximumf %add3A_40, %max3A_41 : vector<1000x256xf32>
    %mul3A = arith.mulf %max3A_42, %max3A_42 : vector<1000x256xf32>
    %reduce_sum3A = arith.constant dense<0.000000e+00> : vector<1000xf32>
    %reduce_sum3A_43 = vector.multi_reduction <add>, %mul3A, %reduce_sum3A [1] : vector<1000x256xf32> to vector<1000xf32>
    %broadcast_in_dim3A = vector.shape_cast %reduce_sum3A_43 : vector<1000xf32> to vector<1000x1xf32>
    %sqrt3A = math.sqrt %broadcast_in_dim3A : vector<1000x1xf32>
    %add3A_44 = arith.constant 9.99999997E-7 : f32
    %add3A_45 = vector.broadcast %add3A_44 : f32 to vector<1000x1xf32>
    %add3A_46 = arith.addf %sqrt3A, %add3A_45 : vector<1000x1xf32>
    %div3A = vector.broadcast %add3A_46 : vector<1000x1xf32> to vector<1000x256xf32>
    %div3A_47 = arith.divf %max3A_42, %div3A : vector<1000x256xf32>
    %add3A_48 = arith.addf %div3A_47, %get3A_24 : vector<1000x256xf32>
    %slice3A = vector.extract_strided_slice %add3A_48 {offsets = [0, 0], sizes = [1000, 128], strides = [1, 1]} : vector<1000x256xf32> to vector<1000x128xf32>
    %swap3A = arith.constant 0 : index
    %swap3A_49 = arith.constant 0 : index
    %swap3A_50 = vector.load %arg9[%swap3A, %swap3A_49] : memref<1000x128xf32, #tpu.memory_space<vmem>>, vector<1000x128xf32>
    tpu.vector_store %arg9[%swap3A, %swap3A_49], %slice3A {strides = array<i32>} : memref<1000x128xf32, #tpu.memory_space<vmem>>, vector<1000x128xf32>,
    %slice3A_51 = vector.extract_strided_slice %add3A_48 {offsets = [0, 128], sizes = [1000, 128], strides = [1, 1]} : vector<1000x256xf32> to vector<1000x128xf32>
    %swap3A_52 = arith.constant 0 : index
    %swap3A_53 = arith.constant 0 : index
    %swap3A_54 = vector.load %arg10[%swap3A_52, %swap3A_53] : memref<1000x128xf32, #tpu.memory_space<vmem>>, vector<1000x128xf32>
    tpu.vector_store %arg10[%swap3A_52, %swap3A_53], %slice3A_51 {strides = array<i32>} : memref<1000x128xf32, #tpu.memory_space<vmem>>, vector<1000x128xf32>,
    return
  }
  func.func @transform_0(%arg0: i32) -> (i32, i32) {
    %c0_i32 = arith.constant 0 : i32
    %c0_i32_0 = arith.constant 0 : i32
    return %arg0, %c0_i32 : i32, i32
  }
  func.func @transform_1(%arg0: i32) -> (i32, i32) {
    %c0_i32 = arith.constant 0 : i32
    %c0_i32_0 = arith.constant 0 : i32
    return %arg0, %c0_i32 : i32, i32
  }
  func.func @transform_2(%arg0: i32) -> (i32, i32, i32) {
    %c0_i32 = arith.constant 0 : i32
    %c0_i32_0 = arith.constant 0 : i32
    %c0_i32_1 = arith.constant 0 : i32
    return %c0_i32, %arg0, %c0_i32_0 : i32, i32, i32
  }
  func.func @transform_3(%arg0: i32) -> (i32, i32) {
    %c0_i32 = arith.constant 0 : i32
    %c0_i32_0 = arith.constant 0 : i32
    %c0_i32_1 = arith.constant 0 : i32
    return %c0_i32, %c0_i32_0 : i32, i32
  }
  func.func @transform_4(%arg0: i32) -> (i32, i32) {
    %c0_i32 = arith.constant 0 : i32
    %c0_i32_0 = arith.constant 0 : i32
    %c0_i32_1 = arith.constant 0 : i32
    return %c0_i32, %c0_i32_0 : i32, i32
  }
  func.func @transform_5(%arg0: i32) -> (i32, i32) {
    %c0_i32 = arith.constant 0 : i32
    %c0_i32_0 = arith.constant 0 : i32
    %c0_i32_1 = arith.constant 0 : i32
    return %c0_i32, %c0_i32_0 : i32, i32
  }
  func.func @transform_6(%arg0: i32) -> (i32, i32) {
    %c0_i32 = arith.constant 0 : i32
    %c0_i32_0 = arith.constant 0 : i32
    %c0_i32_1 = arith.constant 0 : i32
    return %c0_i32, %c0_i32_0 : i32, i32
  }
  func.func @transform_7(%arg0: i32) -> (i32, i32) {
    %c0_i32 = arith.constant 0 : i32
    %c0_i32_0 = arith.constant 0 : i32
    %c0_i32_1 = arith.constant 0 : i32
    return %c0_i32, %c0_i32_0 : i32, i32
  }
  func.func @transform_8(%arg0: i32) -> (i32, i32) {
    %c0_i32 = arith.constant 0 : i32
    %c0_i32_0 = arith.constant 0 : i32
    return %arg0, %c0_i32 : i32, i32
  }
  func.func @transform_9(%arg0: i32) -> (i32, i32) {
    %c0_i32 = arith.constant 0 : i32
    %c0_i32_0 = arith.constant 0 : i32
    return %arg0, %c0_i32 : i32, i32
  }
}

module attributes {stable_mosaic.version = 14 : i64} {
  func.func @_l3_body(%arg0: i32, %arg1: memref<1000x128xf32, #tpu.memory_space<vmem>>, %arg2: memref<1000x128xf32, #tpu.memory_space<vmem>>, %arg3: memref<2x1000x128xf32, #tpu.memory_space<vmem>>, %arg4: memref<2x1000x128xf32, #tpu.memory_space<vmem>>, %arg5: memref<128x256xf32, #tpu.memory_space<vmem>>, %arg6: memref<128x256xf32, #tpu.memory_space<vmem>>, %arg7: memref<128x256xf32, #tpu.memory_space<vmem>>, %arg8: memref<128x256xf32, #tpu.memory_space<vmem>>, %arg9: memref<1x256xf32, #tpu.memory_space<vmem>>, %arg10: memref<256x128xf32, #tpu.memory_space<vmem>>, %arg11: memref<1000x128xf32, #tpu.memory_space<vmem>>) attributes {dimension_semantics = [#tpu.dimension_semantics<arbitrary>], iteration_bounds = array<i64: 10>, scalar_prefetch = 0 : i64, scratch_operands = 0 : i64, tpu.core_type = #tpu.core_type<tc>, window_params = [{transform_indices = @transform_0, window_bounds = array<i64: 1000, 128>}, {transform_indices = @transform_1, window_bounds = array<i64: 1000, 128>}, {transform_indices = @transform_2, window_bounds = array<i64: 2, 1000, 128>}, {transform_indices = @transform_3, window_bounds = array<i64: 2, 1000, 128>}, {pipeline_mode = #tpu.pipeline_mode<synchronous>, transform_indices = @transform_4, window_bounds = array<i64: 128, 256>}, {pipeline_mode = #tpu.pipeline_mode<synchronous>, transform_indices = @transform_5, window_bounds = array<i64: 128, 256>}, {pipeline_mode = #tpu.pipeline_mode<synchronous>, transform_indices = @transform_6, window_bounds = array<i64: 128, 256>}, {pipeline_mode = #tpu.pipeline_mode<synchronous>, transform_indices = @transform_7, window_bounds = array<i64: 128, 256>}, {pipeline_mode = #tpu.pipeline_mode<synchronous>, transform_indices = @transform_8, window_bounds = array<i64: 1, 256>}, {pipeline_mode = #tpu.pipeline_mode<synchronous>, transform_indices = @transform_9, window_bounds = array<i64: 256, 128>}, {transform_indices = @transform_10, window_bounds = array<i64: 1000, 128>}]} {
    %get3A = arith.constant 0 : index
    %get3A_0 = arith.constant 0 : index
    %get3A_1 = arith.constant 0 : index
    %get3A_2 = vector.load %arg3[%get3A, %get3A_0, %get3A_1] : memref<2x1000x128xf32, #tpu.memory_space<vmem>>, vector<1x1000x128xf32>
    %get3A_3 = vector.shape_cast %get3A_2 : vector<1x1000x128xf32> to vector<1000x128xf32>
    %get3A_4 = arith.constant 1 : index
    %get3A_5 = arith.constant 0 : index
    %get3A_6 = arith.constant 0 : index
    %get3A_7 = vector.load %arg3[%get3A_4, %get3A_5, %get3A_6] : memref<2x1000x128xf32, #tpu.memory_space<vmem>>, vector<1x1000x128xf32>
    %get3A_8 = vector.shape_cast %get3A_7 : vector<1x1000x128xf32> to vector<1000x128xf32>
    %add3A = arith.addf %get3A_3, %get3A_8 : vector<1000x128xf32>
    %get3A_9 = arith.constant 0 : index
    %get3A_10 = arith.constant 0 : index
    %get3A_11 = arith.constant 0 : index
    %get3A_12 = vector.load %arg4[%get3A_9, %get3A_10, %get3A_11] : memref<2x1000x128xf32, #tpu.memory_space<vmem>>, vector<1x1000x128xf32>
    %get3A_13 = vector.shape_cast %get3A_12 : vector<1x1000x128xf32> to vector<1000x128xf32>
    %get3A_14 = arith.constant 1 : index
    %get3A_15 = arith.constant 0 : index
    %get3A_16 = arith.constant 0 : index
    %get3A_17 = vector.load %arg4[%get3A_14, %get3A_15, %get3A_16] : memref<2x1000x128xf32, #tpu.memory_space<vmem>>, vector<1x1000x128xf32>
    %get3A_18 = vector.shape_cast %get3A_17 : vector<1x1000x128xf32> to vector<1000x128xf32>
    %add3A_19 = arith.addf %get3A_13, %get3A_18 : vector<1000x128xf32>
    %get3A_20 = arith.constant 0 : index
    %get3A_21 = arith.constant 0 : index
    %get3A_22 = vector.load %arg1[%get3A_20, %get3A_21] : memref<1000x128xf32, #tpu.memory_space<vmem>>, vector<1000x128xf32>
    %get3A_23 = arith.constant 0 : index
    %get3A_24 = arith.constant 0 : index
    %get3A_25 = vector.load %arg5[%get3A_23, %get3A_24] : memref<128x256xf32, #tpu.memory_space<vmem>>, vector<128x256xf32>
    %dot_general3A = arith.constant dense<0.000000e+00> : vector<1000x256xf32>
    %dot_general3A_26 = tpu.matmul %get3A_22, %get3A_25, %dot_general3A {dimension_numbers = #tpu.dot_dimension_numbers<[1], [0], [0], [1], [0, 0, 1, 1], [], []>, transpose_lhs_hint = false} : vector<1000x128xf32>, vector<128x256xf32>, vector<1000x256xf32> -> vector<1000x256xf32>
    %get3A_27 = arith.constant 0 : index
    %get3A_28 = arith.constant 0 : index
    %get3A_29 = vector.load %arg2[%get3A_27, %get3A_28] : memref<1000x128xf32, #tpu.memory_space<vmem>>, vector<1000x128xf32>
    %get3A_30 = arith.constant 0 : index
    %get3A_31 = arith.constant 0 : index
    %get3A_32 = vector.load %arg6[%get3A_30, %get3A_31] : memref<128x256xf32, #tpu.memory_space<vmem>>, vector<128x256xf32>
    %dot_general3A_33 = arith.constant dense<0.000000e+00> : vector<1000x256xf32>
    %dot_general3A_34 = tpu.matmul %get3A_29, %get3A_32, %dot_general3A_33 {dimension_numbers = #tpu.dot_dimension_numbers<[1], [0], [0], [1], [0, 0, 1, 1], [], []>, transpose_lhs_hint = false} : vector<1000x128xf32>, vector<128x256xf32>, vector<1000x256xf32> -> vector<1000x256xf32>
    %add3A_35 = arith.addf %dot_general3A_26, %dot_general3A_34 : vector<1000x256xf32>
    %get3A_36 = arith.constant 0 : index
    %get3A_37 = arith.constant 0 : index
    %get3A_38 = vector.load %arg7[%get3A_36, %get3A_37] : memref<128x256xf32, #tpu.memory_space<vmem>>, vector<128x256xf32>
    %dot_general3A_39 = arith.constant dense<0.000000e+00> : vector<1000x256xf32>
    %dot_general3A_40 = tpu.matmul %add3A, %get3A_38, %dot_general3A_39 {dimension_numbers = #tpu.dot_dimension_numbers<[1], [0], [0], [1], [0, 0, 1, 1], [], []>, transpose_lhs_hint = false} : vector<1000x128xf32>, vector<128x256xf32>, vector<1000x256xf32> -> vector<1000x256xf32>
    %add3A_41 = arith.addf %add3A_35, %dot_general3A_40 : vector<1000x256xf32>
    %get3A_42 = arith.constant 0 : index
    %get3A_43 = arith.constant 0 : index
    %get3A_44 = vector.load %arg8[%get3A_42, %get3A_43] : memref<128x256xf32, #tpu.memory_space<vmem>>, vector<128x256xf32>
    %dot_general3A_45 = arith.constant dense<0.000000e+00> : vector<1000x256xf32>
    %dot_general3A_46 = tpu.matmul %add3A_19, %get3A_44, %dot_general3A_45 {dimension_numbers = #tpu.dot_dimension_numbers<[1], [0], [0], [1], [0, 0, 1, 1], [], []>, transpose_lhs_hint = false} : vector<1000x128xf32>, vector<128x256xf32>, vector<1000x256xf32> -> vector<1000x256xf32>
    %add3A_47 = arith.addf %add3A_41, %dot_general3A_46 : vector<1000x256xf32>
    %get3A_48 = arith.constant 0 : index
    %get3A_49 = arith.constant 0 : index
    %get3A_50 = vector.load %arg9[%get3A_48, %get3A_49] : memref<1x256xf32, #tpu.memory_space<vmem>>, vector<1x256xf32>
    %add3A_51 = vector.broadcast %get3A_50 : vector<1x256xf32> to vector<1000x256xf32>
    %add3A_52 = arith.addf %add3A_47, %add3A_51 : vector<1000x256xf32>
    %max3A = arith.constant 0.000000e+00 : f32
    %max3A_53 = vector.broadcast %max3A : f32 to vector<1000x256xf32>
    %max3A_54 = arith.maximumf %add3A_52, %max3A_53 : vector<1000x256xf32>
    %mul3A = arith.mulf %max3A_54, %max3A_54 : vector<1000x256xf32>
    %reduce_sum3A = arith.constant dense<0.000000e+00> : vector<1000xf32>
    %reduce_sum3A_55 = vector.multi_reduction <add>, %mul3A, %reduce_sum3A [1] : vector<1000x256xf32> to vector<1000xf32>
    %broadcast_in_dim3A = vector.shape_cast %reduce_sum3A_55 : vector<1000xf32> to vector<1000x1xf32>
    %sqrt3A = math.sqrt %broadcast_in_dim3A : vector<1000x1xf32>
    %add3A_56 = arith.constant 9.99999997E-7 : f32
    %add3A_57 = vector.broadcast %add3A_56 : f32 to vector<1000x1xf32>
    %add3A_58 = arith.addf %sqrt3A, %add3A_57 : vector<1000x1xf32>
    %div3A = vector.broadcast %add3A_58 : vector<1000x1xf32> to vector<1000x256xf32>
    %div3A_59 = arith.divf %max3A_54, %div3A : vector<1000x256xf32>
    %get3A_60 = arith.constant 0 : index
    %get3A_61 = arith.constant 0 : index
    %get3A_62 = vector.load %arg10[%get3A_60, %get3A_61] : memref<256x128xf32, #tpu.memory_space<vmem>>, vector<256x128xf32>
    %dot_general3A_63 = arith.constant dense<0.000000e+00> : vector<1000x128xf32>
    %dot_general3A_64 = tpu.matmul %div3A_59, %get3A_62, %dot_general3A_63 {dimension_numbers = #tpu.dot_dimension_numbers<[1], [0], [0], [1], [0, 0, 1, 1], [], []>, transpose_lhs_hint = false} : vector<1000x256xf32>, vector<256x128xf32>, vector<1000x128xf32> -> vector<1000x128xf32>
    %swap3A = arith.constant 0 : index
    %swap3A_65 = arith.constant 0 : index
    %swap3A_66 = vector.load %arg11[%swap3A, %swap3A_65] : memref<1000x128xf32, #tpu.memory_space<vmem>>, vector<1000x128xf32>
    tpu.vector_store %arg11[%swap3A, %swap3A_65], %dot_general3A_64 {strides = array<i32>} : memref<1000x128xf32, #tpu.memory_space<vmem>>, vector<1000x128xf32>,
    return
  }
  func.func @transform_0(%arg0: i32) -> (i32, i32) {
    %c0_i32 = arith.constant 0 : i32
    %c0_i32_0 = arith.constant 0 : i32
    return %arg0, %c0_i32 : i32, i32
  }
  func.func @transform_1(%arg0: i32) -> (i32, i32) {
    %c0_i32 = arith.constant 0 : i32
    %c0_i32_0 = arith.constant 0 : i32
    return %arg0, %c0_i32 : i32, i32
  }
  func.func @transform_2(%arg0: i32) -> (i32, i32, i32) {
    %c0_i32 = arith.constant 0 : i32
    %c0_i32_0 = arith.constant 0 : i32
    %c0_i32_1 = arith.constant 0 : i32
    return %c0_i32, %arg0, %c0_i32_0 : i32, i32, i32
  }
  func.func @transform_3(%arg0: i32) -> (i32, i32, i32) {
    %c0_i32 = arith.constant 0 : i32
    %c0_i32_0 = arith.constant 0 : i32
    %c0_i32_1 = arith.constant 0 : i32
    return %c0_i32, %arg0, %c0_i32_0 : i32, i32, i32
  }
  func.func @transform_4(%arg0: i32) -> (i32, i32) {
    %c0_i32 = arith.constant 0 : i32
    %c0_i32_0 = arith.constant 0 : i32
    %c0_i32_1 = arith.constant 0 : i32
    return %c0_i32, %c0_i32_0 : i32, i32
  }
  func.func @transform_5(%arg0: i32) -> (i32, i32) {
    %c0_i32 = arith.constant 0 : i32
    %c0_i32_0 = arith.constant 0 : i32
    %c0_i32_1 = arith.constant 0 : i32
    return %c0_i32, %c0_i32_0 : i32, i32
  }
  func.func @transform_6(%arg0: i32) -> (i32, i32) {
    %c0_i32 = arith.constant 0 : i32
    %c0_i32_0 = arith.constant 0 : i32
    %c0_i32_1 = arith.constant 0 : i32
    return %c0_i32, %c0_i32_0 : i32, i32
  }
  func.func @transform_7(%arg0: i32) -> (i32, i32) {
    %c0_i32 = arith.constant 0 : i32
    %c0_i32_0 = arith.constant 0 : i32
    %c0_i32_1 = arith.constant 0 : i32
    return %c0_i32, %c0_i32_0 : i32, i32
  }
  func.func @transform_8(%arg0: i32) -> (i32, i32) {
    %c0_i32 = arith.constant 0 : i32
    %c0_i32_0 = arith.constant 0 : i32
    %c0_i32_1 = arith.constant 0 : i32
    return %c0_i32, %c0_i32_0 : i32, i32
  }
  func.func @transform_9(%arg0: i32) -> (i32, i32) {
    %c0_i32 = arith.constant 0 : i32
    %c0_i32_0 = arith.constant 0 : i32
    %c0_i32_1 = arith.constant 0 : i32
    return %c0_i32, %c0_i32_0 : i32, i32
  }
  func.func @transform_10(%arg0: i32) -> (i32, i32) {
    %c0_i32 = arith.constant 0 : i32
    %c0_i32_0 = arith.constant 0 : i32
    return %arg0, %c0_i32 : i32, i32
  }
}

</mosaic_0001>

<sc_bundles>
// kernel: kernel.10.cloned.1.call-start
scs
__scs_entry_jumppad:
0x0: {  	(pc) =	sbr.rel $0x88, $3  }
0x1: {  	(tag) =	ssettag $0x0;
	lr =	simm.s32 $0x1  }
0x2: {  	[smem:$0x3F98] =	sst lr;
	_ =	strace $0xD0000000  }
0x3: {  	_ = 	snop  }
0x4: {  	_ = 	snop  }
0x5: {  	_ = 	snop  }
0x6: {  	_ = 	snop  }
0x7: {  	_ = 	snop  }
__scs_overlays_trampoline_lowered:
0x8: {  	[smem:$0x3FA7] =	sst s0  }
0x9: {  	[smem:$0x3FA8] =	sst s1  }
0xa: {  	[smem:$0x3FA9] =	sst s2  }
0xb: {  	[smem:$0x3FAA] =	sst s3  }
0xc: {  	[smem:$0x3FAB] =	sst s4  }
0xd: {  	[smem:$0x3FAC] =	sst s5  }
0xe: {  	[smem:$0x3FAD] =	sst s6  }
0xf: {  	[smem:$0x3FAE] =	sst s7  }
0x10: {  	[smem:$0x3FAF] =	sst s8  }
0x11: {  	[smem:$0x3FB0] =	sst s9;
	s0 =	simm.s32 @!p0 $0x0  }
0x12: {  	s1 =	sld [smem:$0x3F96];
	s0 =	simm.s32 @p0 $0x1  }
0x13: {  	[smem:$0x3FB1] =	sst s0;
	s0 =	simm.s32 @!p1 $0x0  }
0x14: {  	s2 =	sld [smem:$0x3F95];
	s0 =	simm.s32 @p1 $0x1  }
0x15: {  	[smem:$0x3FB2] =	sst s0;
	s0 =	simm.s32 @!p2 $0x0  }
0x16: {  	s3 =	sld [smem:$0x3FDB];
	s0 =	simm.s32 @p2 $0x1  }
0x17: {  	s4 =	simm.s32 $0x1BF5;
	[smem:$0x3FB4] =	sst s0  }
0x18: {  	s0 =	sld [smem:$0x3F97];
	_ =	swait.ge [sflag:s4], $0x0  }
0x19: {  	s7 =	sld [smem:$0x3F98]  }
0x1a: {  	s8 =	sadd.s32 $0xFFFFE003, lr  }
0x1b: {  	s9 =	sadd.s32 $0xFFFFFEF7, lr;
	s5 =	simm.s32 $0xFFFFFFFF;
	p2 =	slt.u32 s8, $0xFFFFF086  }
0x1c: {  	p1 =	slt.u32 s9, $0xF7A;
	s5 =	simm.s32 @!p2 $0x0  }
0x1d: {  	s5 =	simm.s32 @p1 $0x1;
	p0 =	seq.s32 s7, s2  }
0x1e: {  	s7 =	smul.u32 @!p0 $0xF7A, s2;
	p2 =	seq.s32 @!p0 s5, $0x0  }
0x1f: {  	s9 =	smul.u32 $0xF7A, s1;
	s8 =	simm.s32 @!p0 $0x1BF5;
	p2 =	por !p2, p0  }
0x20: {  	[sflag:s8] =	ssyncset.s32 @!p0 $0xFFFFF086;
	s6 =	sadd.s32 @!p0 s3, s7;
	s7 =	simm.s32 @!p0 $0x108  }
0x21: {  	s3 =	sadd.s32 s3, s9;
	s6 =	sadd.s32 @!p0 $0x88, s6;
	s7 =	simm.s32 @p2 $0x1082  }
0x22: {  	[simem:s7], [sflag:s8] =	dma.local @!p0 [hbm:s6], $0xF7A  }
0x23: {  	s9 =	sor.u32 $0xD0000000, s2;
	s6 =	simm.s32 $0x108;
	_ =	swait.ge @!p0 [sflag:s8], $0x0  }
0x24: {  	s3 =	sadd.s32 $0x88, s3;
	s6 =	simm.s32 @!p1 $0x1082;
	[sflag:s4] =	ssyncset.s32 $0xFFFFF086  }
0x25: {  	[simem:s6], [sflag:s4] =	dma.local [hbm:s3], $0xF7A  }
0x26: {  	[smem:$0x3F98] =	sst s1;
	(tag) =	ssettag s2;
	_ =	strace s9  }
0x27: {  	s1 =	sld [smem:$0x3FA8]  }
0x28: {  	s2 =	sld [smem:$0x3FA9]  }
0x29: {  	s4 =	sld [smem:$0x3FAB]  }
0x2a: {  	p0 =	seq.s32 s5, $0x0;
	s5 =	sld [smem:$0x3FAC]  }
0x2b: {  	s6 =	sld [smem:$0x3FAD]  }
0x2c: {  	s7 =	sld [smem:$0x3FAE]  }
0x2d: {  	s3 =	simm.s32 $0x108;
	s8 =	sld [smem:$0x3FAF]  }
0x2e: {  	s3 =	simm.s32 @!p0 $0x1082;
	s9 =	sld [smem:$0x3FB0]  }
0x2f: {  	lr =	sadd.s32 s0, s3;
	s0 =	sld [smem:$0x3FA7]  }
0x30: {  	s3 =	sld [smem:$0x3FAA]  }
0x31: {  	[smem:$0x3FB3] =	sst s10  }
0x32: {  	s10 =	sld [smem:$0x3FB1];
	_ =	sdelay $0x3  }
0x33: {  	p0 =	seq.s32 s10, $0x1;
	s10 =	sld [smem:$0x3FB3];
	_ =	sdelay $0x3  }
0x34: {  	[smem:$0x3FB3] =	sst s10  }
0x35: {  	s10 =	sld [smem:$0x3FB2];
	_ =	sdelay $0x3  }
0x36: {  	p1 =	seq.s32 s10, $0x1;
	s10 =	sld [smem:$0x3FB3];
	_ =	sdelay $0x3  }
0x37: {  	[smem:$0x3FB3] =	sst s10  }
0x38: {  	s10 =	sld [smem:$0x3FB4]  }
0x39: {  	_ = 	snop;
	(pc) =	sbr.ind lr, $3  }
0x3a: {  	_ = 	snop  }
0x3b: {  	_ = 	snop  }
0x3c: {  	p2 =	seq.s32 s10, $0x1;
	s10 =	sld [smem:$0x3FB3]  }
0x3d: {  	_ =	shalt  }
0x3e: {  	_ =	shalt  }
0x3f: {  	_ =	shalt  }
0x40: {  	_ =	shalt  }
0x41: {  	_ =	shalt  }
0x42: {  	_ =	shalt  }
0x43: {  	_ =	shalt  }
0x44: {  	_ =	shalt  }
0x45: {  	_ =	shalt  }
0x46: {  	_ =	shalt  }
0x47: {  	_ =	shalt  }
0x48: {  	_ =	shalt  }
0x49: {  	_ =	shalt  }
0x4a: {  	_ =	shalt  }
0x4b: {  	_ =	shalt  }
0x4c: {  	_ =	shalt  }
0x4d: {  	_ =	shalt  }
0x4e: {  	_ =	shalt  }
0x4f: {  	_ =	shalt  }
0x50: {  	_ =	shalt  }
0x51: {  	_ =	shalt  }
0x52: {  	_ =	shalt  }
0x53: {  	_ =	shalt  }
0x54: {  	_ =	shalt  }
0x55: {  	_ =	shalt  }
0x56: {  	_ =	shalt  }
0x57: {  	_ =	shalt  }
0x58: {  	_ =	shalt  }
0x59: {  	_ =	shalt  }
0x5a: {  	_ =	shalt  }
0x5b: {  	_ =	shalt  }
0x5c: {  	_ =	shalt  }
0x5d: {  	_ =	shalt  }
0x5e: {  	_ =	shalt  }
0x5f: {  	_ =	shalt  }
0x60: {  	_ =	shalt  }
0x61: {  	_ =	shalt  }
0x62: {  	_ =	shalt  }
0x63: {  	_ =	shalt  }
0x64: {  	_ =	shalt  }
0x65: {  	_ =	shalt  }
0x66: {  	_ =	shalt  }
0x67: {  	_ =	shalt  }
0x68: {  	_ =	shalt  }
0x69: {  	_ =	shalt  }
0x6a: {  	_ =	shalt  }
0x6b: {  	_ =	shalt  }
0x6c: {  	_ =	shalt  }
0x6d: {  	_ =	shalt  }
0x6e: {  	_ =	shalt  }
0x6f: {  	_ =	shalt  }
0x70: {  	_ =	shalt  }
0x71: {  	_ =	shalt  }
0x72: {  	_ =	shalt  }
0x73: {  	_ =	shalt  }
0x74: {  	_ =	shalt  }
0x75: {  	_ =	shalt  }
0x76: {  	_ =	shalt  }
0x77: {  	_ =	shalt  }
0x78: {  	_ =	shalt  }
0x79: {  	_ =	shalt  }
0x7a: {  	_ =	shalt  }
0x7b: {  	_ =	shalt  }
0x7c: {  	_ =	shalt  }
0x7d: {  	_ =	shalt  }
0x7e: {  	_ =	shalt  }
0x7f: {  	_ =	shalt  }
0x80: {  	_ =	shalt  }
0x81: {  	_ =	shalt  }
0x82: {  	_ =	shalt  }
0x83: {  	_ =	shalt  }
0x84: {  	_ =	shalt  }
0x85: {  	_ =	shalt  }
0x86: {  	_ =	shalt  }
0x87: {  	_ =	shalt  }
.Lfunc_end0:
.L_simem_size_0:
called_computation_lowered:
.L_overlay_start_0:
0x88: {  	s2 =	sld [smem:$0x3FD9]  }
0x89: {  	s3 =	sld [smem:$0x3FFE];
	_ =	sdelay $0x1  }
0x8a: {  	s1 =	srdreg.scid  }
0x8b: {  	s0 =	sand.u32 $0x1, s1  }
0x8c: {  	s16 =	sshll.u32 s0, $0xA;
	s2 =	sadd.s32 s3, s2  }
0x8d: {  	s2 =	sadd.s32 s2, s16  }
0x8e: {  	[smem:$0x3FBF] =	sst s2  }
0x8f: {  	_ = 	snop  }
0x90: {  	(tm) =	ssettm $0x1  }
0x91: {  	s17 =	sld [smem:$0x3FFB];
	_ =	sdelay $0x3  }
0x92: {  	_ =	strace s17  }
0x93: {  	s2 =	sld [smem:$0x3FFC];
	_ =	sdelay $0x3  }
0x94: {  	_ =	strace s2  }
0x95: {  	s2 =	sld [smem:$0x3FFD];
	_ =	sdelay $0x3  }
0x96: {  	_ =	strace s2  }
0x97: {  	_ =	strace $0x8FFFFFFF  }
0x98: {  	s18 =	sld [smem:$0x3FDB];
	_ =	sdelay $0x1  }
0x99: {  	s19 =	simm.s32 $_scs_section_size  }
0x9a: {  	s4 =	simm.s32 $_size__tile_overlayer_lowered;
	s5 =	simm.s32 $_tile_overlayer_lowered  }
0x9b: {  	s22 =	simm.s32 $0x1BFF;
	s21 =	sshll.u32 s5, $0x1;
	s2 =	sadd.s32 s19, s18  }
0x9c: {  	s6 =	simm.s32 $0x0;
	s20 =	sshll.u32 s4, $0x1;
	s4 =	sadd.s32 s21, s2  }
0x9d: {  	[timem:s6], [sflag:s22] =	dma.local [hbm:s4], s20  }
0x9e: {  	_ =	swait.ge [sflag:s22], s20  }
0x9f: {  	s3 =	ssub.s32 $0x0, s20;
	[sflag:s22] =	ssyncset.done $0x0  }
0xa0: {  	[sflag:s22] =	ssyncadd.s32 s3;
	_ =	sdelay $0x1  }
0xa1: {  	s23 =	simm.s32 $0x1B8B  }
0xa2: {  	_ =	swait.ge [sflag:s23], $0x1  }
0xa3: {  	[sflag:s23] =	ssyncset.done $0x0  }
0xa4: {  	s25 =	simm.s32 $0x1B8E;
	s24 =	sld [smem:$0x3FFE];
	[sflag:s23] =	ssyncadd.s32 $0xFFFFFFFF  }
0xa5: {  	s26 =	simm.s32 $execute0_lowered;
	[smem:$0x3FD2] =	sst s25  }
0xa6: {  	s4 =	sshll.u32 s26, $0x1;
	_ =	strace $0x80000046;
	[dreg:$0x1] =	wrdreg $0xFFFFFFFF  }
0xa7: {  	s28 =	simm.s32 $_size_execute0_lowered;
	s2 =	sadd.s32 s2, s4;
	[dreg:$0x0] =	wrdreg $0x0  }
0xa8: {  	s4 =	sshll.u32 s28, $0x1;
	[dreg:$0x2] =	wrdreg s2  }
0xa9: {  	[dreg:$0x3] =	wrdreg s4  }
0xaa: {  	[dreg:$0x4] =	wrdreg $0xC0  }
0xab: {  	_ =	task [dreg:s6], $0x5FFFF  }
0xac: {  	[dreg:$0x1] =	wrdreg $0xFFFFFFFF  }
0xad: {  	[dreg:$0x0] =	wrdreg $0x60  }
0xae: {  	[dreg:$0x2] =	wrdreg s24  }
0xaf: {  	[dreg:$0x3] =	wrdreg $0xC4000  }
0xb0: {  	[dreg:$0x4] =	wrdreg $0x9  }
0xb1: {  	_ =	task.clear_ibuf [dreg:s6], $0x5FFFF;
	_ =	strace $0x90000046  }
0xb2: {  	s29 =	simm.s32 $0x9;
	_ =	strace $0x80000048  }
0xb3: {  	_ =	swait.ge [sflag:s29], $0x1  }
0xb4: {  	[sflag:s29] =	ssyncadd.s32 $0xFFFFFFFF  }
0xb5: {  	_ =	strace $0x90000048  }
0xb6: {  	_ =	sfence  }
0xb7: {  	s30 =	sld [smem:$0x0];
	_ =	sdelay $0x2  }
0xb8: {  	s31 =	sshll.u32 s1, $0xD;
	s1 =	sshrl.u32 s1, $0x2  }
0xb9: {  	s3 =	sand.u32 $0x4000, s31;
	s1 =	sadd.s32 s1, s30  }
0xba: {  	s0 =	sor.u32 s3, s0;
	s1 =	sshll.u32 s1, $0x11  }
0xbb: {  	s0 =	sor.u32 s1, s0  }
0xbc: {  	s0 =	sadd.s32 $0x8F2B, s0  }
0xbd: {  	[sflag:s0] =	ssyncadd.remote.s32 $0x1  }
0xbe: {  	_ =	sfence.sel $0xFFFF  }
0xbf: {  	[dreg:$0x0] =	wrdreg $0xFFFFFFFF;
	(pc) =	sbr.abs _section_cstart, $3  }
0xc0: {  	[dreg:$0x1] =	wrdreg $0xFFFFFFFF  }
0xc1: {  	_ =	task.clear_ibuf [dreg:s6], $0x2FFFF;
	_ =	strace $0x9FFFFFFF  }
0xc2: {  	(tm) =	ssettm $0x7FFFFFFF  }
0xc3: {  	_ =	shalt  }
tec
execute0_lowered:
.L_overlay_start_1:
0x0: {  	(tag) =	ssettag $0x1  }
0x1: {  	s6 =	rddreg [dreg:$0x0]  }
0x2: {  	s0 =	srdreg.scid;
	s2 =	rddreg [dreg:$0x1];
	s16 =	simm.s32 $0x5C00  }
0x3: {  	s17 =	simm.s32 $0x3;
	s18 =	simm.s32 $0x80;
	s19 =	simm.s32 $0x400  }
0x4: {  	s20 =	simm.s32 $0x2800;
	s21 =	simm.s32 $0x68;
	s22 =	simm.s32 $0x9000  }
0x5: {  	s23 =	simm.s32 $0x1;
	s24 =	simm.s32 $0x2;
	s5 =	sand.u32 $0x1, s0  }
0x6: {  	s25 =	simm.s32 $0x5800;
	s0 =	stileid.u32;
	s29 =	smul.u32 $0x13C000, s5  }
0x7: {  	s26 =	simm.s32 $0x5880;
	s1 =	sshll.u32 s5, $0x4;
	s10 =	smul.u32 $0x13C00, s0  }
0x8: {  	s8 =	sshll.u32 s0, $0x7;
	s30 =	smul.u32 $0x4F000, s0;
	s5 =	ssub.s32 $0x2, s5  }
0x9: {  	s4 =	sor.u32 s0, s1;
	s8 =	sand.u32 $0x380, s8;
	s31 =	sshrl.u32 s5, $0x1  }
0xa: {  	s3 =	sshrl.u32 s4, $0x3;
	s9 =	smul.u32 $0x680, s4;
	s4 =	sadd.s32 $0x10000, s6  }
0xb: {  	s15 =	ssub.s32 s5, s31;
	s7 =	smul.u32 $0x14000, s3;
	s3 =	simm.s32 $0x0  }
0xc: {  	s15 =	smax.u32 s15, $0x1;
	[smem:$0x7FF] =	sst s3;
	s13 =	sadd.s32 s9, s6  }
0xd: {  	s28 =	sor.u32 s8, s7;
	_ =	strace $0x80000047;
	s7 =	sadd.s32 s10, s29  }
0xe: {  	s13 =	sadd.s32 $0x3000, s13;
	s8 =	sshrl.u32 s28, $0x3;
	s7 =	sshrl.u32 s7, $0x3  }
0xf: {  	s11 =	sadd.s32 s8, s6;
	s8 =	sshrl.u32 s30, $0x2;
	s14 =	sadd.s32 s7, s6  }
0x10: {  	s5 =	sadd.s32 s8, s2;
	s11 =	sadd.s32 $0x148800, s11;
	s14 =	sadd.s32 $0x152800, s14  }
0x11: {  	s6 =	sadd.s32 $0x3400, s5;
	s7 =	sadd.s32 $0x6800, s5;
	s8 =	sadd.s32 $0x9C00, s5  }
0x12: {  	v0 =	vimm.f32 $0.0e+00;
	s9 =	sadd.s32 $0xD000, s5;
	s10 =	sadd.s32 $0x10400, s5;
	s12 =	sadd.s32 $0x13800, s5  }
.LBB2_1:
0x13: {  	s28 =	simm.s32 $0x0;
	s29 =	simm.s32 $0x200  }
.LBB2_2:
0x14: {  	p0 =	sne.s32 s29, $0xCE00;
	[tilespmem:s28+$0x5C70] =	vst v0  }
0x15: {  	[tilespmem:s28+$0x5C00] =	vst v0  }
0x16: {  	[tilespmem:s28+$0x5C10] =	vst v0  }
.Ltmp0:
0x17: {  	[tilespmem:s28+$0x5C20] =	vst v0;
	(pc) =	sbr.rel @p0 .LBB2_2-.Ltmp0, $4  }
0x18: {  	[tilespmem:s28+$0x5C30] =	vst v0  }
0x19: {  	[tilespmem:s28+$0x5C40] =	vst v0  }
0x1a: {  	[tilespmem:s28+$0x5C50] =	vst v0  }
0x1b: {  	[tilespmem:s28+$0x5C60] =	vst v0;
	s28 =	sshra.s32 s29, $0x2;
	s29 =	sadd.s32 $0x200, s29  }
0x1c: {  	[tilespmem:s28+$0x5C70] =	vst v0  }
0x1d: {  	[tilespmem:s28+$0x5C00] =	vst v0  }
0x1e: {  	[tilespmem:s28+$0x5C10] =	vst v0  }
0x1f: {  	[tilespmem:s28+$0x5C20] =	vst v0  }
0x20: {  	[tilespmem:s28+$0x5C30] =	vst v0  }
0x21: {  	[tilespmem:s28+$0x5C40] =	vst v0  }
0x22: {  	[tilespmem:s28+$0x5C50] =	vst v0  }
0x23: {  	[tilespmem:s28+$0x5C60] =	vst v0  }
0x24: {  	[spmem:s5] =	stream.linear.scatter [tilespmem:s16], [sflag:$0x3], $0x3400, $0x38;
	v63 =	vld [tilespmem:$0x0]  }
0x25: {  	_ =	swait.ge [sflag:s17], $0x3400  }
0x26: {  	[sflag:s17] =	ssyncset.done $0x0  }
0x27: {  	[sflag:s17] =	ssyncadd.s32 $0xFFFFCC00  }
0x28: {  	[spmem:s6] =	stream.linear.scatter [tilespmem:s16], [sflag:$0x3], $0x3400, $0x38;
	v63 =	vld [tilespmem:$0x0]  }
0x29: {  	_ =	swait.ge [sflag:s17], $0x3400  }
0x2a: {  	[sflag:s17] =	ssyncset.done $0x0  }
0x2b: {  	[sflag:s17] =	ssyncadd.s32 $0xFFFFCC00  }
0x2c: {  	[spmem:s7] =	stream.linear.scatter [tilespmem:s16], [sflag:$0x3], $0x3400, $0x38;
	v63 =	vld [tilespmem:$0x0]  }
0x2d: {  	_ =	swait.ge [sflag:s17], $0x3400  }
0x2e: {  	[sflag:s17] =	ssyncset.done $0x0  }
0x2f: {  	[sflag:s17] =	ssyncadd.s32 $0xFFFFCC00  }
0x30: {  	[spmem:s8] =	stream.linear.scatter [tilespmem:s16], [sflag:$0x3], $0x3400, $0x38;
	v63 =	vld [tilespmem:$0x0]  }
0x31: {  	_ =	swait.ge [sflag:s17], $0x3400  }
0x32: {  	[sflag:s17] =	ssyncset.done $0x0  }
0x33: {  	[sflag:s17] =	ssyncadd.s32 $0xFFFFCC00  }
0x34: {  	[spmem:s9] =	stream.linear.scatter [tilespmem:s16], [sflag:$0x3], $0x3400, $0x38;
	v63 =	vld [tilespmem:$0x0]  }
0x35: {  	_ =	swait.ge [sflag:s17], $0x3400  }
0x36: {  	[sflag:s17] =	ssyncset.done $0x0  }
0x37: {  	[sflag:s17] =	ssyncadd.s32 $0xFFFFCC00  }
0x38: {  	[spmem:s10] =	stream.linear.scatter [tilespmem:s16], [sflag:$0x3], $0x3400, $0x38;
	v63 =	vld [tilespmem:$0x0]  }
0x39: {  	_ =	swait.ge [sflag:s17], $0x3400  }
0x3a: {  	[sflag:s17] =	ssyncset.done $0x0  }
0x3b: {  	[sflag:s17] =	ssyncadd.s32 $0xFFFFCC00  }
0x3c: {  	[spmem:s12] =	stream.linear.scatter [tilespmem:s16], [sflag:$0x3], $0x400, $0x38;
	v63 =	vld [tilespmem:$0x0]  }
0x3d: {  	_ =	swait.ge [sflag:s17], $0x400  }
0x3e: {  	[sflag:s17] =	ssyncset.done $0x0  }
0x3f: {  	s28 =	simm.s32 $0x0;
	[sflag:s17] =	ssyncadd.s32 $0xFFFFFC00  }
0x40: {  	[tilespmem:s28], [sflag:$0x3] =	stream.strided.gather [hbm4b:s11+s18], $0x2800, s19, s18, $0x38;
	v63 =	vld [tilespmem:$0x0]  }
0x41: {  	_ =	swait.ge [sflag:s17], $0x2800  }
0x42: {  	[sflag:s17] =	ssyncset.done $0x0  }
0x43: {  	[sflag:s17] =	ssyncadd.s32 $0xFFFFD800  }
0x44: {  	[tilespmem:s20], [sflag:$0x3] =	stream.linear.gather [hbm4b:s13+s28], $0x3100, $0x38;
	v63 =	vld [tilespmem:$0x0]  }
0x45: {  	_ =	swait.ge [sflag:s17], $0x3100  }
0x46: {  	[sflag:s17] =	ssyncset.done $0x0  }
0x47: {  	[sflag:s17] =	ssyncadd.s32 $0xFFFFCF00  }
0x48: {  	[bflag:$0x0] =	sbarrier.arrive $0xFFFF  }
0x49: {  	[tilespmem:s16], [sflag:$0x1] =	stream.indirect.gather [hbm4b:s4+s21], $0x80, s28, s21, $0xb8;
	v63 =	vld [tilespmem:$0x0]  }
0x4a: {  	_ = 	snop  }
0x4b: {  	[tilespmem:s22], [sflag:$0x2] =	stream.indirect.gather [hbm4b:s4+s21], $0x80, s21, s21, $0xb8;
	v63 =	vld [tilespmem:$0x0]  }
0x4c: {  	_ =	swait.ge [sflag:s23], $0x3400  }
0x4d: {  	[sflag:s23] =	ssyncset.done $0x0  }
0x4e: {  	s28 =	simm.s32 $0x2800;
	[sflag:s23] =	ssyncadd.s32 $0xFFFFCC00  }
0x4f: {  	[spmem:s2] =	stream.indirect.scatter.add.f32 [tilespmem:s16], [sflag:$0x3], $0x80, s28, s21, $0xb8;
	v63 =	vld [tilespmem:$0x0]  }
0x50: {  	_ =	swait.ge [sflag:s17], $0x3400  }
0x51: {  	[sflag:s17] =	ssyncset.done $0x0  }
0x52: {  	s28 =	simm.s32 $0xD0;
	[sflag:s17] =	ssyncadd.s32 $0xFFFFCC00  }
0x53: {  	[tilespmem:s16], [sflag:$0x1] =	stream.indirect.gather [hbm4b:s4+s21], $0x80, s28, s21, $0xb8;
	v63 =	vld [tilespmem:$0x0]  }
0x54: {  	_ =	swait.ge [sflag:s24], $0x3400  }
0x55: {  	[sflag:s24] =	ssyncset.done $0x0  }
0x56: {  	s28 =	simm.s32 $0x2880;
	[sflag:s24] =	ssyncadd.s32 $0xFFFFCC00  }
0x57: {  	[spmem:s2] =	stream.indirect.scatter.add.f32 [tilespmem:s22], [sflag:$0x3], $0x80, s28, s21, $0xb8;
	v63 =	vld [tilespmem:$0x0]  }
0x58: {  	_ =	swait.ge [sflag:s17], $0x3400  }
0x59: {  	s29 =	simm.s32 $0x400;
	[sflag:s17] =	ssyncset.done $0x0  }
0x5a: {  	s30 =	simm.s32 $0x208;
	s28 =	simm.s32 $0x138;
	[sflag:s17] =	ssyncadd.s32 $0xFFFFCC00  }
.LBB2_4:
0x5b: {  	[tilespmem:s22], [sflag:$0x2] =	stream.indirect.gather [hbm4b:s4+s21], $0x80, s28, s21, $0xb8;
	v63 =	vld [tilespmem:$0x0]  }
0x5c: {  	s31 =	smov.u32 s29;
	s28 =	smov.u32 s30  }
0x5d: {  	p0 =	sne.s32 s29, $0xBC00;
	s29 =	sadd.s32 $0x400, s29;
	_ =	swait.ge [sflag:s23], $0x3400  }
0x5e: {  	s31 =	sshra.s32 s31, $0x2;
	[sflag:s23] =	ssyncset.done $0x0  }
0x5f: {  	s1 =	sadd.s32 $0x2800, s31;
	[sflag:s23] =	ssyncadd.s32 $0xFFFFCC00  }
0x60: {  	[spmem:s2] =	stream.indirect.scatter.add.f32 [tilespmem:s16], [sflag:$0x3], $0x80, s1, s21, $0xb8;
	v63 =	vld [tilespmem:$0x0]  }
0x61: {  	_ =	swait.ge [sflag:s17], $0x3400  }
0x62: {  	[sflag:s17] =	ssyncset.done $0x0  }
0x63: {  	s1 =	sadd.s32 $0xFFFFFF98, s30;
	[sflag:s17] =	ssyncadd.s32 $0xFFFFCC00  }
0x64: {  	[tilespmem:s16], [sflag:$0x1] =	stream.indirect.gather [hbm4b:s4+s21], $0x80, s1, s21, $0xb8;
	v63 =	vld [tilespmem:$0x0]  }
0x65: {  	_ =	swait.ge [sflag:s24], $0x3400  }
0x66: {  	[sflag:s24] =	ssyncset.done $0x0  }
.Ltmp1:
0x67: {  	s1 =	sadd.s32 $0x2880, s31;
	[sflag:s24] =	ssyncadd.s32 $0xFFFFCC00;
	(pc) =	sbr.rel @p0 .LBB2_4-.Ltmp1, $4  }
0x68: {  	[spmem:s2] =	stream.indirect.scatter.add.f32 [tilespmem:s22], [sflag:$0x3], $0x80, s1, s21, $0xb8;
	v63 =	vld [tilespmem:$0x0]  }
0x69: {  	_ =	swait.ge [sflag:s17], $0x3400  }
0x6a: {  	[sflag:s17] =	ssyncset.done $0x0  }
0x6b: {  	s30 =	sadd.s32 $0xD0, s30;
	[sflag:s17] =	ssyncadd.s32 $0xFFFFCC00  }
0x6c: {  	[tilespmem:s22], [sflag:$0x2] =	stream.indirect.gather [hbm4b:s4+s21], $0x80, s28, s21, $0xb8;
	v63 =	vld [tilespmem:$0x0]  }
0x6d: {  	_ =	swait.ge [sflag:s23], $0x3400  }
0x6e: {  	[sflag:s23] =	ssyncset.done $0x0  }
0x6f: {  	[sflag:s23] =	ssyncadd.s32 $0xFFFFCC00  }
0x70: {  	[spmem:s2] =	stream.indirect.scatter.add.f32 [tilespmem:s16], [sflag:$0x3], $0x80, s25, s21, $0xb8;
	v63 =	vld [tilespmem:$0x0]  }
0x71: {  	_ =	swait.ge [sflag:s17], $0x3400  }
0x72: {  	[sflag:s17] =	ssyncset.done $0x0  }
0x73: {  	[sflag:s17] =	ssyncadd.s32 $0xFFFFCC00  }
0x74: {  	_ =	swait.ge [sflag:s24], $0x3400  }
0x75: {  	[sflag:s24] =	ssyncset.done $0x0  }
0x76: {  	[sflag:s24] =	ssyncadd.s32 $0xFFFFCC00  }
0x77: {  	[spmem:s2] =	stream.indirect.scatter.add.f32 [tilespmem:s22], [sflag:$0x3], $0x80, s26, s21, $0xb8;
	v63 =	vld [tilespmem:$0x0]  }
0x78: {  	_ =	swait.ge [sflag:s17], $0x3400  }
0x79: {  	s1 =	sshll.u32 s0, $0x6;
	s3 =	sadd.s32 $0x1, s3;
	[sflag:s17] =	ssyncset.done $0x0  }
0x7a: {  	s31 =	sshrl.u32 s5, $0x3;
	p0 =	sne.s32 s3, s15;
	[sflag:s17] =	ssyncadd.s32 $0xFFFFCC00  }
.Ltmp2:
0x7b: {  	s1 =	sor.u32 $0x1C03, s1;
	[bflag:$0x0] =	sbarrier.arrive $0xFFFF;
	(pc) =	sbr.rel @p0 .LBB2_1-.Ltmp2, $4  }
0x7c: {  	[hbm:s14], [sflag:s1] =	dma.local [spmem:s31], $0x2780  }
0x7d: {  	_ =	swait.ge [sflag:s17], $0x2780  }
0x7e: {  	[sflag:s17] =	ssyncset.done $0x0  }
0x7f: {  	[sflag:s17] =	ssyncadd.s32 $0xFFFFD880  }
0x80: {  	_ =	sfence.sel $0x180000  }
0x81: {  	[bflag:$0x0] =	sbarrier.arrive $0xFFFF  }
0x82: {  	_ =	strace $0x90000047  }
0x83: {  	[bflag:$0x2] =	sbarrier.arrive $0xFFFF  }
0x84: {  	p0 =	sne.s32 s0, $0x0;
	s0 =	rddreg [dreg:$0x2]  }
0x85: {  	s0 =	sadd.s32 @!p0 $0x100000, s0  }
0x86: {  	[sflag:s0] =	ssyncadd.tile.s32 @!p0 $0x1;
	_ =	shalt  }
.Lfunc_end2:
_tile_overlayer_lowered:
.L_overlay_start_2:
0x87: {  	(tag) =	ssettag $0x2  }
0x88: {  	s0 =	rddreg [dreg:$0x0];
	s2 =	stileid.u32  }
0x89: {  	s1 =	rddreg [dreg:$0x1];
	p0 =	sne.s32 s2, $0x0  }
0x8a: {  	s3 =	rddreg [dreg:$0x2];
	[bflag:$0x3] =	sbarrier.arrive $0xFFFF;
	s2 =	simm.s32 @!p0 $0x1C03  }
0x8b: {  	[timem:s3], [sflag:s2] =	dma.local @!p0 [hbm:s0], s1  }
0x8c: {  	s0 =	simm.s32 @!p0 $0x3  }
0x8d: {  	_ =	swait.ge @!p0 [sflag:s0], s1  }
0x8e: {  	s1 =	ssub.s32 @!p0 $0x0, s1;
	[sflag:s0] =	ssyncset.done @!p0 $0x0  }
0x8f: {  	[sflag:s0] =	ssyncadd.s32 @!p0 s1  }
0x90: {  	[bflag:$0x3] =	sbarrier.arrive $0xFFFF  }
0x91: {  	_ =	shalt  }

// kernel: kernel.13.cloned.1.call-start
scs
__scs_entry_jumppad:
0x0: {  	(pc) =	sbr.rel $0x88, $3  }
0x1: {  	(tag) =	ssettag $0x0;
	lr =	simm.s32 $0x1  }
0x2: {  	[smem:$0x3F98] =	sst lr;
	_ =	strace $0xD0000000  }
0x3: {  	_ = 	snop  }
0x4: {  	_ = 	snop  }
0x5: {  	_ = 	snop  }
0x6: {  	_ = 	snop  }
0x7: {  	_ = 	snop  }
__scs_overlays_trampoline_lowered:
0x8: {  	[smem:$0x3FA7] =	sst s0  }
0x9: {  	[smem:$0x3FA8] =	sst s1  }
0xa: {  	[smem:$0x3FA9] =	sst s2  }
0xb: {  	[smem:$0x3FAA] =	sst s3  }
0xc: {  	[smem:$0x3FAB] =	sst s4  }
0xd: {  	[smem:$0x3FAC] =	sst s5  }
0xe: {  	[smem:$0x3FAD] =	sst s6  }
0xf: {  	[smem:$0x3FAE] =	sst s7  }
0x10: {  	[smem:$0x3FAF] =	sst s8  }
0x11: {  	[smem:$0x3FB0] =	sst s9;
	s0 =	simm.s32 @!p0 $0x0  }
0x12: {  	s1 =	sld [smem:$0x3F96];
	s0 =	simm.s32 @p0 $0x1  }
0x13: {  	[smem:$0x3FB1] =	sst s0;
	s0 =	simm.s32 @!p1 $0x0  }
0x14: {  	s2 =	sld [smem:$0x3F95];
	s0 =	simm.s32 @p1 $0x1  }
0x15: {  	[smem:$0x3FB2] =	sst s0;
	s0 =	simm.s32 @!p2 $0x0  }
0x16: {  	s3 =	sld [smem:$0x3FDB];
	s0 =	simm.s32 @p2 $0x1  }
0x17: {  	s4 =	simm.s32 $0x1BF5;
	[smem:$0x3FB4] =	sst s0  }
0x18: {  	s0 =	sld [smem:$0x3F97];
	_ =	swait.ge [sflag:s4], $0x0  }
0x19: {  	s7 =	sld [smem:$0x3F98]  }
0x1a: {  	s8 =	sadd.s32 $0xFFFFE003, lr  }
0x1b: {  	s9 =	sadd.s32 $0xFFFFFEF7, lr;
	s5 =	simm.s32 $0xFFFFFFFF;
	p2 =	slt.u32 s8, $0xFFFFF086  }
0x1c: {  	p1 =	slt.u32 s9, $0xF7A;
	s5 =	simm.s32 @!p2 $0x0  }
0x1d: {  	s5 =	simm.s32 @p1 $0x1;
	p0 =	seq.s32 s7, s2  }
0x1e: {  	s7 =	smul.u32 @!p0 $0xF7A, s2;
	p2 =	seq.s32 @!p0 s5, $0x0  }
0x1f: {  	s9 =	smul.u32 $0xF7A, s1;
	s8 =	simm.s32 @!p0 $0x1BF5;
	p2 =	por !p2, p0  }
0x20: {  	[sflag:s8] =	ssyncset.s32 @!p0 $0xFFFFF086;
	s6 =	sadd.s32 @!p0 s3, s7;
	s7 =	simm.s32 @!p0 $0x108  }
0x21: {  	s3 =	sadd.s32 s3, s9;
	s6 =	sadd.s32 @!p0 $0x88, s6;
	s7 =	simm.s32 @p2 $0x1082  }
0x22: {  	[simem:s7], [sflag:s8] =	dma.local @!p0 [hbm:s6], $0xF7A  }
0x23: {  	s9 =	sor.u32 $0xD0000000, s2;
	s6 =	simm.s32 $0x108;
	_ =	swait.ge @!p0 [sflag:s8], $0x0  }
0x24: {  	s3 =	sadd.s32 $0x88, s3;
	s6 =	simm.s32 @!p1 $0x1082;
	[sflag:s4] =	ssyncset.s32 $0xFFFFF086  }
0x25: {  	[simem:s6], [sflag:s4] =	dma.local [hbm:s3], $0xF7A  }
0x26: {  	[smem:$0x3F98] =	sst s1;
	(tag) =	ssettag s2;
	_ =	strace s9  }
0x27: {  	s1 =	sld [smem:$0x3FA8]  }
0x28: {  	s2 =	sld [smem:$0x3FA9]  }
0x29: {  	s4 =	sld [smem:$0x3FAB]  }
0x2a: {  	p0 =	seq.s32 s5, $0x0;
	s5 =	sld [smem:$0x3FAC]  }
0x2b: {  	s6 =	sld [smem:$0x3FAD]  }
0x2c: {  	s7 =	sld [smem:$0x3FAE]  }
0x2d: {  	s3 =	simm.s32 $0x108;
	s8 =	sld [smem:$0x3FAF]  }
0x2e: {  	s3 =	simm.s32 @!p0 $0x1082;
	s9 =	sld [smem:$0x3FB0]  }
0x2f: {  	lr =	sadd.s32 s0, s3;
	s0 =	sld [smem:$0x3FA7]  }
0x30: {  	s3 =	sld [smem:$0x3FAA]  }
0x31: {  	[smem:$0x3FB3] =	sst s10  }
0x32: {  	s10 =	sld [smem:$0x3FB1];
	_ =	sdelay $0x3  }
0x33: {  	p0 =	seq.s32 s10, $0x1;
	s10 =	sld [smem:$0x3FB3];
	_ =	sdelay $0x3  }
0x34: {  	[smem:$0x3FB3] =	sst s10  }
0x35: {  	s10 =	sld [smem:$0x3FB2];
	_ =	sdelay $0x3  }
0x36: {  	p1 =	seq.s32 s10, $0x1;
	s10 =	sld [smem:$0x3FB3];
	_ =	sdelay $0x3  }
0x37: {  	[smem:$0x3FB3] =	sst s10  }
0x38: {  	s10 =	sld [smem:$0x3FB4]  }
0x39: {  	_ = 	snop;
	(pc) =	sbr.ind lr, $3  }
0x3a: {  	_ = 	snop  }
0x3b: {  	_ = 	snop  }
0x3c: {  	p2 =	seq.s32 s10, $0x1;
	s10 =	sld [smem:$0x3FB3]  }
0x3d: {  	_ =	shalt  }
0x3e: {  	_ =	shalt  }
0x3f: {  	_ =	shalt  }
0x40: {  	_ =	shalt  }
0x41: {  	_ =	shalt  }
0x42: {  	_ =	shalt  }
0x43: {  	_ =	shalt  }
0x44: {  	_ =	shalt  }
0x45: {  	_ =	shalt  }
0x46: {  	_ =	shalt  }
0x47: {  	_ =	shalt  }
0x48: {  	_ =	shalt  }
0x49: {  	_ =	shalt  }
0x4a: {  	_ =	shalt  }
0x4b: {  	_ =	shalt  }
0x4c: {  	_ =	shalt  }
0x4d: {  	_ =	shalt  }
0x4e: {  	_ =	shalt  }
0x4f: {  	_ =	shalt  }
0x50: {  	_ =	shalt  }
0x51: {  	_ =	shalt  }
0x52: {  	_ =	shalt  }
0x53: {  	_ =	shalt  }
0x54: {  	_ =	shalt  }
0x55: {  	_ =	shalt  }
0x56: {  	_ =	shalt  }
0x57: {  	_ =	shalt  }
0x58: {  	_ =	shalt  }
0x59: {  	_ =	shalt  }
0x5a: {  	_ =	shalt  }
0x5b: {  	_ =	shalt  }
0x5c: {  	_ =	shalt  }
0x5d: {  	_ =	shalt  }
0x5e: {  	_ =	shalt  }
0x5f: {  	_ =	shalt  }
0x60: {  	_ =	shalt  }
0x61: {  	_ =	shalt  }
0x62: {  	_ =	shalt  }
0x63: {  	_ =	shalt  }
0x64: {  	_ =	shalt  }
0x65: {  	_ =	shalt  }
0x66: {  	_ =	shalt  }
0x67: {  	_ =	shalt  }
0x68: {  	_ =	shalt  }
0x69: {  	_ =	shalt  }
0x6a: {  	_ =	shalt  }
0x6b: {  	_ =	shalt  }
0x6c: {  	_ =	shalt  }
0x6d: {  	_ =	shalt  }
0x6e: {  	_ =	shalt  }
0x6f: {  	_ =	shalt  }
0x70: {  	_ =	shalt  }
0x71: {  	_ =	shalt  }
0x72: {  	_ =	shalt  }
0x73: {  	_ =	shalt  }
0x74: {  	_ =	shalt  }
0x75: {  	_ =	shalt  }
0x76: {  	_ =	shalt  }
0x77: {  	_ =	shalt  }
0x78: {  	_ =	shalt  }
0x79: {  	_ =	shalt  }
0x7a: {  	_ =	shalt  }
0x7b: {  	_ =	shalt  }
0x7c: {  	_ =	shalt  }
0x7d: {  	_ =	shalt  }
0x7e: {  	_ =	shalt  }
0x7f: {  	_ =	shalt  }
0x80: {  	_ =	shalt  }
0x81: {  	_ =	shalt  }
0x82: {  	_ =	shalt  }
0x83: {  	_ =	shalt  }
0x84: {  	_ =	shalt  }
0x85: {  	_ =	shalt  }
0x86: {  	_ =	shalt  }
0x87: {  	_ =	shalt  }
.Lfunc_end0:
.L_simem_size_0:
called_computation.1_lowered:
.L_overlay_start_0:
0x88: {  	s2 =	sld [smem:$0x3FD9]  }
0x89: {  	s3 =	sld [smem:$0x3FFE];
	_ =	sdelay $0x1  }
0x8a: {  	s1 =	srdreg.scid  }
0x8b: {  	s0 =	sand.u32 $0x1, s1  }
0x8c: {  	s16 =	sshll.u32 s0, $0xA;
	s2 =	sadd.s32 s3, s2  }
0x8d: {  	s2 =	sadd.s32 s2, s16  }
0x8e: {  	[smem:$0x3FBF] =	sst s2  }
0x8f: {  	_ = 	snop  }
0x90: {  	(tm) =	ssettm $0x1  }
0x91: {  	s17 =	sld [smem:$0x3FFB];
	_ =	sdelay $0x3  }
0x92: {  	_ =	strace s17  }
0x93: {  	s2 =	sld [smem:$0x3FFC];
	_ =	sdelay $0x3  }
0x94: {  	_ =	strace s2  }
0x95: {  	s2 =	sld [smem:$0x3FFD];
	_ =	sdelay $0x3  }
0x96: {  	_ =	strace s2  }
0x97: {  	_ =	strace $0x8FFFFFFF  }
0x98: {  	s18 =	sld [smem:$0x3FDB];
	_ =	sdelay $0x1  }
0x99: {  	s19 =	simm.s32 $_scs_section_size  }
0x9a: {  	s4 =	simm.s32 $_size__tile_overlayer_lowered;
	s5 =	simm.s32 $_tile_overlayer_lowered  }
0x9b: {  	s22 =	simm.s32 $0x1BFF;
	s21 =	sshll.u32 s5, $0x1;
	s2 =	sadd.s32 s19, s18  }
0x9c: {  	s6 =	simm.s32 $0x0;
	s20 =	sshll.u32 s4, $0x1;
	s4 =	sadd.s32 s21, s2  }
0x9d: {  	[timem:s6], [sflag:s22] =	dma.local [hbm:s4], s20  }
0x9e: {  	_ =	swait.ge [sflag:s22], s20  }
0x9f: {  	s3 =	ssub.s32 $0x0, s20;
	[sflag:s22] =	ssyncset.done $0x0  }
0xa0: {  	[sflag:s22] =	ssyncadd.s32 s3;
	_ =	sdelay $0x1  }
0xa1: {  	s23 =	simm.s32 $0x1B8B  }
0xa2: {  	_ =	swait.ge [sflag:s23], $0x1  }
0xa3: {  	[sflag:s23] =	ssyncset.done $0x0  }
0xa4: {  	s25 =	simm.s32 $0x1B8E;
	s24 =	sld [smem:$0x3FFE];
	[sflag:s23] =	ssyncadd.s32 $0xFFFFFFFF  }
0xa5: {  	s26 =	simm.s32 $execute0_lowered;
	[smem:$0x3FD2] =	sst s25  }
0xa6: {  	s4 =	sshll.u32 s26, $0x1;
	_ =	strace $0x80000049;
	[dreg:$0x1] =	wrdreg $0xFFFFFFFF  }
0xa7: {  	s28 =	simm.s32 $_size_execute0_lowered;
	s2 =	sadd.s32 s2, s4;
	[dreg:$0x0] =	wrdreg $0x0  }
0xa8: {  	s4 =	sshll.u32 s28, $0x1;
	[dreg:$0x2] =	wrdreg s2  }
0xa9: {  	[dreg:$0x3] =	wrdreg s4  }
0xaa: {  	[dreg:$0x4] =	wrdreg $0xC0  }
0xab: {  	_ =	task [dreg:s6], $0x5FFFF  }
0xac: {  	[dreg:$0x1] =	wrdreg $0xFFFFFFFF  }
0xad: {  	[dreg:$0x0] =	wrdreg $0x60  }
0xae: {  	[dreg:$0x2] =	wrdreg s24  }
0xaf: {  	[dreg:$0x3] =	wrdreg $0xC4000  }
0xb0: {  	[dreg:$0x4] =	wrdreg $0x9  }
0xb1: {  	_ =	task.clear_ibuf [dreg:s6], $0x5FFFF;
	_ =	strace $0x90000049  }
0xb2: {  	s29 =	simm.s32 $0x9;
	_ =	strace $0x8000004B  }
0xb3: {  	_ =	swait.ge [sflag:s29], $0x1  }
0xb4: {  	[sflag:s29] =	ssyncadd.s32 $0xFFFFFFFF  }
0xb5: {  	_ =	strace $0x9000004B  }
0xb6: {  	_ =	sfence  }
0xb7: {  	s30 =	sld [smem:$0x0];
	_ =	sdelay $0x2  }
0xb8: {  	s31 =	sshll.u32 s1, $0xD;
	s1 =	sshrl.u32 s1, $0x2  }
0xb9: {  	s3 =	sand.u32 $0x4000, s31;
	s1 =	sadd.s32 s1, s30  }
0xba: {  	s0 =	sor.u32 s3, s0;
	s1 =	sshll.u32 s1, $0x11  }
0xbb: {  	s0 =	sor.u32 s1, s0  }
0xbc: {  	s0 =	sadd.s32 $0x8F2B, s0  }
0xbd: {  	[sflag:s0] =	ssyncadd.remote.s32 $0x1  }
0xbe: {  	_ =	sfence.sel $0xFFFF  }
0xbf: {  	[dreg:$0x0] =	wrdreg $0xFFFFFFFF;
	(pc) =	sbr.abs _section_cstart, $3  }
0xc0: {  	[dreg:$0x1] =	wrdreg $0xFFFFFFFF  }
0xc1: {  	_ =	task.clear_ibuf [dreg:s6], $0x2FFFF;
	_ =	strace $0x9FFFFFFF  }
0xc2: {  	(tm) =	ssettm $0x7FFFFFFF  }
0xc3: {  	_ =	shalt  }
tec
execute0_lowered:
.L_overlay_start_1:
0x0: {  	(tag) =	ssettag $0x1  }
0x1: {  	s6 =	rddreg [dreg:$0x0]  }
0x2: {  	s0 =	srdreg.scid;
	s2 =	rddreg [dreg:$0x1];
	s16 =	simm.s32 $0x5C00  }
0x3: {  	s17 =	simm.s32 $0x3;
	s18 =	simm.s32 $0x80;
	s19 =	simm.s32 $0x400  }
0x4: {  	s20 =	simm.s32 $0x2800;
	s21 =	simm.s32 $0x68;
	s22 =	simm.s32 $0x9000  }
0x5: {  	s23 =	simm.s32 $0x1;
	s24 =	simm.s32 $0x2;
	s5 =	sand.u32 $0x1, s0  }
0x6: {  	s25 =	simm.s32 $0x5800;
	s0 =	stileid.u32;
	s29 =	smul.u32 $0x13C000, s5  }
0x7: {  	s26 =	simm.s32 $0x5880;
	s1 =	sshll.u32 s5, $0x4;
	s10 =	smul.u32 $0x13C00, s0  }
0x8: {  	s8 =	sshll.u32 s0, $0x7;
	s30 =	smul.u32 $0x4F000, s0;
	s5 =	ssub.s32 $0x2, s5  }
0x9: {  	s4 =	sor.u32 s0, s1;
	s8 =	sand.u32 $0x380, s8;
	s31 =	sshrl.u32 s5, $0x1  }
0xa: {  	s3 =	sshrl.u32 s4, $0x3;
	s9 =	smul.u32 $0x680, s4;
	s4 =	sadd.s32 $0x152800, s6  }
0xb: {  	s15 =	ssub.s32 s5, s31;
	s7 =	smul.u32 $0x14000, s3;
	s3 =	simm.s32 $0x0  }
0xc: {  	s15 =	smax.u32 s15, $0x1;
	[smem:$0x7FF] =	sst s3;
	s13 =	sadd.s32 s9, s6  }
0xd: {  	s28 =	sor.u32 s8, s7;
	_ =	strace $0x8000004A;
	s7 =	sadd.s32 s10, s29  }
0xe: {  	s13 =	sadd.s32 $0x3000, s13;
	s8 =	sshrl.u32 s28, $0x3;
	s7 =	sshrl.u32 s7, $0x3  }
0xf: {  	s12 =	sadd.s32 s8, s6;
	s8 =	sshrl.u32 s30, $0x2;
	s14 =	sadd.s32 s7, s6  }
0x10: {  	s5 =	sadd.s32 s8, s2;
	s12 =	sadd.s32 $0x148800, s12;
	s14 =	sadd.s32 $0x5E200, s14  }
0x11: {  	s6 =	sadd.s32 $0x3400, s5;
	s7 =	sadd.s32 $0x6800, s5;
	s8 =	sadd.s32 $0x9C00, s5  }
0x12: {  	v0 =	vimm.f32 $0.0e+00;
	s9 =	sadd.s32 $0xD000, s5;
	s10 =	sadd.s32 $0x10400, s5;
	s11 =	sadd.s32 $0x13800, s5  }
.LBB2_1:
0x13: {  	s28 =	simm.s32 $0x0;
	s29 =	simm.s32 $0x200  }
.LBB2_2:
0x14: {  	p0 =	sne.s32 s29, $0xCE00;
	[tilespmem:s28+$0x5C70] =	vst v0  }
0x15: {  	[tilespmem:s28+$0x5C00] =	vst v0  }
0x16: {  	[tilespmem:s28+$0x5C10] =	vst v0  }
.Ltmp0:
0x17: {  	[tilespmem:s28+$0x5C20] =	vst v0;
	(pc) =	sbr.rel @p0 .LBB2_2-.Ltmp0, $4  }
0x18: {  	[tilespmem:s28+$0x5C30] =	vst v0  }
0x19: {  	[tilespmem:s28+$0x5C40] =	vst v0  }
0x1a: {  	[tilespmem:s28+$0x5C50] =	vst v0  }
0x1b: {  	[tilespmem:s28+$0x5C60] =	vst v0;
	s28 =	sshra.s32 s29, $0x2;
	s29 =	sadd.s32 $0x200, s29  }
0x1c: {  	[tilespmem:s28+$0x5C70] =	vst v0  }
0x1d: {  	[tilespmem:s28+$0x5C00] =	vst v0  }
0x1e: {  	[tilespmem:s28+$0x5C10] =	vst v0  }
0x1f: {  	[tilespmem:s28+$0x5C20] =	vst v0  }
0x20: {  	[tilespmem:s28+$0x5C30] =	vst v0  }
0x21: {  	[tilespmem:s28+$0x5C40] =	vst v0  }
0x22: {  	[tilespmem:s28+$0x5C50] =	vst v0  }
0x23: {  	[tilespmem:s28+$0x5C60] =	vst v0  }
0x24: {  	[spmem:s5] =	stream.linear.scatter [tilespmem:s16], [sflag:$0x3], $0x3400, $0x38;
	v63 =	vld [tilespmem:$0x0]  }
0x25: {  	_ =	swait.ge [sflag:s17], $0x3400  }
0x26: {  	[sflag:s17] =	ssyncset.done $0x0  }
0x27: {  	[sflag:s17] =	ssyncadd.s32 $0xFFFFCC00  }
0x28: {  	[spmem:s6] =	stream.linear.scatter [tilespmem:s16], [sflag:$0x3], $0x3400, $0x38;
	v63 =	vld [tilespmem:$0x0]  }
0x29: {  	_ =	swait.ge [sflag:s17], $0x3400  }
0x2a: {  	[sflag:s17] =	ssyncset.done $0x0  }
0x2b: {  	[sflag:s17] =	ssyncadd.s32 $0xFFFFCC00  }
0x2c: {  	[spmem:s7] =	stream.linear.scatter [tilespmem:s16], [sflag:$0x3], $0x3400, $0x38;
	v63 =	vld [tilespmem:$0x0]  }
0x2d: {  	_ =	swait.ge [sflag:s17], $0x3400  }
0x2e: {  	[sflag:s17] =	ssyncset.done $0x0  }
0x2f: {  	[sflag:s17] =	ssyncadd.s32 $0xFFFFCC00  }
0x30: {  	[spmem:s8] =	stream.linear.scatter [tilespmem:s16], [sflag:$0x3], $0x3400, $0x38;
	v63 =	vld [tilespmem:$0x0]  }
0x31: {  	_ =	swait.ge [sflag:s17], $0x3400  }
0x32: {  	[sflag:s17] =	ssyncset.done $0x0  }
0x33: {  	[sflag:s17] =	ssyncadd.s32 $0xFFFFCC00  }
0x34: {  	[spmem:s9] =	stream.linear.scatter [tilespmem:s16], [sflag:$0x3], $0x3400, $0x38;
	v63 =	vld [tilespmem:$0x0]  }
0x35: {  	_ =	swait.ge [sflag:s17], $0x3400  }
0x36: {  	[sflag:s17] =	ssyncset.done $0x0  }
0x37: {  	[sflag:s17] =	ssyncadd.s32 $0xFFFFCC00  }
0x38: {  	[spmem:s10] =	stream.linear.scatter [tilespmem:s16], [sflag:$0x3], $0x3400, $0x38;
	v63 =	vld [tilespmem:$0x0]  }
0x39: {  	_ =	swait.ge [sflag:s17], $0x3400  }
0x3a: {  	[sflag:s17] =	ssyncset.done $0x0  }
0x3b: {  	[sflag:s17] =	ssyncadd.s32 $0xFFFFCC00  }
0x3c: {  	[spmem:s11] =	stream.linear.scatter [tilespmem:s16], [sflag:$0x3], $0x400, $0x38;
	v63 =	vld [tilespmem:$0x0]  }
0x3d: {  	_ =	swait.ge [sflag:s17], $0x400  }
0x3e: {  	[sflag:s17] =	ssyncset.done $0x0  }
0x3f: {  	s28 =	simm.s32 $0x0;
	[sflag:s17] =	ssyncadd.s32 $0xFFFFFC00  }
0x40: {  	[tilespmem:s28], [sflag:$0x3] =	stream.strided.gather [hbm4b:s12+s18], $0x2800, s19, s18, $0x38;
	v63 =	vld [tilespmem:$0x0]  }
0x41: {  	_ =	swait.ge [sflag:s17], $0x2800  }
0x42: {  	[sflag:s17] =	ssyncset.done $0x0  }
0x43: {  	[sflag:s17] =	ssyncadd.s32 $0xFFFFD800  }
0x44: {  	[tilespmem:s20], [sflag:$0x3] =	stream.linear.gather [hbm4b:s13+s28], $0x3100, $0x38;
	v63 =	vld [tilespmem:$0x0]  }
0x45: {  	_ =	swait.ge [sflag:s17], $0x3100  }
0x46: {  	[sflag:s17] =	ssyncset.done $0x0  }
0x47: {  	[sflag:s17] =	ssyncadd.s32 $0xFFFFCF00  }
0x48: {  	[bflag:$0x0] =	sbarrier.arrive $0xFFFF  }
0x49: {  	[tilespmem:s16], [sflag:$0x1] =	stream.indirect.gather [hbm4b:s4+s21], $0x80, s28, s21, $0xb8;
	v63 =	vld [tilespmem:$0x0]  }
0x4a: {  	_ = 	snop  }
0x4b: {  	[tilespmem:s22], [sflag:$0x2] =	stream.indirect.gather [hbm4b:s4+s21], $0x80, s21, s21, $0xb8;
	v63 =	vld [tilespmem:$0x0]  }
0x4c: {  	_ =	swait.ge [sflag:s23], $0x3400  }
0x4d: {  	[sflag:s23] =	ssyncset.done $0x0  }
0x4e: {  	s28 =	simm.s32 $0x2800;
	[sflag:s23] =	ssyncadd.s32 $0xFFFFCC00  }
0x4f: {  	[spmem:s2] =	stream.indirect.scatter.add.f32 [tilespmem:s16], [sflag:$0x3], $0x80, s28, s21, $0xb8;
	v63 =	vld [tilespmem:$0x0]  }
0x50: {  	_ =	swait.ge [sflag:s17], $0x3400  }
0x51: {  	[sflag:s17] =	ssyncset.done $0x0  }
0x52: {  	s28 =	simm.s32 $0xD0;
	[sflag:s17] =	ssyncadd.s32 $0xFFFFCC00  }
0x53: {  	[tilespmem:s16], [sflag:$0x1] =	stream.indirect.gather [hbm4b:s4+s21], $0x80, s28, s21, $0xb8;
	v63 =	vld [tilespmem:$0x0]  }
0x54: {  	_ =	swait.ge [sflag:s24], $0x3400  }
0x55: {  	[sflag:s24] =	ssyncset.done $0x0  }
0x56: {  	s28 =	simm.s32 $0x2880;
	[sflag:s24] =	ssyncadd.s32 $0xFFFFCC00  }
0x57: {  	[spmem:s2] =	stream.indirect.scatter.add.f32 [tilespmem:s22], [sflag:$0x3], $0x80, s28, s21, $0xb8;
	v63 =	vld [tilespmem:$0x0]  }
0x58: {  	_ =	swait.ge [sflag:s17], $0x3400  }
0x59: {  	s29 =	simm.s32 $0x400;
	[sflag:s17] =	ssyncset.done $0x0  }
0x5a: {  	s30 =	simm.s32 $0x208;
	s28 =	simm.s32 $0x138;
	[sflag:s17] =	ssyncadd.s32 $0xFFFFCC00  }
.LBB2_4:
0x5b: {  	[tilespmem:s22], [sflag:$0x2] =	stream.indirect.gather [hbm4b:s4+s21], $0x80, s28, s21, $0xb8;
	v63 =	vld [tilespmem:$0x0]  }
0x5c: {  	s31 =	smov.u32 s29;
	s28 =	smov.u32 s30  }
0x5d: {  	p0 =	sne.s32 s29, $0xBC00;
	s29 =	sadd.s32 $0x400, s29;
	_ =	swait.ge [sflag:s23], $0x3400  }
0x5e: {  	s31 =	sshra.s32 s31, $0x2;
	[sflag:s23] =	ssyncset.done $0x0  }
0x5f: {  	s1 =	sadd.s32 $0x2800, s31;
	[sflag:s23] =	ssyncadd.s32 $0xFFFFCC00  }
0x60: {  	[spmem:s2] =	stream.indirect.scatter.add.f32 [tilespmem:s16], [sflag:$0x3], $0x80, s1, s21, $0xb8;
	v63 =	vld [tilespmem:$0x0]  }
0x61: {  	_ =	swait.ge [sflag:s17], $0x3400  }
0x62: {  	[sflag:s17] =	ssyncset.done $0x0  }
0x63: {  	s1 =	sadd.s32 $0xFFFFFF98, s30;
	[sflag:s17] =	ssyncadd.s32 $0xFFFFCC00  }
0x64: {  	[tilespmem:s16], [sflag:$0x1] =	stream.indirect.gather [hbm4b:s4+s21], $0x80, s1, s21, $0xb8;
	v63 =	vld [tilespmem:$0x0]  }
0x65: {  	_ =	swait.ge [sflag:s24], $0x3400  }
0x66: {  	[sflag:s24] =	ssyncset.done $0x0  }
.Ltmp1:
0x67: {  	s1 =	sadd.s32 $0x2880, s31;
	[sflag:s24] =	ssyncadd.s32 $0xFFFFCC00;
	(pc) =	sbr.rel @p0 .LBB2_4-.Ltmp1, $4  }
0x68: {  	[spmem:s2] =	stream.indirect.scatter.add.f32 [tilespmem:s22], [sflag:$0x3], $0x80, s1, s21, $0xb8;
	v63 =	vld [tilespmem:$0x0]  }
0x69: {  	_ =	swait.ge [sflag:s17], $0x3400  }
0x6a: {  	[sflag:s17] =	ssyncset.done $0x0  }
0x6b: {  	s30 =	sadd.s32 $0xD0, s30;
	[sflag:s17] =	ssyncadd.s32 $0xFFFFCC00  }
0x6c: {  	[tilespmem:s22], [sflag:$0x2] =	stream.indirect.gather [hbm4b:s4+s21], $0x80, s28, s21, $0xb8;
	v63 =	vld [tilespmem:$0x0]  }
0x6d: {  	_ =	swait.ge [sflag:s23], $0x3400  }
0x6e: {  	[sflag:s23] =	ssyncset.done $0x0  }
0x6f: {  	[sflag:s23] =	ssyncadd.s32 $0xFFFFCC00  }
0x70: {  	[spmem:s2] =	stream.indirect.scatter.add.f32 [tilespmem:s16], [sflag:$0x3], $0x80, s25, s21, $0xb8;
	v63 =	vld [tilespmem:$0x0]  }
0x71: {  	_ =	swait.ge [sflag:s17], $0x3400  }
0x72: {  	[sflag:s17] =	ssyncset.done $0x0  }
0x73: {  	[sflag:s17] =	ssyncadd.s32 $0xFFFFCC00  }
0x74: {  	_ =	swait.ge [sflag:s24], $0x3400  }
0x75: {  	[sflag:s24] =	ssyncset.done $0x0  }
0x76: {  	[sflag:s24] =	ssyncadd.s32 $0xFFFFCC00  }
0x77: {  	[spmem:s2] =	stream.indirect.scatter.add.f32 [tilespmem:s22], [sflag:$0x3], $0x80, s26, s21, $0xb8;
	v63 =	vld [tilespmem:$0x0]  }
0x78: {  	_ =	swait.ge [sflag:s17], $0x3400  }
0x79: {  	s1 =	sshll.u32 s0, $0x6;
	s3 =	sadd.s32 $0x1, s3;
	[sflag:s17] =	ssyncset.done $0x0  }
0x7a: {  	s31 =	sshrl.u32 s5, $0x3;
	p0 =	sne.s32 s3, s15;
	[sflag:s17] =	ssyncadd.s32 $0xFFFFCC00  }
.Ltmp2:
0x7b: {  	s1 =	sor.u32 $0x1C03, s1;
	[bflag:$0x0] =	sbarrier.arrive $0xFFFF;
	(pc) =	sbr.rel @p0 .LBB2_1-.Ltmp2, $4  }
0x7c: {  	[hbm:s14], [sflag:s1] =	dma.local [spmem:s31], $0x2780  }
0x7d: {  	_ =	swait.ge [sflag:s17], $0x2780  }
0x7e: {  	[sflag:s17] =	ssyncset.done $0x0  }
0x7f: {  	[sflag:s17] =	ssyncadd.s32 $0xFFFFD880  }
0x80: {  	_ =	sfence.sel $0x180000  }
0x81: {  	[bflag:$0x0] =	sbarrier.arrive $0xFFFF  }
0x82: {  	_ =	strace $0x9000004A  }
0x83: {  	[bflag:$0x2] =	sbarrier.arrive $0xFFFF  }
0x84: {  	p0 =	sne.s32 s0, $0x0;
	s0 =	rddreg [dreg:$0x2]  }
0x85: {  	s0 =	sadd.s32 @!p0 $0x100000, s0  }
0x86: {  	[sflag:s0] =	ssyncadd.tile.s32 @!p0 $0x1;
	_ =	shalt  }
.Lfunc_end2:
_tile_overlayer_lowered:
.L_overlay_start_2:
0x87: {  	(tag) =	ssettag $0x2  }
0x88: {  	s0 =	rddreg [dreg:$0x0];
	s2 =	stileid.u32  }
0x89: {  	s1 =	rddreg [dreg:$0x1];
	p0 =	sne.s32 s2, $0x0  }
0x8a: {  	s3 =	rddreg [dreg:$0x2];
	[bflag:$0x3] =	sbarrier.arrive $0xFFFF;
	s2 =	simm.s32 @!p0 $0x1C03  }
0x8b: {  	[timem:s3], [sflag:s2] =	dma.local @!p0 [hbm:s0], s1  }
0x8c: {  	s0 =	simm.s32 @!p0 $0x3  }
0x8d: {  	_ =	swait.ge @!p0 [sflag:s0], s1  }
0x8e: {  	s1 =	ssub.s32 @!p0 $0x0, s1;
	[sflag:s0] =	ssyncset.done @!p0 $0x0  }
0x8f: {  	[sflag:s0] =	ssyncadd.s32 @!p0 s1  }
0x90: {  	[bflag:$0x3] =	sbarrier.arrive $0xFFFF  }
0x91: {  	_ =	shalt  }

// kernel: kernel.16.cloned.1.call-start
scs
__scs_entry_jumppad:
0x0: {  	(pc) =	sbr.rel $0x88, $3  }
0x1: {  	(tag) =	ssettag $0x0;
	lr =	simm.s32 $0x1  }
0x2: {  	[smem:$0x3F98] =	sst lr;
	_ =	strace $0xD0000000  }
0x3: {  	_ = 	snop  }
0x4: {  	_ = 	snop  }
0x5: {  	_ = 	snop  }
0x6: {  	_ = 	snop  }
0x7: {  	_ = 	snop  }
__scs_overlays_trampoline_lowered:
0x8: {  	[smem:$0x3FA7] =	sst s0  }
0x9: {  	[smem:$0x3FA8] =	sst s1  }
0xa: {  	[smem:$0x3FA9] =	sst s2  }
0xb: {  	[smem:$0x3FAA] =	sst s3  }
0xc: {  	[smem:$0x3FAB] =	sst s4  }
0xd: {  	[smem:$0x3FAC] =	sst s5  }
0xe: {  	[smem:$0x3FAD] =	sst s6  }
0xf: {  	[smem:$0x3FAE] =	sst s7  }
0x10: {  	[smem:$0x3FAF] =	sst s8  }
0x11: {  	[smem:$0x3FB0] =	sst s9;
	s0 =	simm.s32 @!p0 $0x0  }
0x12: {  	s1 =	sld [smem:$0x3F96];
	s0 =	simm.s32 @p0 $0x1  }
0x13: {  	[smem:$0x3FB1] =	sst s0;
	s0 =	simm.s32 @!p1 $0x0  }
0x14: {  	s2 =	sld [smem:$0x3F95];
	s0 =	simm.s32 @p1 $0x1  }
0x15: {  	[smem:$0x3FB2] =	sst s0;
	s0 =	simm.s32 @!p2 $0x0  }
0x16: {  	s3 =	sld [smem:$0x3FDB];
	s0 =	simm.s32 @p2 $0x1  }
0x17: {  	s4 =	simm.s32 $0x1BF5;
	[smem:$0x3FB4] =	sst s0  }
0x18: {  	s0 =	sld [smem:$0x3F97];
	_ =	swait.ge [sflag:s4], $0x0  }
0x19: {  	s7 =	sld [smem:$0x3F98]  }
0x1a: {  	s8 =	sadd.s32 $0xFFFFE003, lr  }
0x1b: {  	s9 =	sadd.s32 $0xFFFFFEF7, lr;
	s5 =	simm.s32 $0xFFFFFFFF;
	p2 =	slt.u32 s8, $0xFFFFF086  }
0x1c: {  	p1 =	slt.u32 s9, $0xF7A;
	s5 =	simm.s32 @!p2 $0x0  }
0x1d: {  	s5 =	simm.s32 @p1 $0x1;
	p0 =	seq.s32 s7, s2  }
0x1e: {  	s7 =	smul.u32 @!p0 $0xF7A, s2;
	p2 =	seq.s32 @!p0 s5, $0x0  }
0x1f: {  	s9 =	smul.u32 $0xF7A, s1;
	s8 =	simm.s32 @!p0 $0x1BF5;
	p2 =	por !p2, p0  }
0x20: {  	[sflag:s8] =	ssyncset.s32 @!p0 $0xFFFFF086;
	s6 =	sadd.s32 @!p0 s3, s7;
	s7 =	simm.s32 @!p0 $0x108  }
0x21: {  	s3 =	sadd.s32 s3, s9;
	s6 =	sadd.s32 @!p0 $0x88, s6;
	s7 =	simm.s32 @p2 $0x1082  }
0x22: {  	[simem:s7], [sflag:s8] =	dma.local @!p0 [hbm:s6], $0xF7A  }
0x23: {  	s9 =	sor.u32 $0xD0000000, s2;
	s6 =	simm.s32 $0x108;
	_ =	swait.ge @!p0 [sflag:s8], $0x0  }
0x24: {  	s3 =	sadd.s32 $0x88, s3;
	s6 =	simm.s32 @!p1 $0x1082;
	[sflag:s4] =	ssyncset.s32 $0xFFFFF086  }
0x25: {  	[simem:s6], [sflag:s4] =	dma.local [hbm:s3], $0xF7A  }
0x26: {  	[smem:$0x3F98] =	sst s1;
	(tag) =	ssettag s2;
	_ =	strace s9  }
0x27: {  	s1 =	sld [smem:$0x3FA8]  }
0x28: {  	s2 =	sld [smem:$0x3FA9]  }
0x29: {  	s4 =	sld [smem:$0x3FAB]  }
0x2a: {  	p0 =	seq.s32 s5, $0x0;
	s5 =	sld [smem:$0x3FAC]  }
0x2b: {  	s6 =	sld [smem:$0x3FAD]  }
0x2c: {  	s7 =	sld [smem:$0x3FAE]  }
0x2d: {  	s3 =	simm.s32 $0x108;
	s8 =	sld [smem:$0x3FAF]  }
0x2e: {  	s3 =	simm.s32 @!p0 $0x1082;
	s9 =	sld [smem:$0x3FB0]  }
0x2f: {  	lr =	sadd.s32 s0, s3;
	s0 =	sld [smem:$0x3FA7]  }
0x30: {  	s3 =	sld [smem:$0x3FAA]  }
0x31: {  	[smem:$0x3FB3] =	sst s10  }
0x32: {  	s10 =	sld [smem:$0x3FB1];
	_ =	sdelay $0x3  }
0x33: {  	p0 =	seq.s32 s10, $0x1;
	s10 =	sld [smem:$0x3FB3];
	_ =	sdelay $0x3  }
0x34: {  	[smem:$0x3FB3] =	sst s10  }
0x35: {  	s10 =	sld [smem:$0x3FB2];
	_ =	sdelay $0x3  }
0x36: {  	p1 =	seq.s32 s10, $0x1;
	s10 =	sld [smem:$0x3FB3];
	_ =	sdelay $0x3  }
0x37: {  	[smem:$0x3FB3] =	sst s10  }
0x38: {  	s10 =	sld [smem:$0x3FB4]  }
0x39: {  	_ = 	snop;
	(pc) =	sbr.ind lr, $3  }
0x3a: {  	_ = 	snop  }
0x3b: {  	_ = 	snop  }
0x3c: {  	p2 =	seq.s32 s10, $0x1;
	s10 =	sld [smem:$0x3FB3]  }
0x3d: {  	_ =	shalt  }
0x3e: {  	_ =	shalt  }
0x3f: {  	_ =	shalt  }
0x40: {  	_ =	shalt  }
0x41: {  	_ =	shalt  }
0x42: {  	_ =	shalt  }
0x43: {  	_ =	shalt  }
0x44: {  	_ =	shalt  }
0x45: {  	_ =	shalt  }
0x46: {  	_ =	shalt  }
0x47: {  	_ =	shalt  }
0x48: {  	_ =	shalt  }
0x49: {  	_ =	shalt  }
0x4a: {  	_ =	shalt  }
0x4b: {  	_ =	shalt  }
0x4c: {  	_ =	shalt  }
0x4d: {  	_ =	shalt  }
0x4e: {  	_ =	shalt  }
0x4f: {  	_ =	shalt  }
0x50: {  	_ =	shalt  }
0x51: {  	_ =	shalt  }
0x52: {  	_ =	shalt  }
0x53: {  	_ =	shalt  }
0x54: {  	_ =	shalt  }
0x55: {  	_ =	shalt  }
0x56: {  	_ =	shalt  }
0x57: {  	_ =	shalt  }
0x58: {  	_ =	shalt  }
0x59: {  	_ =	shalt  }
0x5a: {  	_ =	shalt  }
0x5b: {  	_ =	shalt  }
0x5c: {  	_ =	shalt  }
0x5d: {  	_ =	shalt  }
0x5e: {  	_ =	shalt  }
0x5f: {  	_ =	shalt  }
0x60: {  	_ =	shalt  }
0x61: {  	_ =	shalt  }
0x62: {  	_ =	shalt  }
0x63: {  	_ =	shalt  }
0x64: {  	_ =	shalt  }
0x65: {  	_ =	shalt  }
0x66: {  	_ =	shalt  }
0x67: {  	_ =	shalt  }
0x68: {  	_ =	shalt  }
0x69: {  	_ =	shalt  }
0x6a: {  	_ =	shalt  }
0x6b: {  	_ =	shalt  }
0x6c: {  	_ =	shalt  }
0x6d: {  	_ =	shalt  }
0x6e: {  	_ =	shalt  }
0x6f: {  	_ =	shalt  }
0x70: {  	_ =	shalt  }
0x71: {  	_ =	shalt  }
0x72: {  	_ =	shalt  }
0x73: {  	_ =	shalt  }
0x74: {  	_ =	shalt  }
0x75: {  	_ =	shalt  }
0x76: {  	_ =	shalt  }
0x77: {  	_ =	shalt  }
0x78: {  	_ =	shalt  }
0x79: {  	_ =	shalt  }
0x7a: {  	_ =	shalt  }
0x7b: {  	_ =	shalt  }
0x7c: {  	_ =	shalt  }
0x7d: {  	_ =	shalt  }
0x7e: {  	_ =	shalt  }
0x7f: {  	_ =	shalt  }
0x80: {  	_ =	shalt  }
0x81: {  	_ =	shalt  }
0x82: {  	_ =	shalt  }
0x83: {  	_ =	shalt  }
0x84: {  	_ =	shalt  }
0x85: {  	_ =	shalt  }
0x86: {  	_ =	shalt  }
0x87: {  	_ =	shalt  }
.Lfunc_end0:
.L_simem_size_0:
called_computation.2_lowered:
.L_overlay_start_0:
0x88: {  	s2 =	sld [smem:$0x3FD9]  }
0x89: {  	s3 =	sld [smem:$0x3FFE];
	_ =	sdelay $0x1  }
0x8a: {  	s1 =	srdreg.scid  }
0x8b: {  	s0 =	sand.u32 $0x1, s1  }
0x8c: {  	s17 =	sshll.u32 s0, $0xA;
	s2 =	sadd.s32 s3, s2  }
0x8d: {  	s2 =	sadd.s32 s2, s17  }
0x8e: {  	[smem:$0x3FBF] =	sst s2  }
0x8f: {  	_ = 	snop  }
0x90: {  	(tm) =	ssettm $0x1  }
0x91: {  	s18 =	sld [smem:$0x3FFB];
	_ =	sdelay $0x3  }
0x92: {  	_ =	strace s18  }
0x93: {  	s2 =	sld [smem:$0x3FFC];
	_ =	sdelay $0x3  }
0x94: {  	_ =	strace s2  }
0x95: {  	s2 =	sld [smem:$0x3FFD];
	_ =	sdelay $0x3  }
0x96: {  	_ =	strace s2  }
0x97: {  	_ =	strace $0x8FFFFFFF  }
0x98: {  	s19 =	sld [smem:$0x3FDB];
	_ =	sdelay $0x1  }
0x99: {  	s20 =	simm.s32 $_scs_section_size  }
0x9a: {  	s4 =	simm.s32 $_size__tile_overlayer_lowered;
	s5 =	simm.s32 $_tile_overlayer_lowered  }
0x9b: {  	s6 =	simm.s32 $0x1BFF;
	s21 =	sshll.u32 s5, $0x1;
	s3 =	sadd.s32 s20, s19  }
0x9c: {  	s22 =	simm.s32 $0x0;
	s4 =	sshll.u32 s4, $0x1;
	s5 =	sadd.s32 s21, s3  }
0x9d: {  	[timem:s22], [sflag:s6] =	dma.local [hbm:s5], s4  }
0x9e: {  	_ =	swait.ge [sflag:s6], s4  }
0x9f: {  	s4 =	ssub.s32 $0x0, s4;
	[sflag:s6] =	ssyncset.done $0x0  }
0xa0: {  	[sflag:s6] =	ssyncadd.s32 s4;
	_ =	sdelay $0x1  }
0xa1: {  	s23 =	simm.s32 $0x1B8B  }
0xa2: {  	_ =	swait.ge [sflag:s23], $0x1  }
0xa3: {  	[sflag:s23] =	ssyncset.done $0x0  }
0xa4: {  	[sflag:s23] =	ssyncadd.s32 $0xFFFFFFFF  }
0xa5: {  	s4 =	sld [smem:$0x0]  }
0xa6: {  	s5 =	sand.u32 $0xFFFFFFFE, s1  }
0xa7: {  	p0 =	sne.s32 s1, s5  }
0xa8: {  	s5 =	sshll.u32 @p0 s5, $0xE  }
0xa9: {  	s5 =	sadd.s32 @p0 $0x11B8D, s5;
	s6 =	sshll.u32 @p0 s4, $0x11  }
0xaa: {  	s5 =	sor.u32 @p0 s6, s5  }
0xab: {  	[sflag:s5] =	ssyncadd.remote.s32 @p0 $0x1;
	_ =	sdelay $0x1  }
0xac: {  	s5 =	simm.s32 @p0 $0x1B8D  }
0xad: {  	_ =	swait.eq @p0 [sflag:s5], $0x1  }
0xae: {  	[sflag:s5] =	ssyncadd.s32 @p0 $0xFFFFFFFF  }
0xaf: {  	s6 =	sshll.u32 @!p0 s1, $0xE  }
0xb0: {  	s6 =	sor.u32 @!p0 $0x4000, s6;
	s5 =	simm.s32 @!p0 $0x1B8D  }
0xb1: {  	s4 =	sshll.u32 @!p0 s4, $0x11;
	s6 =	sadd.s32 @!p0 $0x11B8D, s6;
	_ =	swait.eq @!p0 [sflag:s5], $0x1  }
0xb2: {  	s4 =	sor.u32 @!p0 s4, s6;
	[sflag:s5] =	ssyncadd.s32 @!p0 $0xFFFFFFFF  }
0xb3: {  	s25 =	simm.s32 $0x1B8E;
	s24 =	sld [smem:$0x3FFE];
	[sflag:s4] =	ssyncadd.remote.s32 @!p0 $0x1  }
0xb4: {  	s26 =	simm.s32 $execute0_lowered;
	[smem:$0x3FD2] =	sst s25  }
0xb5: {  	s5 =	sshll.u32 s26, $0x1;
	_ =	strace $0x8000004F;
	[dreg:$0x1] =	wrdreg $0xFFFFFFFF  }
0xb6: {  	s28 =	simm.s32 $_size_execute0_lowered;
	s3 =	sadd.s32 s3, s5;
	[dreg:$0x0] =	wrdreg $0x0  }
0xb7: {  	s5 =	sshll.u32 s28, $0x1;
	[dreg:$0x2] =	wrdreg s3  }
0xb8: {  	[dreg:$0x3] =	wrdreg s5  }
0xb9: {  	[dreg:$0x4] =	wrdreg $0xC0  }
0xba: {  	_ =	task [dreg:s22], $0x5FFFF  }
0xbb: {  	[dreg:$0x1] =	wrdreg $0xFFFFFFFF  }
0xbc: {  	[dreg:$0x0] =	wrdreg $0x60  }
0xbd: {  	[dreg:$0x2] =	wrdreg s24  }
0xbe: {  	[dreg:$0x3] =	wrdreg $0xC4000  }
0xbf: {  	[dreg:$0x4] =	wrdreg $0x9  }
0xc0: {  	_ =	task.clear_ibuf [dreg:s22], $0x5FFFF;
	_ =	strace $0x9000004F  }
0xc1: {  	s29 =	simm.s32 $0x9;
	_ =	strace $0x80000051  }
0xc2: {  	_ =	swait.ge [sflag:s29], $0x1  }
0xc3: {  	[sflag:s29] =	ssyncadd.s32 $0xFFFFFFFF  }
0xc4: {  	_ =	strace $0x90000051  }
0xc5: {  	_ =	sfence  }
0xc6: {  	s30 =	sld [smem:$0x0];
	_ =	sdelay $0x2  }
0xc7: {  	s31 =	sshll.u32 s1, $0xD;
	s1 =	sshrl.u32 s1, $0x2  }
0xc8: {  	s4 =	sand.u32 $0x4000, s31;
	s1 =	sadd.s32 s1, s30  }
0xc9: {  	s0 =	sor.u32 s4, s0;
	s1 =	sshll.u32 s1, $0x11  }
0xca: {  	s0 =	sor.u32 s1, s0  }
0xcb: {  	s0 =	sadd.s32 $0x8F2B, s0  }
0xcc: {  	[sflag:s0] =	ssyncadd.remote.s32 $0x1  }
0xcd: {  	_ =	sfence.sel $0xFFFF  }
0xce: {  	[dreg:$0x0] =	wrdreg $0xFFFFFFFF;
	(pc) =	sbr.abs _section_cstart, $3  }
0xcf: {  	[dreg:$0x1] =	wrdreg $0xFFFFFFFF  }
0xd0: {  	_ =	task.clear_ibuf [dreg:s22], $0x2FFFF;
	_ =	strace $0x9FFFFFFF  }
0xd1: {  	(tm) =	ssettm $0x7FFFFFFF  }
tec
execute0_lowered:
.L_overlay_start_1:
0x0: {  	(tag) =	ssettag $0x1  }
0x1: {  	s6 =	rddreg [dreg:$0x0]  }
0x2: {  	s0 =	srdreg.scid;
	s2 =	rddreg [dreg:$0x1];
	s16 =	simm.s32 $0x5C00  }
0x3: {  	s17 =	simm.s32 $0x3;
	s18 =	simm.s32 $0x80;
	s19 =	simm.s32 $0x400  }
0x4: {  	s20 =	simm.s32 $0x2800;
	s21 =	simm.s32 $0x68;
	s22 =	simm.s32 $0x9000  }
0x5: {  	s23 =	simm.s32 $0x1;
	s24 =	simm.s32 $0x2;
	s5 =	sand.u32 $0x1, s0  }
0x6: {  	s25 =	simm.s32 $0x5800;
	s0 =	stileid.u32;
	s29 =	smul.u32 $0x13C000, s5  }
0x7: {  	s26 =	simm.s32 $0x5880;
	s1 =	sshll.u32 s5, $0x4;
	s10 =	smul.u32 $0x13C00, s0  }
0x8: {  	s8 =	sshll.u32 s0, $0x7;
	s30 =	smul.u32 $0x4F000, s0;
	s5 =	ssub.s32 $0x2, s5  }
0x9: {  	s4 =	sor.u32 s0, s1;
	s8 =	sand.u32 $0x380, s8;
	s31 =	sshrl.u32 s5, $0x1  }
0xa: {  	s3 =	sshrl.u32 s4, $0x3;
	s9 =	smul.u32 $0x680, s4;
	s4 =	sadd.s32 $0x152800, s6  }
0xb: {  	s15 =	ssub.s32 s5, s31;
	s7 =	smul.u32 $0x14000, s3;
	s3 =	simm.s32 $0x0  }
0xc: {  	s15 =	smax.u32 s15, $0x1;
	[smem:$0x7FF] =	sst s3;
	s13 =	sadd.s32 s9, s6  }
0xd: {  	s28 =	sor.u32 s8, s7;
	_ =	strace $0x80000050;
	s7 =	sadd.s32 s10, s29  }
0xe: {  	s13 =	sadd.s32 $0x3000, s13;
	s8 =	sshrl.u32 s28, $0x3;
	s7 =	sshrl.u32 s7, $0x3  }
0xf: {  	s12 =	sadd.s32 s8, s6;
	s8 =	sshrl.u32 s30, $0x2;
	s14 =	sadd.s32 s7, s6  }
0x10: {  	s5 =	sadd.s32 s8, s2;
	s12 =	sadd.s32 $0x148800, s12;
	s14 =	sadd.s32 $0x2DA000, s14  }
0x11: {  	s6 =	sadd.s32 $0x3400, s5;
	s7 =	sadd.s32 $0x6800, s5;
	s8 =	sadd.s32 $0x9C00, s5  }
0x12: {  	v0 =	vimm.f32 $0.0e+00;
	s9 =	sadd.s32 $0xD000, s5;
	s10 =	sadd.s32 $0x10400, s5;
	s11 =	sadd.s32 $0x13800, s5  }
.LBB2_1:
0x13: {  	s28 =	simm.s32 $0x0;
	s29 =	simm.s32 $0x200  }
.LBB2_2:
0x14: {  	p0 =	sne.s32 s29, $0xCE00;
	[tilespmem:s28+$0x5C70] =	vst v0  }
0x15: {  	[tilespmem:s28+$0x5C00] =	vst v0  }
0x16: {  	[tilespmem:s28+$0x5C10] =	vst v0  }
.Ltmp0:
0x17: {  	[tilespmem:s28+$0x5C20] =	vst v0;
	(pc) =	sbr.rel @p0 .LBB2_2-.Ltmp0, $4  }
0x18: {  	[tilespmem:s28+$0x5C30] =	vst v0  }
0x19: {  	[tilespmem:s28+$0x5C40] =	vst v0  }
0x1a: {  	[tilespmem:s28+$0x5C50] =	vst v0  }
0x1b: {  	[tilespmem:s28+$0x5C60] =	vst v0;
	s28 =	sshra.s32 s29, $0x2;
	s29 =	sadd.s32 $0x200, s29  }
0x1c: {  	[tilespmem:s28+$0x5C70] =	vst v0  }
0x1d: {  	[tilespmem:s28+$0x5C00] =	vst v0  }
0x1e: {  	[tilespmem:s28+$0x5C10] =	vst v0  }
0x1f: {  	[tilespmem:s28+$0x5C20] =	vst v0  }
0x20: {  	[tilespmem:s28+$0x5C30] =	vst v0  }
0x21: {  	[tilespmem:s28+$0x5C40] =	vst v0  }
0x22: {  	[tilespmem:s28+$0x5C50] =	vst v0  }
0x23: {  	[tilespmem:s28+$0x5C60] =	vst v0  }
0x24: {  	[spmem:s5] =	stream.linear.scatter [tilespmem:s16], [sflag:$0x3], $0x3400, $0x38;
	v63 =	vld [tilespmem:$0x0]  }
0x25: {  	_ =	swait.ge [sflag:s17], $0x3400  }
0x26: {  	[sflag:s17] =	ssyncset.done $0x0  }
0x27: {  	[sflag:s17] =	ssyncadd.s32 $0xFFFFCC00  }
0x28: {  	[spmem:s6] =	stream.linear.scatter [tilespmem:s16], [sflag:$0x3], $0x3400, $0x38;
	v63 =	vld [tilespmem:$0x0]  }
0x29: {  	_ =	swait.ge [sflag:s17], $0x3400  }
0x2a: {  	[sflag:s17] =	ssyncset.done $0x0  }
0x2b: {  	[sflag:s17] =	ssyncadd.s32 $0xFFFFCC00  }
0x2c: {  	[spmem:s7] =	stream.linear.scatter [tilespmem:s16], [sflag:$0x3], $0x3400, $0x38;
	v63 =	vld [tilespmem:$0x0]  }
0x2d: {  	_ =	swait.ge [sflag:s17], $0x3400  }
0x2e: {  	[sflag:s17] =	ssyncset.done $0x0  }
0x2f: {  	[sflag:s17] =	ssyncadd.s32 $0xFFFFCC00  }
0x30: {  	[spmem:s8] =	stream.linear.scatter [tilespmem:s16], [sflag:$0x3], $0x3400, $0x38;
	v63 =	vld [tilespmem:$0x0]  }
0x31: {  	_ =	swait.ge [sflag:s17], $0x3400  }
0x32: {  	[sflag:s17] =	ssyncset.done $0x0  }
0x33: {  	[sflag:s17] =	ssyncadd.s32 $0xFFFFCC00  }
0x34: {  	[spmem:s9] =	stream.linear.scatter [tilespmem:s16], [sflag:$0x3], $0x3400, $0x38;
	v63 =	vld [tilespmem:$0x0]  }
0x35: {  	_ =	swait.ge [sflag:s17], $0x3400  }
0x36: {  	[sflag:s17] =	ssyncset.done $0x0  }
0x37: {  	[sflag:s17] =	ssyncadd.s32 $0xFFFFCC00  }
0x38: {  	[spmem:s10] =	stream.linear.scatter [tilespmem:s16], [sflag:$0x3], $0x3400, $0x38;
	v63 =	vld [tilespmem:$0x0]  }
0x39: {  	_ =	swait.ge [sflag:s17], $0x3400  }
0x3a: {  	[sflag:s17] =	ssyncset.done $0x0  }
0x3b: {  	[sflag:s17] =	ssyncadd.s32 $0xFFFFCC00  }
0x3c: {  	[spmem:s11] =	stream.linear.scatter [tilespmem:s16], [sflag:$0x3], $0x400, $0x38;
	v63 =	vld [tilespmem:$0x0]  }
0x3d: {  	_ =	swait.ge [sflag:s17], $0x400  }
0x3e: {  	[sflag:s17] =	ssyncset.done $0x0  }
0x3f: {  	s28 =	simm.s32 $0x0;
	[sflag:s17] =	ssyncadd.s32 $0xFFFFFC00  }
0x40: {  	[tilespmem:s28], [sflag:$0x3] =	stream.strided.gather [hbm4b:s12+s18], $0x2800, s19, s18, $0x38;
	v63 =	vld [tilespmem:$0x0]  }
0x41: {  	_ =	swait.ge [sflag:s17], $0x2800  }
0x42: {  	[sflag:s17] =	ssyncset.done $0x0  }
0x43: {  	[sflag:s17] =	ssyncadd.s32 $0xFFFFD800  }
0x44: {  	[tilespmem:s20], [sflag:$0x3] =	stream.linear.gather [hbm4b:s13+s28], $0x3100, $0x38;
	v63 =	vld [tilespmem:$0x0]  }
0x45: {  	_ =	swait.ge [sflag:s17], $0x3100  }
0x46: {  	[sflag:s17] =	ssyncset.done $0x0  }
0x47: {  	[sflag:s17] =	ssyncadd.s32 $0xFFFFCF00  }
0x48: {  	[bflag:$0x0] =	sbarrier.arrive $0xFFFF  }
0x49: {  	[tilespmem:s16], [sflag:$0x1] =	stream.indirect.gather [hbm4b:s4+s21], $0x80, s28, s21, $0xb8;
	v63 =	vld [tilespmem:$0x0]  }
0x4a: {  	_ = 	snop  }
0x4b: {  	[tilespmem:s22], [sflag:$0x2] =	stream.indirect.gather [hbm4b:s4+s21], $0x80, s21, s21, $0xb8;
	v63 =	vld [tilespmem:$0x0]  }
0x4c: {  	_ =	swait.ge [sflag:s23], $0x3400  }
0x4d: {  	[sflag:s23] =	ssyncset.done $0x0  }
0x4e: {  	s28 =	simm.s32 $0x2800;
	[sflag:s23] =	ssyncadd.s32 $0xFFFFCC00  }
0x4f: {  	[spmem:s2] =	stream.indirect.scatter.add.f32 [tilespmem:s16], [sflag:$0x3], $0x80, s28, s21, $0xb8;
	v63 =	vld [tilespmem:$0x0]  }
0x50: {  	_ =	swait.ge [sflag:s17], $0x3400  }
0x51: {  	[sflag:s17] =	ssyncset.done $0x0  }
0x52: {  	s28 =	simm.s32 $0xD0;
	[sflag:s17] =	ssyncadd.s32 $0xFFFFCC00  }
0x53: {  	[tilespmem:s16], [sflag:$0x1] =	stream.indirect.gather [hbm4b:s4+s21], $0x80, s28, s21, $0xb8;
	v63 =	vld [tilespmem:$0x0]  }
0x54: {  	_ =	swait.ge [sflag:s24], $0x3400  }
0x55: {  	[sflag:s24] =	ssyncset.done $0x0  }
0x56: {  	s28 =	simm.s32 $0x2880;
	[sflag:s24] =	ssyncadd.s32 $0xFFFFCC00  }
0x57: {  	[spmem:s2] =	stream.indirect.scatter.add.f32 [tilespmem:s22], [sflag:$0x3], $0x80, s28, s21, $0xb8;
	v63 =	vld [tilespmem:$0x0]  }
0x58: {  	_ =	swait.ge [sflag:s17], $0x3400  }
0x59: {  	s29 =	simm.s32 $0x400;
	[sflag:s17] =	ssyncset.done $0x0  }
0x5a: {  	s30 =	simm.s32 $0x208;
	s28 =	simm.s32 $0x138;
	[sflag:s17] =	ssyncadd.s32 $0xFFFFCC00  }
.LBB2_4:
0x5b: {  	[tilespmem:s22], [sflag:$0x2] =	stream.indirect.gather [hbm4b:s4+s21], $0x80, s28, s21, $0xb8;
	v63 =	vld [tilespmem:$0x0]  }
0x5c: {  	s31 =	smov.u32 s29;
	s28 =	smov.u32 s30  }
0x5d: {  	p0 =	sne.s32 s29, $0xBC00;
	s29 =	sadd.s32 $0x400, s29;
	_ =	swait.ge [sflag:s23], $0x3400  }
0x5e: {  	s31 =	sshra.s32 s31, $0x2;
	[sflag:s23] =	ssyncset.done $0x0  }
0x5f: {  	s1 =	sadd.s32 $0x2800, s31;
	[sflag:s23] =	ssyncadd.s32 $0xFFFFCC00  }
0x60: {  	[spmem:s2] =	stream.indirect.scatter.add.f32 [tilespmem:s16], [sflag:$0x3], $0x80, s1, s21, $0xb8;
	v63 =	vld [tilespmem:$0x0]  }
0x61: {  	_ =	swait.ge [sflag:s17], $0x3400  }
0x62: {  	[sflag:s17] =	ssyncset.done $0x0  }
0x63: {  	s1 =	sadd.s32 $0xFFFFFF98, s30;
	[sflag:s17] =	ssyncadd.s32 $0xFFFFCC00  }
0x64: {  	[tilespmem:s16], [sflag:$0x1] =	stream.indirect.gather [hbm4b:s4+s21], $0x80, s1, s21, $0xb8;
	v63 =	vld [tilespmem:$0x0]  }
0x65: {  	_ =	swait.ge [sflag:s24], $0x3400  }
0x66: {  	[sflag:s24] =	ssyncset.done $0x0  }
.Ltmp1:
0x67: {  	s1 =	sadd.s32 $0x2880, s31;
	[sflag:s24] =	ssyncadd.s32 $0xFFFFCC00;
	(pc) =	sbr.rel @p0 .LBB2_4-.Ltmp1, $4  }
0x68: {  	[spmem:s2] =	stream.indirect.scatter.add.f32 [tilespmem:s22], [sflag:$0x3], $0x80, s1, s21, $0xb8;
	v63 =	vld [tilespmem:$0x0]  }
0x69: {  	_ =	swait.ge [sflag:s17], $0x3400  }
0x6a: {  	[sflag:s17] =	ssyncset.done $0x0  }
0x6b: {  	s30 =	sadd.s32 $0xD0, s30;
	[sflag:s17] =	ssyncadd.s32 $0xFFFFCC00  }
0x6c: {  	[tilespmem:s22], [sflag:$0x2] =	stream.indirect.gather [hbm4b:s4+s21], $0x80, s28, s21, $0xb8;
	v63 =	vld [tilespmem:$0x0]  }
0x6d: {  	_ =	swait.ge [sflag:s23], $0x3400  }
0x6e: {  	[sflag:s23] =	ssyncset.done $0x0  }
0x6f: {  	[sflag:s23] =	ssyncadd.s32 $0xFFFFCC00  }
0x70: {  	[spmem:s2] =	stream.indirect.scatter.add.f32 [tilespmem:s16], [sflag:$0x3], $0x80, s25, s21, $0xb8;
	v63 =	vld [tilespmem:$0x0]  }
0x71: {  	_ =	swait.ge [sflag:s17], $0x3400  }
0x72: {  	[sflag:s17] =	ssyncset.done $0x0  }
0x73: {  	[sflag:s17] =	ssyncadd.s32 $0xFFFFCC00  }
0x74: {  	_ =	swait.ge [sflag:s24], $0x3400  }
0x75: {  	[sflag:s24] =	ssyncset.done $0x0  }
0x76: {  	[sflag:s24] =	ssyncadd.s32 $0xFFFFCC00  }
0x77: {  	[spmem:s2] =	stream.indirect.scatter.add.f32 [tilespmem:s22], [sflag:$0x3], $0x80, s26, s21, $0xb8;
	v63 =	vld [tilespmem:$0x0]  }
0x78: {  	_ =	swait.ge [sflag:s17], $0x3400  }
0x79: {  	s1 =	sshll.u32 s0, $0x6;
	s3 =	sadd.s32 $0x1, s3;
	[sflag:s17] =	ssyncset.done $0x0  }
0x7a: {  	s31 =	sshrl.u32 s5, $0x3;
	p0 =	sne.s32 s3, s15;
	[sflag:s17] =	ssyncadd.s32 $0xFFFFCC00  }
.Ltmp2:
0x7b: {  	s1 =	sor.u32 $0x1C03, s1;
	[bflag:$0x0] =	sbarrier.arrive $0xFFFF;
	(pc) =	sbr.rel @p0 .LBB2_1-.Ltmp2, $4  }
0x7c: {  	[hbm:s14], [sflag:s1] =	dma.local [spmem:s31], $0x2780  }
0x7d: {  	_ =	swait.ge [sflag:s17], $0x2780  }
0x7e: {  	[sflag:s17] =	ssyncset.done $0x0  }
0x7f: {  	[sflag:s17] =	ssyncadd.s32 $0xFFFFD880  }
0x80: {  	_ =	sfence.sel $0x180000  }
0x81: {  	[bflag:$0x0] =	sbarrier.arrive $0xFFFF  }
0x82: {  	_ =	strace $0x90000050  }
0x83: {  	[bflag:$0x2] =	sbarrier.arrive $0xFFFF  }
0x84: {  	p0 =	sne.s32 s0, $0x0;
	s0 =	rddreg [dreg:$0x2]  }
0x85: {  	s0 =	sadd.s32 @!p0 $0x100000, s0  }
0x86: {  	[sflag:s0] =	ssyncadd.tile.s32 @!p0 $0x1;
	_ =	shalt  }
.Lfunc_end2:
_tile_overlayer_lowered:
.L_overlay_start_2:
0x87: {  	(tag) =	ssettag $0x2  }
0x88: {  	s0 =	rddreg [dreg:$0x0];
	s2 =	stileid.u32  }
0x89: {  	s1 =	rddreg [dreg:$0x1];
	p0 =	sne.s32 s2, $0x0  }
0x8a: {  	s3 =	rddreg [dreg:$0x2];
	[bflag:$0x3] =	sbarrier.arrive $0xFFFF;
	s2 =	simm.s32 @!p0 $0x1C03  }
0x8b: {  	[timem:s3], [sflag:s2] =	dma.local @!p0 [hbm:s0], s1  }
0x8c: {  	s0 =	simm.s32 @!p0 $0x3  }
0x8d: {  	_ =	swait.ge @!p0 [sflag:s0], s1  }
0x8e: {  	s1 =	ssub.s32 @!p0 $0x0, s1;
	[sflag:s0] =	ssyncset.done @!p0 $0x0  }
0x8f: {  	[sflag:s0] =	ssyncadd.s32 @!p0 s1  }
0x90: {  	[bflag:$0x3] =	sbarrier.arrive $0xFFFF  }
0x91: {  	_ =	shalt  }

// kernel: kernel.19.cloned.1.call-start
scs
__scs_entry_jumppad:
0x0: {  	(pc) =	sbr.rel $0x88, $3  }
0x1: {  	(tag) =	ssettag $0x0;
	lr =	simm.s32 $0x1  }
0x2: {  	[smem:$0x3F98] =	sst lr;
	_ =	strace $0xD0000000  }
0x3: {  	_ = 	snop  }
0x4: {  	_ = 	snop  }
0x5: {  	_ = 	snop  }
0x6: {  	_ = 	snop  }
0x7: {  	_ = 	snop  }
__scs_overlays_trampoline_lowered:
0x8: {  	[smem:$0x3FA7] =	sst s0  }
0x9: {  	[smem:$0x3FA8] =	sst s1  }
0xa: {  	[smem:$0x3FA9] =	sst s2  }
0xb: {  	[smem:$0x3FAA] =	sst s3  }
0xc: {  	[smem:$0x3FAB] =	sst s4  }
0xd: {  	[smem:$0x3FAC] =	sst s5  }
0xe: {  	[smem:$0x3FAD] =	sst s6  }
0xf: {  	[smem:$0x3FAE] =	sst s7  }
0x10: {  	[smem:$0x3FAF] =	sst s8  }
0x11: {  	[smem:$0x3FB0] =	sst s9;
	s0 =	simm.s32 @!p0 $0x0  }
0x12: {  	s1 =	sld [smem:$0x3F96];
	s0 =	simm.s32 @p0 $0x1  }
0x13: {  	[smem:$0x3FB1] =	sst s0;
	s0 =	simm.s32 @!p1 $0x0  }
0x14: {  	s2 =	sld [smem:$0x3F95];
	s0 =	simm.s32 @p1 $0x1  }
0x15: {  	[smem:$0x3FB2] =	sst s0;
	s0 =	simm.s32 @!p2 $0x0  }
0x16: {  	s3 =	sld [smem:$0x3FDB];
	s0 =	simm.s32 @p2 $0x1  }
0x17: {  	s4 =	simm.s32 $0x1BF5;
	[smem:$0x3FB4] =	sst s0  }
0x18: {  	s0 =	sld [smem:$0x3F97];
	_ =	swait.ge [sflag:s4], $0x0  }
0x19: {  	s7 =	sld [smem:$0x3F98]  }
0x1a: {  	s8 =	sadd.s32 $0xFFFFE003, lr  }
0x1b: {  	s9 =	sadd.s32 $0xFFFFFEF7, lr;
	s5 =	simm.s32 $0xFFFFFFFF;
	p2 =	slt.u32 s8, $0xFFFFF086  }
0x1c: {  	p1 =	slt.u32 s9, $0xF7A;
	s5 =	simm.s32 @!p2 $0x0  }
0x1d: {  	s5 =	simm.s32 @p1 $0x1;
	p0 =	seq.s32 s7, s2  }
0x1e: {  	s7 =	smul.u32 @!p0 $0xF7A, s2;
	p2 =	seq.s32 @!p0 s5, $0x0  }
0x1f: {  	s9 =	smul.u32 $0xF7A, s1;
	s8 =	simm.s32 @!p0 $0x1BF5;
	p2 =	por !p2, p0  }
0x20: {  	[sflag:s8] =	ssyncset.s32 @!p0 $0xFFFFF086;
	s6 =	sadd.s32 @!p0 s3, s7;
	s7 =	simm.s32 @!p0 $0x108  }
0x21: {  	s3 =	sadd.s32 s3, s9;
	s6 =	sadd.s32 @!p0 $0x88, s6;
	s7 =	simm.s32 @p2 $0x1082  }
0x22: {  	[simem:s7], [sflag:s8] =	dma.local @!p0 [hbm:s6], $0xF7A  }
0x23: {  	s9 =	sor.u32 $0xD0000000, s2;
	s6 =	simm.s32 $0x108;
	_ =	swait.ge @!p0 [sflag:s8], $0x0  }
0x24: {  	s3 =	sadd.s32 $0x88, s3;
	s6 =	simm.s32 @!p1 $0x1082;
	[sflag:s4] =	ssyncset.s32 $0xFFFFF086  }
0x25: {  	[simem:s6], [sflag:s4] =	dma.local [hbm:s3], $0xF7A  }
0x26: {  	[smem:$0x3F98] =	sst s1;
	(tag) =	ssettag s2;
	_ =	strace s9  }
0x27: {  	s1 =	sld [smem:$0x3FA8]  }
0x28: {  	s2 =	sld [smem:$0x3FA9]  }
0x29: {  	s4 =	sld [smem:$0x3FAB]  }
0x2a: {  	p0 =	seq.s32 s5, $0x0;
	s5 =	sld [smem:$0x3FAC]  }
0x2b: {  	s6 =	sld [smem:$0x3FAD]  }
0x2c: {  	s7 =	sld [smem:$0x3FAE]  }
0x2d: {  	s3 =	simm.s32 $0x108;
	s8 =	sld [smem:$0x3FAF]  }
0x2e: {  	s3 =	simm.s32 @!p0 $0x1082;
	s9 =	sld [smem:$0x3FB0]  }
0x2f: {  	lr =	sadd.s32 s0, s3;
	s0 =	sld [smem:$0x3FA7]  }
0x30: {  	s3 =	sld [smem:$0x3FAA]  }
0x31: {  	[smem:$0x3FB3] =	sst s10  }
0x32: {  	s10 =	sld [smem:$0x3FB1];
	_ =	sdelay $0x3  }
0x33: {  	p0 =	seq.s32 s10, $0x1;
	s10 =	sld [smem:$0x3FB3];
	_ =	sdelay $0x3  }
0x34: {  	[smem:$0x3FB3] =	sst s10  }
0x35: {  	s10 =	sld [smem:$0x3FB2];
	_ =	sdelay $0x3  }
0x36: {  	p1 =	seq.s32 s10, $0x1;
	s10 =	sld [smem:$0x3FB3];
	_ =	sdelay $0x3  }
0x37: {  	[smem:$0x3FB3] =	sst s10  }
0x38: {  	s10 =	sld [smem:$0x3FB4]  }
0x39: {  	_ = 	snop;
	(pc) =	sbr.ind lr, $3  }
0x3a: {  	_ = 	snop  }
0x3b: {  	_ = 	snop  }
0x3c: {  	p2 =	seq.s32 s10, $0x1;
	s10 =	sld [smem:$0x3FB3]  }
0x3d: {  	_ =	shalt  }
0x3e: {  	_ =	shalt  }
0x3f: {  	_ =	shalt  }
0x40: {  	_ =	shalt  }
0x41: {  	_ =	shalt  }
0x42: {  	_ =	shalt  }
0x43: {  	_ =	shalt  }
0x44: {  	_ =	shalt  }
0x45: {  	_ =	shalt  }
0x46: {  	_ =	shalt  }
0x47: {  	_ =	shalt  }
0x48: {  	_ =	shalt  }
0x49: {  	_ =	shalt  }
0x4a: {  	_ =	shalt  }
0x4b: {  	_ =	shalt  }
0x4c: {  	_ =	shalt  }
0x4d: {  	_ =	shalt  }
0x4e: {  	_ =	shalt  }
0x4f: {  	_ =	shalt  }
0x50: {  	_ =	shalt  }
0x51: {  	_ =	shalt  }
0x52: {  	_ =	shalt  }
0x53: {  	_ =	shalt  }
0x54: {  	_ =	shalt  }
0x55: {  	_ =	shalt  }
0x56: {  	_ =	shalt  }
0x57: {  	_ =	shalt  }
0x58: {  	_ =	shalt  }
0x59: {  	_ =	shalt  }
0x5a: {  	_ =	shalt  }
0x5b: {  	_ =	shalt  }
0x5c: {  	_ =	shalt  }
0x5d: {  	_ =	shalt  }
0x5e: {  	_ =	shalt  }
0x5f: {  	_ =	shalt  }
0x60: {  	_ =	shalt  }
0x61: {  	_ =	shalt  }
0x62: {  	_ =	shalt  }
0x63: {  	_ =	shalt  }
0x64: {  	_ =	shalt  }
0x65: {  	_ =	shalt  }
0x66: {  	_ =	shalt  }
0x67: {  	_ =	shalt  }
0x68: {  	_ =	shalt  }
0x69: {  	_ =	shalt  }
0x6a: {  	_ =	shalt  }
0x6b: {  	_ =	shalt  }
0x6c: {  	_ =	shalt  }
0x6d: {  	_ =	shalt  }
0x6e: {  	_ =	shalt  }
0x6f: {  	_ =	shalt  }
0x70: {  	_ =	shalt  }
0x71: {  	_ =	shalt  }
0x72: {  	_ =	shalt  }
0x73: {  	_ =	shalt  }
0x74: {  	_ =	shalt  }
0x75: {  	_ =	shalt  }
0x76: {  	_ =	shalt  }
0x77: {  	_ =	shalt  }
0x78: {  	_ =	shalt  }
0x79: {  	_ =	shalt  }
0x7a: {  	_ =	shalt  }
0x7b: {  	_ =	shalt  }
0x7c: {  	_ =	shalt  }
0x7d: {  	_ =	shalt  }
0x7e: {  	_ =	shalt  }
0x7f: {  	_ =	shalt  }
0x80: {  	_ =	shalt  }
0x81: {  	_ =	shalt  }
0x82: {  	_ =	shalt  }
0x83: {  	_ =	shalt  }
0x84: {  	_ =	shalt  }
0x85: {  	_ =	shalt  }
0x86: {  	_ =	shalt  }
0x87: {  	_ =	shalt  }
.Lfunc_end0:
.L_simem_size_0:
called_computation.3_lowered:
.L_overlay_start_0:
0x88: {  	s2 =	sld [smem:$0x3FD9]  }
0x89: {  	s3 =	sld [smem:$0x3FFE];
	_ =	sdelay $0x1  }
0x8a: {  	s1 =	srdreg.scid  }
0x8b: {  	s0 =	sand.u32 $0x1, s1  }
0x8c: {  	s16 =	sshll.u32 s0, $0xA;
	s2 =	sadd.s32 s3, s2  }
0x8d: {  	s2 =	sadd.s32 s2, s16  }
0x8e: {  	[smem:$0x3FBF] =	sst s2  }
0x8f: {  	_ = 	snop  }
0x90: {  	(tm) =	ssettm $0x1  }
0x91: {  	s17 =	sld [smem:$0x3FFB];
	_ =	sdelay $0x3  }
0x92: {  	_ =	strace s17  }
0x93: {  	s2 =	sld [smem:$0x3FFC];
	_ =	sdelay $0x3  }
0x94: {  	_ =	strace s2  }
0x95: {  	s2 =	sld [smem:$0x3FFD];
	_ =	sdelay $0x3  }
0x96: {  	_ =	strace s2  }
0x97: {  	_ =	strace $0x8FFFFFFF  }
0x98: {  	s18 =	sld [smem:$0x3FDB];
	_ =	sdelay $0x1  }
0x99: {  	s19 =	simm.s32 $_scs_section_size  }
0x9a: {  	s4 =	simm.s32 $_size__tile_overlayer_lowered;
	s5 =	simm.s32 $_tile_overlayer_lowered  }
0x9b: {  	s22 =	simm.s32 $0x1BFF;
	s21 =	sshll.u32 s5, $0x1;
	s2 =	sadd.s32 s19, s18  }
0x9c: {  	s6 =	simm.s32 $0x0;
	s20 =	sshll.u32 s4, $0x1;
	s4 =	sadd.s32 s21, s2  }
0x9d: {  	[timem:s6], [sflag:s22] =	dma.local [hbm:s4], s20  }
0x9e: {  	_ =	swait.ge [sflag:s22], s20  }
0x9f: {  	s3 =	ssub.s32 $0x0, s20;
	[sflag:s22] =	ssyncset.done $0x0  }
0xa0: {  	[sflag:s22] =	ssyncadd.s32 s3;
	_ =	sdelay $0x1  }
0xa1: {  	s23 =	simm.s32 $0x1B8B  }
0xa2: {  	_ =	swait.ge [sflag:s23], $0x1  }
0xa3: {  	[sflag:s23] =	ssyncset.done $0x0  }
0xa4: {  	s25 =	simm.s32 $0x1B8E;
	s24 =	sld [smem:$0x3FFE];
	[sflag:s23] =	ssyncadd.s32 $0xFFFFFFFF  }
0xa5: {  	s26 =	simm.s32 $execute0_lowered;
	[smem:$0x3FD2] =	sst s25  }
0xa6: {  	s4 =	sshll.u32 s26, $0x1;
	_ =	strace $0x8000004C;
	[dreg:$0x1] =	wrdreg $0xFFFFFFFF  }
0xa7: {  	s28 =	simm.s32 $_size_execute0_lowered;
	s2 =	sadd.s32 s2, s4;
	[dreg:$0x0] =	wrdreg $0x0  }
0xa8: {  	s4 =	sshll.u32 s28, $0x1;
	[dreg:$0x2] =	wrdreg s2  }
0xa9: {  	[dreg:$0x3] =	wrdreg s4  }
0xaa: {  	[dreg:$0x4] =	wrdreg $0xC0  }
0xab: {  	_ =	task [dreg:s6], $0x5FFFF  }
0xac: {  	[dreg:$0x1] =	wrdreg $0xFFFFFFFF  }
0xad: {  	[dreg:$0x0] =	wrdreg $0x60  }
0xae: {  	[dreg:$0x2] =	wrdreg s24  }
0xaf: {  	[dreg:$0x3] =	wrdreg $0xC4000  }
0xb0: {  	[dreg:$0x4] =	wrdreg $0xA  }
0xb1: {  	_ =	task.clear_ibuf [dreg:s6], $0x5FFFF;
	_ =	strace $0x9000004C  }
0xb2: {  	s29 =	simm.s32 $0xA;
	_ =	strace $0x8000004E  }
0xb3: {  	_ =	swait.ge [sflag:s29], $0x1  }
0xb4: {  	[sflag:s29] =	ssyncadd.s32 $0xFFFFFFFF  }
0xb5: {  	_ =	strace $0x9000004E  }
0xb6: {  	_ =	sfence  }
0xb7: {  	s30 =	sld [smem:$0x0];
	_ =	sdelay $0x2  }
0xb8: {  	s31 =	sshll.u32 s1, $0xD;
	s1 =	sshrl.u32 s1, $0x2  }
0xb9: {  	s3 =	sand.u32 $0x4000, s31;
	s1 =	sadd.s32 s1, s30  }
0xba: {  	s0 =	sor.u32 s3, s0;
	s1 =	sshll.u32 s1, $0x11  }
0xbb: {  	s0 =	sor.u32 s1, s0  }
0xbc: {  	s0 =	sadd.s32 $0x8F2B, s0  }
0xbd: {  	[sflag:s0] =	ssyncadd.remote.s32 $0x1  }
0xbe: {  	_ =	sfence.sel $0xFFFF  }
0xbf: {  	[dreg:$0x0] =	wrdreg $0xFFFFFFFF;
	(pc) =	sbr.abs _section_cstart, $3  }
0xc0: {  	[dreg:$0x1] =	wrdreg $0xFFFFFFFF  }
0xc1: {  	_ =	task.clear_ibuf [dreg:s6], $0x2FFFF;
	_ =	strace $0x9FFFFFFF  }
0xc2: {  	(tm) =	ssettm $0x7FFFFFFF  }
0xc3: {  	_ =	shalt  }
tec
execute0_lowered:
.L_overlay_start_1:
0x0: {  	(tag) =	ssettag $0x1  }
0x1: {  	s6 =	rddreg [dreg:$0x0]  }
0x2: {  	s0 =	srdreg.scid;
	s2 =	rddreg [dreg:$0x1];
	s16 =	simm.s32 $0x5C00  }
0x3: {  	s17 =	simm.s32 $0x3;
	s18 =	simm.s32 $0x80;
	s19 =	simm.s32 $0x400  }
0x4: {  	s20 =	simm.s32 $0x2800;
	s21 =	simm.s32 $0x68;
	s22 =	simm.s32 $0x9000  }
0x5: {  	s23 =	simm.s32 $0x1;
	s24 =	simm.s32 $0x2;
	s5 =	sand.u32 $0x1, s0  }
0x6: {  	s25 =	simm.s32 $0x5800;
	s0 =	stileid.u32;
	s29 =	smul.u32 $0x13C000, s5  }
0x7: {  	s26 =	simm.s32 $0x5880;
	s1 =	sshll.u32 s5, $0x4;
	s10 =	smul.u32 $0x13C00, s0  }
0x8: {  	s8 =	sshll.u32 s0, $0x7;
	s30 =	smul.u32 $0x4F000, s0;
	s5 =	ssub.s32 $0x2, s5  }
0x9: {  	s4 =	sor.u32 s0, s1;
	s8 =	sand.u32 $0x380, s8;
	s31 =	sshrl.u32 s5, $0x1  }
0xa: {  	s3 =	sshrl.u32 s4, $0x3;
	s9 =	smul.u32 $0x680, s4;
	s4 =	sadd.s32 $0x10000, s6  }
0xb: {  	s15 =	ssub.s32 s5, s31;
	s7 =	smul.u32 $0x14000, s3;
	s3 =	simm.s32 $0x0  }
0xc: {  	s15 =	smax.u32 s15, $0x1;
	[smem:$0x7FF] =	sst s3;
	s13 =	sadd.s32 s9, s6  }
0xd: {  	s28 =	sor.u32 s8, s7;
	_ =	strace $0x8000004D;
	s7 =	sadd.s32 s10, s29  }
0xe: {  	s13 =	sadd.s32 $0x3000, s13;
	s8 =	sshrl.u32 s28, $0x3;
	s7 =	sshrl.u32 s7, $0x3  }
0xf: {  	s12 =	sadd.s32 s8, s6;
	s8 =	sshrl.u32 s30, $0x2;
	s14 =	sadd.s32 s7, s6  }
0x10: {  	s5 =	sadd.s32 s8, s2;
	s12 =	sadd.s32 $0x148800, s12;
	s14 =	sadd.s32 $0x28B000, s14  }
0x11: {  	s6 =	sadd.s32 $0x3400, s5;
	s7 =	sadd.s32 $0x6800, s5;
	s8 =	sadd.s32 $0x9C00, s5  }
0x12: {  	v0 =	vimm.f32 $0.0e+00;
	s9 =	sadd.s32 $0xD000, s5;
	s10 =	sadd.s32 $0x10400, s5;
	s11 =	sadd.s32 $0x13800, s5  }
.LBB2_1:
0x13: {  	s28 =	simm.s32 $0x0;
	s29 =	simm.s32 $0x200  }
.LBB2_2:
0x14: {  	p0 =	sne.s32 s29, $0xCE00;
	[tilespmem:s28+$0x5C70] =	vst v0  }
0x15: {  	[tilespmem:s28+$0x5C00] =	vst v0  }
0x16: {  	[tilespmem:s28+$0x5C10] =	vst v0  }
.Ltmp0:
0x17: {  	[tilespmem:s28+$0x5C20] =	vst v0;
	(pc) =	sbr.rel @p0 .LBB2_2-.Ltmp0, $4  }
0x18: {  	[tilespmem:s28+$0x5C30] =	vst v0  }
0x19: {  	[tilespmem:s28+$0x5C40] =	vst v0  }
0x1a: {  	[tilespmem:s28+$0x5C50] =	vst v0  }
0x1b: {  	[tilespmem:s28+$0x5C60] =	vst v0;
	s28 =	sshra.s32 s29, $0x2;
	s29 =	sadd.s32 $0x200, s29  }
0x1c: {  	[tilespmem:s28+$0x5C70] =	vst v0  }
0x1d: {  	[tilespmem:s28+$0x5C00] =	vst v0  }
0x1e: {  	[tilespmem:s28+$0x5C10] =	vst v0  }
0x1f: {  	[tilespmem:s28+$0x5C20] =	vst v0  }
0x20: {  	[tilespmem:s28+$0x5C30] =	vst v0  }
0x21: {  	[tilespmem:s28+$0x5C40] =	vst v0  }
0x22: {  	[tilespmem:s28+$0x5C50] =	vst v0  }
0x23: {  	[tilespmem:s28+$0x5C60] =	vst v0  }
0x24: {  	[spmem:s5] =	stream.linear.scatter [tilespmem:s16], [sflag:$0x3], $0x3400, $0x38;
	v63 =	vld [tilespmem:$0x0]  }
0x25: {  	_ =	swait.ge [sflag:s17], $0x3400  }
0x26: {  	[sflag:s17] =	ssyncset.done $0x0  }
0x27: {  	[sflag:s17] =	ssyncadd.s32 $0xFFFFCC00  }
0x28: {  	[spmem:s6] =	stream.linear.scatter [tilespmem:s16], [sflag:$0x3], $0x3400, $0x38;
	v63 =	vld [tilespmem:$0x0]  }
0x29: {  	_ =	swait.ge [sflag:s17], $0x3400  }
0x2a: {  	[sflag:s17] =	ssyncset.done $0x0  }
0x2b: {  	[sflag:s17] =	ssyncadd.s32 $0xFFFFCC00  }
0x2c: {  	[spmem:s7] =	stream.linear.scatter [tilespmem:s16], [sflag:$0x3], $0x3400, $0x38;
	v63 =	vld [tilespmem:$0x0]  }
0x2d: {  	_ =	swait.ge [sflag:s17], $0x3400  }
0x2e: {  	[sflag:s17] =	ssyncset.done $0x0  }
0x2f: {  	[sflag:s17] =	ssyncadd.s32 $0xFFFFCC00  }
0x30: {  	[spmem:s8] =	stream.linear.scatter [tilespmem:s16], [sflag:$0x3], $0x3400, $0x38;
	v63 =	vld [tilespmem:$0x0]  }
0x31: {  	_ =	swait.ge [sflag:s17], $0x3400  }
0x32: {  	[sflag:s17] =	ssyncset.done $0x0  }
0x33: {  	[sflag:s17] =	ssyncadd.s32 $0xFFFFCC00  }
0x34: {  	[spmem:s9] =	stream.linear.scatter [tilespmem:s16], [sflag:$0x3], $0x3400, $0x38;
	v63 =	vld [tilespmem:$0x0]  }
0x35: {  	_ =	swait.ge [sflag:s17], $0x3400  }
0x36: {  	[sflag:s17] =	ssyncset.done $0x0  }
0x37: {  	[sflag:s17] =	ssyncadd.s32 $0xFFFFCC00  }
0x38: {  	[spmem:s10] =	stream.linear.scatter [tilespmem:s16], [sflag:$0x3], $0x3400, $0x38;
	v63 =	vld [tilespmem:$0x0]  }
0x39: {  	_ =	swait.ge [sflag:s17], $0x3400  }
0x3a: {  	[sflag:s17] =	ssyncset.done $0x0  }
0x3b: {  	[sflag:s17] =	ssyncadd.s32 $0xFFFFCC00  }
0x3c: {  	[spmem:s11] =	stream.linear.scatter [tilespmem:s16], [sflag:$0x3], $0x400, $0x38;
	v63 =	vld [tilespmem:$0x0]  }
0x3d: {  	_ =	swait.ge [sflag:s17], $0x400  }
0x3e: {  	[sflag:s17] =	ssyncset.done $0x0  }
0x3f: {  	s28 =	simm.s32 $0x0;
	[sflag:s17] =	ssyncadd.s32 $0xFFFFFC00  }
0x40: {  	[tilespmem:s28], [sflag:$0x3] =	stream.strided.gather [hbm4b:s12+s18], $0x2800, s19, s18, $0x38;
	v63 =	vld [tilespmem:$0x0]  }
0x41: {  	_ =	swait.ge [sflag:s17], $0x2800  }
0x42: {  	[sflag:s17] =	ssyncset.done $0x0  }
0x43: {  	[sflag:s17] =	ssyncadd.s32 $0xFFFFD800  }
0x44: {  	[tilespmem:s20], [sflag:$0x3] =	stream.linear.gather [hbm4b:s13+s28], $0x3100, $0x38;
	v63 =	vld [tilespmem:$0x0]  }
0x45: {  	_ =	swait.ge [sflag:s17], $0x3100  }
0x46: {  	[sflag:s17] =	ssyncset.done $0x0  }
0x47: {  	[sflag:s17] =	ssyncadd.s32 $0xFFFFCF00  }
0x48: {  	[bflag:$0x0] =	sbarrier.arrive $0xFFFF  }
0x49: {  	[tilespmem:s16], [sflag:$0x1] =	stream.indirect.gather [hbm4b:s4+s21], $0x80, s28, s21, $0xb8;
	v63 =	vld [tilespmem:$0x0]  }
0x4a: {  	_ = 	snop  }
0x4b: {  	[tilespmem:s22], [sflag:$0x2] =	stream.indirect.gather [hbm4b:s4+s21], $0x80, s21, s21, $0xb8;
	v63 =	vld [tilespmem:$0x0]  }
0x4c: {  	_ =	swait.ge [sflag:s23], $0x3400  }
0x4d: {  	[sflag:s23] =	ssyncset.done $0x0  }
0x4e: {  	s28 =	simm.s32 $0x2800;
	[sflag:s23] =	ssyncadd.s32 $0xFFFFCC00  }
0x4f: {  	[spmem:s2] =	stream.indirect.scatter.add.f32 [tilespmem:s16], [sflag:$0x3], $0x80, s28, s21, $0xb8;
	v63 =	vld [tilespmem:$0x0]  }
0x50: {  	_ =	swait.ge [sflag:s17], $0x3400  }
0x51: {  	[sflag:s17] =	ssyncset.done $0x0  }
0x52: {  	s28 =	simm.s32 $0xD0;
	[sflag:s17] =	ssyncadd.s32 $0xFFFFCC00  }
0x53: {  	[tilespmem:s16], [sflag:$0x1] =	stream.indirect.gather [hbm4b:s4+s21], $0x80, s28, s21, $0xb8;
	v63 =	vld [tilespmem:$0x0]  }
0x54: {  	_ =	swait.ge [sflag:s24], $0x3400  }
0x55: {  	[sflag:s24] =	ssyncset.done $0x0  }
0x56: {  	s28 =	simm.s32 $0x2880;
	[sflag:s24] =	ssyncadd.s32 $0xFFFFCC00  }
0x57: {  	[spmem:s2] =	stream.indirect.scatter.add.f32 [tilespmem:s22], [sflag:$0x3], $0x80, s28, s21, $0xb8;
	v63 =	vld [tilespmem:$0x0]  }
0x58: {  	_ =	swait.ge [sflag:s17], $0x3400  }
0x59: {  	s29 =	simm.s32 $0x400;
	[sflag:s17] =	ssyncset.done $0x0  }
0x5a: {  	s30 =	simm.s32 $0x208;
	s28 =	simm.s32 $0x138;
	[sflag:s17] =	ssyncadd.s32 $0xFFFFCC00  }
.LBB2_4:
0x5b: {  	[tilespmem:s22], [sflag:$0x2] =	stream.indirect.gather [hbm4b:s4+s21], $0x80, s28, s21, $0xb8;
	v63 =	vld [tilespmem:$0x0]  }
0x5c: {  	s31 =	smov.u32 s29;
	s28 =	smov.u32 s30  }
0x5d: {  	p0 =	sne.s32 s29, $0xBC00;
	s29 =	sadd.s32 $0x400, s29;
	_ =	swait.ge [sflag:s23], $0x3400  }
0x5e: {  	s31 =	sshra.s32 s31, $0x2;
	[sflag:s23] =	ssyncset.done $0x0  }
0x5f: {  	s1 =	sadd.s32 $0x2800, s31;
	[sflag:s23] =	ssyncadd.s32 $0xFFFFCC00  }
0x60: {  	[spmem:s2] =	stream.indirect.scatter.add.f32 [tilespmem:s16], [sflag:$0x3], $0x80, s1, s21, $0xb8;
	v63 =	vld [tilespmem:$0x0]  }
0x61: {  	_ =	swait.ge [sflag:s17], $0x3400  }
0x62: {  	[sflag:s17] =	ssyncset.done $0x0  }
0x63: {  	s1 =	sadd.s32 $0xFFFFFF98, s30;
	[sflag:s17] =	ssyncadd.s32 $0xFFFFCC00  }
0x64: {  	[tilespmem:s16], [sflag:$0x1] =	stream.indirect.gather [hbm4b:s4+s21], $0x80, s1, s21, $0xb8;
	v63 =	vld [tilespmem:$0x0]  }
0x65: {  	_ =	swait.ge [sflag:s24], $0x3400  }
0x66: {  	[sflag:s24] =	ssyncset.done $0x0  }
.Ltmp1:
0x67: {  	s1 =	sadd.s32 $0x2880, s31;
	[sflag:s24] =	ssyncadd.s32 $0xFFFFCC00;
	(pc) =	sbr.rel @p0 .LBB2_4-.Ltmp1, $4  }
0x68: {  	[spmem:s2] =	stream.indirect.scatter.add.f32 [tilespmem:s22], [sflag:$0x3], $0x80, s1, s21, $0xb8;
	v63 =	vld [tilespmem:$0x0]  }
0x69: {  	_ =	swait.ge [sflag:s17], $0x3400  }
0x6a: {  	[sflag:s17] =	ssyncset.done $0x0  }
0x6b: {  	s30 =	sadd.s32 $0xD0, s30;
	[sflag:s17] =	ssyncadd.s32 $0xFFFFCC00  }
0x6c: {  	[tilespmem:s22], [sflag:$0x2] =	stream.indirect.gather [hbm4b:s4+s21], $0x80, s28, s21, $0xb8;
	v63 =	vld [tilespmem:$0x0]  }
0x6d: {  	_ =	swait.ge [sflag:s23], $0x3400  }
0x6e: {  	[sflag:s23] =	ssyncset.done $0x0  }
0x6f: {  	[sflag:s23] =	ssyncadd.s32 $0xFFFFCC00  }
0x70: {  	[spmem:s2] =	stream.indirect.scatter.add.f32 [tilespmem:s16], [sflag:$0x3], $0x80, s25, s21, $0xb8;
	v63 =	vld [tilespmem:$0x0]  }
0x71: {  	_ =	swait.ge [sflag:s17], $0x3400  }
0x72: {  	[sflag:s17] =	ssyncset.done $0x0  }
0x73: {  	[sflag:s17] =	ssyncadd.s32 $0xFFFFCC00  }
0x74: {  	_ =	swait.ge [sflag:s24], $0x3400  }
0x75: {  	[sflag:s24] =	ssyncset.done $0x0  }
0x76: {  	[sflag:s24] =	ssyncadd.s32 $0xFFFFCC00  }
0x77: {  	[spmem:s2] =	stream.indirect.scatter.add.f32 [tilespmem:s22], [sflag:$0x3], $0x80, s26, s21, $0xb8;
	v63 =	vld [tilespmem:$0x0]  }
0x78: {  	_ =	swait.ge [sflag:s17], $0x3400  }
0x79: {  	s1 =	sshll.u32 s0, $0x6;
	s3 =	sadd.s32 $0x1, s3;
	[sflag:s17] =	ssyncset.done $0x0  }
0x7a: {  	s31 =	sshrl.u32 s5, $0x3;
	p0 =	sne.s32 s3, s15;
	[sflag:s17] =	ssyncadd.s32 $0xFFFFCC00  }
.Ltmp2:
0x7b: {  	s1 =	sor.u32 $0x1C03, s1;
	[bflag:$0x0] =	sbarrier.arrive $0xFFFF;
	(pc) =	sbr.rel @p0 .LBB2_1-.Ltmp2, $4  }
0x7c: {  	[hbm:s14], [sflag:s1] =	dma.local [spmem:s31], $0x2780  }
0x7d: {  	_ =	swait.ge [sflag:s17], $0x2780  }
0x7e: {  	[sflag:s17] =	ssyncset.done $0x0  }
0x7f: {  	[sflag:s17] =	ssyncadd.s32 $0xFFFFD880  }
0x80: {  	_ =	sfence.sel $0x180000  }
0x81: {  	[bflag:$0x0] =	sbarrier.arrive $0xFFFF  }
0x82: {  	_ =	strace $0x9000004D  }
0x83: {  	[bflag:$0x2] =	sbarrier.arrive $0xFFFF  }
0x84: {  	p0 =	sne.s32 s0, $0x0;
	s0 =	rddreg [dreg:$0x2]  }
0x85: {  	s0 =	sadd.s32 @!p0 $0x100000, s0  }
0x86: {  	[sflag:s0] =	ssyncadd.tile.s32 @!p0 $0x1;
	_ =	shalt  }
.Lfunc_end2:
_tile_overlayer_lowered:
.L_overlay_start_2:
0x87: {  	(tag) =	ssettag $0x2  }
0x88: {  	s0 =	rddreg [dreg:$0x0];
	s2 =	stileid.u32  }
0x89: {  	s1 =	rddreg [dreg:$0x1];
	p0 =	sne.s32 s2, $0x0  }
0x8a: {  	s3 =	rddreg [dreg:$0x2];
	[bflag:$0x3] =	sbarrier.arrive $0xFFFF;
	s2 =	simm.s32 @!p0 $0x1C03  }
0x8b: {  	[timem:s3], [sflag:s2] =	dma.local @!p0 [hbm:s0], s1  }
0x8c: {  	s0 =	simm.s32 @!p0 $0x3  }
0x8d: {  	_ =	swait.ge @!p0 [sflag:s0], s1  }
0x8e: {  	s1 =	ssub.s32 @!p0 $0x0, s1;
	[sflag:s0] =	ssyncset.done @!p0 $0x0  }
0x8f: {  	[sflag:s0] =	ssyncadd.s32 @!p0 s1  }
0x90: {  	[bflag:$0x3] =	sbarrier.arrive $0xFFFF  }
0x91: {  	_ =	shalt  }

// kernel: kernel.22.cloned.1.call-start
scs
__scs_entry_jumppad:
0x0: {  	(pc) =	sbr.rel $0x88, $3  }
0x1: {  	(tag) =	ssettag $0x0;
	lr =	simm.s32 $0x1  }
0x2: {  	[smem:$0x3F98] =	sst lr;
	_ =	strace $0xD0000000  }
0x3: {  	_ = 	snop  }
0x4: {  	_ = 	snop  }
0x5: {  	_ = 	snop  }
0x6: {  	_ = 	snop  }
0x7: {  	_ = 	snop  }
__scs_overlays_trampoline_lowered:
0x8: {  	[smem:$0x3FA7] =	sst s0  }
0x9: {  	[smem:$0x3FA8] =	sst s1  }
0xa: {  	[smem:$0x3FA9] =	sst s2  }
0xb: {  	[smem:$0x3FAA] =	sst s3  }
0xc: {  	[smem:$0x3FAB] =	sst s4  }
0xd: {  	[smem:$0x3FAC] =	sst s5  }
0xe: {  	[smem:$0x3FAD] =	sst s6  }
0xf: {  	[smem:$0x3FAE] =	sst s7  }
0x10: {  	[smem:$0x3FAF] =	sst s8  }
0x11: {  	[smem:$0x3FB0] =	sst s9;
	s0 =	simm.s32 @!p0 $0x0  }
0x12: {  	s1 =	sld [smem:$0x3F96];
	s0 =	simm.s32 @p0 $0x1  }
0x13: {  	[smem:$0x3FB1] =	sst s0;
	s0 =	simm.s32 @!p1 $0x0  }
0x14: {  	s2 =	sld [smem:$0x3F95];
	s0 =	simm.s32 @p1 $0x1  }
0x15: {  	[smem:$0x3FB2] =	sst s0;
	s0 =	simm.s32 @!p2 $0x0  }
0x16: {  	s3 =	sld [smem:$0x3FDB];
	s0 =	simm.s32 @p2 $0x1  }
0x17: {  	s4 =	simm.s32 $0x1BF5;
	[smem:$0x3FB4] =	sst s0  }
0x18: {  	s0 =	sld [smem:$0x3F97];
	_ =	swait.ge [sflag:s4], $0x0  }
0x19: {  	s7 =	sld [smem:$0x3F98]  }
0x1a: {  	s8 =	sadd.s32 $0xFFFFE003, lr  }
0x1b: {  	s9 =	sadd.s32 $0xFFFFFEF7, lr;
	s5 =	simm.s32 $0xFFFFFFFF;
	p2 =	slt.u32 s8, $0xFFFFF086  }
0x1c: {  	p1 =	slt.u32 s9, $0xF7A;
	s5 =	simm.s32 @!p2 $0x0  }
0x1d: {  	s5 =	simm.s32 @p1 $0x1;
	p0 =	seq.s32 s7, s2  }
0x1e: {  	s7 =	smul.u32 @!p0 $0xF7A, s2;
	p2 =	seq.s32 @!p0 s5, $0x0  }
0x1f: {  	s9 =	smul.u32 $0xF7A, s1;
	s8 =	simm.s32 @!p0 $0x1BF5;
	p2 =	por !p2, p0  }
0x20: {  	[sflag:s8] =	ssyncset.s32 @!p0 $0xFFFFF086;
	s6 =	sadd.s32 @!p0 s3, s7;
	s7 =	simm.s32 @!p0 $0x108  }
0x21: {  	s3 =	sadd.s32 s3, s9;
	s6 =	sadd.s32 @!p0 $0x88, s6;
	s7 =	simm.s32 @p2 $0x1082  }
0x22: {  	[simem:s7], [sflag:s8] =	dma.local @!p0 [hbm:s6], $0xF7A  }
0x23: {  	s9 =	sor.u32 $0xD0000000, s2;
	s6 =	simm.s32 $0x108;
	_ =	swait.ge @!p0 [sflag:s8], $0x0  }
0x24: {  	s3 =	sadd.s32 $0x88, s3;
	s6 =	simm.s32 @!p1 $0x1082;
	[sflag:s4] =	ssyncset.s32 $0xFFFFF086  }
0x25: {  	[simem:s6], [sflag:s4] =	dma.local [hbm:s3], $0xF7A  }
0x26: {  	[smem:$0x3F98] =	sst s1;
	(tag) =	ssettag s2;
	_ =	strace s9  }
0x27: {  	s1 =	sld [smem:$0x3FA8]  }
0x28: {  	s2 =	sld [smem:$0x3FA9]  }
0x29: {  	s4 =	sld [smem:$0x3FAB]  }
0x2a: {  	p0 =	seq.s32 s5, $0x0;
	s5 =	sld [smem:$0x3FAC]  }
0x2b: {  	s6 =	sld [smem:$0x3FAD]  }
0x2c: {  	s7 =	sld [smem:$0x3FAE]  }
0x2d: {  	s3 =	simm.s32 $0x108;
	s8 =	sld [smem:$0x3FAF]  }
0x2e: {  	s3 =	simm.s32 @!p0 $0x1082;
	s9 =	sld [smem:$0x3FB0]  }
0x2f: {  	lr =	sadd.s32 s0, s3;
	s0 =	sld [smem:$0x3FA7]  }
0x30: {  	s3 =	sld [smem:$0x3FAA]  }
0x31: {  	[smem:$0x3FB3] =	sst s10  }
0x32: {  	s10 =	sld [smem:$0x3FB1];
	_ =	sdelay $0x3  }
0x33: {  	p0 =	seq.s32 s10, $0x1;
	s10 =	sld [smem:$0x3FB3];
	_ =	sdelay $0x3  }
0x34: {  	[smem:$0x3FB3] =	sst s10  }
0x35: {  	s10 =	sld [smem:$0x3FB2];
	_ =	sdelay $0x3  }
0x36: {  	p1 =	seq.s32 s10, $0x1;
	s10 =	sld [smem:$0x3FB3];
	_ =	sdelay $0x3  }
0x37: {  	[smem:$0x3FB3] =	sst s10  }
0x38: {  	s10 =	sld [smem:$0x3FB4]  }
0x39: {  	_ = 	snop;
	(pc) =	sbr.ind lr, $3  }
0x3a: {  	_ = 	snop  }
0x3b: {  	_ = 	snop  }
0x3c: {  	p2 =	seq.s32 s10, $0x1;
	s10 =	sld [smem:$0x3FB3]  }
0x3d: {  	_ =	shalt  }
0x3e: {  	_ =	shalt  }
0x3f: {  	_ =	shalt  }
0x40: {  	_ =	shalt  }
0x41: {  	_ =	shalt  }
0x42: {  	_ =	shalt  }
0x43: {  	_ =	shalt  }
0x44: {  	_ =	shalt  }
0x45: {  	_ =	shalt  }
0x46: {  	_ =	shalt  }
0x47: {  	_ =	shalt  }
0x48: {  	_ =	shalt  }
0x49: {  	_ =	shalt  }
0x4a: {  	_ =	shalt  }
0x4b: {  	_ =	shalt  }
0x4c: {  	_ =	shalt  }
0x4d: {  	_ =	shalt  }
0x4e: {  	_ =	shalt  }
0x4f: {  	_ =	shalt  }
0x50: {  	_ =	shalt  }
0x51: {  	_ =	shalt  }
0x52: {  	_ =	shalt  }
0x53: {  	_ =	shalt  }
0x54: {  	_ =	shalt  }
0x55: {  	_ =	shalt  }
0x56: {  	_ =	shalt  }
0x57: {  	_ =	shalt  }
0x58: {  	_ =	shalt  }
0x59: {  	_ =	shalt  }
0x5a: {  	_ =	shalt  }
0x5b: {  	_ =	shalt  }
0x5c: {  	_ =	shalt  }
0x5d: {  	_ =	shalt  }
0x5e: {  	_ =	shalt  }
0x5f: {  	_ =	shalt  }
0x60: {  	_ =	shalt  }
0x61: {  	_ =	shalt  }
0x62: {  	_ =	shalt  }
0x63: {  	_ =	shalt  }
0x64: {  	_ =	shalt  }
0x65: {  	_ =	shalt  }
0x66: {  	_ =	shalt  }
0x67: {  	_ =	shalt  }
0x68: {  	_ =	shalt  }
0x69: {  	_ =	shalt  }
0x6a: {  	_ =	shalt  }
0x6b: {  	_ =	shalt  }
0x6c: {  	_ =	shalt  }
0x6d: {  	_ =	shalt  }
0x6e: {  	_ =	shalt  }
0x6f: {  	_ =	shalt  }
0x70: {  	_ =	shalt  }
0x71: {  	_ =	shalt  }
0x72: {  	_ =	shalt  }
0x73: {  	_ =	shalt  }
0x74: {  	_ =	shalt  }
0x75: {  	_ =	shalt  }
0x76: {  	_ =	shalt  }
0x77: {  	_ =	shalt  }
0x78: {  	_ =	shalt  }
0x79: {  	_ =	shalt  }
0x7a: {  	_ =	shalt  }
0x7b: {  	_ =	shalt  }
0x7c: {  	_ =	shalt  }
0x7d: {  	_ =	shalt  }
0x7e: {  	_ =	shalt  }
0x7f: {  	_ =	shalt  }
0x80: {  	_ =	shalt  }
0x81: {  	_ =	shalt  }
0x82: {  	_ =	shalt  }
0x83: {  	_ =	shalt  }
0x84: {  	_ =	shalt  }
0x85: {  	_ =	shalt  }
0x86: {  	_ =	shalt  }
0x87: {  	_ =	shalt  }
.Lfunc_end0:
.L_simem_size_0:
called_computation.4_lowered:
.L_overlay_start_0:
0x88: {  	s2 =	sld [smem:$0x3FD9]  }
0x89: {  	s3 =	sld [smem:$0x3FFE];
	_ =	sdelay $0x1  }
0x8a: {  	s1 =	srdreg.scid  }
0x8b: {  	s0 =	sand.u32 $0x1, s1  }
0x8c: {  	s17 =	sshll.u32 s0, $0xA;
	s2 =	sadd.s32 s3, s2  }
0x8d: {  	s2 =	sadd.s32 s2, s17  }
0x8e: {  	[smem:$0x3FBF] =	sst s2  }
0x8f: {  	_ = 	snop  }
0x90: {  	s2 =	sld [smem:$0x3FC7];
	(tm) =	ssettm $0x1  }
0x91: {  	s18 =	sld [smem:$0x3FFB];
	_ =	sdelay $0x3  }
0x92: {  	_ =	strace s18  }
0x93: {  	s3 =	sld [smem:$0x3FFC];
	_ =	sdelay $0x3  }
0x94: {  	_ =	strace s3  }
0x95: {  	s3 =	sld [smem:$0x3FFD];
	_ =	sdelay $0x3  }
0x96: {  	_ =	strace s3  }
0x97: {  	_ =	strace $0x8FFFFFFF  }
0x98: {  	s19 =	sld [smem:$0x3FDB];
	_ =	sdelay $0x1  }
0x99: {  	s4 =	simm.s32 $_scs_section_size  }
0x9a: {  	s5 =	simm.s32 $_size__tile_overlayer_lowered;
	s6 =	simm.s32 $_tile_overlayer_lowered  }
0x9b: {  	s22 =	simm.s32 $0x1BFF;
	s21 =	sshll.u32 s6, $0x1;
	s3 =	sadd.s32 s4, s19  }
0x9c: {  	s7 =	simm.s32 $0x0;
	s20 =	sshll.u32 s5, $0x1;
	s5 =	sadd.s32 s21, s3  }
0x9d: {  	[timem:s7], [sflag:s22] =	dma.local [hbm:s5], s20  }
0x9e: {  	_ =	swait.ge [sflag:s22], s20  }
0x9f: {  	s4 =	ssub.s32 $0x0, s20;
	[sflag:s22] =	ssyncset.done $0x0  }
0xa0: {  	[sflag:s22] =	ssyncadd.s32 s4;
	_ =	sdelay $0x1  }
0xa1: {  	s23 =	simm.s32 $0x1B8B  }
0xa2: {  	_ =	swait.ge [sflag:s23], $0x1  }
0xa3: {  	[sflag:s23] =	ssyncset.done $0x0  }
0xa4: {  	s25 =	simm.s32 $0x1B8E;
	s24 =	sld [smem:$0x3FFE];
	[sflag:s23] =	ssyncadd.s32 $0xFFFFFFFF  }
0xa5: {  	s26 =	simm.s32 $execute0_lowered;
	[smem:$0x3FD2] =	sst s25  }
0xa6: {  	s5 =	sshll.u32 s26, $0x1;
	_ =	strace $0x80000052;
	[dreg:$0x1] =	wrdreg $0xFFFFFFFF  }
0xa7: {  	s28 =	simm.s32 $_size_execute0_lowered;
	s3 =	sadd.s32 s3, s5;
	[dreg:$0x0] =	wrdreg $0x0  }
0xa8: {  	s5 =	sshll.u32 s28, $0x1;
	[dreg:$0x2] =	wrdreg s3  }
0xa9: {  	[dreg:$0x3] =	wrdreg s5  }
0xaa: {  	[dreg:$0x4] =	wrdreg $0xC0  }
0xab: {  	_ =	task [dreg:s7], $0x5FFFF  }
0xac: {  	[dreg:$0x1] =	wrdreg $0xFFFFFFFF  }
0xad: {  	[dreg:$0x0] =	wrdreg $0x60  }
0xae: {  	[dreg:$0x2] =	wrdreg s24  }
0xaf: {  	[dreg:$0x3] =	wrdreg s2  }
0xb0: {  	[dreg:$0x4] =	wrdreg $0x9  }
0xb1: {  	_ =	task.clear_ibuf [dreg:s7], $0x5FFFF;
	_ =	strace $0x90000052  }
0xb2: {  	s29 =	simm.s32 $0x9;
	_ =	strace $0x80000054  }
0xb3: {  	_ =	swait.ge [sflag:s29], $0x1  }
0xb4: {  	[sflag:s29] =	ssyncadd.s32 $0xFFFFFFFF  }
0xb5: {  	_ =	strace $0x90000054  }
0xb6: {  	_ =	sfence  }
0xb7: {  	s30 =	sld [smem:$0x0];
	_ =	sdelay $0x2  }
0xb8: {  	s31 =	sshll.u32 s1, $0xD;
	s1 =	sshrl.u32 s1, $0x2  }
0xb9: {  	s3 =	sand.u32 $0x4000, s31;
	s1 =	sadd.s32 s1, s30  }
0xba: {  	s0 =	sor.u32 s3, s0;
	s1 =	sshll.u32 s1, $0x11  }
0xbb: {  	s0 =	sor.u32 s1, s0  }
0xbc: {  	s0 =	sadd.s32 $0x8F2B, s0  }
0xbd: {  	[sflag:s0] =	ssyncadd.remote.s32 $0x1  }
0xbe: {  	_ =	sfence.sel $0xFFFF  }
0xbf: {  	[dreg:$0x0] =	wrdreg $0xFFFFFFFF;
	(pc) =	sbr.abs _section_cstart, $3  }
0xc0: {  	[dreg:$0x1] =	wrdreg $0xFFFFFFFF  }
0xc1: {  	_ =	task.clear_ibuf [dreg:s7], $0x2FFFF;
	_ =	strace $0x9FFFFFFF  }
0xc2: {  	(tm) =	ssettm $0x7FFFFFFF  }
0xc3: {  	_ =	shalt  }
tec
execute0_lowered:
.L_overlay_start_1:
0x0: {  	(tag) =	ssettag $0x1  }
0x1: {  	s1 =	srdreg.scid;
	s9 =	rddreg [dreg:$0x0]  }
0x2: {  	s0 =	stileid.u32;
	s3 =	rddreg [dreg:$0x1]  }
0x3: {  	s2 =	simm.s32 $0x0;
	s7 =	simm.s32 $0x80;
	s6 =	sand.u32 $0x1, s1  }
0x4: {  	s5 =	sshll.u32 s0, $0x5;
	s1 =	rddreg [dreg:$0x2];
	s4 =	sshll.u32 s6, $0x9  }
0x5: {  	s8 =	simm.s32 $0x1;
	[smem:$0x7FF] =	sst s2;
	s10 =	sor.u32 s5, s4  }
0x6: {  	_ =	strace $0x80000053;
	s11 =	ssub.s32 $0x2, s6;
	s4 =	sshrl.u32 s10, $0x3  }
0x7: {  	s6 =	simm.s32 $0x20;
	s4 =	sadd.s32 s3, s4;
	s3 =	simm.s32 $0x2  }
0x8: {  	[tilespmem:s2], [sflag:$0x2] =	stream.linear.gather [hbm4b:s4+s2], $0x20, $0x38;
	[tilespmem:$0x1080] =	vst v63  }
0x9: {  	s5 =	sadd.s32 $0x3000, s9;
	s12 =	sshrl.u32 s11, $0x1;
	_ =	swait.ge [sflag:s3], $0x20  }
0xa: {  	s10 =	sshll.u32 s10, $0x4;
	s31 =	ssub.s32 s11, s12;
	[sflag:s3] =	ssyncset.done $0x0  }
0xb: {  	s9 =	sadd.s32 s10, s9;
	s10 =	smax.u32 s31, $0x1;
	[sflag:s3] =	ssyncadd.s32 $0xFFFFFFE0  }
0xc: {  	[tilespmem:s7], [sflag:$0x1] =	stream.indirect.gather [hbm4b:s5+s6], $0x80, s2, s6, $0xb8;
	[tilespmem:$0x1080] =	vst v63  }
0xd: {  	p0 =	sne.s32 s10, $0x1;
	_ =	swait.ge [sflag:s8], $0x1000  }
.Ltmp0:
0xe: {  	[sflag:s8] =	ssyncset.done $0x0;
	(pc) =	sbr.rel @!p0 .LBB2_2-.Ltmp0, $4  }
0xf: {  	s9 =	sadd.s32 $0x2A200, s9;
	[sflag:s8] =	ssyncadd.s32 $0xFFFFF000  }
0x10: {  	[hbm4b:s9+s2] =	stream.linear.scatter [tilespmem:s7], [sflag:$0x2], $0x1000, $0x38;
	[tilespmem:$0x1080] =	vst v63  }
0x11: {  	_ =	swait.ge [sflag:s3], $0x1000  }
0x12: {  	s10 =	sadd.s32 $0xFFFFFFFF, s10;
	[sflag:s3] =	ssyncset.done $0x0  }
.LBB2_1:
0x13: {  	p0 =	sne.s32 s10, $0x1;
	s10 =	sadd.s32 $0xFFFFFFFF, s10;
	[sflag:s3] =	ssyncadd.s32 $0xFFFFF000  }
0x14: {  	[tilespmem:s2], [sflag:$0x2] =	stream.linear.gather [hbm4b:s4+s2], $0x20, $0x38;
	[tilespmem:$0x1080] =	vst v63  }
0x15: {  	_ =	swait.ge [sflag:s3], $0x20  }
0x16: {  	[sflag:s3] =	ssyncset.done $0x0  }
0x17: {  	[sflag:s3] =	ssyncadd.s32 $0xFFFFFFE0  }
0x18: {  	[tilespmem:s7], [sflag:$0x1] =	stream.indirect.gather [hbm4b:s5+s6], $0x80, s2, s6, $0xb8;
	[tilespmem:$0x1080] =	vst v63  }
0x19: {  	_ =	swait.ge [sflag:s8], $0x1000  }
.Ltmp1:
0x1a: {  	[sflag:s8] =	ssyncset.done $0x0;
	(pc) =	sbr.rel @p0 .LBB2_1-.Ltmp1, $4  }
0x1b: {  	[sflag:s8] =	ssyncadd.s32 $0xFFFFF000  }
0x1c: {  	[hbm4b:s9+s2] =	stream.linear.scatter [tilespmem:s7], [sflag:$0x2], $0x1000, $0x38;
	[tilespmem:$0x1080] =	vst v63  }
0x1d: {  	_ =	swait.ge [sflag:s3], $0x1000  }
0x1e: {  	[sflag:s3] =	ssyncset.done $0x0  }
.LBB2_2:
0x1f: {  	[sflag:s3] =	ssyncadd.s32 $0xFFFFF000  }
0x20: {  	_ =	sfence.sel $0x180000  }
0x21: {  	[bflag:$0x0] =	sbarrier.arrive $0xFFFF  }
0x22: {  	p0 =	sne.s32 s0, $0x0;
	_ =	strace $0x90000053  }
0x23: {  	s0 =	sadd.s32 @!p0 $0x100000, s1;
	[bflag:$0x2] =	sbarrier.arrive $0xFFFF  }
0x24: {  	[sflag:s0] =	ssyncadd.tile.s32 @!p0 $0x1;
	_ =	shalt  }
.Lfunc_end2:
_tile_overlayer_lowered:
.L_overlay_start_2:
0x25: {  	(tag) =	ssettag $0x2  }
0x26: {  	s0 =	rddreg [dreg:$0x0];
	s2 =	stileid.u32  }
0x27: {  	s1 =	rddreg [dreg:$0x1];
	p0 =	sne.s32 s2, $0x0  }
0x28: {  	s3 =	rddreg [dreg:$0x2];
	[bflag:$0x3] =	sbarrier.arrive $0xFFFF;
	s2 =	simm.s32 @!p0 $0x1C02  }
0x29: {  	[timem:s3], [sflag:s2] =	dma.local @!p0 [hbm:s0], s1  }
0x2a: {  	s0 =	simm.s32 @!p0 $0x2  }
0x2b: {  	_ =	swait.ge @!p0 [sflag:s0], s1  }
0x2c: {  	s1 =	ssub.s32 @!p0 $0x0, s1;
	[sflag:s0] =	ssyncset.done @!p0 $0x0  }
0x2d: {  	[sflag:s0] =	ssyncadd.s32 @!p0 s1  }
0x2e: {  	[bflag:$0x3] =	sbarrier.arrive $0xFFFF  }
0x2f: {  	_ =	shalt  }

</sc_bundles>
